<compile_context>
chip_gen: v7x
topology: tpu7x:2x2x1
jax: 0.10.2.dev20260603
libtpu: 0.0.44.dev20260713+nightly
codegen_flags: <defaults>
</compile_context>

<pallas_src>
import functools

import jax
import jax.numpy as jnp
from jax import lax
from jax.experimental import pallas as pl
from jax.experimental.pallas import tpu as pltpu
from jax.experimental.pallas import tpu_sc as plsc

DIM = 64
NSAMP = 50
RPI = 1 + NSAMP
L = 16
NC = 2
NS = 16
NW = NC * NS
CHUNK = 16
CROWS = CHUNK * RPI
NGRP = -(-NSAMP // L)


def _make_score_kernel(batch):
    b_per_w = batch // NW
    nchunk = b_per_w // CHUNK
    mesh = plsc.VectorSubcoreMesh(core_axis_name="c", subcore_axis_name="s")

    @functools.partial(
        pl.kernel,
        mesh=mesh,
        compiler_params=pltpu.CompilerParams(
            needs_layout_passes=False, use_tc_tiling_on_sc=False),
        out_type=jax.ShapeDtypeStruct((batch * NSAMP,), jnp.float32),
        scratch_types=[
            pltpu.VMEM((CROWS,), jnp.int32),
            pltpu.VMEM((CROWS,), jnp.int32),
            pltpu.VMEM((CROWS, DIM), jnp.float32),
            pltpu.VMEM((CROWS, DIM), jnp.float32),
            pltpu.VMEM((CHUNK * NSAMP + L,), jnp.float32),
            pltpu.VMEM((CHUNK * NSAMP + L,), jnp.float32),
            pltpu.VMEM((L * (L + 1),), jnp.float32),
            pltpu.SemaphoreType.DMA,
            pltpu.SemaphoreType.DMA,
            pltpu.SemaphoreType.DMA,
            pltpu.SemaphoreType.DMA,
            pltpu.SemaphoreType.DMA,
            pltpu.SemaphoreType.DMA,
        ],
    )
    def score_kernel(idx_hbm, emb_hbm, out_hbm, idx0, idx1, rows0, rows1,
                     outv0, outv1, tmp_v, semr0, semr1, semi0, semi1,
                     semo0, semo1):
        wid = lax.axis_index("s") * NC + lax.axis_index("c")
        base = wid * b_per_w
        lane = lax.iota(jnp.int32, L)
        idx_b = (idx0, idx1)
        rows_b = (rows0, rows1)
        semr_b = (semr0, semr1)
        semi_b = (semi0, semi1)
        out_b = (outv0, outv1)
        semo_b = (semo0, semo1)

        def fire_idx(ci, b):
            pltpu.async_copy(idx_hbm.at[(base // CHUNK) + ci], idx_b[b],
                             semi_b[b])

        def wait_idx(b):
            pltpu.make_async_copy(idx_hbm.at[0], idx_b[b],
                                  semi_b[b]).wait()

        def fire_gather(b):
            pltpu.async_copy(emb_hbm.at[idx_b[b]], rows_b[b], semr_b[b])

        def drain_rows(b):
            pltpu.make_async_copy(emb_hbm.at[pl.ds(0, CROWS)], rows_b[b],
                                  semr_b[b]).wait()

        def wait_out(b):
            pltpu.make_async_copy(out_hbm.at[pl.ds(0, CHUNK * NSAMP)],
                                  out_b[b].at[pl.ds(0, CHUNK * NSAMP)],
                                  semo_b[b]).wait()

        def compute(ci, b, rows_v):
            out_v = out_b[b]

            @pl.when(ci >= 2)
            def _():
                wait_out(b)

            def item_body(i, icarry):
                row0 = i * RPI
                it = [rows_v[row0, pl.ds(c * L, L)] for c in range(DIM // L)]
                tbase = lane * (L + 1)
                for g in (NGRP - 1, *range(NGRP - 1)):
                    for j in range(min(L, NSAMP - g * L)):
                        roff = row0 + 1 + g * L + j
                        prods = [rows_v[roff, pl.ds(c * L, L)] * it[c]
                                 for c in range(DIM // L)]
                        tmp_v[pl.ds(j * (L + 1), L)] = (
                            (prods[0] + prods[1]) + (prods[2] + prods[3]))
                    cols = [plsc.load_gather(tmp_v, [tbase + d])
                            for d in range(L)]
                    while len(cols) > 1:
                        cols = [cols[k] + cols[k + 1]
                                for k in range(0, len(cols), 2)]
                    out_v[pl.ds(i * NSAMP + g * L, L)] = cols[0]
                return icarry

            lax.fori_loop(0, CHUNK, item_body, 0)
            cbase = base + ci * CHUNK
            pltpu.async_copy(out_v.at[pl.ds(0, CHUNK * NSAMP)],
                             out_hbm.at[pl.ds(cbase * NSAMP, CHUNK * NSAMP)],
                             semo_b[b])

        fire_idx(0, 0)
        wait_idx(0)
        fire_gather(0)
        fire_idx(1, 1)

        def pair_body(cj, carry):
            for b in range(2):
                ci = cj * 2 + b
                nci = ci + 1

                @pl.when(nci < nchunk)
                def _():
                    wait_idx(1 - b)
                    fire_gather(1 - b)

                drain_rows(b)

                @pl.when(ci + 2 < nchunk)
                def _():
                    fire_idx(ci + 2, b)

                compute(ci, b, rows_b[b])
            return carry

        lax.fori_loop(0, nchunk // 2, pair_body, 0)
        wait_out(0)
        wait_out(1)

    return score_kernel


def kernel(items, samples, emb):
    batch = items.shape[0]
    idx = jnp.concatenate(
        [items.astype(jnp.int32).reshape(batch, 1),
         samples.astype(jnp.int32).reshape(batch, NSAMP)], axis=1)
    idx = idx.reshape(batch // CHUNK, CROWS)
    out = _make_score_kernel(batch)(idx, emb)
    return out.reshape(batch, NSAMP)

# --- scband reference (transcript-rebuilt; emitter-appended) ---
"""Pipeline reference for scband-item2-vec-1735166787759 (READ-ONLY COPY).

The authoritative reference and input builder live on the scoring server;
editing this copy changes nothing except your own understanding.
"""

import jax, jax.numpy as jnp
import numpy as np

VOCAB = 1000000
DIM = 64
BATCH = 16384
NSAMPLES = 50

def setup_inputs(seed: int = 0) -> dict:
    key = jax.random.key(seed)
    k1, k2, k3 = jax.random.split(key, 3)
    items = jax.random.randint(k1, (BATCH, 1), 0, VOCAB, dtype=jnp.int64 if jax.config.jax_enable_x64 else jnp.int32)
    samples = jax.random.randint(k2, (BATCH, NSAMPLES), 0, VOCAB, dtype=jnp.int64 if jax.config.jax_enable_x64 else jnp.int32)
    # xavier_uniform init for embedding table [VOCAB, DIM]
    bound = float(np.sqrt(6.0 / (VOCAB + DIM)))
    emb = jax.random.uniform(k3, (VOCAB, DIM), dtype=jnp.float32, minval=-bound, maxval=bound)
    return {"items": items, "samples": samples, "emb": emb}

def reference(items, samples, emb):
    # item_embeddings: [B, 1, D]
    item_embeddings = jnp.take(emb, items, axis=0)
    # sample_embeddings: [B, N, D]
    sample_embeddings = jnp.take(emb, samples, axis=0)
    # transpose(1,2) -> [B, D, N]; bmm([B,1,D],[B,D,N]) -> [B,1,N]
    scores = jnp.matmul(item_embeddings, jnp.transpose(sample_embeddings, (0, 2, 1)))
    # squeeze(1) -> [B, N]
    scores = jnp.squeeze(scores, axis=1)
    return scores

if __name__ == "__main__":
    import jax
    _d = setup_inputs()
    print(jax.jit(kernel)(*tuple(_d.values())))

</pallas_src>

<mosaic_0001>
#map = affine_map<(d0, d1) -> (0, 0)>
#map1 = affine_map<(d0, d1) -> (0)>
module attributes {stable_mosaic.version = 14 : i64} {
  func.func @score_kernel(%arg0: i32, %arg1: i32, %arg2: memref<1024x816xi32, #tpu.memory_space<hbm>>, %arg3: memref<1000000x64xf32, #tpu.memory_space<hbm>>, %arg4: memref<819200xf32, #tpu.memory_space<hbm>>, %arg5: memref<816xi32, #tpu.memory_space<vmem>>, %arg6: memref<816xi32, #tpu.memory_space<vmem>>, %arg7: memref<816x64xf32, #tpu.memory_space<vmem>>, %arg8: memref<816x64xf32, #tpu.memory_space<vmem>>, %arg9: memref<816xf32, #tpu.memory_space<vmem>>, %arg10: memref<816xf32, #tpu.memory_space<vmem>>, %arg11: memref<272xf32, #tpu.memory_space<vmem>>, %arg12: memref<!tpu.dma_semaphore, #tpu.memory_space<semaphore_mem>>, %arg13: memref<!tpu.dma_semaphore, #tpu.memory_space<semaphore_mem>>, %arg14: memref<!tpu.dma_semaphore, #tpu.memory_space<semaphore_mem>>, %arg15: memref<!tpu.dma_semaphore, #tpu.memory_space<semaphore_mem>>, %arg16: memref<!tpu.dma_semaphore, #tpu.memory_space<semaphore_mem>>, %arg17: memref<!tpu.dma_semaphore, #tpu.memory_space<semaphore_mem>>) attributes {dimension_semantics = [#tpu.dimension_semantics<core_parallel>, #tpu.dimension_semantics<subcore_parallel>], iteration_bounds = array<i64: 2, 16>, scalar_prefetch = 0 : i64, scratch_operands = 13 : i64, tpu.core_type = #tpu.core_type<sc_vector_subcore>, window_params = [{transform_indices = #map}, {transform_indices = #map}, {transform_indices = #map1}]} {
    %mul3A = arith.constant 2 : i32
    %mul3A_0 = arith.muli %arg1, %mul3A : i32
    %add3A = arith.addi %mul3A_0, %arg0 : i32
    %mul3A_1 = arith.constant 512 : i32
    %mul3A_2 = arith.muli %add3A, %mul3A_1 : i32
    %iota3A = tpu.iota {dimensions = array<i32: 0>} : vector<16xi32>
    %jit3A = arith.constant 16 : i32
    %div3A = arith.divsi %mul3A_2, %jit3A : i32
    %sign3A = arith.constant 0 : i32
    %sign3A_3 = arith.cmpi sgt, %mul3A_2, %sign3A : i32
    %sign3A_4 = arith.extui %sign3A_3 : i1 to i32
    %sign3A_5 = arith.constant 0 : i32
    %sign3A_6 = arith.cmpi slt, %mul3A_2, %sign3A_5 : i32
    %sign3A_7 = arith.extui %sign3A_6 : i1 to i32
    %sign3A_8 = arith.subi %sign3A_4, %sign3A_7 : i32
    %sign3A_9 = arith.constant 0 : i32
    %sign3A_10 = arith.cmpi sgt, %jit3A, %sign3A_9 : i32
    %sign3A_11 = arith.extui %sign3A_10 : i1 to i32
    %sign3A_12 = arith.constant 0 : i32
    %sign3A_13 = arith.cmpi slt, %jit3A, %sign3A_12 : i32
    %sign3A_14 = arith.extui %sign3A_13 : i1 to i32
    %sign3A_15 = arith.subi %sign3A_11, %sign3A_14 : i32
    %ne3A = arith.cmpi ne, %sign3A_8, %sign3A_15 : i32
    %rem3A = arith.remsi %mul3A_2, %jit3A : i32
    %ne3A_16 = arith.constant 0 : i32
    %ne3A_17 = arith.cmpi ne, %rem3A, %ne3A_16 : i32
    %and3A = arith.andi %ne3A, %ne3A_17 : i1
    %sub3A = arith.constant 1 : i32
    %sub3A_18 = arith.subi %div3A, %sub3A : i32
    %select_n3A = arith.select %and3A, %sub3A_18, %div3A : i32
    %add3A_19 = arith.constant 0 : i32
    %add3A_20 = arith.addi %select_n3A, %add3A_19 : i32
    %dma_start3A = arith.constant 0 : i32
    %dma_start3A_21 = tpu.memref_slice %arg2[%add3A_20, %dma_start3A] : memref<1024x816xi32, #tpu.memory_space<hbm>> -> memref<1x816xi32, #tpu.memory_space<hbm>>
    %dma_start3A_22 = tpu.memref_squeeze %dma_start3A_21 : memref<1x816xi32, #tpu.memory_space<hbm>> -> memref<816xi32, #tpu.memory_space<hbm>>
    %dma_start3A_23 = arith.constant 0 : i32
    %dma_start3A_24 = tpu.memref_slice %arg2[%add3A_20, %dma_start3A_23] : memref<1024x816xi32, #tpu.memory_space<hbm>> -> memref<1x816xi32, #tpu.memory_space<hbm>>
    %dma_start3A_25 = tpu.memref_squeeze %dma_start3A_24 : memref<1x816xi32, #tpu.memory_space<hbm>> -> memref<816xi32, #tpu.memory_space<hbm>>
    tpu.enqueue_dma source(%dma_start3A_25 : memref<816xi32, #tpu.memory_space<hbm>>) target(%arg5 : memref<816xi32, #tpu.memory_space<vmem>>) target_semaphore(%arg14 : memref<!tpu.dma_semaphore, #tpu.memory_space<semaphore_mem>>)
    %dma_wait3A = arith.constant 0 : i32
    %dma_wait3A_26 = arith.constant 0 : i32
    %dma_wait3A_27 = tpu.memref_slice %arg2[%dma_wait3A, %dma_wait3A_26] : memref<1024x816xi32, #tpu.memory_space<hbm>> -> memref<1x816xi32, #tpu.memory_space<hbm>>
    %dma_wait3A_28 = tpu.memref_squeeze %dma_wait3A_27 : memref<1x816xi32, #tpu.memory_space<hbm>> -> memref<816xi32, #tpu.memory_space<hbm>>
    %dma_wait3A_29 = arith.constant 0 : i32
    %dma_wait3A_30 = tpu.memref_slice %arg2[%dma_wait3A, %dma_wait3A_29] : memref<1024x816xi32, #tpu.memory_space<hbm>> -> memref<1x816xi32, #tpu.memory_space<hbm>>
    %dma_wait3A_31 = tpu.memref_squeeze %dma_wait3A_30 : memref<1x816xi32, #tpu.memory_space<hbm>> -> memref<816xi32, #tpu.memory_space<hbm>>
    tpu.wait_dma2 semaphore(%arg14 : memref<!tpu.dma_semaphore, #tpu.memory_space<semaphore_mem>>) src(%dma_wait3A_31 : memref<816xi32, #tpu.memory_space<hbm>>) dst(%arg5 : memref<816xi32, #tpu.memory_space<vmem>>)
    %dma_start3A_32 = arith.constant 0 : i32
    %dma_start3A_33 = arith.constant 0 : i32
    %dma_start3A_34 = tpu.memref_slice %arg3[%dma_start3A_32, %dma_start3A_33] : memref<1000000x64xf32, #tpu.memory_space<hbm>> -> memref<1000000x64xf32, #tpu.memory_space<hbm>>
    tpu.enqueue_indirect_dma source(%dma_start3A_34 : memref<1000000x64xf32, #tpu.memory_space<hbm>>) target(%arg7 : memref<816x64xf32, #tpu.memory_space<vmem>>) offsets(%arg5 : memref<816xi32, #tpu.memory_space<vmem>>) semaphore(%arg12 : memref<!tpu.dma_semaphore, #tpu.memory_space<semaphore_mem>>)
    %jit3A_35 = arith.constant 16 : i32
    %div3A_36 = arith.divsi %mul3A_2, %jit3A_35 : i32
    %sign3A_37 = arith.constant 0 : i32
    %sign3A_38 = arith.cmpi sgt, %mul3A_2, %sign3A_37 : i32
    %sign3A_39 = arith.extui %sign3A_38 : i1 to i32
    %sign3A_40 = arith.constant 0 : i32
    %sign3A_41 = arith.cmpi slt, %mul3A_2, %sign3A_40 : i32
    %sign3A_42 = arith.extui %sign3A_41 : i1 to i32
    %sign3A_43 = arith.subi %sign3A_39, %sign3A_42 : i32
    %sign3A_44 = arith.constant 0 : i32
    %sign3A_45 = arith.cmpi sgt, %jit3A_35, %sign3A_44 : i32
    %sign3A_46 = arith.extui %sign3A_45 : i1 to i32
    %sign3A_47 = arith.constant 0 : i32
    %sign3A_48 = arith.cmpi slt, %jit3A_35, %sign3A_47 : i32
    %sign3A_49 = arith.extui %sign3A_48 : i1 to i32
    %sign3A_50 = arith.subi %sign3A_46, %sign3A_49 : i32
    %ne3A_51 = arith.cmpi ne, %sign3A_43, %sign3A_50 : i32
    %rem3A_52 = arith.remsi %mul3A_2, %jit3A_35 : i32
    %ne3A_53 = arith.constant 0 : i32
    %ne3A_54 = arith.cmpi ne, %rem3A_52, %ne3A_53 : i32
    %and3A_55 = arith.andi %ne3A_51, %ne3A_54 : i1
    %sub3A_56 = arith.constant 1 : i32
    %sub3A_57 = arith.subi %div3A_36, %sub3A_56 : i32
    %select_n3A_58 = arith.select %and3A_55, %sub3A_57, %div3A_36 : i32
    %add3A_59 = arith.constant 1 : i32
    %add3A_60 = arith.addi %select_n3A_58, %add3A_59 : i32
    %dma_start3A_61 = arith.constant 0 : i32
    %dma_start3A_62 = tpu.memref_slice %arg2[%add3A_60, %dma_start3A_61] : memref<1024x816xi32, #tpu.memory_space<hbm>> -> memref<1x816xi32, #tpu.memory_space<hbm>>
    %dma_start3A_63 = tpu.memref_squeeze %dma_start3A_62 : memref<1x816xi32, #tpu.memory_space<hbm>> -> memref<816xi32, #tpu.memory_space<hbm>>
    %dma_start3A_64 = arith.constant 0 : i32
    %dma_start3A_65 = tpu.memref_slice %arg2[%add3A_60, %dma_start3A_64] : memref<1024x816xi32, #tpu.memory_space<hbm>> -> memref<1x816xi32, #tpu.memory_space<hbm>>
    %dma_start3A_66 = tpu.memref_squeeze %dma_start3A_65 : memref<1x816xi32, #tpu.memory_space<hbm>> -> memref<816xi32, #tpu.memory_space<hbm>>
    tpu.enqueue_dma source(%dma_start3A_66 : memref<816xi32, #tpu.memory_space<hbm>>) target(%arg6 : memref<816xi32, #tpu.memory_space<vmem>>) target_semaphore(%arg15 : memref<!tpu.dma_semaphore, #tpu.memory_space<semaphore_mem>>)
    %scan3A = arith.constant 0 : i32
    %scan3A_67 = arith.constant 0 : i32
    %scan3A_68 = arith.constant 16 : i32
    %scan3A_69 = arith.addi %scan3A_67, %scan3A_68 : i32
    %scan3A_70 = arith.constant 1 : i32
    scf.for %scan3A_88 = %scan3A_67 to %scan3A_69 step %scan3A_70  : i32 {
      %mul3A_89 = arith.constant 2 : i32
      %mul3A_90 = arith.muli %scan3A_88, %mul3A_89 : i32
      %add3A_91 = arith.constant 0 : i32
      %add3A_92 = arith.addi %mul3A_90, %add3A_91 : i32
      %add3A_93 = arith.constant 1 : i32
      %add3A_94 = arith.addi %add3A_92, %add3A_93 : i32
      %lt3A = arith.constant 32 : i32
      %lt3A_95 = arith.cmpi slt, %add3A_94, %lt3A : i32
      %convert_element_type3A = arith.extui %lt3A_95 : i1 to i32
      %cond3A = arith.constant 0 : i32
      %cond3A_96 = arith.cmpi ne, %convert_element_type3A, %cond3A : i32
      scf.if %cond3A_96 {
        %dma_wait3A_177 = arith.constant 0 : i32
        %dma_wait3A_178 = arith.constant 0 : i32
        %dma_wait3A_179 = tpu.memref_slice %arg2[%dma_wait3A_177, %dma_wait3A_178] : memref<1024x816xi32, #tpu.memory_space<hbm>> -> memref<1x816xi32, #tpu.memory_space<hbm>>
        %dma_wait3A_180 = tpu.memref_squeeze %dma_wait3A_179 : memref<1x816xi32, #tpu.memory_space<hbm>> -> memref<816xi32, #tpu.memory_space<hbm>>
        %dma_wait3A_181 = arith.constant 0 : i32
        %dma_wait3A_182 = tpu.memref_slice %arg2[%dma_wait3A_177, %dma_wait3A_181] : memref<1024x816xi32, #tpu.memory_space<hbm>> -> memref<1x816xi32, #tpu.memory_space<hbm>>
        %dma_wait3A_183 = tpu.memref_squeeze %dma_wait3A_182 : memref<1x816xi32, #tpu.memory_space<hbm>> -> memref<816xi32, #tpu.memory_space<hbm>>
        tpu.wait_dma2 semaphore(%arg15 : memref<!tpu.dma_semaphore, #tpu.memory_space<semaphore_mem>>) src(%dma_wait3A_183 : memref<816xi32, #tpu.memory_space<hbm>>) dst(%arg6 : memref<816xi32, #tpu.memory_space<vmem>>)
        %dma_start3A_184 = arith.constant 0 : i32
        %dma_start3A_185 = arith.constant 0 : i32
        %dma_start3A_186 = tpu.memref_slice %arg3[%dma_start3A_184, %dma_start3A_185] : memref<1000000x64xf32, #tpu.memory_space<hbm>> -> memref<1000000x64xf32, #tpu.memory_space<hbm>>
        tpu.enqueue_indirect_dma source(%dma_start3A_186 : memref<1000000x64xf32, #tpu.memory_space<hbm>>) target(%arg8 : memref<816x64xf32, #tpu.memory_space<vmem>>) offsets(%arg6 : memref<816xi32, #tpu.memory_space<vmem>>) semaphore(%arg13 : memref<!tpu.dma_semaphore, #tpu.memory_space<semaphore_mem>>)
      } else {
      }
      %dma_wait3A_97 = arith.constant 0 : i32
      %dma_wait3A_98 = arith.constant 0 : i32
      %dma_wait3A_99 = tpu.memref_slice %arg3[%dma_wait3A_97, %dma_wait3A_98] : memref<1000000x64xf32, #tpu.memory_space<hbm>> -> memref<816x64xf32, #tpu.memory_space<hbm>>
      %dma_wait3A_100 = arith.constant 0 : i32
      %dma_wait3A_101 = arith.constant 0 : i32
      %dma_wait3A_102 = tpu.memref_slice %arg3[%dma_wait3A_100, %dma_wait3A_101] : memref<1000000x64xf32, #tpu.memory_space<hbm>> -> memref<816x64xf32, #tpu.memory_space<hbm>>
      tpu.wait_dma2 semaphore(%arg12 : memref<!tpu.dma_semaphore, #tpu.memory_space<semaphore_mem>>) src(%dma_wait3A_102 : memref<816x64xf32, #tpu.memory_space<hbm>>) dst(%arg7 : memref<816x64xf32, #tpu.memory_space<vmem>>)
      %add3A_103 = arith.constant 2 : i32
      %add3A_104 = arith.addi %add3A_92, %add3A_103 : i32
      %lt3A_105 = arith.constant 32 : i32
      %lt3A_106 = arith.cmpi slt, %add3A_104, %lt3A_105 : i32
      %convert_element_type3A_107 = arith.extui %lt3A_106 : i1 to i32
      %cond3A_108 = arith.constant 0 : i32
      %cond3A_109 = arith.cmpi ne, %convert_element_type3A_107, %cond3A_108 : i32
      scf.if %cond3A_109 {
        %add3A_177 = arith.constant 2 : i32
        %add3A_178 = arith.addi %add3A_92, %add3A_177 : i32
        %jit3A_179 = arith.constant 16 : i32
        %div3A_180 = arith.divsi %mul3A_2, %jit3A_179 : i32
        %sign3A_181 = arith.constant 0 : i32
        %sign3A_182 = arith.cmpi sgt, %mul3A_2, %sign3A_181 : i32
        %sign3A_183 = arith.extui %sign3A_182 : i1 to i32
        %sign3A_184 = arith.constant 0 : i32
        %sign3A_185 = arith.cmpi slt, %mul3A_2, %sign3A_184 : i32
        %sign3A_186 = arith.extui %sign3A_185 : i1 to i32
        %sign3A_187 = arith.subi %sign3A_183, %sign3A_186 : i32
        %sign3A_188 = arith.constant 0 : i32
        %sign3A_189 = arith.cmpi sgt, %jit3A_179, %sign3A_188 : i32
        %sign3A_190 = arith.extui %sign3A_189 : i1 to i32
        %sign3A_191 = arith.constant 0 : i32
        %sign3A_192 = arith.cmpi slt, %jit3A_179, %sign3A_191 : i32
        %sign3A_193 = arith.extui %sign3A_192 : i1 to i32
        %sign3A_194 = arith.subi %sign3A_190, %sign3A_193 : i32
        %ne3A_195 = arith.cmpi ne, %sign3A_187, %sign3A_194 : i32
        %rem3A_196 = arith.remsi %mul3A_2, %jit3A_179 : i32
        %ne3A_197 = arith.constant 0 : i32
        %ne3A_198 = arith.cmpi ne, %rem3A_196, %ne3A_197 : i32
        %and3A_199 = arith.andi %ne3A_195, %ne3A_198 : i1
        %sub3A_200 = arith.constant 1 : i32
        %sub3A_201 = arith.subi %div3A_180, %sub3A_200 : i32
        %select_n3A_202 = arith.select %and3A_199, %sub3A_201, %div3A_180 : i32
        %add3A_203 = arith.addi %select_n3A_202, %add3A_178 : i32
        %dma_start3A_204 = arith.constant 0 : i32
        %dma_start3A_205 = tpu.memref_slice %arg2[%add3A_203, %dma_start3A_204] : memref<1024x816xi32, #tpu.memory_space<hbm>> -> memref<1x816xi32, #tpu.memory_space<hbm>>
        %dma_start3A_206 = tpu.memref_squeeze %dma_start3A_205 : memref<1x816xi32, #tpu.memory_space<hbm>> -> memref<816xi32, #tpu.memory_space<hbm>>
        %dma_start3A_207 = arith.constant 0 : i32
        %dma_start3A_208 = tpu.memref_slice %arg2[%add3A_203, %dma_start3A_207] : memref<1024x816xi32, #tpu.memory_space<hbm>> -> memref<1x816xi32, #tpu.memory_space<hbm>>
        %dma_start3A_209 = tpu.memref_squeeze %dma_start3A_208 : memref<1x816xi32, #tpu.memory_space<hbm>> -> memref<816xi32, #tpu.memory_space<hbm>>
        tpu.enqueue_dma source(%dma_start3A_209 : memref<816xi32, #tpu.memory_space<hbm>>) target(%arg5 : memref<816xi32, #tpu.memory_space<vmem>>) target_semaphore(%arg14 : memref<!tpu.dma_semaphore, #tpu.memory_space<semaphore_mem>>)
      } else {
      }
      %ge3A = arith.constant 2 : i32
      %ge3A_110 = arith.cmpi sge, %add3A_92, %ge3A : i32
      %convert_element_type3A_111 = arith.extui %ge3A_110 : i1 to i32
      %cond3A_112 = arith.constant 0 : i32
      %cond3A_113 = arith.cmpi ne, %convert_element_type3A_111, %cond3A_112 : i32
      scf.if %cond3A_113 {
        %dma_wait3A_177 = arith.constant 0 : i32
        %dma_wait3A_178 = tpu.memref_slice %arg9[%dma_wait3A_177] : memref<816xf32, #tpu.memory_space<vmem>> -> memref<800xf32, #tpu.memory_space<vmem>>
        %dma_wait3A_179 = arith.constant 0 : i32
        %dma_wait3A_180 = tpu.memref_slice %arg4[%dma_wait3A_179] : memref<819200xf32, #tpu.memory_space<hbm>> -> memref<800xf32, #tpu.memory_space<hbm>>
        %dma_wait3A_181 = arith.constant 0 : i32
        %dma_wait3A_182 = tpu.memref_slice %arg9[%dma_wait3A_181] : memref<816xf32, #tpu.memory_space<vmem>> -> memref<800xf32, #tpu.memory_space<vmem>>
        %dma_wait3A_183 = arith.constant 0 : i32
        %dma_wait3A_184 = tpu.memref_slice %arg4[%dma_wait3A_183] : memref<819200xf32, #tpu.memory_space<hbm>> -> memref<800xf32, #tpu.memory_space<hbm>>
        tpu.wait_dma2 semaphore(%arg16 : memref<!tpu.dma_semaphore, #tpu.memory_space<semaphore_mem>>) src(%dma_wait3A_184 : memref<800xf32, #tpu.memory_space<hbm>>) dst(%dma_wait3A_182 : memref<800xf32, #tpu.memory_space<vmem>>)
      } else {
      }
      %scan3A_114 = arith.constant 0 : i32
      %scan3A_115 = arith.constant 0 : i32
      %scan3A_116 = arith.constant 16 : i32
      %scan3A_117 = arith.addi %scan3A_115, %scan3A_116 : i32
      %scan3A_118 = arith.constant 1 : i32
      scf.for %scan3A_177 = %scan3A_115 to %scan3A_117 step %scan3A_118  : i32 {
        %mul3A_178 = arith.constant 51 : i32
        %mul3A_179 = arith.muli %scan3A_177, %mul3A_178 : i32
        %get3A = arith.index_cast %mul3A_179 : i32 to index
        %get3A_180 = arith.constant 0 : index
        %get3A_181 = tpu.vector_load %arg7[%get3A, %get3A_180] {strides = array<i32>} : memref<816x64xf32, #tpu.memory_space<vmem>>, vector<16xf32>,
        %get3A_182 = arith.index_cast %mul3A_179 : i32 to index
        %get3A_183 = arith.constant 16 : index
        %get3A_184 = tpu.vector_load %arg7[%get3A_182, %get3A_183] {strides = array<i32>} : memref<816x64xf32, #tpu.memory_space<vmem>>, vector<16xf32>,
        %get3A_185 = arith.index_cast %mul3A_179 : i32 to index
        %get3A_186 = arith.constant 32 : index
        %get3A_187 = tpu.vector_load %arg7[%get3A_185, %get3A_186] {strides = array<i32>} : memref<816x64xf32, #tpu.memory_space<vmem>>, vector<16xf32>,
        %get3A_188 = arith.index_cast %mul3A_179 : i32 to index
        %get3A_189 = arith.constant 48 : index
        %get3A_190 = tpu.vector_load %arg7[%get3A_188, %get3A_189] {strides = array<i32>} : memref<816x64xf32, #tpu.memory_space<vmem>>, vector<16xf32>,
        %mul3A_191 = arith.constant 17 : i32
        %mul3A_192 = vector.broadcast %mul3A_191 : i32 to vector<16xi32>
        %mul3A_193 = arith.muli %iota3A, %mul3A_192 : vector<16xi32>
        %add3A_194 = arith.constant 1 : i32
        %add3A_195 = arith.addi %mul3A_179, %add3A_194 : i32
        %add3A_196 = arith.constant 48 : i32
        %add3A_197 = arith.addi %add3A_195, %add3A_196 : i32
        %add3A_198 = arith.constant 0 : i32
        %add3A_199 = arith.addi %add3A_197, %add3A_198 : i32
        %get3A_200 = arith.index_cast %add3A_199 : i32 to index
        %get3A_201 = arith.constant 0 : index
        %get3A_202 = tpu.vector_load %arg7[%get3A_200, %get3A_201] {strides = array<i32>} : memref<816x64xf32, #tpu.memory_space<vmem>>, vector<16xf32>,
        %mul3A_203 = arith.mulf %get3A_202, %get3A_181 : vector<16xf32>
        %get3A_204 = arith.index_cast %add3A_199 : i32 to index
        %get3A_205 = arith.constant 16 : index
        %get3A_206 = tpu.vector_load %arg7[%get3A_204, %get3A_205] {strides = array<i32>} : memref<816x64xf32, #tpu.memory_space<vmem>>, vector<16xf32>,
        %mul3A_207 = arith.mulf %get3A_206, %get3A_184 : vector<16xf32>
        %get3A_208 = arith.index_cast %add3A_199 : i32 to index
        %get3A_209 = arith.constant 32 : index
        %get3A_210 = tpu.vector_load %arg7[%get3A_208, %get3A_209] {strides = array<i32>} : memref<816x64xf32, #tpu.memory_space<vmem>>, vector<16xf32>,
        %mul3A_211 = arith.mulf %get3A_210, %get3A_187 : vector<16xf32>
        %get3A_212 = arith.index_cast %add3A_199 : i32 to index
        %get3A_213 = arith.constant 48 : index
        %get3A_214 = tpu.vector_load %arg7[%get3A_212, %get3A_213] {strides = array<i32>} : memref<816x64xf32, #tpu.memory_space<vmem>>, vector<16xf32>,
        %mul3A_215 = arith.mulf %get3A_214, %get3A_190 : vector<16xf32>
        %add3A_216 = arith.addf %mul3A_203, %mul3A_207 : vector<16xf32>
        %add3A_217 = arith.addf %mul3A_211, %mul3A_215 : vector<16xf32>
        %add3A_218 = arith.addf %add3A_216, %add3A_217 : vector<16xf32>
        %swap3A = arith.constant 0 : index
        %swap3A_219 = tpu.vector_load %arg11[%swap3A] {strides = array<i32>} : memref<272xf32, #tpu.memory_space<vmem>>, vector<16xf32>,
        tpu.vector_store %arg11[%swap3A], %add3A_218 {strides = array<i32>} : memref<272xf32, #tpu.memory_space<vmem>>, vector<16xf32>,
        %add3A_220 = arith.constant 1 : i32
        %add3A_221 = arith.addi %mul3A_179, %add3A_220 : i32
        %add3A_222 = arith.constant 48 : i32
        %add3A_223 = arith.addi %add3A_221, %add3A_222 : i32
        %add3A_224 = arith.constant 1 : i32
        %add3A_225 = arith.addi %add3A_223, %add3A_224 : i32
        %get3A_226 = arith.index_cast %add3A_225 : i32 to index
        %get3A_227 = arith.constant 0 : index
        %get3A_228 = tpu.vector_load %arg7[%get3A_226, %get3A_227] {strides = array<i32>} : memref<816x64xf32, #tpu.memory_space<vmem>>, vector<16xf32>,
        %mul3A_229 = arith.mulf %get3A_228, %get3A_181 : vector<16xf32>
        %get3A_230 = arith.index_cast %add3A_225 : i32 to index
        %get3A_231 = arith.constant 16 : index
        %get3A_232 = tpu.vector_load %arg7[%get3A_230, %get3A_231] {strides = array<i32>} : memref<816x64xf32, #tpu.memory_space<vmem>>, vector<16xf32>,
        %mul3A_233 = arith.mulf %get3A_232, %get3A_184 : vector<16xf32>
        %get3A_234 = arith.index_cast %add3A_225 : i32 to index
        %get3A_235 = arith.constant 32 : index
        %get3A_236 = tpu.vector_load %arg7[%get3A_234, %get3A_235] {strides = array<i32>} : memref<816x64xf32, #tpu.memory_space<vmem>>, vector<16xf32>,
        %mul3A_237 = arith.mulf %get3A_236, %get3A_187 : vector<16xf32>
        %get3A_238 = arith.index_cast %add3A_225 : i32 to index
        %get3A_239 = arith.constant 48 : index
        %get3A_240 = tpu.vector_load %arg7[%get3A_238, %get3A_239] {strides = array<i32>} : memref<816x64xf32, #tpu.memory_space<vmem>>, vector<16xf32>,
        %mul3A_241 = arith.mulf %get3A_240, %get3A_190 : vector<16xf32>
        %add3A_242 = arith.addf %mul3A_229, %mul3A_233 : vector<16xf32>
        %add3A_243 = arith.addf %mul3A_237, %mul3A_241 : vector<16xf32>
        %add3A_244 = arith.addf %add3A_242, %add3A_243 : vector<16xf32>
        %swap3A_245 = arith.constant 17 : index
        %swap3A_246 = tpu.vector_load %arg11[%swap3A_245] {strides = array<i32>} : memref<272xf32, #tpu.memory_space<vmem>>, vector<16xf32>,
        tpu.vector_store %arg11[%swap3A_245], %add3A_244 {strides = array<i32>} : memref<272xf32, #tpu.memory_space<vmem>>, vector<16xf32>,
        %add3A_247 = arith.constant 0 : i32
        %add3A_248 = vector.broadcast %add3A_247 : i32 to vector<16xi32>
        %add3A_249 = arith.addi %mul3A_193, %add3A_248 : vector<16xi32>
        %gather3A = tpu.vector_load_idx %arg11[%add3A_249] : memref<272xf32, #tpu.memory_space<vmem>>[vector<16xi32>], vector<16xf32>,
        %add3A_250 = arith.constant 1 : i32
        %add3A_251 = vector.broadcast %add3A_250 : i32 to vector<16xi32>
        %add3A_252 = arith.addi %mul3A_193, %add3A_251 : vector<16xi32>
        %gather3A_253 = tpu.vector_load_idx %arg11[%add3A_252] : memref<272xf32, #tpu.memory_space<vmem>>[vector<16xi32>], vector<16xf32>,
        %add3A_254 = arith.constant 2 : i32
        %add3A_255 = vector.broadcast %add3A_254 : i32 to vector<16xi32>
        %add3A_256 = arith.addi %mul3A_193, %add3A_255 : vector<16xi32>
        %gather3A_257 = tpu.vector_load_idx %arg11[%add3A_256] : memref<272xf32, #tpu.memory_space<vmem>>[vector<16xi32>], vector<16xf32>,
        %add3A_258 = arith.constant 3 : i32
        %add3A_259 = vector.broadcast %add3A_258 : i32 to vector<16xi32>
        %add3A_260 = arith.addi %mul3A_193, %add3A_259 : vector<16xi32>
        %gather3A_261 = tpu.vector_load_idx %arg11[%add3A_260] : memref<272xf32, #tpu.memory_space<vmem>>[vector<16xi32>], vector<16xf32>,
        %add3A_262 = arith.constant 4 : i32
        %add3A_263 = vector.broadcast %add3A_262 : i32 to vector<16xi32>
        %add3A_264 = arith.addi %mul3A_193, %add3A_263 : vector<16xi32>
        %gather3A_265 = tpu.vector_load_idx %arg11[%add3A_264] : memref<272xf32, #tpu.memory_space<vmem>>[vector<16xi32>], vector<16xf32>,
        %add3A_266 = arith.constant 5 : i32
        %add3A_267 = vector.broadcast %add3A_266 : i32 to vector<16xi32>
        %add3A_268 = arith.addi %mul3A_193, %add3A_267 : vector<16xi32>
        %gather3A_269 = tpu.vector_load_idx %arg11[%add3A_268] : memref<272xf32, #tpu.memory_space<vmem>>[vector<16xi32>], vector<16xf32>,
        %add3A_270 = arith.constant 6 : i32
        %add3A_271 = vector.broadcast %add3A_270 : i32 to vector<16xi32>
        %add3A_272 = arith.addi %mul3A_193, %add3A_271 : vector<16xi32>
        %gather3A_273 = tpu.vector_load_idx %arg11[%add3A_272] : memref<272xf32, #tpu.memory_space<vmem>>[vector<16xi32>], vector<16xf32>,
        %add3A_274 = arith.constant 7 : i32
        %add3A_275 = vector.broadcast %add3A_274 : i32 to vector<16xi32>
        %add3A_276 = arith.addi %mul3A_193, %add3A_275 : vector<16xi32>
        %gather3A_277 = tpu.vector_load_idx %arg11[%add3A_276] : memref<272xf32, #tpu.memory_space<vmem>>[vector<16xi32>], vector<16xf32>,
        %add3A_278 = arith.constant 8 : i32
        %add3A_279 = vector.broadcast %add3A_278 : i32 to vector<16xi32>
        %add3A_280 = arith.addi %mul3A_193, %add3A_279 : vector<16xi32>
        %gather3A_281 = tpu.vector_load_idx %arg11[%add3A_280] : memref<272xf32, #tpu.memory_space<vmem>>[vector<16xi32>], vector<16xf32>,
        %add3A_282 = arith.constant 9 : i32
        %add3A_283 = vector.broadcast %add3A_282 : i32 to vector<16xi32>
        %add3A_284 = arith.addi %mul3A_193, %add3A_283 : vector<16xi32>
        %gather3A_285 = tpu.vector_load_idx %arg11[%add3A_284] : memref<272xf32, #tpu.memory_space<vmem>>[vector<16xi32>], vector<16xf32>,
        %add3A_286 = arith.constant 10 : i32
        %add3A_287 = vector.broadcast %add3A_286 : i32 to vector<16xi32>
        %add3A_288 = arith.addi %mul3A_193, %add3A_287 : vector<16xi32>
        %gather3A_289 = tpu.vector_load_idx %arg11[%add3A_288] : memref<272xf32, #tpu.memory_space<vmem>>[vector<16xi32>], vector<16xf32>,
        %add3A_290 = arith.constant 11 : i32
        %add3A_291 = vector.broadcast %add3A_290 : i32 to vector<16xi32>
        %add3A_292 = arith.addi %mul3A_193, %add3A_291 : vector<16xi32>
        %gather3A_293 = tpu.vector_load_idx %arg11[%add3A_292] : memref<272xf32, #tpu.memory_space<vmem>>[vector<16xi32>], vector<16xf32>,
        %add3A_294 = arith.constant 12 : i32
        %add3A_295 = vector.broadcast %add3A_294 : i32 to vector<16xi32>
        %add3A_296 = arith.addi %mul3A_193, %add3A_295 : vector<16xi32>
        %gather3A_297 = tpu.vector_load_idx %arg11[%add3A_296] : memref<272xf32, #tpu.memory_space<vmem>>[vector<16xi32>], vector<16xf32>,
        %add3A_298 = arith.constant 13 : i32
        %add3A_299 = vector.broadcast %add3A_298 : i32 to vector<16xi32>
        %add3A_300 = arith.addi %mul3A_193, %add3A_299 : vector<16xi32>
        %gather3A_301 = tpu.vector_load_idx %arg11[%add3A_300] : memref<272xf32, #tpu.memory_space<vmem>>[vector<16xi32>], vector<16xf32>,
        %add3A_302 = arith.constant 14 : i32
        %add3A_303 = vector.broadcast %add3A_302 : i32 to vector<16xi32>
        %add3A_304 = arith.addi %mul3A_193, %add3A_303 : vector<16xi32>
        %gather3A_305 = tpu.vector_load_idx %arg11[%add3A_304] : memref<272xf32, #tpu.memory_space<vmem>>[vector<16xi32>], vector<16xf32>,
        %add3A_306 = arith.constant 15 : i32
        %add3A_307 = vector.broadcast %add3A_306 : i32 to vector<16xi32>
        %add3A_308 = arith.addi %mul3A_193, %add3A_307 : vector<16xi32>
        %gather3A_309 = tpu.vector_load_idx %arg11[%add3A_308] : memref<272xf32, #tpu.memory_space<vmem>>[vector<16xi32>], vector<16xf32>,
        %add3A_310 = arith.addf %gather3A, %gather3A_253 : vector<16xf32>
        %add3A_311 = arith.addf %gather3A_257, %gather3A_261 : vector<16xf32>
        %add3A_312 = arith.addf %gather3A_265, %gather3A_269 : vector<16xf32>
        %add3A_313 = arith.addf %gather3A_273, %gather3A_277 : vector<16xf32>
        %add3A_314 = arith.addf %gather3A_281, %gather3A_285 : vector<16xf32>
        %add3A_315 = arith.addf %gather3A_289, %gather3A_293 : vector<16xf32>
        %add3A_316 = arith.addf %gather3A_297, %gather3A_301 : vector<16xf32>
        %add3A_317 = arith.addf %gather3A_305, %gather3A_309 : vector<16xf32>
        %add3A_318 = arith.addf %add3A_310, %add3A_311 : vector<16xf32>
        %add3A_319 = arith.addf %add3A_312, %add3A_313 : vector<16xf32>
        %add3A_320 = arith.addf %add3A_314, %add3A_315 : vector<16xf32>
        %add3A_321 = arith.addf %add3A_316, %add3A_317 : vector<16xf32>
        %add3A_322 = arith.addf %add3A_318, %add3A_319 : vector<16xf32>
        %add3A_323 = arith.addf %add3A_320, %add3A_321 : vector<16xf32>
        %add3A_324 = arith.addf %add3A_322, %add3A_323 : vector<16xf32>
        %mul3A_325 = arith.constant 50 : i32
        %mul3A_326 = arith.muli %scan3A_177, %mul3A_325 : i32
        %add3A_327 = arith.constant 48 : i32
        %add3A_328 = arith.addi %mul3A_326, %add3A_327 : i32
        %swap3A_329 = arith.index_cast %add3A_328 : i32 to index
        %swap3A_330 = tpu.vector_load %arg9[%swap3A_329] {strides = array<i32>} : memref<816xf32, #tpu.memory_space<vmem>>, vector<16xf32>,
        tpu.vector_store %arg9[%swap3A_329], %add3A_324 {strides = array<i32>} : memref<816xf32, #tpu.memory_space<vmem>>, vector<16xf32>,
        %add3A_331 = arith.constant 1 : i32
        %add3A_332 = arith.addi %mul3A_179, %add3A_331 : i32
        %add3A_333 = arith.constant 0 : i32
        %add3A_334 = arith.addi %add3A_332, %add3A_333 : i32
        %add3A_335 = arith.constant 0 : i32
        %add3A_336 = arith.addi %add3A_334, %add3A_335 : i32
        %get3A_337 = arith.index_cast %add3A_336 : i32 to index
        %get3A_338 = arith.constant 0 : index
        %get3A_339 = tpu.vector_load %arg7[%get3A_337, %get3A_338] {strides = array<i32>} : memref<816x64xf32, #tpu.memory_space<vmem>>, vector<16xf32>,
        %mul3A_340 = arith.mulf %get3A_339, %get3A_181 : vector<16xf32>
        %get3A_341 = arith.index_cast %add3A_336 : i32 to index
        %get3A_342 = arith.constant 16 : index
        %get3A_343 = tpu.vector_load %arg7[%get3A_341, %get3A_342] {strides = array<i32>} : memref<816x64xf32, #tpu.memory_space<vmem>>, vector<16xf32>,
        %mul3A_344 = arith.mulf %get3A_343, %get3A_184 : vector<16xf32>
        %get3A_345 = arith.index_cast %add3A_336 : i32 to index
        %get3A_346 = arith.constant 32 : index
        %get3A_347 = tpu.vector_load %arg7[%get3A_345, %get3A_346] {strides = array<i32>} : memref<816x64xf32, #tpu.memory_space<vmem>>, vector<16xf32>,
        %mul3A_348 = arith.mulf %get3A_347, %get3A_187 : vector<16xf32>
        %get3A_349 = arith.index_cast %add3A_336 : i32 to index
        %get3A_350 = arith.constant 48 : index
        %get3A_351 = tpu.vector_load %arg7[%get3A_349, %get3A_350] {strides = array<i32>} : memref<816x64xf32, #tpu.memory_space<vmem>>, vector<16xf32>,
        %mul3A_352 = arith.mulf %get3A_351, %get3A_190 : vector<16xf32>
        %add3A_353 = arith.addf %mul3A_340, %mul3A_344 : vector<16xf32>
        %add3A_354 = arith.addf %mul3A_348, %mul3A_352 : vector<16xf32>
        %add3A_355 = arith.addf %add3A_353, %add3A_354 : vector<16xf32>
        %swap3A_356 = arith.constant 0 : index
        %swap3A_357 = tpu.vector_load %arg11[%swap3A_356] {strides = array<i32>} : memref<272xf32, #tpu.memory_space<vmem>>, vector<16xf32>,
        tpu.vector_store %arg11[%swap3A_356], %add3A_355 {strides = array<i32>} : memref<272xf32, #tpu.memory_space<vmem>>, vector<16xf32>,
        %add3A_358 = arith.constant 1 : i32
        %add3A_359 = arith.addi %mul3A_179, %add3A_358 : i32
        %add3A_360 = arith.constant 0 : i32
        %add3A_361 = arith.addi %add3A_359, %add3A_360 : i32
        %add3A_362 = arith.constant 1 : i32
        %add3A_363 = arith.addi %add3A_361, %add3A_362 : i32
        %get3A_364 = arith.index_cast %add3A_363 : i32 to index
        %get3A_365 = arith.constant 0 : index
        %get3A_366 = tpu.vector_load %arg7[%get3A_364, %get3A_365] {strides = array<i32>} : memref<816x64xf32, #tpu.memory_space<vmem>>, vector<16xf32>,
        %mul3A_367 = arith.mulf %get3A_366, %get3A_181 : vector<16xf32>
        %get3A_368 = arith.index_cast %add3A_363 : i32 to index
        %get3A_369 = arith.constant 16 : index
        %get3A_370 = tpu.vector_load %arg7[%get3A_368, %get3A_369] {strides = array<i32>} : memref<816x64xf32, #tpu.memory_space<vmem>>, vector<16xf32>,
        %mul3A_371 = arith.mulf %get3A_370, %get3A_184 : vector<16xf32>
        %get3A_372 = arith.index_cast %add3A_363 : i32 to index
        %get3A_373 = arith.constant 32 : index
        %get3A_374 = tpu.vector_load %arg7[%get3A_372, %get3A_373] {strides = array<i32>} : memref<816x64xf32, #tpu.memory_space<vmem>>, vector<16xf32>,
        %mul3A_375 = arith.mulf %get3A_374, %get3A_187 : vector<16xf32>
        %get3A_376 = arith.index_cast %add3A_363 : i32 to index
        %get3A_377 = arith.constant 48 : index
        %get3A_378 = tpu.vector_load %arg7[%get3A_376, %get3A_377] {strides = array<i32>} : memref<816x64xf32, #tpu.memory_space<vmem>>, vector<16xf32>,
        %mul3A_379 = arith.mulf %get3A_378, %get3A_190 : vector<16xf32>
        %add3A_380 = arith.addf %mul3A_367, %mul3A_371 : vector<16xf32>
        %add3A_381 = arith.addf %mul3A_375, %mul3A_379 : vector<16xf32>
        %add3A_382 = arith.addf %add3A_380, %add3A_381 : vector<16xf32>
        %swap3A_383 = arith.constant 17 : index
        %swap3A_384 = tpu.vector_load %arg11[%swap3A_383] {strides = array<i32>} : memref<272xf32, #tpu.memory_space<vmem>>, vector<16xf32>,
        tpu.vector_store %arg11[%swap3A_383], %add3A_382 {strides = array<i32>} : memref<272xf32, #tpu.memory_space<vmem>>, vector<16xf32>,
        %add3A_385 = arith.constant 1 : i32
        %add3A_386 = arith.addi %mul3A_179, %add3A_385 : i32
        %add3A_387 = arith.constant 0 : i32
        %add3A_388 = arith.addi %add3A_386, %add3A_387 : i32
        %add3A_389 = arith.constant 2 : i32
        %add3A_390 = arith.addi %add3A_388, %add3A_389 : i32
        %get3A_391 = arith.index_cast %add3A_390 : i32 to index
        %get3A_392 = arith.constant 0 : index
        %get3A_393 = tpu.vector_load %arg7[%get3A_391, %get3A_392] {strides = array<i32>} : memref<816x64xf32, #tpu.memory_space<vmem>>, vector<16xf32>,
        %mul3A_394 = arith.mulf %get3A_393, %get3A_181 : vector<16xf32>
        %get3A_395 = arith.index_cast %add3A_390 : i32 to index
        %get3A_396 = arith.constant 16 : index
        %get3A_397 = tpu.vector_load %arg7[%get3A_395, %get3A_396] {strides = array<i32>} : memref<816x64xf32, #tpu.memory_space<vmem>>, vector<16xf32>,
        %mul3A_398 = arith.mulf %get3A_397, %get3A_184 : vector<16xf32>
        %get3A_399 = arith.index_cast %add3A_390 : i32 to index
        %get3A_400 = arith.constant 32 : index
        %get3A_401 = tpu.vector_load %arg7[%get3A_399, %get3A_400] {strides = array<i32>} : memref<816x64xf32, #tpu.memory_space<vmem>>, vector<16xf32>,
        %mul3A_402 = arith.mulf %get3A_401, %get3A_187 : vector<16xf32>
        %get3A_403 = arith.index_cast %add3A_390 : i32 to index
        %get3A_404 = arith.constant 48 : index
        %get3A_405 = tpu.vector_load %arg7[%get3A_403, %get3A_404] {strides = array<i32>} : memref<816x64xf32, #tpu.memory_space<vmem>>, vector<16xf32>,
        %mul3A_406 = arith.mulf %get3A_405, %get3A_190 : vector<16xf32>
        %add3A_407 = arith.addf %mul3A_394, %mul3A_398 : vector<16xf32>
        %add3A_408 = arith.addf %mul3A_402, %mul3A_406 : vector<16xf32>
        %add3A_409 = arith.addf %add3A_407, %add3A_408 : vector<16xf32>
        %swap3A_410 = arith.constant 34 : index
        %swap3A_411 = tpu.vector_load %arg11[%swap3A_410] {strides = array<i32>} : memref<272xf32, #tpu.memory_space<vmem>>, vector<16xf32>,
        tpu.vector_store %arg11[%swap3A_410], %add3A_409 {strides = array<i32>} : memref<272xf32, #tpu.memory_space<vmem>>, vector<16xf32>,
        %add3A_412 = arith.constant 1 : i32
        %add3A_413 = arith.addi %mul3A_179, %add3A_412 : i32
        %add3A_414 = arith.constant 0 : i32
        %add3A_415 = arith.addi %add3A_413, %add3A_414 : i32
        %add3A_416 = arith.constant 3 : i32
        %add3A_417 = arith.addi %add3A_415, %add3A_416 : i32
        %get3A_418 = arith.index_cast %add3A_417 : i32 to index
        %get3A_419 = arith.constant 0 : index
        %get3A_420 = tpu.vector_load %arg7[%get3A_418, %get3A_419] {strides = array<i32>} : memref<816x64xf32, #tpu.memory_space<vmem>>, vector<16xf32>,
        %mul3A_421 = arith.mulf %get3A_420, %get3A_181 : vector<16xf32>
        %get3A_422 = arith.index_cast %add3A_417 : i32 to index
        %get3A_423 = arith.constant 16 : index
        %get3A_424 = tpu.vector_load %arg7[%get3A_422, %get3A_423] {strides = array<i32>} : memref<816x64xf32, #tpu.memory_space<vmem>>, vector<16xf32>,
        %mul3A_425 = arith.mulf %get3A_424, %get3A_184 : vector<16xf32>
        %get3A_426 = arith.index_cast %add3A_417 : i32 to index
        %get3A_427 = arith.constant 32 : index
        %get3A_428 = tpu.vector_load %arg7[%get3A_426, %get3A_427] {strides = array<i32>} : memref<816x64xf32, #tpu.memory_space<vmem>>, vector<16xf32>,
        %mul3A_429 = arith.mulf %get3A_428, %get3A_187 : vector<16xf32>
        %get3A_430 = arith.index_cast %add3A_417 : i32 to index
        %get3A_431 = arith.constant 48 : index
        %get3A_432 = tpu.vector_load %arg7[%get3A_430, %get3A_431] {strides = array<i32>} : memref<816x64xf32, #tpu.memory_space<vmem>>, vector<16xf32>,
        %mul3A_433 = arith.mulf %get3A_432, %get3A_190 : vector<16xf32>
        %add3A_434 = arith.addf %mul3A_421, %mul3A_425 : vector<16xf32>
        %add3A_435 = arith.addf %mul3A_429, %mul3A_433 : vector<16xf32>
        %add3A_436 = arith.addf %add3A_434, %add3A_435 : vector<16xf32>
        %swap3A_437 = arith.constant 51 : index
        %swap3A_438 = tpu.vector_load %arg11[%swap3A_437] {strides = array<i32>} : memref<272xf32, #tpu.memory_space<vmem>>, vector<16xf32>,
        tpu.vector_store %arg11[%swap3A_437], %add3A_436 {strides = array<i32>} : memref<272xf32, #tpu.memory_space<vmem>>, vector<16xf32>,
        %add3A_439 = arith.constant 1 : i32
        %add3A_440 = arith.addi %mul3A_179, %add3A_439 : i32
        %add3A_441 = arith.constant 0 : i32
        %add3A_442 = arith.addi %add3A_440, %add3A_441 : i32
        %add3A_443 = arith.constant 4 : i32
        %add3A_444 = arith.addi %add3A_442, %add3A_443 : i32
        %get3A_445 = arith.index_cast %add3A_444 : i32 to index
        %get3A_446 = arith.constant 0 : index
        %get3A_447 = tpu.vector_load %arg7[%get3A_445, %get3A_446] {strides = array<i32>} : memref<816x64xf32, #tpu.memory_space<vmem>>, vector<16xf32>,
        %mul3A_448 = arith.mulf %get3A_447, %get3A_181 : vector<16xf32>
        %get3A_449 = arith.index_cast %add3A_444 : i32 to index
        %get3A_450 = arith.constant 16 : index
        %get3A_451 = tpu.vector_load %arg7[%get3A_449, %get3A_450] {strides = array<i32>} : memref<816x64xf32, #tpu.memory_space<vmem>>, vector<16xf32>,
        %mul3A_452 = arith.mulf %get3A_451, %get3A_184 : vector<16xf32>
        %get3A_453 = arith.index_cast %add3A_444 : i32 to index
        %get3A_454 = arith.constant 32 : index
        %get3A_455 = tpu.vector_load %arg7[%get3A_453, %get3A_454] {strides = array<i32>} : memref<816x64xf32, #tpu.memory_space<vmem>>, vector<16xf32>,
        %mul3A_456 = arith.mulf %get3A_455, %get3A_187 : vector<16xf32>
        %get3A_457 = arith.index_cast %add3A_444 : i32 to index
        %get3A_458 = arith.constant 48 : index
        %get3A_459 = tpu.vector_load %arg7[%get3A_457, %get3A_458] {strides = array<i32>} : memref<816x64xf32, #tpu.memory_space<vmem>>, vector<16xf32>,
        %mul3A_460 = arith.mulf %get3A_459, %get3A_190 : vector<16xf32>
        %add3A_461 = arith.addf %mul3A_448, %mul3A_452 : vector<16xf32>
        %add3A_462 = arith.addf %mul3A_456, %mul3A_460 : vector<16xf32>
        %add3A_463 = arith.addf %add3A_461, %add3A_462 : vector<16xf32>
        %swap3A_464 = arith.constant 68 : index
        %swap3A_465 = tpu.vector_load %arg11[%swap3A_464] {strides = array<i32>} : memref<272xf32, #tpu.memory_space<vmem>>, vector<16xf32>,
        tpu.vector_store %arg11[%swap3A_464], %add3A_463 {strides = array<i32>} : memref<272xf32, #tpu.memory_space<vmem>>, vector<16xf32>,
        %add3A_466 = arith.constant 1 : i32
        %add3A_467 = arith.addi %mul3A_179, %add3A_466 : i32
        %add3A_468 = arith.constant 0 : i32
        %add3A_469 = arith.addi %add3A_467, %add3A_468 : i32
        %add3A_470 = arith.constant 5 : i32
        %add3A_471 = arith.addi %add3A_469, %add3A_470 : i32
        %get3A_472 = arith.index_cast %add3A_471 : i32 to index
        %get3A_473 = arith.constant 0 : index
        %get3A_474 = tpu.vector_load %arg7[%get3A_472, %get3A_473] {strides = array<i32>} : memref<816x64xf32, #tpu.memory_space<vmem>>, vector<16xf32>,
        %mul3A_475 = arith.mulf %get3A_474, %get3A_181 : vector<16xf32>
        %get3A_476 = arith.index_cast %add3A_471 : i32 to index
        %get3A_477 = arith.constant 16 : index
        %get3A_478 = tpu.vector_load %arg7[%get3A_476, %get3A_477] {strides = array<i32>} : memref<816x64xf32, #tpu.memory_space<vmem>>, vector<16xf32>,
        %mul3A_479 = arith.mulf %get3A_478, %get3A_184 : vector<16xf32>
        %get3A_480 = arith.index_cast %add3A_471 : i32 to index
        %get3A_481 = arith.constant 32 : index
        %get3A_482 = tpu.vector_load %arg7[%get3A_480, %get3A_481] {strides = array<i32>} : memref<816x64xf32, #tpu.memory_space<vmem>>, vector<16xf32>,
        %mul3A_483 = arith.mulf %get3A_482, %get3A_187 : vector<16xf32>
        %get3A_484 = arith.index_cast %add3A_471 : i32 to index
        %get3A_485 = arith.constant 48 : index
        %get3A_486 = tpu.vector_load %arg7[%get3A_484, %get3A_485] {strides = array<i32>} : memref<816x64xf32, #tpu.memory_space<vmem>>, vector<16xf32>,
        %mul3A_487 = arith.mulf %get3A_486, %get3A_190 : vector<16xf32>
        %add3A_488 = arith.addf %mul3A_475, %mul3A_479 : vector<16xf32>
        %add3A_489 = arith.addf %mul3A_483, %mul3A_487 : vector<16xf32>
        %add3A_490 = arith.addf %add3A_488, %add3A_489 : vector<16xf32>
        %swap3A_491 = arith.constant 85 : index
        %swap3A_492 = tpu.vector_load %arg11[%swap3A_491] {strides = array<i32>} : memref<272xf32, #tpu.memory_space<vmem>>, vector<16xf32>,
        tpu.vector_store %arg11[%swap3A_491], %add3A_490 {strides = array<i32>} : memref<272xf32, #tpu.memory_space<vmem>>, vector<16xf32>,
        %add3A_493 = arith.constant 1 : i32
        %add3A_494 = arith.addi %mul3A_179, %add3A_493 : i32
        %add3A_495 = arith.constant 0 : i32
        %add3A_496 = arith.addi %add3A_494, %add3A_495 : i32
        %add3A_497 = arith.constant 6 : i32
        %add3A_498 = arith.addi %add3A_496, %add3A_497 : i32
        %get3A_499 = arith.index_cast %add3A_498 : i32 to index
        %get3A_500 = arith.constant 0 : index
        %get3A_501 = tpu.vector_load %arg7[%get3A_499, %get3A_500] {strides = array<i32>} : memref<816x64xf32, #tpu.memory_space<vmem>>, vector<16xf32>,
        %mul3A_502 = arith.mulf %get3A_501, %get3A_181 : vector<16xf32>
        %get3A_503 = arith.index_cast %add3A_498 : i32 to index
        %get3A_504 = arith.constant 16 : index
        %get3A_505 = tpu.vector_load %arg7[%get3A_503, %get3A_504] {strides = array<i32>} : memref<816x64xf32, #tpu.memory_space<vmem>>, vector<16xf32>,
        %mul3A_506 = arith.mulf %get3A_505, %get3A_184 : vector<16xf32>
        %get3A_507 = arith.index_cast %add3A_498 : i32 to index
        %get3A_508 = arith.constant 32 : index
        %get3A_509 = tpu.vector_load %arg7[%get3A_507, %get3A_508] {strides = array<i32>} : memref<816x64xf32, #tpu.memory_space<vmem>>, vector<16xf32>,
        %mul3A_510 = arith.mulf %get3A_509, %get3A_187 : vector<16xf32>
        %get3A_511 = arith.index_cast %add3A_498 : i32 to index
        %get3A_512 = arith.constant 48 : index
        %get3A_513 = tpu.vector_load %arg7[%get3A_511, %get3A_512] {strides = array<i32>} : memref<816x64xf32, #tpu.memory_space<vmem>>, vector<16xf32>,
        %mul3A_514 = arith.mulf %get3A_513, %get3A_190 : vector<16xf32>
        %add3A_515 = arith.addf %mul3A_502, %mul3A_506 : vector<16xf32>
        %add3A_516 = arith.addf %mul3A_510, %mul3A_514 : vector<16xf32>
        %add3A_517 = arith.addf %add3A_515, %add3A_516 : vector<16xf32>
        %swap3A_518 = arith.constant 102 : index
        %swap3A_519 = tpu.vector_load %arg11[%swap3A_518] {strides = array<i32>} : memref<272xf32, #tpu.memory_space<vmem>>, vector<16xf32>,
        tpu.vector_store %arg11[%swap3A_518], %add3A_517 {strides = array<i32>} : memref<272xf32, #tpu.memory_space<vmem>>, vector<16xf32>,
        %add3A_520 = arith.constant 1 : i32
        %add3A_521 = arith.addi %mul3A_179, %add3A_520 : i32
        %add3A_522 = arith.constant 0 : i32
        %add3A_523 = arith.addi %add3A_521, %add3A_522 : i32
        %add3A_524 = arith.constant 7 : i32
        %add3A_525 = arith.addi %add3A_523, %add3A_524 : i32
        %get3A_526 = arith.index_cast %add3A_525 : i32 to index
        %get3A_527 = arith.constant 0 : index
        %get3A_528 = tpu.vector_load %arg7[%get3A_526, %get3A_527] {strides = array<i32>} : memref<816x64xf32, #tpu.memory_space<vmem>>, vector<16xf32>,
        %mul3A_529 = arith.mulf %get3A_528, %get3A_181 : vector<16xf32>
        %get3A_530 = arith.index_cast %add3A_525 : i32 to index
        %get3A_531 = arith.constant 16 : index
        %get3A_532 = tpu.vector_load %arg7[%get3A_530, %get3A_531] {strides = array<i32>} : memref<816x64xf32, #tpu.memory_space<vmem>>, vector<16xf32>,
        %mul3A_533 = arith.mulf %get3A_532, %get3A_184 : vector<16xf32>
        %get3A_534 = arith.index_cast %add3A_525 : i32 to index
        %get3A_535 = arith.constant 32 : index
        %get3A_536 = tpu.vector_load %arg7[%get3A_534, %get3A_535] {strides = array<i32>} : memref<816x64xf32, #tpu.memory_space<vmem>>, vector<16xf32>,
        %mul3A_537 = arith.mulf %get3A_536, %get3A_187 : vector<16xf32>
        %get3A_538 = arith.index_cast %add3A_525 : i32 to index
        %get3A_539 = arith.constant 48 : index
        %get3A_540 = tpu.vector_load %arg7[%get3A_538, %get3A_539] {strides = array<i32>} : memref<816x64xf32, #tpu.memory_space<vmem>>, vector<16xf32>,
        %mul3A_541 = arith.mulf %get3A_540, %get3A_190 : vector<16xf32>
        %add3A_542 = arith.addf %mul3A_529, %mul3A_533 : vector<16xf32>
        %add3A_543 = arith.addf %mul3A_537, %mul3A_541 : vector<16xf32>
        %add3A_544 = arith.addf %add3A_542, %add3A_543 : vector<16xf32>
        %swap3A_545 = arith.constant 119 : index
        %swap3A_546 = tpu.vector_load %arg11[%swap3A_545] {strides = array<i32>} : memref<272xf32, #tpu.memory_space<vmem>>, vector<16xf32>,
        tpu.vector_store %arg11[%swap3A_545], %add3A_544 {strides = array<i32>} : memref<272xf32, #tpu.memory_space<vmem>>, vector<16xf32>,
        %add3A_547 = arith.constant 1 : i32
        %add3A_548 = arith.addi %mul3A_179, %add3A_547 : i32
        %add3A_549 = arith.constant 0 : i32
        %add3A_550 = arith.addi %add3A_548, %add3A_549 : i32
        %add3A_551 = arith.constant 8 : i32
        %add3A_552 = arith.addi %add3A_550, %add3A_551 : i32
        %get3A_553 = arith.index_cast %add3A_552 : i32 to index
        %get3A_554 = arith.constant 0 : index
        %get3A_555 = tpu.vector_load %arg7[%get3A_553, %get3A_554] {strides = array<i32>} : memref<816x64xf32, #tpu.memory_space<vmem>>, vector<16xf32>,
        %mul3A_556 = arith.mulf %get3A_555, %get3A_181 : vector<16xf32>
        %get3A_557 = arith.index_cast %add3A_552 : i32 to index
        %get3A_558 = arith.constant 16 : index
        %get3A_559 = tpu.vector_load %arg7[%get3A_557, %get3A_558] {strides = array<i32>} : memref<816x64xf32, #tpu.memory_space<vmem>>, vector<16xf32>,
        %mul3A_560 = arith.mulf %get3A_559, %get3A_184 : vector<16xf32>
        %get3A_561 = arith.index_cast %add3A_552 : i32 to index
        %get3A_562 = arith.constant 32 : index
        %get3A_563 = tpu.vector_load %arg7[%get3A_561, %get3A_562] {strides = array<i32>} : memref<816x64xf32, #tpu.memory_space<vmem>>, vector<16xf32>,
        %mul3A_564 = arith.mulf %get3A_563, %get3A_187 : vector<16xf32>
        %get3A_565 = arith.index_cast %add3A_552 : i32 to index
        %get3A_566 = arith.constant 48 : index
        %get3A_567 = tpu.vector_load %arg7[%get3A_565, %get3A_566] {strides = array<i32>} : memref<816x64xf32, #tpu.memory_space<vmem>>, vector<16xf32>,
        %mul3A_568 = arith.mulf %get3A_567, %get3A_190 : vector<16xf32>
        %add3A_569 = arith.addf %mul3A_556, %mul3A_560 : vector<16xf32>
        %add3A_570 = arith.addf %mul3A_564, %mul3A_568 : vector<16xf32>
        %add3A_571 = arith.addf %add3A_569, %add3A_570 : vector<16xf32>
        %swap3A_572 = arith.constant 136 : index
        %swap3A_573 = tpu.vector_load %arg11[%swap3A_572] {strides = array<i32>} : memref<272xf32, #tpu.memory_space<vmem>>, vector<16xf32>,
        tpu.vector_store %arg11[%swap3A_572], %add3A_571 {strides = array<i32>} : memref<272xf32, #tpu.memory_space<vmem>>, vector<16xf32>,
        %add3A_574 = arith.constant 1 : i32
        %add3A_575 = arith.addi %mul3A_179, %add3A_574 : i32
        %add3A_576 = arith.constant 0 : i32
        %add3A_577 = arith.addi %add3A_575, %add3A_576 : i32
        %add3A_578 = arith.constant 9 : i32
        %add3A_579 = arith.addi %add3A_577, %add3A_578 : i32
        %get3A_580 = arith.index_cast %add3A_579 : i32 to index
        %get3A_581 = arith.constant 0 : index
        %get3A_582 = tpu.vector_load %arg7[%get3A_580, %get3A_581] {strides = array<i32>} : memref<816x64xf32, #tpu.memory_space<vmem>>, vector<16xf32>,
        %mul3A_583 = arith.mulf %get3A_582, %get3A_181 : vector<16xf32>
        %get3A_584 = arith.index_cast %add3A_579 : i32 to index
        %get3A_585 = arith.constant 16 : index
        %get3A_586 = tpu.vector_load %arg7[%get3A_584, %get3A_585] {strides = array<i32>} : memref<816x64xf32, #tpu.memory_space<vmem>>, vector<16xf32>,
        %mul3A_587 = arith.mulf %get3A_586, %get3A_184 : vector<16xf32>
        %get3A_588 = arith.index_cast %add3A_579 : i32 to index
        %get3A_589 = arith.constant 32 : index
        %get3A_590 = tpu.vector_load %arg7[%get3A_588, %get3A_589] {strides = array<i32>} : memref<816x64xf32, #tpu.memory_space<vmem>>, vector<16xf32>,
        %mul3A_591 = arith.mulf %get3A_590, %get3A_187 : vector<16xf32>
        %get3A_592 = arith.index_cast %add3A_579 : i32 to index
        %get3A_593 = arith.constant 48 : index
        %get3A_594 = tpu.vector_load %arg7[%get3A_592, %get3A_593] {strides = array<i32>} : memref<816x64xf32, #tpu.memory_space<vmem>>, vector<16xf32>,
        %mul3A_595 = arith.mulf %get3A_594, %get3A_190 : vector<16xf32>
        %add3A_596 = arith.addf %mul3A_583, %mul3A_587 : vector<16xf32>
        %add3A_597 = arith.addf %mul3A_591, %mul3A_595 : vector<16xf32>
        %add3A_598 = arith.addf %add3A_596, %add3A_597 : vector<16xf32>
        %swap3A_599 = arith.constant 153 : index
        %swap3A_600 = tpu.vector_load %arg11[%swap3A_599] {strides = array<i32>} : memref<272xf32, #tpu.memory_space<vmem>>, vector<16xf32>,
        tpu.vector_store %arg11[%swap3A_599], %add3A_598 {strides = array<i32>} : memref<272xf32, #tpu.memory_space<vmem>>, vector<16xf32>,
        %add3A_601 = arith.constant 1 : i32
        %add3A_602 = arith.addi %mul3A_179, %add3A_601 : i32
        %add3A_603 = arith.constant 0 : i32
        %add3A_604 = arith.addi %add3A_602, %add3A_603 : i32
        %add3A_605 = arith.constant 10 : i32
        %add3A_606 = arith.addi %add3A_604, %add3A_605 : i32
        %get3A_607 = arith.index_cast %add3A_606 : i32 to index
        %get3A_608 = arith.constant 0 : index
        %get3A_609 = tpu.vector_load %arg7[%get3A_607, %get3A_608] {strides = array<i32>} : memref<816x64xf32, #tpu.memory_space<vmem>>, vector<16xf32>,
        %mul3A_610 = arith.mulf %get3A_609, %get3A_181 : vector<16xf32>
        %get3A_611 = arith.index_cast %add3A_606 : i32 to index
        %get3A_612 = arith.constant 16 : index
        %get3A_613 = tpu.vector_load %arg7[%get3A_611, %get3A_612] {strides = array<i32>} : memref<816x64xf32, #tpu.memory_space<vmem>>, vector<16xf32>,
        %mul3A_614 = arith.mulf %get3A_613, %get3A_184 : vector<16xf32>
        %get3A_615 = arith.index_cast %add3A_606 : i32 to index
        %get3A_616 = arith.constant 32 : index
        %get3A_617 = tpu.vector_load %arg7[%get3A_615, %get3A_616] {strides = array<i32>} : memref<816x64xf32, #tpu.memory_space<vmem>>, vector<16xf32>,
        %mul3A_618 = arith.mulf %get3A_617, %get3A_187 : vector<16xf32>
        %get3A_619 = arith.index_cast %add3A_606 : i32 to index
        %get3A_620 = arith.constant 48 : index
        %get3A_621 = tpu.vector_load %arg7[%get3A_619, %get3A_620] {strides = array<i32>} : memref<816x64xf32, #tpu.memory_space<vmem>>, vector<16xf32>,
        %mul3A_622 = arith.mulf %get3A_621, %get3A_190 : vector<16xf32>
        %add3A_623 = arith.addf %mul3A_610, %mul3A_614 : vector<16xf32>
        %add3A_624 = arith.addf %mul3A_618, %mul3A_622 : vector<16xf32>
        %add3A_625 = arith.addf %add3A_623, %add3A_624 : vector<16xf32>
        %swap3A_626 = arith.constant 170 : index
        %swap3A_627 = tpu.vector_load %arg11[%swap3A_626] {strides = array<i32>} : memref<272xf32, #tpu.memory_space<vmem>>, vector<16xf32>,
        tpu.vector_store %arg11[%swap3A_626], %add3A_625 {strides = array<i32>} : memref<272xf32, #tpu.memory_space<vmem>>, vector<16xf32>,
        %add3A_628 = arith.constant 1 : i32
        %add3A_629 = arith.addi %mul3A_179, %add3A_628 : i32
        %add3A_630 = arith.constant 0 : i32
        %add3A_631 = arith.addi %add3A_629, %add3A_630 : i32
        %add3A_632 = arith.constant 11 : i32
        %add3A_633 = arith.addi %add3A_631, %add3A_632 : i32
        %get3A_634 = arith.index_cast %add3A_633 : i32 to index
        %get3A_635 = arith.constant 0 : index
        %get3A_636 = tpu.vector_load %arg7[%get3A_634, %get3A_635] {strides = array<i32>} : memref<816x64xf32, #tpu.memory_space<vmem>>, vector<16xf32>,
        %mul3A_637 = arith.mulf %get3A_636, %get3A_181 : vector<16xf32>
        %get3A_638 = arith.index_cast %add3A_633 : i32 to index
        %get3A_639 = arith.constant 16 : index
        %get3A_640 = tpu.vector_load %arg7[%get3A_638, %get3A_639] {strides = array<i32>} : memref<816x64xf32, #tpu.memory_space<vmem>>, vector<16xf32>,
        %mul3A_641 = arith.mulf %get3A_640, %get3A_184 : vector<16xf32>
        %get3A_642 = arith.index_cast %add3A_633 : i32 to index
        %get3A_643 = arith.constant 32 : index
        %get3A_644 = tpu.vector_load %arg7[%get3A_642, %get3A_643] {strides = array<i32>} : memref<816x64xf32, #tpu.memory_space<vmem>>, vector<16xf32>,
        %mul3A_645 = arith.mulf %get3A_644, %get3A_187 : vector<16xf32>
        %get3A_646 = arith.index_cast %add3A_633 : i32 to index
        %get3A_647 = arith.constant 48 : index
        %get3A_648 = tpu.vector_load %arg7[%get3A_646, %get3A_647] {strides = array<i32>} : memref<816x64xf32, #tpu.memory_space<vmem>>, vector<16xf32>,
        %mul3A_649 = arith.mulf %get3A_648, %get3A_190 : vector<16xf32>
        %add3A_650 = arith.addf %mul3A_637, %mul3A_641 : vector<16xf32>
        %add3A_651 = arith.addf %mul3A_645, %mul3A_649 : vector<16xf32>
        %add3A_652 = arith.addf %add3A_650, %add3A_651 : vector<16xf32>
        %swap3A_653 = arith.constant 187 : index
        %swap3A_654 = tpu.vector_load %arg11[%swap3A_653] {strides = array<i32>} : memref<272xf32, #tpu.memory_space<vmem>>, vector<16xf32>,
        tpu.vector_store %arg11[%swap3A_653], %add3A_652 {strides = array<i32>} : memref<272xf32, #tpu.memory_space<vmem>>, vector<16xf32>,
        %add3A_655 = arith.constant 1 : i32
        %add3A_656 = arith.addi %mul3A_179, %add3A_655 : i32
        %add3A_657 = arith.constant 0 : i32
        %add3A_658 = arith.addi %add3A_656, %add3A_657 : i32
        %add3A_659 = arith.constant 12 : i32
        %add3A_660 = arith.addi %add3A_658, %add3A_659 : i32
        %get3A_661 = arith.index_cast %add3A_660 : i32 to index
        %get3A_662 = arith.constant 0 : index
        %get3A_663 = tpu.vector_load %arg7[%get3A_661, %get3A_662] {strides = array<i32>} : memref<816x64xf32, #tpu.memory_space<vmem>>, vector<16xf32>,
        %mul3A_664 = arith.mulf %get3A_663, %get3A_181 : vector<16xf32>
        %get3A_665 = arith.index_cast %add3A_660 : i32 to index
        %get3A_666 = arith.constant 16 : index
        %get3A_667 = tpu.vector_load %arg7[%get3A_665, %get3A_666] {strides = array<i32>} : memref<816x64xf32, #tpu.memory_space<vmem>>, vector<16xf32>,
        %mul3A_668 = arith.mulf %get3A_667, %get3A_184 : vector<16xf32>
        %get3A_669 = arith.index_cast %add3A_660 : i32 to index
        %get3A_670 = arith.constant 32 : index
        %get3A_671 = tpu.vector_load %arg7[%get3A_669, %get3A_670] {strides = array<i32>} : memref<816x64xf32, #tpu.memory_space<vmem>>, vector<16xf32>,
        %mul3A_672 = arith.mulf %get3A_671, %get3A_187 : vector<16xf32>
        %get3A_673 = arith.index_cast %add3A_660 : i32 to index
        %get3A_674 = arith.constant 48 : index
        %get3A_675 = tpu.vector_load %arg7[%get3A_673, %get3A_674] {strides = array<i32>} : memref<816x64xf32, #tpu.memory_space<vmem>>, vector<16xf32>,
        %mul3A_676 = arith.mulf %get3A_675, %get3A_190 : vector<16xf32>
        %add3A_677 = arith.addf %mul3A_664, %mul3A_668 : vector<16xf32>
        %add3A_678 = arith.addf %mul3A_672, %mul3A_676 : vector<16xf32>
        %add3A_679 = arith.addf %add3A_677, %add3A_678 : vector<16xf32>
        %swap3A_680 = arith.constant 204 : index
        %swap3A_681 = tpu.vector_load %arg11[%swap3A_680] {strides = array<i32>} : memref<272xf32, #tpu.memory_space<vmem>>, vector<16xf32>,
        tpu.vector_store %arg11[%swap3A_680], %add3A_679 {strides = array<i32>} : memref<272xf32, #tpu.memory_space<vmem>>, vector<16xf32>,
        %add3A_682 = arith.constant 1 : i32
        %add3A_683 = arith.addi %mul3A_179, %add3A_682 : i32
        %add3A_684 = arith.constant 0 : i32
        %add3A_685 = arith.addi %add3A_683, %add3A_684 : i32
        %add3A_686 = arith.constant 13 : i32
        %add3A_687 = arith.addi %add3A_685, %add3A_686 : i32
        %get3A_688 = arith.index_cast %add3A_687 : i32 to index
        %get3A_689 = arith.constant 0 : index
        %get3A_690 = tpu.vector_load %arg7[%get3A_688, %get3A_689] {strides = array<i32>} : memref<816x64xf32, #tpu.memory_space<vmem>>, vector<16xf32>,
        %mul3A_691 = arith.mulf %get3A_690, %get3A_181 : vector<16xf32>
        %get3A_692 = arith.index_cast %add3A_687 : i32 to index
        %get3A_693 = arith.constant 16 : index
        %get3A_694 = tpu.vector_load %arg7[%get3A_692, %get3A_693] {strides = array<i32>} : memref<816x64xf32, #tpu.memory_space<vmem>>, vector<16xf32>,
        %mul3A_695 = arith.mulf %get3A_694, %get3A_184 : vector<16xf32>
        %get3A_696 = arith.index_cast %add3A_687 : i32 to index
        %get3A_697 = arith.constant 32 : index
        %get3A_698 = tpu.vector_load %arg7[%get3A_696, %get3A_697] {strides = array<i32>} : memref<816x64xf32, #tpu.memory_space<vmem>>, vector<16xf32>,
        %mul3A_699 = arith.mulf %get3A_698, %get3A_187 : vector<16xf32>
        %get3A_700 = arith.index_cast %add3A_687 : i32 to index
        %get3A_701 = arith.constant 48 : index
        %get3A_702 = tpu.vector_load %arg7[%get3A_700, %get3A_701] {strides = array<i32>} : memref<816x64xf32, #tpu.memory_space<vmem>>, vector<16xf32>,
        %mul3A_703 = arith.mulf %get3A_702, %get3A_190 : vector<16xf32>
        %add3A_704 = arith.addf %mul3A_691, %mul3A_695 : vector<16xf32>
        %add3A_705 = arith.addf %mul3A_699, %mul3A_703 : vector<16xf32>
        %add3A_706 = arith.addf %add3A_704, %add3A_705 : vector<16xf32>
        %swap3A_707 = arith.constant 221 : index
        %swap3A_708 = tpu.vector_load %arg11[%swap3A_707] {strides = array<i32>} : memref<272xf32, #tpu.memory_space<vmem>>, vector<16xf32>,
        tpu.vector_store %arg11[%swap3A_707], %add3A_706 {strides = array<i32>} : memref<272xf32, #tpu.memory_space<vmem>>, vector<16xf32>,
        %add3A_709 = arith.constant 1 : i32
        %add3A_710 = arith.addi %mul3A_179, %add3A_709 : i32
        %add3A_711 = arith.constant 0 : i32
        %add3A_712 = arith.addi %add3A_710, %add3A_711 : i32
        %add3A_713 = arith.constant 14 : i32
        %add3A_714 = arith.addi %add3A_712, %add3A_713 : i32
        %get3A_715 = arith.index_cast %add3A_714 : i32 to index
        %get3A_716 = arith.constant 0 : index
        %get3A_717 = tpu.vector_load %arg7[%get3A_715, %get3A_716] {strides = array<i32>} : memref<816x64xf32, #tpu.memory_space<vmem>>, vector<16xf32>,
        %mul3A_718 = arith.mulf %get3A_717, %get3A_181 : vector<16xf32>
        %get3A_719 = arith.index_cast %add3A_714 : i32 to index
        %get3A_720 = arith.constant 16 : index
        %get3A_721 = tpu.vector_load %arg7[%get3A_719, %get3A_720] {strides = array<i32>} : memref<816x64xf32, #tpu.memory_space<vmem>>, vector<16xf32>,
        %mul3A_722 = arith.mulf %get3A_721, %get3A_184 : vector<16xf32>
        %get3A_723 = arith.index_cast %add3A_714 : i32 to index
        %get3A_724 = arith.constant 32 : index
        %get3A_725 = tpu.vector_load %arg7[%get3A_723, %get3A_724] {strides = array<i32>} : memref<816x64xf32, #tpu.memory_space<vmem>>, vector<16xf32>,
        %mul3A_726 = arith.mulf %get3A_725, %get3A_187 : vector<16xf32>
        %get3A_727 = arith.index_cast %add3A_714 : i32 to index
        %get3A_728 = arith.constant 48 : index
        %get3A_729 = tpu.vector_load %arg7[%get3A_727, %get3A_728] {strides = array<i32>} : memref<816x64xf32, #tpu.memory_space<vmem>>, vector<16xf32>,
        %mul3A_730 = arith.mulf %get3A_729, %get3A_190 : vector<16xf32>
        %add3A_731 = arith.addf %mul3A_718, %mul3A_722 : vector<16xf32>
        %add3A_732 = arith.addf %mul3A_726, %mul3A_730 : vector<16xf32>
        %add3A_733 = arith.addf %add3A_731, %add3A_732 : vector<16xf32>
        %swap3A_734 = arith.constant 238 : index
        %swap3A_735 = tpu.vector_load %arg11[%swap3A_734] {strides = array<i32>} : memref<272xf32, #tpu.memory_space<vmem>>, vector<16xf32>,
        tpu.vector_store %arg11[%swap3A_734], %add3A_733 {strides = array<i32>} : memref<272xf32, #tpu.memory_space<vmem>>, vector<16xf32>,
        %add3A_736 = arith.constant 1 : i32
        %add3A_737 = arith.addi %mul3A_179, %add3A_736 : i32
        %add3A_738 = arith.constant 0 : i32
        %add3A_739 = arith.addi %add3A_737, %add3A_738 : i32
        %add3A_740 = arith.constant 15 : i32
        %add3A_741 = arith.addi %add3A_739, %add3A_740 : i32
        %get3A_742 = arith.index_cast %add3A_741 : i32 to index
        %get3A_743 = arith.constant 0 : index
        %get3A_744 = tpu.vector_load %arg7[%get3A_742, %get3A_743] {strides = array<i32>} : memref<816x64xf32, #tpu.memory_space<vmem>>, vector<16xf32>,
        %mul3A_745 = arith.mulf %get3A_744, %get3A_181 : vector<16xf32>
        %get3A_746 = arith.index_cast %add3A_741 : i32 to index
        %get3A_747 = arith.constant 16 : index
        %get3A_748 = tpu.vector_load %arg7[%get3A_746, %get3A_747] {strides = array<i32>} : memref<816x64xf32, #tpu.memory_space<vmem>>, vector<16xf32>,
        %mul3A_749 = arith.mulf %get3A_748, %get3A_184 : vector<16xf32>
        %get3A_750 = arith.index_cast %add3A_741 : i32 to index
        %get3A_751 = arith.constant 32 : index
        %get3A_752 = tpu.vector_load %arg7[%get3A_750, %get3A_751] {strides = array<i32>} : memref<816x64xf32, #tpu.memory_space<vmem>>, vector<16xf32>,
        %mul3A_753 = arith.mulf %get3A_752, %get3A_187 : vector<16xf32>
        %get3A_754 = arith.index_cast %add3A_741 : i32 to index
        %get3A_755 = arith.constant 48 : index
        %get3A_756 = tpu.vector_load %arg7[%get3A_754, %get3A_755] {strides = array<i32>} : memref<816x64xf32, #tpu.memory_space<vmem>>, vector<16xf32>,
        %mul3A_757 = arith.mulf %get3A_756, %get3A_190 : vector<16xf32>
        %add3A_758 = arith.addf %mul3A_745, %mul3A_749 : vector<16xf32>
        %add3A_759 = arith.addf %mul3A_753, %mul3A_757 : vector<16xf32>
        %add3A_760 = arith.addf %add3A_758, %add3A_759 : vector<16xf32>
        %swap3A_761 = arith.constant 255 : index
        %swap3A_762 = tpu.vector_load %arg11[%swap3A_761] {strides = array<i32>} : memref<272xf32, #tpu.memory_space<vmem>>, vector<16xf32>,
        tpu.vector_store %arg11[%swap3A_761], %add3A_760 {strides = array<i32>} : memref<272xf32, #tpu.memory_space<vmem>>, vector<16xf32>,
        %add3A_763 = arith.constant 0 : i32
        %add3A_764 = vector.broadcast %add3A_763 : i32 to vector<16xi32>
        %add3A_765 = arith.addi %mul3A_193, %add3A_764 : vector<16xi32>
        %gather3A_766 = tpu.vector_load_idx %arg11[%add3A_765] : memref<272xf32, #tpu.memory_space<vmem>>[vector<16xi32>], vector<16xf32>,
        %add3A_767 = arith.constant 1 : i32
        %add3A_768 = vector.broadcast %add3A_767 : i32 to vector<16xi32>
        %add3A_769 = arith.addi %mul3A_193, %add3A_768 : vector<16xi32>
        %gather3A_770 = tpu.vector_load_idx %arg11[%add3A_769] : memref<272xf32, #tpu.memory_space<vmem>>[vector<16xi32>], vector<16xf32>,
        %add3A_771 = arith.constant 2 : i32
        %add3A_772 = vector.broadcast %add3A_771 : i32 to vector<16xi32>
        %add3A_773 = arith.addi %mul3A_193, %add3A_772 : vector<16xi32>
        %gather3A_774 = tpu.vector_load_idx %arg11[%add3A_773] : memref<272xf32, #tpu.memory_space<vmem>>[vector<16xi32>], vector<16xf32>,
        %add3A_775 = arith.constant 3 : i32
        %add3A_776 = vector.broadcast %add3A_775 : i32 to vector<16xi32>
        %add3A_777 = arith.addi %mul3A_193, %add3A_776 : vector<16xi32>
        %gather3A_778 = tpu.vector_load_idx %arg11[%add3A_777] : memref<272xf32, #tpu.memory_space<vmem>>[vector<16xi32>], vector<16xf32>,
        %add3A_779 = arith.constant 4 : i32
        %add3A_780 = vector.broadcast %add3A_779 : i32 to vector<16xi32>
        %add3A_781 = arith.addi %mul3A_193, %add3A_780 : vector<16xi32>
        %gather3A_782 = tpu.vector_load_idx %arg11[%add3A_781] : memref<272xf32, #tpu.memory_space<vmem>>[vector<16xi32>], vector<16xf32>,
        %add3A_783 = arith.constant 5 : i32
        %add3A_784 = vector.broadcast %add3A_783 : i32 to vector<16xi32>
        %add3A_785 = arith.addi %mul3A_193, %add3A_784 : vector<16xi32>
        %gather3A_786 = tpu.vector_load_idx %arg11[%add3A_785] : memref<272xf32, #tpu.memory_space<vmem>>[vector<16xi32>], vector<16xf32>,
        %add3A_787 = arith.constant 6 : i32
        %add3A_788 = vector.broadcast %add3A_787 : i32 to vector<16xi32>
        %add3A_789 = arith.addi %mul3A_193, %add3A_788 : vector<16xi32>
        %gather3A_790 = tpu.vector_load_idx %arg11[%add3A_789] : memref<272xf32, #tpu.memory_space<vmem>>[vector<16xi32>], vector<16xf32>,
        %add3A_791 = arith.constant 7 : i32
        %add3A_792 = vector.broadcast %add3A_791 : i32 to vector<16xi32>
        %add3A_793 = arith.addi %mul3A_193, %add3A_792 : vector<16xi32>
        %gather3A_794 = tpu.vector_load_idx %arg11[%add3A_793] : memref<272xf32, #tpu.memory_space<vmem>>[vector<16xi32>], vector<16xf32>,
        %add3A_795 = arith.constant 8 : i32
        %add3A_796 = vector.broadcast %add3A_795 : i32 to vector<16xi32>
        %add3A_797 = arith.addi %mul3A_193, %add3A_796 : vector<16xi32>
        %gather3A_798 = tpu.vector_load_idx %arg11[%add3A_797] : memref<272xf32, #tpu.memory_space<vmem>>[vector<16xi32>], vector<16xf32>,
        %add3A_799 = arith.constant 9 : i32
        %add3A_800 = vector.broadcast %add3A_799 : i32 to vector<16xi32>
        %add3A_801 = arith.addi %mul3A_193, %add3A_800 : vector<16xi32>
        %gather3A_802 = tpu.vector_load_idx %arg11[%add3A_801] : memref<272xf32, #tpu.memory_space<vmem>>[vector<16xi32>], vector<16xf32>,
        %add3A_803 = arith.constant 10 : i32
        %add3A_804 = vector.broadcast %add3A_803 : i32 to vector<16xi32>
        %add3A_805 = arith.addi %mul3A_193, %add3A_804 : vector<16xi32>
        %gather3A_806 = tpu.vector_load_idx %arg11[%add3A_805] : memref<272xf32, #tpu.memory_space<vmem>>[vector<16xi32>], vector<16xf32>,
        %add3A_807 = arith.constant 11 : i32
        %add3A_808 = vector.broadcast %add3A_807 : i32 to vector<16xi32>
        %add3A_809 = arith.addi %mul3A_193, %add3A_808 : vector<16xi32>
        %gather3A_810 = tpu.vector_load_idx %arg11[%add3A_809] : memref<272xf32, #tpu.memory_space<vmem>>[vector<16xi32>], vector<16xf32>,
        %add3A_811 = arith.constant 12 : i32
        %add3A_812 = vector.broadcast %add3A_811 : i32 to vector<16xi32>
        %add3A_813 = arith.addi %mul3A_193, %add3A_812 : vector<16xi32>
        %gather3A_814 = tpu.vector_load_idx %arg11[%add3A_813] : memref<272xf32, #tpu.memory_space<vmem>>[vector<16xi32>], vector<16xf32>,
        %add3A_815 = arith.constant 13 : i32
        %add3A_816 = vector.broadcast %add3A_815 : i32 to vector<16xi32>
        %add3A_817 = arith.addi %mul3A_193, %add3A_816 : vector<16xi32>
        %gather3A_818 = tpu.vector_load_idx %arg11[%add3A_817] : memref<272xf32, #tpu.memory_space<vmem>>[vector<16xi32>], vector<16xf32>,
        %add3A_819 = arith.constant 14 : i32
        %add3A_820 = vector.broadcast %add3A_819 : i32 to vector<16xi32>
        %add3A_821 = arith.addi %mul3A_193, %add3A_820 : vector<16xi32>
        %gather3A_822 = tpu.vector_load_idx %arg11[%add3A_821] : memref<272xf32, #tpu.memory_space<vmem>>[vector<16xi32>], vector<16xf32>,
        %add3A_823 = arith.constant 15 : i32
        %add3A_824 = vector.broadcast %add3A_823 : i32 to vector<16xi32>
        %add3A_825 = arith.addi %mul3A_193, %add3A_824 : vector<16xi32>
        %gather3A_826 = tpu.vector_load_idx %arg11[%add3A_825] : memref<272xf32, #tpu.memory_space<vmem>>[vector<16xi32>], vector<16xf32>,
        %add3A_827 = arith.addf %gather3A_766, %gather3A_770 : vector<16xf32>
        %add3A_828 = arith.addf %gather3A_774, %gather3A_778 : vector<16xf32>
        %add3A_829 = arith.addf %gather3A_782, %gather3A_786 : vector<16xf32>
        %add3A_830 = arith.addf %gather3A_790, %gather3A_794 : vector<16xf32>
        %add3A_831 = arith.addf %gather3A_798, %gather3A_802 : vector<16xf32>
        %add3A_832 = arith.addf %gather3A_806, %gather3A_810 : vector<16xf32>
        %add3A_833 = arith.addf %gather3A_814, %gather3A_818 : vector<16xf32>
        %add3A_834 = arith.addf %gather3A_822, %gather3A_826 : vector<16xf32>
        %add3A_835 = arith.addf %add3A_827, %add3A_828 : vector<16xf32>
        %add3A_836 = arith.addf %add3A_829, %add3A_830 : vector<16xf32>
        %add3A_837 = arith.addf %add3A_831, %add3A_832 : vector<16xf32>
        %add3A_838 = arith.addf %add3A_833, %add3A_834 : vector<16xf32>
        %add3A_839 = arith.addf %add3A_835, %add3A_836 : vector<16xf32>
        %add3A_840 = arith.addf %add3A_837, %add3A_838 : vector<16xf32>
        %add3A_841 = arith.addf %add3A_839, %add3A_840 : vector<16xf32>
        %mul3A_842 = arith.constant 50 : i32
        %mul3A_843 = arith.muli %scan3A_177, %mul3A_842 : i32
        %add3A_844 = arith.constant 0 : i32
        %add3A_845 = arith.addi %mul3A_843, %add3A_844 : i32
        %swap3A_846 = arith.index_cast %add3A_845 : i32 to index
        %swap3A_847 = tpu.vector_load %arg9[%swap3A_846] {strides = array<i32>} : memref<816xf32, #tpu.memory_space<vmem>>, vector<16xf32>,
        tpu.vector_store %arg9[%swap3A_846], %add3A_841 {strides = array<i32>} : memref<816xf32, #tpu.memory_space<vmem>>, vector<16xf32>,
        %add3A_848 = arith.constant 1 : i32
        %add3A_849 = arith.addi %mul3A_179, %add3A_848 : i32
        %add3A_850 = arith.constant 16 : i32
        %add3A_851 = arith.addi %add3A_849, %add3A_850 : i32
        %add3A_852 = arith.constant 0 : i32
        %add3A_853 = arith.addi %add3A_851, %add3A_852 : i32
        %get3A_854 = arith.index_cast %add3A_853 : i32 to index
        %get3A_855 = arith.constant 0 : index
        %get3A_856 = tpu.vector_load %arg7[%get3A_854, %get3A_855] {strides = array<i32>} : memref<816x64xf32, #tpu.memory_space<vmem>>, vector<16xf32>,
        %mul3A_857 = arith.mulf %get3A_856, %get3A_181 : vector<16xf32>
        %get3A_858 = arith.index_cast %add3A_853 : i32 to index
        %get3A_859 = arith.constant 16 : index
        %get3A_860 = tpu.vector_load %arg7[%get3A_858, %get3A_859] {strides = array<i32>} : memref<816x64xf32, #tpu.memory_space<vmem>>, vector<16xf32>,
        %mul3A_861 = arith.mulf %get3A_860, %get3A_184 : vector<16xf32>
        %get3A_862 = arith.index_cast %add3A_853 : i32 to index
        %get3A_863 = arith.constant 32 : index
        %get3A_864 = tpu.vector_load %arg7[%get3A_862, %get3A_863] {strides = array<i32>} : memref<816x64xf32, #tpu.memory_space<vmem>>, vector<16xf32>,
        %mul3A_865 = arith.mulf %get3A_864, %get3A_187 : vector<16xf32>
        %get3A_866 = arith.index_cast %add3A_853 : i32 to index
        %get3A_867 = arith.constant 48 : index
        %get3A_868 = tpu.vector_load %arg7[%get3A_866, %get3A_867] {strides = array<i32>} : memref<816x64xf32, #tpu.memory_space<vmem>>, vector<16xf32>,
        %mul3A_869 = arith.mulf %get3A_868, %get3A_190 : vector<16xf32>
        %add3A_870 = arith.addf %mul3A_857, %mul3A_861 : vector<16xf32>
        %add3A_871 = arith.addf %mul3A_865, %mul3A_869 : vector<16xf32>
        %add3A_872 = arith.addf %add3A_870, %add3A_871 : vector<16xf32>
        %swap3A_873 = arith.constant 0 : index
        %swap3A_874 = tpu.vector_load %arg11[%swap3A_873] {strides = array<i32>} : memref<272xf32, #tpu.memory_space<vmem>>, vector<16xf32>,
        tpu.vector_store %arg11[%swap3A_873], %add3A_872 {strides = array<i32>} : memref<272xf32, #tpu.memory_space<vmem>>, vector<16xf32>,
        %add3A_875 = arith.constant 1 : i32
        %add3A_876 = arith.addi %mul3A_179, %add3A_875 : i32
        %add3A_877 = arith.constant 16 : i32
        %add3A_878 = arith.addi %add3A_876, %add3A_877 : i32
        %add3A_879 = arith.constant 1 : i32
        %add3A_880 = arith.addi %add3A_878, %add3A_879 : i32
        %get3A_881 = arith.index_cast %add3A_880 : i32 to index
        %get3A_882 = arith.constant 0 : index
        %get3A_883 = tpu.vector_load %arg7[%get3A_881, %get3A_882] {strides = array<i32>} : memref<816x64xf32, #tpu.memory_space<vmem>>, vector<16xf32>,
        %mul3A_884 = arith.mulf %get3A_883, %get3A_181 : vector<16xf32>
        %get3A_885 = arith.index_cast %add3A_880 : i32 to index
        %get3A_886 = arith.constant 16 : index
        %get3A_887 = tpu.vector_load %arg7[%get3A_885, %get3A_886] {strides = array<i32>} : memref<816x64xf32, #tpu.memory_space<vmem>>, vector<16xf32>,
        %mul3A_888 = arith.mulf %get3A_887, %get3A_184 : vector<16xf32>
        %get3A_889 = arith.index_cast %add3A_880 : i32 to index
        %get3A_890 = arith.constant 32 : index
        %get3A_891 = tpu.vector_load %arg7[%get3A_889, %get3A_890] {strides = array<i32>} : memref<816x64xf32, #tpu.memory_space<vmem>>, vector<16xf32>,
        %mul3A_892 = arith.mulf %get3A_891, %get3A_187 : vector<16xf32>
        %get3A_893 = arith.index_cast %add3A_880 : i32 to index
        %get3A_894 = arith.constant 48 : index
        %get3A_895 = tpu.vector_load %arg7[%get3A_893, %get3A_894] {strides = array<i32>} : memref<816x64xf32, #tpu.memory_space<vmem>>, vector<16xf32>,
        %mul3A_896 = arith.mulf %get3A_895, %get3A_190 : vector<16xf32>
        %add3A_897 = arith.addf %mul3A_884, %mul3A_888 : vector<16xf32>
        %add3A_898 = arith.addf %mul3A_892, %mul3A_896 : vector<16xf32>
        %add3A_899 = arith.addf %add3A_897, %add3A_898 : vector<16xf32>
        %swap3A_900 = arith.constant 17 : index
        %swap3A_901 = tpu.vector_load %arg11[%swap3A_900] {strides = array<i32>} : memref<272xf32, #tpu.memory_space<vmem>>, vector<16xf32>,
        tpu.vector_store %arg11[%swap3A_900], %add3A_899 {strides = array<i32>} : memref<272xf32, #tpu.memory_space<vmem>>, vector<16xf32>,
        %add3A_902 = arith.constant 1 : i32
        %add3A_903 = arith.addi %mul3A_179, %add3A_902 : i32
        %add3A_904 = arith.constant 16 : i32
        %add3A_905 = arith.addi %add3A_903, %add3A_904 : i32
        %add3A_906 = arith.constant 2 : i32
        %add3A_907 = arith.addi %add3A_905, %add3A_906 : i32
        %get3A_908 = arith.index_cast %add3A_907 : i32 to index
        %get3A_909 = arith.constant 0 : index
        %get3A_910 = tpu.vector_load %arg7[%get3A_908, %get3A_909] {strides = array<i32>} : memref<816x64xf32, #tpu.memory_space<vmem>>, vector<16xf32>,
        %mul3A_911 = arith.mulf %get3A_910, %get3A_181 : vector<16xf32>
        %get3A_912 = arith.index_cast %add3A_907 : i32 to index
        %get3A_913 = arith.constant 16 : index
        %get3A_914 = tpu.vector_load %arg7[%get3A_912, %get3A_913] {strides = array<i32>} : memref<816x64xf32, #tpu.memory_space<vmem>>, vector<16xf32>,
        %mul3A_915 = arith.mulf %get3A_914, %get3A_184 : vector<16xf32>
        %get3A_916 = arith.index_cast %add3A_907 : i32 to index
        %get3A_917 = arith.constant 32 : index
        %get3A_918 = tpu.vector_load %arg7[%get3A_916, %get3A_917] {strides = array<i32>} : memref<816x64xf32, #tpu.memory_space<vmem>>, vector<16xf32>,
        %mul3A_919 = arith.mulf %get3A_918, %get3A_187 : vector<16xf32>
        %get3A_920 = arith.index_cast %add3A_907 : i32 to index
        %get3A_921 = arith.constant 48 : index
        %get3A_922 = tpu.vector_load %arg7[%get3A_920, %get3A_921] {strides = array<i32>} : memref<816x64xf32, #tpu.memory_space<vmem>>, vector<16xf32>,
        %mul3A_923 = arith.mulf %get3A_922, %get3A_190 : vector<16xf32>
        %add3A_924 = arith.addf %mul3A_911, %mul3A_915 : vector<16xf32>
        %add3A_925 = arith.addf %mul3A_919, %mul3A_923 : vector<16xf32>
        %add3A_926 = arith.addf %add3A_924, %add3A_925 : vector<16xf32>
        %swap3A_927 = arith.constant 34 : index
        %swap3A_928 = tpu.vector_load %arg11[%swap3A_927] {strides = array<i32>} : memref<272xf32, #tpu.memory_space<vmem>>, vector<16xf32>,
        tpu.vector_store %arg11[%swap3A_927], %add3A_926 {strides = array<i32>} : memref<272xf32, #tpu.memory_space<vmem>>, vector<16xf32>,
        %add3A_929 = arith.constant 1 : i32
        %add3A_930 = arith.addi %mul3A_179, %add3A_929 : i32
        %add3A_931 = arith.constant 16 : i32
        %add3A_932 = arith.addi %add3A_930, %add3A_931 : i32
        %add3A_933 = arith.constant 3 : i32
        %add3A_934 = arith.addi %add3A_932, %add3A_933 : i32
        %get3A_935 = arith.index_cast %add3A_934 : i32 to index
        %get3A_936 = arith.constant 0 : index
        %get3A_937 = tpu.vector_load %arg7[%get3A_935, %get3A_936] {strides = array<i32>} : memref<816x64xf32, #tpu.memory_space<vmem>>, vector<16xf32>,
        %mul3A_938 = arith.mulf %get3A_937, %get3A_181 : vector<16xf32>
        %get3A_939 = arith.index_cast %add3A_934 : i32 to index
        %get3A_940 = arith.constant 16 : index
        %get3A_941 = tpu.vector_load %arg7[%get3A_939, %get3A_940] {strides = array<i32>} : memref<816x64xf32, #tpu.memory_space<vmem>>, vector<16xf32>,
        %mul3A_942 = arith.mulf %get3A_941, %get3A_184 : vector<16xf32>
        %get3A_943 = arith.index_cast %add3A_934 : i32 to index
        %get3A_944 = arith.constant 32 : index
        %get3A_945 = tpu.vector_load %arg7[%get3A_943, %get3A_944] {strides = array<i32>} : memref<816x64xf32, #tpu.memory_space<vmem>>, vector<16xf32>,
        %mul3A_946 = arith.mulf %get3A_945, %get3A_187 : vector<16xf32>
        %get3A_947 = arith.index_cast %add3A_934 : i32 to index
        %get3A_948 = arith.constant 48 : index
        %get3A_949 = tpu.vector_load %arg7[%get3A_947, %get3A_948] {strides = array<i32>} : memref<816x64xf32, #tpu.memory_space<vmem>>, vector<16xf32>,
        %mul3A_950 = arith.mulf %get3A_949, %get3A_190 : vector<16xf32>
        %add3A_951 = arith.addf %mul3A_938, %mul3A_942 : vector<16xf32>
        %add3A_952 = arith.addf %mul3A_946, %mul3A_950 : vector<16xf32>
        %add3A_953 = arith.addf %add3A_951, %add3A_952 : vector<16xf32>
        %swap3A_954 = arith.constant 51 : index
        %swap3A_955 = tpu.vector_load %arg11[%swap3A_954] {strides = array<i32>} : memref<272xf32, #tpu.memory_space<vmem>>, vector<16xf32>,
        tpu.vector_store %arg11[%swap3A_954], %add3A_953 {strides = array<i32>} : memref<272xf32, #tpu.memory_space<vmem>>, vector<16xf32>,
        %add3A_956 = arith.constant 1 : i32
        %add3A_957 = arith.addi %mul3A_179, %add3A_956 : i32
        %add3A_958 = arith.constant 16 : i32
        %add3A_959 = arith.addi %add3A_957, %add3A_958 : i32
        %add3A_960 = arith.constant 4 : i32
        %add3A_961 = arith.addi %add3A_959, %add3A_960 : i32
        %get3A_962 = arith.index_cast %add3A_961 : i32 to index
        %get3A_963 = arith.constant 0 : index
        %get3A_964 = tpu.vector_load %arg7[%get3A_962, %get3A_963] {strides = array<i32>} : memref<816x64xf32, #tpu.memory_space<vmem>>, vector<16xf32>,
        %mul3A_965 = arith.mulf %get3A_964, %get3A_181 : vector<16xf32>
        %get3A_966 = arith.index_cast %add3A_961 : i32 to index
        %get3A_967 = arith.constant 16 : index
        %get3A_968 = tpu.vector_load %arg7[%get3A_966, %get3A_967] {strides = array<i32>} : memref<816x64xf32, #tpu.memory_space<vmem>>, vector<16xf32>,
        %mul3A_969 = arith.mulf %get3A_968, %get3A_184 : vector<16xf32>
        %get3A_970 = arith.index_cast %add3A_961 : i32 to index
        %get3A_971 = arith.constant 32 : index
        %get3A_972 = tpu.vector_load %arg7[%get3A_970, %get3A_971] {strides = array<i32>} : memref<816x64xf32, #tpu.memory_space<vmem>>, vector<16xf32>,
        %mul3A_973 = arith.mulf %get3A_972, %get3A_187 : vector<16xf32>
        %get3A_974 = arith.index_cast %add3A_961 : i32 to index
        %get3A_975 = arith.constant 48 : index
        %get3A_976 = tpu.vector_load %arg7[%get3A_974, %get3A_975] {strides = array<i32>} : memref<816x64xf32, #tpu.memory_space<vmem>>, vector<16xf32>,
        %mul3A_977 = arith.mulf %get3A_976, %get3A_190 : vector<16xf32>
        %add3A_978 = arith.addf %mul3A_965, %mul3A_969 : vector<16xf32>
        %add3A_979 = arith.addf %mul3A_973, %mul3A_977 : vector<16xf32>
        %add3A_980 = arith.addf %add3A_978, %add3A_979 : vector<16xf32>
        %swap3A_981 = arith.constant 68 : index
        %swap3A_982 = tpu.vector_load %arg11[%swap3A_981] {strides = array<i32>} : memref<272xf32, #tpu.memory_space<vmem>>, vector<16xf32>,
        tpu.vector_store %arg11[%swap3A_981], %add3A_980 {strides = array<i32>} : memref<272xf32, #tpu.memory_space<vmem>>, vector<16xf32>,
        %add3A_983 = arith.constant 1 : i32
        %add3A_984 = arith.addi %mul3A_179, %add3A_983 : i32
        %add3A_985 = arith.constant 16 : i32
        %add3A_986 = arith.addi %add3A_984, %add3A_985 : i32
        %add3A_987 = arith.constant 5 : i32
        %add3A_988 = arith.addi %add3A_986, %add3A_987 : i32
        %get3A_989 = arith.index_cast %add3A_988 : i32 to index
        %get3A_990 = arith.constant 0 : index
        %get3A_991 = tpu.vector_load %arg7[%get3A_989, %get3A_990] {strides = array<i32>} : memref<816x64xf32, #tpu.memory_space<vmem>>, vector<16xf32>,
        %mul3A_992 = arith.mulf %get3A_991, %get3A_181 : vector<16xf32>
        %get3A_993 = arith.index_cast %add3A_988 : i32 to index
        %get3A_994 = arith.constant 16 : index
        %get3A_995 = tpu.vector_load %arg7[%get3A_993, %get3A_994] {strides = array<i32>} : memref<816x64xf32, #tpu.memory_space<vmem>>, vector<16xf32>,
        %mul3A_996 = arith.mulf %get3A_995, %get3A_184 : vector<16xf32>
        %get3A_997 = arith.index_cast %add3A_988 : i32 to index
        %get3A_998 = arith.constant 32 : index
        %get3A_999 = tpu.vector_load %arg7[%get3A_997, %get3A_998] {strides = array<i32>} : memref<816x64xf32, #tpu.memory_space<vmem>>, vector<16xf32>,
        %mul3A_1000 = arith.mulf %get3A_999, %get3A_187 : vector<16xf32>
        %get3A_1001 = arith.index_cast %add3A_988 : i32 to index
        %get3A_1002 = arith.constant 48 : index
        %get3A_1003 = tpu.vector_load %arg7[%get3A_1001, %get3A_1002] {strides = array<i32>} : memref<816x64xf32, #tpu.memory_space<vmem>>, vector<16xf32>,
        %mul3A_1004 = arith.mulf %get3A_1003, %get3A_190 : vector<16xf32>
        %add3A_1005 = arith.addf %mul3A_992, %mul3A_996 : vector<16xf32>
        %add3A_1006 = arith.addf %mul3A_1000, %mul3A_1004 : vector<16xf32>
        %add3A_1007 = arith.addf %add3A_1005, %add3A_1006 : vector<16xf32>
        %swap3A_1008 = arith.constant 85 : index
        %swap3A_1009 = tpu.vector_load %arg11[%swap3A_1008] {strides = array<i32>} : memref<272xf32, #tpu.memory_space<vmem>>, vector<16xf32>,
        tpu.vector_store %arg11[%swap3A_1008], %add3A_1007 {strides = array<i32>} : memref<272xf32, #tpu.memory_space<vmem>>, vector<16xf32>,
        %add3A_1010 = arith.constant 1 : i32
        %add3A_1011 = arith.addi %mul3A_179, %add3A_1010 : i32
        %add3A_1012 = arith.constant 16 : i32
        %add3A_1013 = arith.addi %add3A_1011, %add3A_1012 : i32
        %add3A_1014 = arith.constant 6 : i32
        %add3A_1015 = arith.addi %add3A_1013, %add3A_1014 : i32
        %get3A_1016 = arith.index_cast %add3A_1015 : i32 to index
        %get3A_1017 = arith.constant 0 : index
        %get3A_1018 = tpu.vector_load %arg7[%get3A_1016, %get3A_1017] {strides = array<i32>} : memref<816x64xf32, #tpu.memory_space<vmem>>, vector<16xf32>,
        %mul3A_1019 = arith.mulf %get3A_1018, %get3A_181 : vector<16xf32>
        %get3A_1020 = arith.index_cast %add3A_1015 : i32 to index
        %get3A_1021 = arith.constant 16 : index
        %get3A_1022 = tpu.vector_load %arg7[%get3A_1020, %get3A_1021] {strides = array<i32>} : memref<816x64xf32, #tpu.memory_space<vmem>>, vector<16xf32>,
        %mul3A_1023 = arith.mulf %get3A_1022, %get3A_184 : vector<16xf32>
        %get3A_1024 = arith.index_cast %add3A_1015 : i32 to index
        %get3A_1025 = arith.constant 32 : index
        %get3A_1026 = tpu.vector_load %arg7[%get3A_1024, %get3A_1025] {strides = array<i32>} : memref<816x64xf32, #tpu.memory_space<vmem>>, vector<16xf32>,
        %mul3A_1027 = arith.mulf %get3A_1026, %get3A_187 : vector<16xf32>
        %get3A_1028 = arith.index_cast %add3A_1015 : i32 to index
        %get3A_1029 = arith.constant 48 : index
        %get3A_1030 = tpu.vector_load %arg7[%get3A_1028, %get3A_1029] {strides = array<i32>} : memref<816x64xf32, #tpu.memory_space<vmem>>, vector<16xf32>,
        %mul3A_1031 = arith.mulf %get3A_1030, %get3A_190 : vector<16xf32>
        %add3A_1032 = arith.addf %mul3A_1019, %mul3A_1023 : vector<16xf32>
        %add3A_1033 = arith.addf %mul3A_1027, %mul3A_1031 : vector<16xf32>
        %add3A_1034 = arith.addf %add3A_1032, %add3A_1033 : vector<16xf32>
        %swap3A_1035 = arith.constant 102 : index
        %swap3A_1036 = tpu.vector_load %arg11[%swap3A_1035] {strides = array<i32>} : memref<272xf32, #tpu.memory_space<vmem>>, vector<16xf32>,
        tpu.vector_store %arg11[%swap3A_1035], %add3A_1034 {strides = array<i32>} : memref<272xf32, #tpu.memory_space<vmem>>, vector<16xf32>,
        %add3A_1037 = arith.constant 1 : i32
        %add3A_1038 = arith.addi %mul3A_179, %add3A_1037 : i32
        %add3A_1039 = arith.constant 16 : i32
        %add3A_1040 = arith.addi %add3A_1038, %add3A_1039 : i32
        %add3A_1041 = arith.constant 7 : i32
        %add3A_1042 = arith.addi %add3A_1040, %add3A_1041 : i32
        %get3A_1043 = arith.index_cast %add3A_1042 : i32 to index
        %get3A_1044 = arith.constant 0 : index
        %get3A_1045 = tpu.vector_load %arg7[%get3A_1043, %get3A_1044] {strides = array<i32>} : memref<816x64xf32, #tpu.memory_space<vmem>>, vector<16xf32>,
        %mul3A_1046 = arith.mulf %get3A_1045, %get3A_181 : vector<16xf32>
        %get3A_1047 = arith.index_cast %add3A_1042 : i32 to index
        %get3A_1048 = arith.constant 16 : index
        %get3A_1049 = tpu.vector_load %arg7[%get3A_1047, %get3A_1048] {strides = array<i32>} : memref<816x64xf32, #tpu.memory_space<vmem>>, vector<16xf32>,
        %mul3A_1050 = arith.mulf %get3A_1049, %get3A_184 : vector<16xf32>
        %get3A_1051 = arith.index_cast %add3A_1042 : i32 to index
        %get3A_1052 = arith.constant 32 : index
        %get3A_1053 = tpu.vector_load %arg7[%get3A_1051, %get3A_1052] {strides = array<i32>} : memref<816x64xf32, #tpu.memory_space<vmem>>, vector<16xf32>,
        %mul3A_1054 = arith.mulf %get3A_1053, %get3A_187 : vector<16xf32>
        %get3A_1055 = arith.index_cast %add3A_1042 : i32 to index
        %get3A_1056 = arith.constant 48 : index
        %get3A_1057 = tpu.vector_load %arg7[%get3A_1055, %get3A_1056] {strides = array<i32>} : memref<816x64xf32, #tpu.memory_space<vmem>>, vector<16xf32>,
        %mul3A_1058 = arith.mulf %get3A_1057, %get3A_190 : vector<16xf32>
        %add3A_1059 = arith.addf %mul3A_1046, %mul3A_1050 : vector<16xf32>
        %add3A_1060 = arith.addf %mul3A_1054, %mul3A_1058 : vector<16xf32>
        %add3A_1061 = arith.addf %add3A_1059, %add3A_1060 : vector<16xf32>
        %swap3A_1062 = arith.constant 119 : index
        %swap3A_1063 = tpu.vector_load %arg11[%swap3A_1062] {strides = array<i32>} : memref<272xf32, #tpu.memory_space<vmem>>, vector<16xf32>,
        tpu.vector_store %arg11[%swap3A_1062], %add3A_1061 {strides = array<i32>} : memref<272xf32, #tpu.memory_space<vmem>>, vector<16xf32>,
        %add3A_1064 = arith.constant 1 : i32
        %add3A_1065 = arith.addi %mul3A_179, %add3A_1064 : i32
        %add3A_1066 = arith.constant 16 : i32
        %add3A_1067 = arith.addi %add3A_1065, %add3A_1066 : i32
        %add3A_1068 = arith.constant 8 : i32
        %add3A_1069 = arith.addi %add3A_1067, %add3A_1068 : i32
        %get3A_1070 = arith.index_cast %add3A_1069 : i32 to index
        %get3A_1071 = arith.constant 0 : index
        %get3A_1072 = tpu.vector_load %arg7[%get3A_1070, %get3A_1071] {strides = array<i32>} : memref<816x64xf32, #tpu.memory_space<vmem>>, vector<16xf32>,
        %mul3A_1073 = arith.mulf %get3A_1072, %get3A_181 : vector<16xf32>
        %get3A_1074 = arith.index_cast %add3A_1069 : i32 to index
        %get3A_1075 = arith.constant 16 : index
        %get3A_1076 = tpu.vector_load %arg7[%get3A_1074, %get3A_1075] {strides = array<i32>} : memref<816x64xf32, #tpu.memory_space<vmem>>, vector<16xf32>,
        %mul3A_1077 = arith.mulf %get3A_1076, %get3A_184 : vector<16xf32>
        %get3A_1078 = arith.index_cast %add3A_1069 : i32 to index
        %get3A_1079 = arith.constant 32 : index
        %get3A_1080 = tpu.vector_load %arg7[%get3A_1078, %get3A_1079] {strides = array<i32>} : memref<816x64xf32, #tpu.memory_space<vmem>>, vector<16xf32>,
        %mul3A_1081 = arith.mulf %get3A_1080, %get3A_187 : vector<16xf32>
        %get3A_1082 = arith.index_cast %add3A_1069 : i32 to index
        %get3A_1083 = arith.constant 48 : index
        %get3A_1084 = tpu.vector_load %arg7[%get3A_1082, %get3A_1083] {strides = array<i32>} : memref<816x64xf32, #tpu.memory_space<vmem>>, vector<16xf32>,
        %mul3A_1085 = arith.mulf %get3A_1084, %get3A_190 : vector<16xf32>
        %add3A_1086 = arith.addf %mul3A_1073, %mul3A_1077 : vector<16xf32>
        %add3A_1087 = arith.addf %mul3A_1081, %mul3A_1085 : vector<16xf32>
        %add3A_1088 = arith.addf %add3A_1086, %add3A_1087 : vector<16xf32>
        %swap3A_1089 = arith.constant 136 : index
        %swap3A_1090 = tpu.vector_load %arg11[%swap3A_1089] {strides = array<i32>} : memref<272xf32, #tpu.memory_space<vmem>>, vector<16xf32>,
        tpu.vector_store %arg11[%swap3A_1089], %add3A_1088 {strides = array<i32>} : memref<272xf32, #tpu.memory_space<vmem>>, vector<16xf32>,
        %add3A_1091 = arith.constant 1 : i32
        %add3A_1092 = arith.addi %mul3A_179, %add3A_1091 : i32
        %add3A_1093 = arith.constant 16 : i32
        %add3A_1094 = arith.addi %add3A_1092, %add3A_1093 : i32
        %add3A_1095 = arith.constant 9 : i32
        %add3A_1096 = arith.addi %add3A_1094, %add3A_1095 : i32
        %get3A_1097 = arith.index_cast %add3A_1096 : i32 to index
        %get3A_1098 = arith.constant 0 : index
        %get3A_1099 = tpu.vector_load %arg7[%get3A_1097, %get3A_1098] {strides = array<i32>} : memref<816x64xf32, #tpu.memory_space<vmem>>, vector<16xf32>,
        %mul3A_1100 = arith.mulf %get3A_1099, %get3A_181 : vector<16xf32>
        %get3A_1101 = arith.index_cast %add3A_1096 : i32 to index
        %get3A_1102 = arith.constant 16 : index
        %get3A_1103 = tpu.vector_load %arg7[%get3A_1101, %get3A_1102] {strides = array<i32>} : memref<816x64xf32, #tpu.memory_space<vmem>>, vector<16xf32>,
        %mul3A_1104 = arith.mulf %get3A_1103, %get3A_184 : vector<16xf32>
        %get3A_1105 = arith.index_cast %add3A_1096 : i32 to index
        %get3A_1106 = arith.constant 32 : index
        %get3A_1107 = tpu.vector_load %arg7[%get3A_1105, %get3A_1106] {strides = array<i32>} : memref<816x64xf32, #tpu.memory_space<vmem>>, vector<16xf32>,
        %mul3A_1108 = arith.mulf %get3A_1107, %get3A_187 : vector<16xf32>
        %get3A_1109 = arith.index_cast %add3A_1096 : i32 to index
        %get3A_1110 = arith.constant 48 : index
        %get3A_1111 = tpu.vector_load %arg7[%get3A_1109, %get3A_1110] {strides = array<i32>} : memref<816x64xf32, #tpu.memory_space<vmem>>, vector<16xf32>,
        %mul3A_1112 = arith.mulf %get3A_1111, %get3A_190 : vector<16xf32>
        %add3A_1113 = arith.addf %mul3A_1100, %mul3A_1104 : vector<16xf32>
        %add3A_1114 = arith.addf %mul3A_1108, %mul3A_1112 : vector<16xf32>
        %add3A_1115 = arith.addf %add3A_1113, %add3A_1114 : vector<16xf32>
        %swap3A_1116 = arith.constant 153 : index
        %swap3A_1117 = tpu.vector_load %arg11[%swap3A_1116] {strides = array<i32>} : memref<272xf32, #tpu.memory_space<vmem>>, vector<16xf32>,
        tpu.vector_store %arg11[%swap3A_1116], %add3A_1115 {strides = array<i32>} : memref<272xf32, #tpu.memory_space<vmem>>, vector<16xf32>,
        %add3A_1118 = arith.constant 1 : i32
        %add3A_1119 = arith.addi %mul3A_179, %add3A_1118 : i32
        %add3A_1120 = arith.constant 16 : i32
        %add3A_1121 = arith.addi %add3A_1119, %add3A_1120 : i32
        %add3A_1122 = arith.constant 10 : i32
        %add3A_1123 = arith.addi %add3A_1121, %add3A_1122 : i32
        %get3A_1124 = arith.index_cast %add3A_1123 : i32 to index
        %get3A_1125 = arith.constant 0 : index
        %get3A_1126 = tpu.vector_load %arg7[%get3A_1124, %get3A_1125] {strides = array<i32>} : memref<816x64xf32, #tpu.memory_space<vmem>>, vector<16xf32>,
        %mul3A_1127 = arith.mulf %get3A_1126, %get3A_181 : vector<16xf32>
        %get3A_1128 = arith.index_cast %add3A_1123 : i32 to index
        %get3A_1129 = arith.constant 16 : index
        %get3A_1130 = tpu.vector_load %arg7[%get3A_1128, %get3A_1129] {strides = array<i32>} : memref<816x64xf32, #tpu.memory_space<vmem>>, vector<16xf32>,
        %mul3A_1131 = arith.mulf %get3A_1130, %get3A_184 : vector<16xf32>
        %get3A_1132 = arith.index_cast %add3A_1123 : i32 to index
        %get3A_1133 = arith.constant 32 : index
        %get3A_1134 = tpu.vector_load %arg7[%get3A_1132, %get3A_1133] {strides = array<i32>} : memref<816x64xf32, #tpu.memory_space<vmem>>, vector<16xf32>,
        %mul3A_1135 = arith.mulf %get3A_1134, %get3A_187 : vector<16xf32>
        %get3A_1136 = arith.index_cast %add3A_1123 : i32 to index
        %get3A_1137 = arith.constant 48 : index
        %get3A_1138 = tpu.vector_load %arg7[%get3A_1136, %get3A_1137] {strides = array<i32>} : memref<816x64xf32, #tpu.memory_space<vmem>>, vector<16xf32>,
        %mul3A_1139 = arith.mulf %get3A_1138, %get3A_190 : vector<16xf32>
        %add3A_1140 = arith.addf %mul3A_1127, %mul3A_1131 : vector<16xf32>
        %add3A_1141 = arith.addf %mul3A_1135, %mul3A_1139 : vector<16xf32>
        %add3A_1142 = arith.addf %add3A_1140, %add3A_1141 : vector<16xf32>
        %swap3A_1143 = arith.constant 170 : index
        %swap3A_1144 = tpu.vector_load %arg11[%swap3A_1143] {strides = array<i32>} : memref<272xf32, #tpu.memory_space<vmem>>, vector<16xf32>,
        tpu.vector_store %arg11[%swap3A_1143], %add3A_1142 {strides = array<i32>} : memref<272xf32, #tpu.memory_space<vmem>>, vector<16xf32>,
        %add3A_1145 = arith.constant 1 : i32
        %add3A_1146 = arith.addi %mul3A_179, %add3A_1145 : i32
        %add3A_1147 = arith.constant 16 : i32
        %add3A_1148 = arith.addi %add3A_1146, %add3A_1147 : i32
        %add3A_1149 = arith.constant 11 : i32
        %add3A_1150 = arith.addi %add3A_1148, %add3A_1149 : i32
        %get3A_1151 = arith.index_cast %add3A_1150 : i32 to index
        %get3A_1152 = arith.constant 0 : index
        %get3A_1153 = tpu.vector_load %arg7[%get3A_1151, %get3A_1152] {strides = array<i32>} : memref<816x64xf32, #tpu.memory_space<vmem>>, vector<16xf32>,
        %mul3A_1154 = arith.mulf %get3A_1153, %get3A_181 : vector<16xf32>
        %get3A_1155 = arith.index_cast %add3A_1150 : i32 to index
        %get3A_1156 = arith.constant 16 : index
        %get3A_1157 = tpu.vector_load %arg7[%get3A_1155, %get3A_1156] {strides = array<i32>} : memref<816x64xf32, #tpu.memory_space<vmem>>, vector<16xf32>,
        %mul3A_1158 = arith.mulf %get3A_1157, %get3A_184 : vector<16xf32>
        %get3A_1159 = arith.index_cast %add3A_1150 : i32 to index
        %get3A_1160 = arith.constant 32 : index
        %get3A_1161 = tpu.vector_load %arg7[%get3A_1159, %get3A_1160] {strides = array<i32>} : memref<816x64xf32, #tpu.memory_space<vmem>>, vector<16xf32>,
        %mul3A_1162 = arith.mulf %get3A_1161, %get3A_187 : vector<16xf32>
        %get3A_1163 = arith.index_cast %add3A_1150 : i32 to index
        %get3A_1164 = arith.constant 48 : index
        %get3A_1165 = tpu.vector_load %arg7[%get3A_1163, %get3A_1164] {strides = array<i32>} : memref<816x64xf32, #tpu.memory_space<vmem>>, vector<16xf32>,
        %mul3A_1166 = arith.mulf %get3A_1165, %get3A_190 : vector<16xf32>
        %add3A_1167 = arith.addf %mul3A_1154, %mul3A_1158 : vector<16xf32>
        %add3A_1168 = arith.addf %mul3A_1162, %mul3A_1166 : vector<16xf32>
        %add3A_1169 = arith.addf %add3A_1167, %add3A_1168 : vector<16xf32>
        %swap3A_1170 = arith.constant 187 : index
        %swap3A_1171 = tpu.vector_load %arg11[%swap3A_1170] {strides = array<i32>} : memref<272xf32, #tpu.memory_space<vmem>>, vector<16xf32>,
        tpu.vector_store %arg11[%swap3A_1170], %add3A_1169 {strides = array<i32>} : memref<272xf32, #tpu.memory_space<vmem>>, vector<16xf32>,
        %add3A_1172 = arith.constant 1 : i32
        %add3A_1173 = arith.addi %mul3A_179, %add3A_1172 : i32
        %add3A_1174 = arith.constant 16 : i32
        %add3A_1175 = arith.addi %add3A_1173, %add3A_1174 : i32
        %add3A_1176 = arith.constant 12 : i32
        %add3A_1177 = arith.addi %add3A_1175, %add3A_1176 : i32
        %get3A_1178 = arith.index_cast %add3A_1177 : i32 to index
        %get3A_1179 = arith.constant 0 : index
        %get3A_1180 = tpu.vector_load %arg7[%get3A_1178, %get3A_1179] {strides = array<i32>} : memref<816x64xf32, #tpu.memory_space<vmem>>, vector<16xf32>,
        %mul3A_1181 = arith.mulf %get3A_1180, %get3A_181 : vector<16xf32>
        %get3A_1182 = arith.index_cast %add3A_1177 : i32 to index
        %get3A_1183 = arith.constant 16 : index
        %get3A_1184 = tpu.vector_load %arg7[%get3A_1182, %get3A_1183] {strides = array<i32>} : memref<816x64xf32, #tpu.memory_space<vmem>>, vector<16xf32>,
        %mul3A_1185 = arith.mulf %get3A_1184, %get3A_184 : vector<16xf32>
        %get3A_1186 = arith.index_cast %add3A_1177 : i32 to index
        %get3A_1187 = arith.constant 32 : index
        %get3A_1188 = tpu.vector_load %arg7[%get3A_1186, %get3A_1187] {strides = array<i32>} : memref<816x64xf32, #tpu.memory_space<vmem>>, vector<16xf32>,
        %mul3A_1189 = arith.mulf %get3A_1188, %get3A_187 : vector<16xf32>
        %get3A_1190 = arith.index_cast %add3A_1177 : i32 to index
        %get3A_1191 = arith.constant 48 : index
        %get3A_1192 = tpu.vector_load %arg7[%get3A_1190, %get3A_1191] {strides = array<i32>} : memref<816x64xf32, #tpu.memory_space<vmem>>, vector<16xf32>,
        %mul3A_1193 = arith.mulf %get3A_1192, %get3A_190 : vector<16xf32>
        %add3A_1194 = arith.addf %mul3A_1181, %mul3A_1185 : vector<16xf32>
        %add3A_1195 = arith.addf %mul3A_1189, %mul3A_1193 : vector<16xf32>
        %add3A_1196 = arith.addf %add3A_1194, %add3A_1195 : vector<16xf32>
        %swap3A_1197 = arith.constant 204 : index
        %swap3A_1198 = tpu.vector_load %arg11[%swap3A_1197] {strides = array<i32>} : memref<272xf32, #tpu.memory_space<vmem>>, vector<16xf32>,
        tpu.vector_store %arg11[%swap3A_1197], %add3A_1196 {strides = array<i32>} : memref<272xf32, #tpu.memory_space<vmem>>, vector<16xf32>,
        %add3A_1199 = arith.constant 1 : i32
        %add3A_1200 = arith.addi %mul3A_179, %add3A_1199 : i32
        %add3A_1201 = arith.constant 16 : i32
        %add3A_1202 = arith.addi %add3A_1200, %add3A_1201 : i32
        %add3A_1203 = arith.constant 13 : i32
        %add3A_1204 = arith.addi %add3A_1202, %add3A_1203 : i32
        %get3A_1205 = arith.index_cast %add3A_1204 : i32 to index
        %get3A_1206 = arith.constant 0 : index
        %get3A_1207 = tpu.vector_load %arg7[%get3A_1205, %get3A_1206] {strides = array<i32>} : memref<816x64xf32, #tpu.memory_space<vmem>>, vector<16xf32>,
        %mul3A_1208 = arith.mulf %get3A_1207, %get3A_181 : vector<16xf32>
        %get3A_1209 = arith.index_cast %add3A_1204 : i32 to index
        %get3A_1210 = arith.constant 16 : index
        %get3A_1211 = tpu.vector_load %arg7[%get3A_1209, %get3A_1210] {strides = array<i32>} : memref<816x64xf32, #tpu.memory_space<vmem>>, vector<16xf32>,
        %mul3A_1212 = arith.mulf %get3A_1211, %get3A_184 : vector<16xf32>
        %get3A_1213 = arith.index_cast %add3A_1204 : i32 to index
        %get3A_1214 = arith.constant 32 : index
        %get3A_1215 = tpu.vector_load %arg7[%get3A_1213, %get3A_1214] {strides = array<i32>} : memref<816x64xf32, #tpu.memory_space<vmem>>, vector<16xf32>,
        %mul3A_1216 = arith.mulf %get3A_1215, %get3A_187 : vector<16xf32>
        %get3A_1217 = arith.index_cast %add3A_1204 : i32 to index
        %get3A_1218 = arith.constant 48 : index
        %get3A_1219 = tpu.vector_load %arg7[%get3A_1217, %get3A_1218] {strides = array<i32>} : memref<816x64xf32, #tpu.memory_space<vmem>>, vector<16xf32>,
        %mul3A_1220 = arith.mulf %get3A_1219, %get3A_190 : vector<16xf32>
        %add3A_1221 = arith.addf %mul3A_1208, %mul3A_1212 : vector<16xf32>
        %add3A_1222 = arith.addf %mul3A_1216, %mul3A_1220 : vector<16xf32>
        %add3A_1223 = arith.addf %add3A_1221, %add3A_1222 : vector<16xf32>
        %swap3A_1224 = arith.constant 221 : index
        %swap3A_1225 = tpu.vector_load %arg11[%swap3A_1224] {strides = array<i32>} : memref<272xf32, #tpu.memory_space<vmem>>, vector<16xf32>,
        tpu.vector_store %arg11[%swap3A_1224], %add3A_1223 {strides = array<i32>} : memref<272xf32, #tpu.memory_space<vmem>>, vector<16xf32>,
        %add3A_1226 = arith.constant 1 : i32
        %add3A_1227 = arith.addi %mul3A_179, %add3A_1226 : i32
        %add3A_1228 = arith.constant 16 : i32
        %add3A_1229 = arith.addi %add3A_1227, %add3A_1228 : i32
        %add3A_1230 = arith.constant 14 : i32
        %add3A_1231 = arith.addi %add3A_1229, %add3A_1230 : i32
        %get3A_1232 = arith.index_cast %add3A_1231 : i32 to index
        %get3A_1233 = arith.constant 0 : index
        %get3A_1234 = tpu.vector_load %arg7[%get3A_1232, %get3A_1233] {strides = array<i32>} : memref<816x64xf32, #tpu.memory_space<vmem>>, vector<16xf32>,
        %mul3A_1235 = arith.mulf %get3A_1234, %get3A_181 : vector<16xf32>
        %get3A_1236 = arith.index_cast %add3A_1231 : i32 to index
        %get3A_1237 = arith.constant 16 : index
        %get3A_1238 = tpu.vector_load %arg7[%get3A_1236, %get3A_1237] {strides = array<i32>} : memref<816x64xf32, #tpu.memory_space<vmem>>, vector<16xf32>,
        %mul3A_1239 = arith.mulf %get3A_1238, %get3A_184 : vector<16xf32>
        %get3A_1240 = arith.index_cast %add3A_1231 : i32 to index
        %get3A_1241 = arith.constant 32 : index
        %get3A_1242 = tpu.vector_load %arg7[%get3A_1240, %get3A_1241] {strides = array<i32>} : memref<816x64xf32, #tpu.memory_space<vmem>>, vector<16xf32>,
        %mul3A_1243 = arith.mulf %get3A_1242, %get3A_187 : vector<16xf32>
        %get3A_1244 = arith.index_cast %add3A_1231 : i32 to index
        %get3A_1245 = arith.constant 48 : index
        %get3A_1246 = tpu.vector_load %arg7[%get3A_1244, %get3A_1245] {strides = array<i32>} : memref<816x64xf32, #tpu.memory_space<vmem>>, vector<16xf32>,
        %mul3A_1247 = arith.mulf %get3A_1246, %get3A_190 : vector<16xf32>
        %add3A_1248 = arith.addf %mul3A_1235, %mul3A_1239 : vector<16xf32>
        %add3A_1249 = arith.addf %mul3A_1243, %mul3A_1247 : vector<16xf32>
        %add3A_1250 = arith.addf %add3A_1248, %add3A_1249 : vector<16xf32>
        %swap3A_1251 = arith.constant 238 : index
        %swap3A_1252 = tpu.vector_load %arg11[%swap3A_1251] {strides = array<i32>} : memref<272xf32, #tpu.memory_space<vmem>>, vector<16xf32>,
        tpu.vector_store %arg11[%swap3A_1251], %add3A_1250 {strides = array<i32>} : memref<272xf32, #tpu.memory_space<vmem>>, vector<16xf32>,
        %add3A_1253 = arith.constant 1 : i32
        %add3A_1254 = arith.addi %mul3A_179, %add3A_1253 : i32
        %add3A_1255 = arith.constant 16 : i32
        %add3A_1256 = arith.addi %add3A_1254, %add3A_1255 : i32
        %add3A_1257 = arith.constant 15 : i32
        %add3A_1258 = arith.addi %add3A_1256, %add3A_1257 : i32
        %get3A_1259 = arith.index_cast %add3A_1258 : i32 to index
        %get3A_1260 = arith.constant 0 : index
        %get3A_1261 = tpu.vector_load %arg7[%get3A_1259, %get3A_1260] {strides = array<i32>} : memref<816x64xf32, #tpu.memory_space<vmem>>, vector<16xf32>,
        %mul3A_1262 = arith.mulf %get3A_1261, %get3A_181 : vector<16xf32>
        %get3A_1263 = arith.index_cast %add3A_1258 : i32 to index
        %get3A_1264 = arith.constant 16 : index
        %get3A_1265 = tpu.vector_load %arg7[%get3A_1263, %get3A_1264] {strides = array<i32>} : memref<816x64xf32, #tpu.memory_space<vmem>>, vector<16xf32>,
        %mul3A_1266 = arith.mulf %get3A_1265, %get3A_184 : vector<16xf32>
        %get3A_1267 = arith.index_cast %add3A_1258 : i32 to index
        %get3A_1268 = arith.constant 32 : index
        %get3A_1269 = tpu.vector_load %arg7[%get3A_1267, %get3A_1268] {strides = array<i32>} : memref<816x64xf32, #tpu.memory_space<vmem>>, vector<16xf32>,
        %mul3A_1270 = arith.mulf %get3A_1269, %get3A_187 : vector<16xf32>
        %get3A_1271 = arith.index_cast %add3A_1258 : i32 to index
        %get3A_1272 = arith.constant 48 : index
        %get3A_1273 = tpu.vector_load %arg7[%get3A_1271, %get3A_1272] {strides = array<i32>} : memref<816x64xf32, #tpu.memory_space<vmem>>, vector<16xf32>,
        %mul3A_1274 = arith.mulf %get3A_1273, %get3A_190 : vector<16xf32>
        %add3A_1275 = arith.addf %mul3A_1262, %mul3A_1266 : vector<16xf32>
        %add3A_1276 = arith.addf %mul3A_1270, %mul3A_1274 : vector<16xf32>
        %add3A_1277 = arith.addf %add3A_1275, %add3A_1276 : vector<16xf32>
        %swap3A_1278 = arith.constant 255 : index
        %swap3A_1279 = tpu.vector_load %arg11[%swap3A_1278] {strides = array<i32>} : memref<272xf32, #tpu.memory_space<vmem>>, vector<16xf32>,
        tpu.vector_store %arg11[%swap3A_1278], %add3A_1277 {strides = array<i32>} : memref<272xf32, #tpu.memory_space<vmem>>, vector<16xf32>,
        %add3A_1280 = arith.constant 0 : i32
        %add3A_1281 = vector.broadcast %add3A_1280 : i32 to vector<16xi32>
        %add3A_1282 = arith.addi %mul3A_193, %add3A_1281 : vector<16xi32>
        %gather3A_1283 = tpu.vector_load_idx %arg11[%add3A_1282] : memref<272xf32, #tpu.memory_space<vmem>>[vector<16xi32>], vector<16xf32>,
        %add3A_1284 = arith.constant 1 : i32
        %add3A_1285 = vector.broadcast %add3A_1284 : i32 to vector<16xi32>
        %add3A_1286 = arith.addi %mul3A_193, %add3A_1285 : vector<16xi32>
        %gather3A_1287 = tpu.vector_load_idx %arg11[%add3A_1286] : memref<272xf32, #tpu.memory_space<vmem>>[vector<16xi32>], vector<16xf32>,
        %add3A_1288 = arith.constant 2 : i32
        %add3A_1289 = vector.broadcast %add3A_1288 : i32 to vector<16xi32>
        %add3A_1290 = arith.addi %mul3A_193, %add3A_1289 : vector<16xi32>
        %gather3A_1291 = tpu.vector_load_idx %arg11[%add3A_1290] : memref<272xf32, #tpu.memory_space<vmem>>[vector<16xi32>], vector<16xf32>,
        %add3A_1292 = arith.constant 3 : i32
        %add3A_1293 = vector.broadcast %add3A_1292 : i32 to vector<16xi32>
        %add3A_1294 = arith.addi %mul3A_193, %add3A_1293 : vector<16xi32>
        %gather3A_1295 = tpu.vector_load_idx %arg11[%add3A_1294] : memref<272xf32, #tpu.memory_space<vmem>>[vector<16xi32>], vector<16xf32>,
        %add3A_1296 = arith.constant 4 : i32
        %add3A_1297 = vector.broadcast %add3A_1296 : i32 to vector<16xi32>
        %add3A_1298 = arith.addi %mul3A_193, %add3A_1297 : vector<16xi32>
        %gather3A_1299 = tpu.vector_load_idx %arg11[%add3A_1298] : memref<272xf32, #tpu.memory_space<vmem>>[vector<16xi32>], vector<16xf32>,
        %add3A_1300 = arith.constant 5 : i32
        %add3A_1301 = vector.broadcast %add3A_1300 : i32 to vector<16xi32>
        %add3A_1302 = arith.addi %mul3A_193, %add3A_1301 : vector<16xi32>
        %gather3A_1303 = tpu.vector_load_idx %arg11[%add3A_1302] : memref<272xf32, #tpu.memory_space<vmem>>[vector<16xi32>], vector<16xf32>,
        %add3A_1304 = arith.constant 6 : i32
        %add3A_1305 = vector.broadcast %add3A_1304 : i32 to vector<16xi32>
        %add3A_1306 = arith.addi %mul3A_193, %add3A_1305 : vector<16xi32>
        %gather3A_1307 = tpu.vector_load_idx %arg11[%add3A_1306] : memref<272xf32, #tpu.memory_space<vmem>>[vector<16xi32>], vector<16xf32>,
        %add3A_1308 = arith.constant 7 : i32
        %add3A_1309 = vector.broadcast %add3A_1308 : i32 to vector<16xi32>
        %add3A_1310 = arith.addi %mul3A_193, %add3A_1309 : vector<16xi32>
        %gather3A_1311 = tpu.vector_load_idx %arg11[%add3A_1310] : memref<272xf32, #tpu.memory_space<vmem>>[vector<16xi32>], vector<16xf32>,
        %add3A_1312 = arith.constant 8 : i32
        %add3A_1313 = vector.broadcast %add3A_1312 : i32 to vector<16xi32>
        %add3A_1314 = arith.addi %mul3A_193, %add3A_1313 : vector<16xi32>
        %gather3A_1315 = tpu.vector_load_idx %arg11[%add3A_1314] : memref<272xf32, #tpu.memory_space<vmem>>[vector<16xi32>], vector<16xf32>,
        %add3A_1316 = arith.constant 9 : i32
        %add3A_1317 = vector.broadcast %add3A_1316 : i32 to vector<16xi32>
        %add3A_1318 = arith.addi %mul3A_193, %add3A_1317 : vector<16xi32>
        %gather3A_1319 = tpu.vector_load_idx %arg11[%add3A_1318] : memref<272xf32, #tpu.memory_space<vmem>>[vector<16xi32>], vector<16xf32>,
        %add3A_1320 = arith.constant 10 : i32
        %add3A_1321 = vector.broadcast %add3A_1320 : i32 to vector<16xi32>
        %add3A_1322 = arith.addi %mul3A_193, %add3A_1321 : vector<16xi32>
        %gather3A_1323 = tpu.vector_load_idx %arg11[%add3A_1322] : memref<272xf32, #tpu.memory_space<vmem>>[vector<16xi32>], vector<16xf32>,
        %add3A_1324 = arith.constant 11 : i32
        %add3A_1325 = vector.broadcast %add3A_1324 : i32 to vector<16xi32>
        %add3A_1326 = arith.addi %mul3A_193, %add3A_1325 : vector<16xi32>
        %gather3A_1327 = tpu.vector_load_idx %arg11[%add3A_1326] : memref<272xf32, #tpu.memory_space<vmem>>[vector<16xi32>], vector<16xf32>,
        %add3A_1328 = arith.constant 12 : i32
        %add3A_1329 = vector.broadcast %add3A_1328 : i32 to vector<16xi32>
        %add3A_1330 = arith.addi %mul3A_193, %add3A_1329 : vector<16xi32>
        %gather3A_1331 = tpu.vector_load_idx %arg11[%add3A_1330] : memref<272xf32, #tpu.memory_space<vmem>>[vector<16xi32>], vector<16xf32>,
        %add3A_1332 = arith.constant 13 : i32
        %add3A_1333 = vector.broadcast %add3A_1332 : i32 to vector<16xi32>
        %add3A_1334 = arith.addi %mul3A_193, %add3A_1333 : vector<16xi32>
        %gather3A_1335 = tpu.vector_load_idx %arg11[%add3A_1334] : memref<272xf32, #tpu.memory_space<vmem>>[vector<16xi32>], vector<16xf32>,
        %add3A_1336 = arith.constant 14 : i32
        %add3A_1337 = vector.broadcast %add3A_1336 : i32 to vector<16xi32>
        %add3A_1338 = arith.addi %mul3A_193, %add3A_1337 : vector<16xi32>
        %gather3A_1339 = tpu.vector_load_idx %arg11[%add3A_1338] : memref<272xf32, #tpu.memory_space<vmem>>[vector<16xi32>], vector<16xf32>,
        %add3A_1340 = arith.constant 15 : i32
        %add3A_1341 = vector.broadcast %add3A_1340 : i32 to vector<16xi32>
        %add3A_1342 = arith.addi %mul3A_193, %add3A_1341 : vector<16xi32>
        %gather3A_1343 = tpu.vector_load_idx %arg11[%add3A_1342] : memref<272xf32, #tpu.memory_space<vmem>>[vector<16xi32>], vector<16xf32>,
        %add3A_1344 = arith.addf %gather3A_1283, %gather3A_1287 : vector<16xf32>
        %add3A_1345 = arith.addf %gather3A_1291, %gather3A_1295 : vector<16xf32>
        %add3A_1346 = arith.addf %gather3A_1299, %gather3A_1303 : vector<16xf32>
        %add3A_1347 = arith.addf %gather3A_1307, %gather3A_1311 : vector<16xf32>
        %add3A_1348 = arith.addf %gather3A_1315, %gather3A_1319 : vector<16xf32>
        %add3A_1349 = arith.addf %gather3A_1323, %gather3A_1327 : vector<16xf32>
        %add3A_1350 = arith.addf %gather3A_1331, %gather3A_1335 : vector<16xf32>
        %add3A_1351 = arith.addf %gather3A_1339, %gather3A_1343 : vector<16xf32>
        %add3A_1352 = arith.addf %add3A_1344, %add3A_1345 : vector<16xf32>
        %add3A_1353 = arith.addf %add3A_1346, %add3A_1347 : vector<16xf32>
        %add3A_1354 = arith.addf %add3A_1348, %add3A_1349 : vector<16xf32>
        %add3A_1355 = arith.addf %add3A_1350, %add3A_1351 : vector<16xf32>
        %add3A_1356 = arith.addf %add3A_1352, %add3A_1353 : vector<16xf32>
        %add3A_1357 = arith.addf %add3A_1354, %add3A_1355 : vector<16xf32>
        %add3A_1358 = arith.addf %add3A_1356, %add3A_1357 : vector<16xf32>
        %mul3A_1359 = arith.constant 50 : i32
        %mul3A_1360 = arith.muli %scan3A_177, %mul3A_1359 : i32
        %add3A_1361 = arith.constant 16 : i32
        %add3A_1362 = arith.addi %mul3A_1360, %add3A_1361 : i32
        %swap3A_1363 = arith.index_cast %add3A_1362 : i32 to index
        %swap3A_1364 = tpu.vector_load %arg9[%swap3A_1363] {strides = array<i32>} : memref<816xf32, #tpu.memory_space<vmem>>, vector<16xf32>,
        tpu.vector_store %arg9[%swap3A_1363], %add3A_1358 {strides = array<i32>} : memref<816xf32, #tpu.memory_space<vmem>>, vector<16xf32>,
        %add3A_1365 = arith.constant 1 : i32
        %add3A_1366 = arith.addi %mul3A_179, %add3A_1365 : i32
        %add3A_1367 = arith.constant 32 : i32
        %add3A_1368 = arith.addi %add3A_1366, %add3A_1367 : i32
        %add3A_1369 = arith.constant 0 : i32
        %add3A_1370 = arith.addi %add3A_1368, %add3A_1369 : i32
        %get3A_1371 = arith.index_cast %add3A_1370 : i32 to index
        %get3A_1372 = arith.constant 0 : index
        %get3A_1373 = tpu.vector_load %arg7[%get3A_1371, %get3A_1372] {strides = array<i32>} : memref<816x64xf32, #tpu.memory_space<vmem>>, vector<16xf32>,
        %mul3A_1374 = arith.mulf %get3A_1373, %get3A_181 : vector<16xf32>
        %get3A_1375 = arith.index_cast %add3A_1370 : i32 to index
        %get3A_1376 = arith.constant 16 : index
        %get3A_1377 = tpu.vector_load %arg7[%get3A_1375, %get3A_1376] {strides = array<i32>} : memref<816x64xf32, #tpu.memory_space<vmem>>, vector<16xf32>,
        %mul3A_1378 = arith.mulf %get3A_1377, %get3A_184 : vector<16xf32>
        %get3A_1379 = arith.index_cast %add3A_1370 : i32 to index
        %get3A_1380 = arith.constant 32 : index
        %get3A_1381 = tpu.vector_load %arg7[%get3A_1379, %get3A_1380] {strides = array<i32>} : memref<816x64xf32, #tpu.memory_space<vmem>>, vector<16xf32>,
        %mul3A_1382 = arith.mulf %get3A_1381, %get3A_187 : vector<16xf32>
        %get3A_1383 = arith.index_cast %add3A_1370 : i32 to index
        %get3A_1384 = arith.constant 48 : index
        %get3A_1385 = tpu.vector_load %arg7[%get3A_1383, %get3A_1384] {strides = array<i32>} : memref<816x64xf32, #tpu.memory_space<vmem>>, vector<16xf32>,
        %mul3A_1386 = arith.mulf %get3A_1385, %get3A_190 : vector<16xf32>
        %add3A_1387 = arith.addf %mul3A_1374, %mul3A_1378 : vector<16xf32>
        %add3A_1388 = arith.addf %mul3A_1382, %mul3A_1386 : vector<16xf32>
        %add3A_1389 = arith.addf %add3A_1387, %add3A_1388 : vector<16xf32>
        %swap3A_1390 = arith.constant 0 : index
        %swap3A_1391 = tpu.vector_load %arg11[%swap3A_1390] {strides = array<i32>} : memref<272xf32, #tpu.memory_space<vmem>>, vector<16xf32>,
        tpu.vector_store %arg11[%swap3A_1390], %add3A_1389 {strides = array<i32>} : memref<272xf32, #tpu.memory_space<vmem>>, vector<16xf32>,
        %add3A_1392 = arith.constant 1 : i32
        %add3A_1393 = arith.addi %mul3A_179, %add3A_1392 : i32
        %add3A_1394 = arith.constant 32 : i32
        %add3A_1395 = arith.addi %add3A_1393, %add3A_1394 : i32
        %add3A_1396 = arith.constant 1 : i32
        %add3A_1397 = arith.addi %add3A_1395, %add3A_1396 : i32
        %get3A_1398 = arith.index_cast %add3A_1397 : i32 to index
        %get3A_1399 = arith.constant 0 : index
        %get3A_1400 = tpu.vector_load %arg7[%get3A_1398, %get3A_1399] {strides = array<i32>} : memref<816x64xf32, #tpu.memory_space<vmem>>, vector<16xf32>,
        %mul3A_1401 = arith.mulf %get3A_1400, %get3A_181 : vector<16xf32>
        %get3A_1402 = arith.index_cast %add3A_1397 : i32 to index
        %get3A_1403 = arith.constant 16 : index
        %get3A_1404 = tpu.vector_load %arg7[%get3A_1402, %get3A_1403] {strides = array<i32>} : memref<816x64xf32, #tpu.memory_space<vmem>>, vector<16xf32>,
        %mul3A_1405 = arith.mulf %get3A_1404, %get3A_184 : vector<16xf32>
        %get3A_1406 = arith.index_cast %add3A_1397 : i32 to index
        %get3A_1407 = arith.constant 32 : index
        %get3A_1408 = tpu.vector_load %arg7[%get3A_1406, %get3A_1407] {strides = array<i32>} : memref<816x64xf32, #tpu.memory_space<vmem>>, vector<16xf32>,
        %mul3A_1409 = arith.mulf %get3A_1408, %get3A_187 : vector<16xf32>
        %get3A_1410 = arith.index_cast %add3A_1397 : i32 to index
        %get3A_1411 = arith.constant 48 : index
        %get3A_1412 = tpu.vector_load %arg7[%get3A_1410, %get3A_1411] {strides = array<i32>} : memref<816x64xf32, #tpu.memory_space<vmem>>, vector<16xf32>,
        %mul3A_1413 = arith.mulf %get3A_1412, %get3A_190 : vector<16xf32>
        %add3A_1414 = arith.addf %mul3A_1401, %mul3A_1405 : vector<16xf32>
        %add3A_1415 = arith.addf %mul3A_1409, %mul3A_1413 : vector<16xf32>
        %add3A_1416 = arith.addf %add3A_1414, %add3A_1415 : vector<16xf32>
        %swap3A_1417 = arith.constant 17 : index
        %swap3A_1418 = tpu.vector_load %arg11[%swap3A_1417] {strides = array<i32>} : memref<272xf32, #tpu.memory_space<vmem>>, vector<16xf32>,
        tpu.vector_store %arg11[%swap3A_1417], %add3A_1416 {strides = array<i32>} : memref<272xf32, #tpu.memory_space<vmem>>, vector<16xf32>,
        %add3A_1419 = arith.constant 1 : i32
        %add3A_1420 = arith.addi %mul3A_179, %add3A_1419 : i32
        %add3A_1421 = arith.constant 32 : i32
        %add3A_1422 = arith.addi %add3A_1420, %add3A_1421 : i32
        %add3A_1423 = arith.constant 2 : i32
        %add3A_1424 = arith.addi %add3A_1422, %add3A_1423 : i32
        %get3A_1425 = arith.index_cast %add3A_1424 : i32 to index
        %get3A_1426 = arith.constant 0 : index
        %get3A_1427 = tpu.vector_load %arg7[%get3A_1425, %get3A_1426] {strides = array<i32>} : memref<816x64xf32, #tpu.memory_space<vmem>>, vector<16xf32>,
        %mul3A_1428 = arith.mulf %get3A_1427, %get3A_181 : vector<16xf32>
        %get3A_1429 = arith.index_cast %add3A_1424 : i32 to index
        %get3A_1430 = arith.constant 16 : index
        %get3A_1431 = tpu.vector_load %arg7[%get3A_1429, %get3A_1430] {strides = array<i32>} : memref<816x64xf32, #tpu.memory_space<vmem>>, vector<16xf32>,
        %mul3A_1432 = arith.mulf %get3A_1431, %get3A_184 : vector<16xf32>
        %get3A_1433 = arith.index_cast %add3A_1424 : i32 to index
        %get3A_1434 = arith.constant 32 : index
        %get3A_1435 = tpu.vector_load %arg7[%get3A_1433, %get3A_1434] {strides = array<i32>} : memref<816x64xf32, #tpu.memory_space<vmem>>, vector<16xf32>,
        %mul3A_1436 = arith.mulf %get3A_1435, %get3A_187 : vector<16xf32>
        %get3A_1437 = arith.index_cast %add3A_1424 : i32 to index
        %get3A_1438 = arith.constant 48 : index
        %get3A_1439 = tpu.vector_load %arg7[%get3A_1437, %get3A_1438] {strides = array<i32>} : memref<816x64xf32, #tpu.memory_space<vmem>>, vector<16xf32>,
        %mul3A_1440 = arith.mulf %get3A_1439, %get3A_190 : vector<16xf32>
        %add3A_1441 = arith.addf %mul3A_1428, %mul3A_1432 : vector<16xf32>
        %add3A_1442 = arith.addf %mul3A_1436, %mul3A_1440 : vector<16xf32>
        %add3A_1443 = arith.addf %add3A_1441, %add3A_1442 : vector<16xf32>
        %swap3A_1444 = arith.constant 34 : index
        %swap3A_1445 = tpu.vector_load %arg11[%swap3A_1444] {strides = array<i32>} : memref<272xf32, #tpu.memory_space<vmem>>, vector<16xf32>,
        tpu.vector_store %arg11[%swap3A_1444], %add3A_1443 {strides = array<i32>} : memref<272xf32, #tpu.memory_space<vmem>>, vector<16xf32>,
        %add3A_1446 = arith.constant 1 : i32
        %add3A_1447 = arith.addi %mul3A_179, %add3A_1446 : i32
        %add3A_1448 = arith.constant 32 : i32
        %add3A_1449 = arith.addi %add3A_1447, %add3A_1448 : i32
        %add3A_1450 = arith.constant 3 : i32
        %add3A_1451 = arith.addi %add3A_1449, %add3A_1450 : i32
        %get3A_1452 = arith.index_cast %add3A_1451 : i32 to index
        %get3A_1453 = arith.constant 0 : index
        %get3A_1454 = tpu.vector_load %arg7[%get3A_1452, %get3A_1453] {strides = array<i32>} : memref<816x64xf32, #tpu.memory_space<vmem>>, vector<16xf32>,
        %mul3A_1455 = arith.mulf %get3A_1454, %get3A_181 : vector<16xf32>
        %get3A_1456 = arith.index_cast %add3A_1451 : i32 to index
        %get3A_1457 = arith.constant 16 : index
        %get3A_1458 = tpu.vector_load %arg7[%get3A_1456, %get3A_1457] {strides = array<i32>} : memref<816x64xf32, #tpu.memory_space<vmem>>, vector<16xf32>,
        %mul3A_1459 = arith.mulf %get3A_1458, %get3A_184 : vector<16xf32>
        %get3A_1460 = arith.index_cast %add3A_1451 : i32 to index
        %get3A_1461 = arith.constant 32 : index
        %get3A_1462 = tpu.vector_load %arg7[%get3A_1460, %get3A_1461] {strides = array<i32>} : memref<816x64xf32, #tpu.memory_space<vmem>>, vector<16xf32>,
        %mul3A_1463 = arith.mulf %get3A_1462, %get3A_187 : vector<16xf32>
        %get3A_1464 = arith.index_cast %add3A_1451 : i32 to index
        %get3A_1465 = arith.constant 48 : index
        %get3A_1466 = tpu.vector_load %arg7[%get3A_1464, %get3A_1465] {strides = array<i32>} : memref<816x64xf32, #tpu.memory_space<vmem>>, vector<16xf32>,
        %mul3A_1467 = arith.mulf %get3A_1466, %get3A_190 : vector<16xf32>
        %add3A_1468 = arith.addf %mul3A_1455, %mul3A_1459 : vector<16xf32>
        %add3A_1469 = arith.addf %mul3A_1463, %mul3A_1467 : vector<16xf32>
        %add3A_1470 = arith.addf %add3A_1468, %add3A_1469 : vector<16xf32>
        %swap3A_1471 = arith.constant 51 : index
        %swap3A_1472 = tpu.vector_load %arg11[%swap3A_1471] {strides = array<i32>} : memref<272xf32, #tpu.memory_space<vmem>>, vector<16xf32>,
        tpu.vector_store %arg11[%swap3A_1471], %add3A_1470 {strides = array<i32>} : memref<272xf32, #tpu.memory_space<vmem>>, vector<16xf32>,
        %add3A_1473 = arith.constant 1 : i32
        %add3A_1474 = arith.addi %mul3A_179, %add3A_1473 : i32
        %add3A_1475 = arith.constant 32 : i32
        %add3A_1476 = arith.addi %add3A_1474, %add3A_1475 : i32
        %add3A_1477 = arith.constant 4 : i32
        %add3A_1478 = arith.addi %add3A_1476, %add3A_1477 : i32
        %get3A_1479 = arith.index_cast %add3A_1478 : i32 to index
        %get3A_1480 = arith.constant 0 : index
        %get3A_1481 = tpu.vector_load %arg7[%get3A_1479, %get3A_1480] {strides = array<i32>} : memref<816x64xf32, #tpu.memory_space<vmem>>, vector<16xf32>,
        %mul3A_1482 = arith.mulf %get3A_1481, %get3A_181 : vector<16xf32>
        %get3A_1483 = arith.index_cast %add3A_1478 : i32 to index
        %get3A_1484 = arith.constant 16 : index
        %get3A_1485 = tpu.vector_load %arg7[%get3A_1483, %get3A_1484] {strides = array<i32>} : memref<816x64xf32, #tpu.memory_space<vmem>>, vector<16xf32>,
        %mul3A_1486 = arith.mulf %get3A_1485, %get3A_184 : vector<16xf32>
        %get3A_1487 = arith.index_cast %add3A_1478 : i32 to index
        %get3A_1488 = arith.constant 32 : index
        %get3A_1489 = tpu.vector_load %arg7[%get3A_1487, %get3A_1488] {strides = array<i32>} : memref<816x64xf32, #tpu.memory_space<vmem>>, vector<16xf32>,
        %mul3A_1490 = arith.mulf %get3A_1489, %get3A_187 : vector<16xf32>
        %get3A_1491 = arith.index_cast %add3A_1478 : i32 to index
        %get3A_1492 = arith.constant 48 : index
        %get3A_1493 = tpu.vector_load %arg7[%get3A_1491, %get3A_1492] {strides = array<i32>} : memref<816x64xf32, #tpu.memory_space<vmem>>, vector<16xf32>,
        %mul3A_1494 = arith.mulf %get3A_1493, %get3A_190 : vector<16xf32>
        %add3A_1495 = arith.addf %mul3A_1482, %mul3A_1486 : vector<16xf32>
        %add3A_1496 = arith.addf %mul3A_1490, %mul3A_1494 : vector<16xf32>
        %add3A_1497 = arith.addf %add3A_1495, %add3A_1496 : vector<16xf32>
        %swap3A_1498 = arith.constant 68 : index
        %swap3A_1499 = tpu.vector_load %arg11[%swap3A_1498] {strides = array<i32>} : memref<272xf32, #tpu.memory_space<vmem>>, vector<16xf32>,
        tpu.vector_store %arg11[%swap3A_1498], %add3A_1497 {strides = array<i32>} : memref<272xf32, #tpu.memory_space<vmem>>, vector<16xf32>,
        %add3A_1500 = arith.constant 1 : i32
        %add3A_1501 = arith.addi %mul3A_179, %add3A_1500 : i32
        %add3A_1502 = arith.constant 32 : i32
        %add3A_1503 = arith.addi %add3A_1501, %add3A_1502 : i32
        %add3A_1504 = arith.constant 5 : i32
        %add3A_1505 = arith.addi %add3A_1503, %add3A_1504 : i32
        %get3A_1506 = arith.index_cast %add3A_1505 : i32 to index
        %get3A_1507 = arith.constant 0 : index
        %get3A_1508 = tpu.vector_load %arg7[%get3A_1506, %get3A_1507] {strides = array<i32>} : memref<816x64xf32, #tpu.memory_space<vmem>>, vector<16xf32>,
        %mul3A_1509 = arith.mulf %get3A_1508, %get3A_181 : vector<16xf32>
        %get3A_1510 = arith.index_cast %add3A_1505 : i32 to index
        %get3A_1511 = arith.constant 16 : index
        %get3A_1512 = tpu.vector_load %arg7[%get3A_1510, %get3A_1511] {strides = array<i32>} : memref<816x64xf32, #tpu.memory_space<vmem>>, vector<16xf32>,
        %mul3A_1513 = arith.mulf %get3A_1512, %get3A_184 : vector<16xf32>
        %get3A_1514 = arith.index_cast %add3A_1505 : i32 to index
        %get3A_1515 = arith.constant 32 : index
        %get3A_1516 = tpu.vector_load %arg7[%get3A_1514, %get3A_1515] {strides = array<i32>} : memref<816x64xf32, #tpu.memory_space<vmem>>, vector<16xf32>,
        %mul3A_1517 = arith.mulf %get3A_1516, %get3A_187 : vector<16xf32>
        %get3A_1518 = arith.index_cast %add3A_1505 : i32 to index
        %get3A_1519 = arith.constant 48 : index
        %get3A_1520 = tpu.vector_load %arg7[%get3A_1518, %get3A_1519] {strides = array<i32>} : memref<816x64xf32, #tpu.memory_space<vmem>>, vector<16xf32>,
        %mul3A_1521 = arith.mulf %get3A_1520, %get3A_190 : vector<16xf32>
        %add3A_1522 = arith.addf %mul3A_1509, %mul3A_1513 : vector<16xf32>
        %add3A_1523 = arith.addf %mul3A_1517, %mul3A_1521 : vector<16xf32>
        %add3A_1524 = arith.addf %add3A_1522, %add3A_1523 : vector<16xf32>
        %swap3A_1525 = arith.constant 85 : index
        %swap3A_1526 = tpu.vector_load %arg11[%swap3A_1525] {strides = array<i32>} : memref<272xf32, #tpu.memory_space<vmem>>, vector<16xf32>,
        tpu.vector_store %arg11[%swap3A_1525], %add3A_1524 {strides = array<i32>} : memref<272xf32, #tpu.memory_space<vmem>>, vector<16xf32>,
        %add3A_1527 = arith.constant 1 : i32
        %add3A_1528 = arith.addi %mul3A_179, %add3A_1527 : i32
        %add3A_1529 = arith.constant 32 : i32
        %add3A_1530 = arith.addi %add3A_1528, %add3A_1529 : i32
        %add3A_1531 = arith.constant 6 : i32
        %add3A_1532 = arith.addi %add3A_1530, %add3A_1531 : i32
        %get3A_1533 = arith.index_cast %add3A_1532 : i32 to index
        %get3A_1534 = arith.constant 0 : index
        %get3A_1535 = tpu.vector_load %arg7[%get3A_1533, %get3A_1534] {strides = array<i32>} : memref<816x64xf32, #tpu.memory_space<vmem>>, vector<16xf32>,
        %mul3A_1536 = arith.mulf %get3A_1535, %get3A_181 : vector<16xf32>
        %get3A_1537 = arith.index_cast %add3A_1532 : i32 to index
        %get3A_1538 = arith.constant 16 : index
        %get3A_1539 = tpu.vector_load %arg7[%get3A_1537, %get3A_1538] {strides = array<i32>} : memref<816x64xf32, #tpu.memory_space<vmem>>, vector<16xf32>,
        %mul3A_1540 = arith.mulf %get3A_1539, %get3A_184 : vector<16xf32>
        %get3A_1541 = arith.index_cast %add3A_1532 : i32 to index
        %get3A_1542 = arith.constant 32 : index
        %get3A_1543 = tpu.vector_load %arg7[%get3A_1541, %get3A_1542] {strides = array<i32>} : memref<816x64xf32, #tpu.memory_space<vmem>>, vector<16xf32>,
        %mul3A_1544 = arith.mulf %get3A_1543, %get3A_187 : vector<16xf32>
        %get3A_1545 = arith.index_cast %add3A_1532 : i32 to index
        %get3A_1546 = arith.constant 48 : index
        %get3A_1547 = tpu.vector_load %arg7[%get3A_1545, %get3A_1546] {strides = array<i32>} : memref<816x64xf32, #tpu.memory_space<vmem>>, vector<16xf32>,
        %mul3A_1548 = arith.mulf %get3A_1547, %get3A_190 : vector<16xf32>
        %add3A_1549 = arith.addf %mul3A_1536, %mul3A_1540 : vector<16xf32>
        %add3A_1550 = arith.addf %mul3A_1544, %mul3A_1548 : vector<16xf32>
        %add3A_1551 = arith.addf %add3A_1549, %add3A_1550 : vector<16xf32>
        %swap3A_1552 = arith.constant 102 : index
        %swap3A_1553 = tpu.vector_load %arg11[%swap3A_1552] {strides = array<i32>} : memref<272xf32, #tpu.memory_space<vmem>>, vector<16xf32>,
        tpu.vector_store %arg11[%swap3A_1552], %add3A_1551 {strides = array<i32>} : memref<272xf32, #tpu.memory_space<vmem>>, vector<16xf32>,
        %add3A_1554 = arith.constant 1 : i32
        %add3A_1555 = arith.addi %mul3A_179, %add3A_1554 : i32
        %add3A_1556 = arith.constant 32 : i32
        %add3A_1557 = arith.addi %add3A_1555, %add3A_1556 : i32
        %add3A_1558 = arith.constant 7 : i32
        %add3A_1559 = arith.addi %add3A_1557, %add3A_1558 : i32
        %get3A_1560 = arith.index_cast %add3A_1559 : i32 to index
        %get3A_1561 = arith.constant 0 : index
        %get3A_1562 = tpu.vector_load %arg7[%get3A_1560, %get3A_1561] {strides = array<i32>} : memref<816x64xf32, #tpu.memory_space<vmem>>, vector<16xf32>,
        %mul3A_1563 = arith.mulf %get3A_1562, %get3A_181 : vector<16xf32>
        %get3A_1564 = arith.index_cast %add3A_1559 : i32 to index
        %get3A_1565 = arith.constant 16 : index
        %get3A_1566 = tpu.vector_load %arg7[%get3A_1564, %get3A_1565] {strides = array<i32>} : memref<816x64xf32, #tpu.memory_space<vmem>>, vector<16xf32>,
        %mul3A_1567 = arith.mulf %get3A_1566, %get3A_184 : vector<16xf32>
        %get3A_1568 = arith.index_cast %add3A_1559 : i32 to index
        %get3A_1569 = arith.constant 32 : index
        %get3A_1570 = tpu.vector_load %arg7[%get3A_1568, %get3A_1569] {strides = array<i32>} : memref<816x64xf32, #tpu.memory_space<vmem>>, vector<16xf32>,
        %mul3A_1571 = arith.mulf %get3A_1570, %get3A_187 : vector<16xf32>
        %get3A_1572 = arith.index_cast %add3A_1559 : i32 to index
        %get3A_1573 = arith.constant 48 : index
        %get3A_1574 = tpu.vector_load %arg7[%get3A_1572, %get3A_1573] {strides = array<i32>} : memref<816x64xf32, #tpu.memory_space<vmem>>, vector<16xf32>,
        %mul3A_1575 = arith.mulf %get3A_1574, %get3A_190 : vector<16xf32>
        %add3A_1576 = arith.addf %mul3A_1563, %mul3A_1567 : vector<16xf32>
        %add3A_1577 = arith.addf %mul3A_1571, %mul3A_1575 : vector<16xf32>
        %add3A_1578 = arith.addf %add3A_1576, %add3A_1577 : vector<16xf32>
        %swap3A_1579 = arith.constant 119 : index
        %swap3A_1580 = tpu.vector_load %arg11[%swap3A_1579] {strides = array<i32>} : memref<272xf32, #tpu.memory_space<vmem>>, vector<16xf32>,
        tpu.vector_store %arg11[%swap3A_1579], %add3A_1578 {strides = array<i32>} : memref<272xf32, #tpu.memory_space<vmem>>, vector<16xf32>,
        %add3A_1581 = arith.constant 1 : i32
        %add3A_1582 = arith.addi %mul3A_179, %add3A_1581 : i32
        %add3A_1583 = arith.constant 32 : i32
        %add3A_1584 = arith.addi %add3A_1582, %add3A_1583 : i32
        %add3A_1585 = arith.constant 8 : i32
        %add3A_1586 = arith.addi %add3A_1584, %add3A_1585 : i32
        %get3A_1587 = arith.index_cast %add3A_1586 : i32 to index
        %get3A_1588 = arith.constant 0 : index
        %get3A_1589 = tpu.vector_load %arg7[%get3A_1587, %get3A_1588] {strides = array<i32>} : memref<816x64xf32, #tpu.memory_space<vmem>>, vector<16xf32>,
        %mul3A_1590 = arith.mulf %get3A_1589, %get3A_181 : vector<16xf32>
        %get3A_1591 = arith.index_cast %add3A_1586 : i32 to index
        %get3A_1592 = arith.constant 16 : index
        %get3A_1593 = tpu.vector_load %arg7[%get3A_1591, %get3A_1592] {strides = array<i32>} : memref<816x64xf32, #tpu.memory_space<vmem>>, vector<16xf32>,
        %mul3A_1594 = arith.mulf %get3A_1593, %get3A_184 : vector<16xf32>
        %get3A_1595 = arith.index_cast %add3A_1586 : i32 to index
        %get3A_1596 = arith.constant 32 : index
        %get3A_1597 = tpu.vector_load %arg7[%get3A_1595, %get3A_1596] {strides = array<i32>} : memref<816x64xf32, #tpu.memory_space<vmem>>, vector<16xf32>,
        %mul3A_1598 = arith.mulf %get3A_1597, %get3A_187 : vector<16xf32>
        %get3A_1599 = arith.index_cast %add3A_1586 : i32 to index
        %get3A_1600 = arith.constant 48 : index
        %get3A_1601 = tpu.vector_load %arg7[%get3A_1599, %get3A_1600] {strides = array<i32>} : memref<816x64xf32, #tpu.memory_space<vmem>>, vector<16xf32>,
        %mul3A_1602 = arith.mulf %get3A_1601, %get3A_190 : vector<16xf32>
        %add3A_1603 = arith.addf %mul3A_1590, %mul3A_1594 : vector<16xf32>
        %add3A_1604 = arith.addf %mul3A_1598, %mul3A_1602 : vector<16xf32>
        %add3A_1605 = arith.addf %add3A_1603, %add3A_1604 : vector<16xf32>
        %swap3A_1606 = arith.constant 136 : index
        %swap3A_1607 = tpu.vector_load %arg11[%swap3A_1606] {strides = array<i32>} : memref<272xf32, #tpu.memory_space<vmem>>, vector<16xf32>,
        tpu.vector_store %arg11[%swap3A_1606], %add3A_1605 {strides = array<i32>} : memref<272xf32, #tpu.memory_space<vmem>>, vector<16xf32>,
        %add3A_1608 = arith.constant 1 : i32
        %add3A_1609 = arith.addi %mul3A_179, %add3A_1608 : i32
        %add3A_1610 = arith.constant 32 : i32
        %add3A_1611 = arith.addi %add3A_1609, %add3A_1610 : i32
        %add3A_1612 = arith.constant 9 : i32
        %add3A_1613 = arith.addi %add3A_1611, %add3A_1612 : i32
        %get3A_1614 = arith.index_cast %add3A_1613 : i32 to index
        %get3A_1615 = arith.constant 0 : index
        %get3A_1616 = tpu.vector_load %arg7[%get3A_1614, %get3A_1615] {strides = array<i32>} : memref<816x64xf32, #tpu.memory_space<vmem>>, vector<16xf32>,
        %mul3A_1617 = arith.mulf %get3A_1616, %get3A_181 : vector<16xf32>
        %get3A_1618 = arith.index_cast %add3A_1613 : i32 to index
        %get3A_1619 = arith.constant 16 : index
        %get3A_1620 = tpu.vector_load %arg7[%get3A_1618, %get3A_1619] {strides = array<i32>} : memref<816x64xf32, #tpu.memory_space<vmem>>, vector<16xf32>,
        %mul3A_1621 = arith.mulf %get3A_1620, %get3A_184 : vector<16xf32>
        %get3A_1622 = arith.index_cast %add3A_1613 : i32 to index
        %get3A_1623 = arith.constant 32 : index
        %get3A_1624 = tpu.vector_load %arg7[%get3A_1622, %get3A_1623] {strides = array<i32>} : memref<816x64xf32, #tpu.memory_space<vmem>>, vector<16xf32>,
        %mul3A_1625 = arith.mulf %get3A_1624, %get3A_187 : vector<16xf32>
        %get3A_1626 = arith.index_cast %add3A_1613 : i32 to index
        %get3A_1627 = arith.constant 48 : index
        %get3A_1628 = tpu.vector_load %arg7[%get3A_1626, %get3A_1627] {strides = array<i32>} : memref<816x64xf32, #tpu.memory_space<vmem>>, vector<16xf32>,
        %mul3A_1629 = arith.mulf %get3A_1628, %get3A_190 : vector<16xf32>
        %add3A_1630 = arith.addf %mul3A_1617, %mul3A_1621 : vector<16xf32>
        %add3A_1631 = arith.addf %mul3A_1625, %mul3A_1629 : vector<16xf32>
        %add3A_1632 = arith.addf %add3A_1630, %add3A_1631 : vector<16xf32>
        %swap3A_1633 = arith.constant 153 : index
        %swap3A_1634 = tpu.vector_load %arg11[%swap3A_1633] {strides = array<i32>} : memref<272xf32, #tpu.memory_space<vmem>>, vector<16xf32>,
        tpu.vector_store %arg11[%swap3A_1633], %add3A_1632 {strides = array<i32>} : memref<272xf32, #tpu.memory_space<vmem>>, vector<16xf32>,
        %add3A_1635 = arith.constant 1 : i32
        %add3A_1636 = arith.addi %mul3A_179, %add3A_1635 : i32
        %add3A_1637 = arith.constant 32 : i32
        %add3A_1638 = arith.addi %add3A_1636, %add3A_1637 : i32
        %add3A_1639 = arith.constant 10 : i32
        %add3A_1640 = arith.addi %add3A_1638, %add3A_1639 : i32
        %get3A_1641 = arith.index_cast %add3A_1640 : i32 to index
        %get3A_1642 = arith.constant 0 : index
        %get3A_1643 = tpu.vector_load %arg7[%get3A_1641, %get3A_1642] {strides = array<i32>} : memref<816x64xf32, #tpu.memory_space<vmem>>, vector<16xf32>,
        %mul3A_1644 = arith.mulf %get3A_1643, %get3A_181 : vector<16xf32>
        %get3A_1645 = arith.index_cast %add3A_1640 : i32 to index
        %get3A_1646 = arith.constant 16 : index
        %get3A_1647 = tpu.vector_load %arg7[%get3A_1645, %get3A_1646] {strides = array<i32>} : memref<816x64xf32, #tpu.memory_space<vmem>>, vector<16xf32>,
        %mul3A_1648 = arith.mulf %get3A_1647, %get3A_184 : vector<16xf32>
        %get3A_1649 = arith.index_cast %add3A_1640 : i32 to index
        %get3A_1650 = arith.constant 32 : index
        %get3A_1651 = tpu.vector_load %arg7[%get3A_1649, %get3A_1650] {strides = array<i32>} : memref<816x64xf32, #tpu.memory_space<vmem>>, vector<16xf32>,
        %mul3A_1652 = arith.mulf %get3A_1651, %get3A_187 : vector<16xf32>
        %get3A_1653 = arith.index_cast %add3A_1640 : i32 to index
        %get3A_1654 = arith.constant 48 : index
        %get3A_1655 = tpu.vector_load %arg7[%get3A_1653, %get3A_1654] {strides = array<i32>} : memref<816x64xf32, #tpu.memory_space<vmem>>, vector<16xf32>,
        %mul3A_1656 = arith.mulf %get3A_1655, %get3A_190 : vector<16xf32>
        %add3A_1657 = arith.addf %mul3A_1644, %mul3A_1648 : vector<16xf32>
        %add3A_1658 = arith.addf %mul3A_1652, %mul3A_1656 : vector<16xf32>
        %add3A_1659 = arith.addf %add3A_1657, %add3A_1658 : vector<16xf32>
        %swap3A_1660 = arith.constant 170 : index
        %swap3A_1661 = tpu.vector_load %arg11[%swap3A_1660] {strides = array<i32>} : memref<272xf32, #tpu.memory_space<vmem>>, vector<16xf32>,
        tpu.vector_store %arg11[%swap3A_1660], %add3A_1659 {strides = array<i32>} : memref<272xf32, #tpu.memory_space<vmem>>, vector<16xf32>,
        %add3A_1662 = arith.constant 1 : i32
        %add3A_1663 = arith.addi %mul3A_179, %add3A_1662 : i32
        %add3A_1664 = arith.constant 32 : i32
        %add3A_1665 = arith.addi %add3A_1663, %add3A_1664 : i32
        %add3A_1666 = arith.constant 11 : i32
        %add3A_1667 = arith.addi %add3A_1665, %add3A_1666 : i32
        %get3A_1668 = arith.index_cast %add3A_1667 : i32 to index
        %get3A_1669 = arith.constant 0 : index
        %get3A_1670 = tpu.vector_load %arg7[%get3A_1668, %get3A_1669] {strides = array<i32>} : memref<816x64xf32, #tpu.memory_space<vmem>>, vector<16xf32>,
        %mul3A_1671 = arith.mulf %get3A_1670, %get3A_181 : vector<16xf32>
        %get3A_1672 = arith.index_cast %add3A_1667 : i32 to index
        %get3A_1673 = arith.constant 16 : index
        %get3A_1674 = tpu.vector_load %arg7[%get3A_1672, %get3A_1673] {strides = array<i32>} : memref<816x64xf32, #tpu.memory_space<vmem>>, vector<16xf32>,
        %mul3A_1675 = arith.mulf %get3A_1674, %get3A_184 : vector<16xf32>
        %get3A_1676 = arith.index_cast %add3A_1667 : i32 to index
        %get3A_1677 = arith.constant 32 : index
        %get3A_1678 = tpu.vector_load %arg7[%get3A_1676, %get3A_1677] {strides = array<i32>} : memref<816x64xf32, #tpu.memory_space<vmem>>, vector<16xf32>,
        %mul3A_1679 = arith.mulf %get3A_1678, %get3A_187 : vector<16xf32>
        %get3A_1680 = arith.index_cast %add3A_1667 : i32 to index
        %get3A_1681 = arith.constant 48 : index
        %get3A_1682 = tpu.vector_load %arg7[%get3A_1680, %get3A_1681] {strides = array<i32>} : memref<816x64xf32, #tpu.memory_space<vmem>>, vector<16xf32>,
        %mul3A_1683 = arith.mulf %get3A_1682, %get3A_190 : vector<16xf32>
        %add3A_1684 = arith.addf %mul3A_1671, %mul3A_1675 : vector<16xf32>
        %add3A_1685 = arith.addf %mul3A_1679, %mul3A_1683 : vector<16xf32>
        %add3A_1686 = arith.addf %add3A_1684, %add3A_1685 : vector<16xf32>
        %swap3A_1687 = arith.constant 187 : index
        %swap3A_1688 = tpu.vector_load %arg11[%swap3A_1687] {strides = array<i32>} : memref<272xf32, #tpu.memory_space<vmem>>, vector<16xf32>,
        tpu.vector_store %arg11[%swap3A_1687], %add3A_1686 {strides = array<i32>} : memref<272xf32, #tpu.memory_space<vmem>>, vector<16xf32>,
        %add3A_1689 = arith.constant 1 : i32
        %add3A_1690 = arith.addi %mul3A_179, %add3A_1689 : i32
        %add3A_1691 = arith.constant 32 : i32
        %add3A_1692 = arith.addi %add3A_1690, %add3A_1691 : i32
        %add3A_1693 = arith.constant 12 : i32
        %add3A_1694 = arith.addi %add3A_1692, %add3A_1693 : i32
        %get3A_1695 = arith.index_cast %add3A_1694 : i32 to index
        %get3A_1696 = arith.constant 0 : index
        %get3A_1697 = tpu.vector_load %arg7[%get3A_1695, %get3A_1696] {strides = array<i32>} : memref<816x64xf32, #tpu.memory_space<vmem>>, vector<16xf32>,
        %mul3A_1698 = arith.mulf %get3A_1697, %get3A_181 : vector<16xf32>
        %get3A_1699 = arith.index_cast %add3A_1694 : i32 to index
        %get3A_1700 = arith.constant 16 : index
        %get3A_1701 = tpu.vector_load %arg7[%get3A_1699, %get3A_1700] {strides = array<i32>} : memref<816x64xf32, #tpu.memory_space<vmem>>, vector<16xf32>,
        %mul3A_1702 = arith.mulf %get3A_1701, %get3A_184 : vector<16xf32>
        %get3A_1703 = arith.index_cast %add3A_1694 : i32 to index
        %get3A_1704 = arith.constant 32 : index
        %get3A_1705 = tpu.vector_load %arg7[%get3A_1703, %get3A_1704] {strides = array<i32>} : memref<816x64xf32, #tpu.memory_space<vmem>>, vector<16xf32>,
        %mul3A_1706 = arith.mulf %get3A_1705, %get3A_187 : vector<16xf32>
        %get3A_1707 = arith.index_cast %add3A_1694 : i32 to index
        %get3A_1708 = arith.constant 48 : index
        %get3A_1709 = tpu.vector_load %arg7[%get3A_1707, %get3A_1708] {strides = array<i32>} : memref<816x64xf32, #tpu.memory_space<vmem>>, vector<16xf32>,
        %mul3A_1710 = arith.mulf %get3A_1709, %get3A_190 : vector<16xf32>
        %add3A_1711 = arith.addf %mul3A_1698, %mul3A_1702 : vector<16xf32>
        %add3A_1712 = arith.addf %mul3A_1706, %mul3A_1710 : vector<16xf32>
        %add3A_1713 = arith.addf %add3A_1711, %add3A_1712 : vector<16xf32>
        %swap3A_1714 = arith.constant 204 : index
        %swap3A_1715 = tpu.vector_load %arg11[%swap3A_1714] {strides = array<i32>} : memref<272xf32, #tpu.memory_space<vmem>>, vector<16xf32>,
        tpu.vector_store %arg11[%swap3A_1714], %add3A_1713 {strides = array<i32>} : memref<272xf32, #tpu.memory_space<vmem>>, vector<16xf32>,
        %add3A_1716 = arith.constant 1 : i32
        %add3A_1717 = arith.addi %mul3A_179, %add3A_1716 : i32
        %add3A_1718 = arith.constant 32 : i32
        %add3A_1719 = arith.addi %add3A_1717, %add3A_1718 : i32
        %add3A_1720 = arith.constant 13 : i32
        %add3A_1721 = arith.addi %add3A_1719, %add3A_1720 : i32
        %get3A_1722 = arith.index_cast %add3A_1721 : i32 to index
        %get3A_1723 = arith.constant 0 : index
        %get3A_1724 = tpu.vector_load %arg7[%get3A_1722, %get3A_1723] {strides = array<i32>} : memref<816x64xf32, #tpu.memory_space<vmem>>, vector<16xf32>,
        %mul3A_1725 = arith.mulf %get3A_1724, %get3A_181 : vector<16xf32>
        %get3A_1726 = arith.index_cast %add3A_1721 : i32 to index
        %get3A_1727 = arith.constant 16 : index
        %get3A_1728 = tpu.vector_load %arg7[%get3A_1726, %get3A_1727] {strides = array<i32>} : memref<816x64xf32, #tpu.memory_space<vmem>>, vector<16xf32>,
        %mul3A_1729 = arith.mulf %get3A_1728, %get3A_184 : vector<16xf32>
        %get3A_1730 = arith.index_cast %add3A_1721 : i32 to index
        %get3A_1731 = arith.constant 32 : index
        %get3A_1732 = tpu.vector_load %arg7[%get3A_1730, %get3A_1731] {strides = array<i32>} : memref<816x64xf32, #tpu.memory_space<vmem>>, vector<16xf32>,
        %mul3A_1733 = arith.mulf %get3A_1732, %get3A_187 : vector<16xf32>
        %get3A_1734 = arith.index_cast %add3A_1721 : i32 to index
        %get3A_1735 = arith.constant 48 : index
        %get3A_1736 = tpu.vector_load %arg7[%get3A_1734, %get3A_1735] {strides = array<i32>} : memref<816x64xf32, #tpu.memory_space<vmem>>, vector<16xf32>,
        %mul3A_1737 = arith.mulf %get3A_1736, %get3A_190 : vector<16xf32>
        %add3A_1738 = arith.addf %mul3A_1725, %mul3A_1729 : vector<16xf32>
        %add3A_1739 = arith.addf %mul3A_1733, %mul3A_1737 : vector<16xf32>
        %add3A_1740 = arith.addf %add3A_1738, %add3A_1739 : vector<16xf32>
        %swap3A_1741 = arith.constant 221 : index
        %swap3A_1742 = tpu.vector_load %arg11[%swap3A_1741] {strides = array<i32>} : memref<272xf32, #tpu.memory_space<vmem>>, vector<16xf32>,
        tpu.vector_store %arg11[%swap3A_1741], %add3A_1740 {strides = array<i32>} : memref<272xf32, #tpu.memory_space<vmem>>, vector<16xf32>,
        %add3A_1743 = arith.constant 1 : i32
        %add3A_1744 = arith.addi %mul3A_179, %add3A_1743 : i32
        %add3A_1745 = arith.constant 32 : i32
        %add3A_1746 = arith.addi %add3A_1744, %add3A_1745 : i32
        %add3A_1747 = arith.constant 14 : i32
        %add3A_1748 = arith.addi %add3A_1746, %add3A_1747 : i32
        %get3A_1749 = arith.index_cast %add3A_1748 : i32 to index
        %get3A_1750 = arith.constant 0 : index
        %get3A_1751 = tpu.vector_load %arg7[%get3A_1749, %get3A_1750] {strides = array<i32>} : memref<816x64xf32, #tpu.memory_space<vmem>>, vector<16xf32>,
        %mul3A_1752 = arith.mulf %get3A_1751, %get3A_181 : vector<16xf32>
        %get3A_1753 = arith.index_cast %add3A_1748 : i32 to index
        %get3A_1754 = arith.constant 16 : index
        %get3A_1755 = tpu.vector_load %arg7[%get3A_1753, %get3A_1754] {strides = array<i32>} : memref<816x64xf32, #tpu.memory_space<vmem>>, vector<16xf32>,
        %mul3A_1756 = arith.mulf %get3A_1755, %get3A_184 : vector<16xf32>
        %get3A_1757 = arith.index_cast %add3A_1748 : i32 to index
        %get3A_1758 = arith.constant 32 : index
        %get3A_1759 = tpu.vector_load %arg7[%get3A_1757, %get3A_1758] {strides = array<i32>} : memref<816x64xf32, #tpu.memory_space<vmem>>, vector<16xf32>,
        %mul3A_1760 = arith.mulf %get3A_1759, %get3A_187 : vector<16xf32>
        %get3A_1761 = arith.index_cast %add3A_1748 : i32 to index
        %get3A_1762 = arith.constant 48 : index
        %get3A_1763 = tpu.vector_load %arg7[%get3A_1761, %get3A_1762] {strides = array<i32>} : memref<816x64xf32, #tpu.memory_space<vmem>>, vector<16xf32>,
        %mul3A_1764 = arith.mulf %get3A_1763, %get3A_190 : vector<16xf32>
        %add3A_1765 = arith.addf %mul3A_1752, %mul3A_1756 : vector<16xf32>
        %add3A_1766 = arith.addf %mul3A_1760, %mul3A_1764 : vector<16xf32>
        %add3A_1767 = arith.addf %add3A_1765, %add3A_1766 : vector<16xf32>
        %swap3A_1768 = arith.constant 238 : index
        %swap3A_1769 = tpu.vector_load %arg11[%swap3A_1768] {strides = array<i32>} : memref<272xf32, #tpu.memory_space<vmem>>, vector<16xf32>,
        tpu.vector_store %arg11[%swap3A_1768], %add3A_1767 {strides = array<i32>} : memref<272xf32, #tpu.memory_space<vmem>>, vector<16xf32>,
        %add3A_1770 = arith.constant 1 : i32
        %add3A_1771 = arith.addi %mul3A_179, %add3A_1770 : i32
        %add3A_1772 = arith.constant 32 : i32
        %add3A_1773 = arith.addi %add3A_1771, %add3A_1772 : i32
        %add3A_1774 = arith.constant 15 : i32
        %add3A_1775 = arith.addi %add3A_1773, %add3A_1774 : i32
        %get3A_1776 = arith.index_cast %add3A_1775 : i32 to index
        %get3A_1777 = arith.constant 0 : index
        %get3A_1778 = tpu.vector_load %arg7[%get3A_1776, %get3A_1777] {strides = array<i32>} : memref<816x64xf32, #tpu.memory_space<vmem>>, vector<16xf32>,
        %mul3A_1779 = arith.mulf %get3A_1778, %get3A_181 : vector<16xf32>
        %get3A_1780 = arith.index_cast %add3A_1775 : i32 to index
        %get3A_1781 = arith.constant 16 : index
        %get3A_1782 = tpu.vector_load %arg7[%get3A_1780, %get3A_1781] {strides = array<i32>} : memref<816x64xf32, #tpu.memory_space<vmem>>, vector<16xf32>,
        %mul3A_1783 = arith.mulf %get3A_1782, %get3A_184 : vector<16xf32>
        %get3A_1784 = arith.index_cast %add3A_1775 : i32 to index
        %get3A_1785 = arith.constant 32 : index
        %get3A_1786 = tpu.vector_load %arg7[%get3A_1784, %get3A_1785] {strides = array<i32>} : memref<816x64xf32, #tpu.memory_space<vmem>>, vector<16xf32>,
        %mul3A_1787 = arith.mulf %get3A_1786, %get3A_187 : vector<16xf32>
        %get3A_1788 = arith.index_cast %add3A_1775 : i32 to index
        %get3A_1789 = arith.constant 48 : index
        %get3A_1790 = tpu.vector_load %arg7[%get3A_1788, %get3A_1789] {strides = array<i32>} : memref<816x64xf32, #tpu.memory_space<vmem>>, vector<16xf32>,
        %mul3A_1791 = arith.mulf %get3A_1790, %get3A_190 : vector<16xf32>
        %add3A_1792 = arith.addf %mul3A_1779, %mul3A_1783 : vector<16xf32>
        %add3A_1793 = arith.addf %mul3A_1787, %mul3A_1791 : vector<16xf32>
        %add3A_1794 = arith.addf %add3A_1792, %add3A_1793 : vector<16xf32>
        %swap3A_1795 = arith.constant 255 : index
        %swap3A_1796 = tpu.vector_load %arg11[%swap3A_1795] {strides = array<i32>} : memref<272xf32, #tpu.memory_space<vmem>>, vector<16xf32>,
        tpu.vector_store %arg11[%swap3A_1795], %add3A_1794 {strides = array<i32>} : memref<272xf32, #tpu.memory_space<vmem>>, vector<16xf32>,
        %add3A_1797 = arith.constant 0 : i32
        %add3A_1798 = vector.broadcast %add3A_1797 : i32 to vector<16xi32>
        %add3A_1799 = arith.addi %mul3A_193, %add3A_1798 : vector<16xi32>
        %gather3A_1800 = tpu.vector_load_idx %arg11[%add3A_1799] : memref<272xf32, #tpu.memory_space<vmem>>[vector<16xi32>], vector<16xf32>,
        %add3A_1801 = arith.constant 1 : i32
        %add3A_1802 = vector.broadcast %add3A_1801 : i32 to vector<16xi32>
        %add3A_1803 = arith.addi %mul3A_193, %add3A_1802 : vector<16xi32>
        %gather3A_1804 = tpu.vector_load_idx %arg11[%add3A_1803] : memref<272xf32, #tpu.memory_space<vmem>>[vector<16xi32>], vector<16xf32>,
        %add3A_1805 = arith.constant 2 : i32
        %add3A_1806 = vector.broadcast %add3A_1805 : i32 to vector<16xi32>
        %add3A_1807 = arith.addi %mul3A_193, %add3A_1806 : vector<16xi32>
        %gather3A_1808 = tpu.vector_load_idx %arg11[%add3A_1807] : memref<272xf32, #tpu.memory_space<vmem>>[vector<16xi32>], vector<16xf32>,
        %add3A_1809 = arith.constant 3 : i32
        %add3A_1810 = vector.broadcast %add3A_1809 : i32 to vector<16xi32>
        %add3A_1811 = arith.addi %mul3A_193, %add3A_1810 : vector<16xi32>
        %gather3A_1812 = tpu.vector_load_idx %arg11[%add3A_1811] : memref<272xf32, #tpu.memory_space<vmem>>[vector<16xi32>], vector<16xf32>,
        %add3A_1813 = arith.constant 4 : i32
        %add3A_1814 = vector.broadcast %add3A_1813 : i32 to vector<16xi32>
        %add3A_1815 = arith.addi %mul3A_193, %add3A_1814 : vector<16xi32>
        %gather3A_1816 = tpu.vector_load_idx %arg11[%add3A_1815] : memref<272xf32, #tpu.memory_space<vmem>>[vector<16xi32>], vector<16xf32>,
        %add3A_1817 = arith.constant 5 : i32
        %add3A_1818 = vector.broadcast %add3A_1817 : i32 to vector<16xi32>
        %add3A_1819 = arith.addi %mul3A_193, %add3A_1818 : vector<16xi32>
        %gather3A_1820 = tpu.vector_load_idx %arg11[%add3A_1819] : memref<272xf32, #tpu.memory_space<vmem>>[vector<16xi32>], vector<16xf32>,
        %add3A_1821 = arith.constant 6 : i32
        %add3A_1822 = vector.broadcast %add3A_1821 : i32 to vector<16xi32>
        %add3A_1823 = arith.addi %mul3A_193, %add3A_1822 : vector<16xi32>
        %gather3A_1824 = tpu.vector_load_idx %arg11[%add3A_1823] : memref<272xf32, #tpu.memory_space<vmem>>[vector<16xi32>], vector<16xf32>,
        %add3A_1825 = arith.constant 7 : i32
        %add3A_1826 = vector.broadcast %add3A_1825 : i32 to vector<16xi32>
        %add3A_1827 = arith.addi %mul3A_193, %add3A_1826 : vector<16xi32>
        %gather3A_1828 = tpu.vector_load_idx %arg11[%add3A_1827] : memref<272xf32, #tpu.memory_space<vmem>>[vector<16xi32>], vector<16xf32>,
        %add3A_1829 = arith.constant 8 : i32
        %add3A_1830 = vector.broadcast %add3A_1829 : i32 to vector<16xi32>
        %add3A_1831 = arith.addi %mul3A_193, %add3A_1830 : vector<16xi32>
        %gather3A_1832 = tpu.vector_load_idx %arg11[%add3A_1831] : memref<272xf32, #tpu.memory_space<vmem>>[vector<16xi32>], vector<16xf32>,
        %add3A_1833 = arith.constant 9 : i32
        %add3A_1834 = vector.broadcast %add3A_1833 : i32 to vector<16xi32>
        %add3A_1835 = arith.addi %mul3A_193, %add3A_1834 : vector<16xi32>
        %gather3A_1836 = tpu.vector_load_idx %arg11[%add3A_1835] : memref<272xf32, #tpu.memory_space<vmem>>[vector<16xi32>], vector<16xf32>,
        %add3A_1837 = arith.constant 10 : i32
        %add3A_1838 = vector.broadcast %add3A_1837 : i32 to vector<16xi32>
        %add3A_1839 = arith.addi %mul3A_193, %add3A_1838 : vector<16xi32>
        %gather3A_1840 = tpu.vector_load_idx %arg11[%add3A_1839] : memref<272xf32, #tpu.memory_space<vmem>>[vector<16xi32>], vector<16xf32>,
        %add3A_1841 = arith.constant 11 : i32
        %add3A_1842 = vector.broadcast %add3A_1841 : i32 to vector<16xi32>
        %add3A_1843 = arith.addi %mul3A_193, %add3A_1842 : vector<16xi32>
        %gather3A_1844 = tpu.vector_load_idx %arg11[%add3A_1843] : memref<272xf32, #tpu.memory_space<vmem>>[vector<16xi32>], vector<16xf32>,
        %add3A_1845 = arith.constant 12 : i32
        %add3A_1846 = vector.broadcast %add3A_1845 : i32 to vector<16xi32>
        %add3A_1847 = arith.addi %mul3A_193, %add3A_1846 : vector<16xi32>
        %gather3A_1848 = tpu.vector_load_idx %arg11[%add3A_1847] : memref<272xf32, #tpu.memory_space<vmem>>[vector<16xi32>], vector<16xf32>,
        %add3A_1849 = arith.constant 13 : i32
        %add3A_1850 = vector.broadcast %add3A_1849 : i32 to vector<16xi32>
        %add3A_1851 = arith.addi %mul3A_193, %add3A_1850 : vector<16xi32>
        %gather3A_1852 = tpu.vector_load_idx %arg11[%add3A_1851] : memref<272xf32, #tpu.memory_space<vmem>>[vector<16xi32>], vector<16xf32>,
        %add3A_1853 = arith.constant 14 : i32
        %add3A_1854 = vector.broadcast %add3A_1853 : i32 to vector<16xi32>
        %add3A_1855 = arith.addi %mul3A_193, %add3A_1854 : vector<16xi32>
        %gather3A_1856 = tpu.vector_load_idx %arg11[%add3A_1855] : memref<272xf32, #tpu.memory_space<vmem>>[vector<16xi32>], vector<16xf32>,
        %add3A_1857 = arith.constant 15 : i32
        %add3A_1858 = vector.broadcast %add3A_1857 : i32 to vector<16xi32>
        %add3A_1859 = arith.addi %mul3A_193, %add3A_1858 : vector<16xi32>
        %gather3A_1860 = tpu.vector_load_idx %arg11[%add3A_1859] : memref<272xf32, #tpu.memory_space<vmem>>[vector<16xi32>], vector<16xf32>,
        %add3A_1861 = arith.addf %gather3A_1800, %gather3A_1804 : vector<16xf32>
        %add3A_1862 = arith.addf %gather3A_1808, %gather3A_1812 : vector<16xf32>
        %add3A_1863 = arith.addf %gather3A_1816, %gather3A_1820 : vector<16xf32>
        %add3A_1864 = arith.addf %gather3A_1824, %gather3A_1828 : vector<16xf32>
        %add3A_1865 = arith.addf %gather3A_1832, %gather3A_1836 : vector<16xf32>
        %add3A_1866 = arith.addf %gather3A_1840, %gather3A_1844 : vector<16xf32>
        %add3A_1867 = arith.addf %gather3A_1848, %gather3A_1852 : vector<16xf32>
        %add3A_1868 = arith.addf %gather3A_1856, %gather3A_1860 : vector<16xf32>
        %add3A_1869 = arith.addf %add3A_1861, %add3A_1862 : vector<16xf32>
        %add3A_1870 = arith.addf %add3A_1863, %add3A_1864 : vector<16xf32>
        %add3A_1871 = arith.addf %add3A_1865, %add3A_1866 : vector<16xf32>
        %add3A_1872 = arith.addf %add3A_1867, %add3A_1868 : vector<16xf32>
        %add3A_1873 = arith.addf %add3A_1869, %add3A_1870 : vector<16xf32>
        %add3A_1874 = arith.addf %add3A_1871, %add3A_1872 : vector<16xf32>
        %add3A_1875 = arith.addf %add3A_1873, %add3A_1874 : vector<16xf32>
        %mul3A_1876 = arith.constant 50 : i32
        %mul3A_1877 = arith.muli %scan3A_177, %mul3A_1876 : i32
        %add3A_1878 = arith.constant 32 : i32
        %add3A_1879 = arith.addi %mul3A_1877, %add3A_1878 : i32
        %swap3A_1880 = arith.index_cast %add3A_1879 : i32 to index
        %swap3A_1881 = tpu.vector_load %arg9[%swap3A_1880] {strides = array<i32>} : memref<816xf32, #tpu.memory_space<vmem>>, vector<16xf32>,
        tpu.vector_store %arg9[%swap3A_1880], %add3A_1875 {strides = array<i32>} : memref<816xf32, #tpu.memory_space<vmem>>, vector<16xf32>,
      }
      %scan3A_119 = arith.constant 16 : i32
      %mul3A_120 = arith.constant 16 : i32
      %mul3A_121 = arith.muli %add3A_92, %mul3A_120 : i32
      %add3A_122 = arith.addi %mul3A_2, %mul3A_121 : i32
      %mul3A_123 = arith.constant 50 : i32
      %mul3A_124 = arith.muli %add3A_122, %mul3A_123 : i32
      %dma_start3A_125 = arith.constant 0 : i32
      %dma_start3A_126 = tpu.memref_slice %arg9[%dma_start3A_125] : memref<816xf32, #tpu.memory_space<vmem>> -> memref<800xf32, #tpu.memory_space<vmem>>
      %dma_start3A_127 = tpu.memref_slice %arg4[%mul3A_124] : memref<819200xf32, #tpu.memory_space<hbm>> -> memref<800xf32, #tpu.memory_space<hbm>>
      %dma_start3A_128 = tpu.memref_slice %arg4[%mul3A_124] : memref<819200xf32, #tpu.memory_space<hbm>> -> memref<800xf32, #tpu.memory_space<hbm>>
      %dma_start3A_129 = arith.constant 0 : i32
      %dma_start3A_130 = tpu.memref_slice %arg9[%dma_start3A_129] : memref<816xf32, #tpu.memory_space<vmem>> -> memref<800xf32, #tpu.memory_space<vmem>>
      tpu.enqueue_dma source(%dma_start3A_130 : memref<800xf32, #tpu.memory_space<vmem>>) target(%dma_start3A_128 : memref<800xf32, #tpu.memory_space<hbm>>) target_semaphore(%arg16 : memref<!tpu.dma_semaphore, #tpu.memory_space<semaphore_mem>>)
      %mul3A_131 = arith.constant 2 : i32
      %mul3A_132 = arith.muli %scan3A_88, %mul3A_131 : i32
      %add3A_133 = arith.constant 1 : i32
      %add3A_134 = arith.addi %mul3A_132, %add3A_133 : i32
      %add3A_135 = arith.constant 1 : i32
      %add3A_136 = arith.addi %add3A_134, %add3A_135 : i32
      %lt3A_137 = arith.constant 32 : i32
      %lt3A_138 = arith.cmpi slt, %add3A_136, %lt3A_137 : i32
      %convert_element_type3A_139 = arith.extui %lt3A_138 : i1 to i32
      %cond3A_140 = arith.constant 0 : i32
      %cond3A_141 = arith.cmpi ne, %convert_element_type3A_139, %cond3A_140 : i32
      scf.if %cond3A_141 {
        %dma_wait3A_177 = arith.constant 0 : i32
        %dma_wait3A_178 = arith.constant 0 : i32
        %dma_wait3A_179 = tpu.memref_slice %arg2[%dma_wait3A_177, %dma_wait3A_178] : memref<1024x816xi32, #tpu.memory_space<hbm>> -> memref<1x816xi32, #tpu.memory_space<hbm>>
        %dma_wait3A_180 = tpu.memref_squeeze %dma_wait3A_179 : memref<1x816xi32, #tpu.memory_space<hbm>> -> memref<816xi32, #tpu.memory_space<hbm>>
        %dma_wait3A_181 = arith.constant 0 : i32
        %dma_wait3A_182 = tpu.memref_slice %arg2[%dma_wait3A_177, %dma_wait3A_181] : memref<1024x816xi32, #tpu.memory_space<hbm>> -> memref<1x816xi32, #tpu.memory_space<hbm>>
        %dma_wait3A_183 = tpu.memref_squeeze %dma_wait3A_182 : memref<1x816xi32, #tpu.memory_space<hbm>> -> memref<816xi32, #tpu.memory_space<hbm>>
        tpu.wait_dma2 semaphore(%arg14 : memref<!tpu.dma_semaphore, #tpu.memory_space<semaphore_mem>>) src(%dma_wait3A_183 : memref<816xi32, #tpu.memory_space<hbm>>) dst(%arg5 : memref<816xi32, #tpu.memory_space<vmem>>)
        %dma_start3A_184 = arith.constant 0 : i32
        %dma_start3A_185 = arith.constant 0 : i32
        %dma_start3A_186 = tpu.memref_slice %arg3[%dma_start3A_184, %dma_start3A_185] : memref<1000000x64xf32, #tpu.memory_space<hbm>> -> memref<1000000x64xf32, #tpu.memory_space<hbm>>
        tpu.enqueue_indirect_dma source(%dma_start3A_186 : memref<1000000x64xf32, #tpu.memory_space<hbm>>) target(%arg7 : memref<816x64xf32, #tpu.memory_space<vmem>>) offsets(%arg5 : memref<816xi32, #tpu.memory_space<vmem>>) semaphore(%arg12 : memref<!tpu.dma_semaphore, #tpu.memory_space<semaphore_mem>>)
      } else {
      }
      %dma_wait3A_142 = arith.constant 0 : i32
      %dma_wait3A_143 = arith.constant 0 : i32
      %dma_wait3A_144 = tpu.memref_slice %arg3[%dma_wait3A_142, %dma_wait3A_143] : memref<1000000x64xf32, #tpu.memory_space<hbm>> -> memref<816x64xf32, #tpu.memory_space<hbm>>
      %dma_wait3A_145 = arith.constant 0 : i32
      %dma_wait3A_146 = arith.constant 0 : i32
      %dma_wait3A_147 = tpu.memref_slice %arg3[%dma_wait3A_145, %dma_wait3A_146] : memref<1000000x64xf32, #tpu.memory_space<hbm>> -> memref<816x64xf32, #tpu.memory_space<hbm>>
      tpu.wait_dma2 semaphore(%arg13 : memref<!tpu.dma_semaphore, #tpu.memory_space<semaphore_mem>>) src(%dma_wait3A_147 : memref<816x64xf32, #tpu.memory_space<hbm>>) dst(%arg8 : memref<816x64xf32, #tpu.memory_space<vmem>>)
      %add3A_148 = arith.constant 2 : i32
      %add3A_149 = arith.addi %add3A_134, %add3A_148 : i32
      %lt3A_150 = arith.constant 32 : i32
      %lt3A_151 = arith.cmpi slt, %add3A_149, %lt3A_150 : i32
      %convert_element_type3A_152 = arith.extui %lt3A_151 : i1 to i32
      %cond3A_153 = arith.constant 0 : i32
      %cond3A_154 = arith.cmpi ne, %convert_element_type3A_152, %cond3A_153 : i32
      scf.if %cond3A_154 {
        %add3A_177 = arith.constant 2 : i32
        %add3A_178 = arith.addi %add3A_134, %add3A_177 : i32
        %jit3A_179 = arith.constant 16 : i32
        %div3A_180 = arith.divsi %mul3A_2, %jit3A_179 : i32
        %sign3A_181 = arith.constant 0 : i32
        %sign3A_182 = arith.cmpi sgt, %mul3A_2, %sign3A_181 : i32
        %sign3A_183 = arith.extui %sign3A_182 : i1 to i32
        %sign3A_184 = arith.constant 0 : i32
        %sign3A_185 = arith.cmpi slt, %mul3A_2, %sign3A_184 : i32
        %sign3A_186 = arith.extui %sign3A_185 : i1 to i32
        %sign3A_187 = arith.subi %sign3A_183, %sign3A_186 : i32
        %sign3A_188 = arith.constant 0 : i32
        %sign3A_189 = arith.cmpi sgt, %jit3A_179, %sign3A_188 : i32
        %sign3A_190 = arith.extui %sign3A_189 : i1 to i32
        %sign3A_191 = arith.constant 0 : i32
        %sign3A_192 = arith.cmpi slt, %jit3A_179, %sign3A_191 : i32
        %sign3A_193 = arith.extui %sign3A_192 : i1 to i32
        %sign3A_194 = arith.subi %sign3A_190, %sign3A_193 : i32
        %ne3A_195 = arith.cmpi ne, %sign3A_187, %sign3A_194 : i32
        %rem3A_196 = arith.remsi %mul3A_2, %jit3A_179 : i32
        %ne3A_197 = arith.constant 0 : i32
        %ne3A_198 = arith.cmpi ne, %rem3A_196, %ne3A_197 : i32
        %and3A_199 = arith.andi %ne3A_195, %ne3A_198 : i1
        %sub3A_200 = arith.constant 1 : i32
        %sub3A_201 = arith.subi %div3A_180, %sub3A_200 : i32
        %select_n3A_202 = arith.select %and3A_199, %sub3A_201, %div3A_180 : i32
        %add3A_203 = arith.addi %select_n3A_202, %add3A_178 : i32
        %dma_start3A_204 = arith.constant 0 : i32
        %dma_start3A_205 = tpu.memref_slice %arg2[%add3A_203, %dma_start3A_204] : memref<1024x816xi32, #tpu.memory_space<hbm>> -> memref<1x816xi32, #tpu.memory_space<hbm>>
        %dma_start3A_206 = tpu.memref_squeeze %dma_start3A_205 : memref<1x816xi32, #tpu.memory_space<hbm>> -> memref<816xi32, #tpu.memory_space<hbm>>
        %dma_start3A_207 = arith.constant 0 : i32
        %dma_start3A_208 = tpu.memref_slice %arg2[%add3A_203, %dma_start3A_207] : memref<1024x816xi32, #tpu.memory_space<hbm>> -> memref<1x816xi32, #tpu.memory_space<hbm>>
        %dma_start3A_209 = tpu.memref_squeeze %dma_start3A_208 : memref<1x816xi32, #tpu.memory_space<hbm>> -> memref<816xi32, #tpu.memory_space<hbm>>
        tpu.enqueue_dma source(%dma_start3A_209 : memref<816xi32, #tpu.memory_space<hbm>>) target(%arg6 : memref<816xi32, #tpu.memory_space<vmem>>) target_semaphore(%arg15 : memref<!tpu.dma_semaphore, #tpu.memory_space<semaphore_mem>>)
      } else {
      }
      %ge3A_155 = arith.constant 2 : i32
      %ge3A_156 = arith.cmpi sge, %add3A_134, %ge3A_155 : i32
      %convert_element_type3A_157 = arith.extui %ge3A_156 : i1 to i32
      %cond3A_158 = arith.constant 0 : i32
      %cond3A_159 = arith.cmpi ne, %convert_element_type3A_157, %cond3A_158 : i32
      scf.if %cond3A_159 {
        %dma_wait3A_177 = arith.constant 0 : i32
        %dma_wait3A_178 = tpu.memref_slice %arg10[%dma_wait3A_177] : memref<816xf32, #tpu.memory_space<vmem>> -> memref<800xf32, #tpu.memory_space<vmem>>
        %dma_wait3A_179 = arith.constant 0 : i32
        %dma_wait3A_180 = tpu.memref_slice %arg4[%dma_wait3A_179] : memref<819200xf32, #tpu.memory_space<hbm>> -> memref<800xf32, #tpu.memory_space<hbm>>
        %dma_wait3A_181 = arith.constant 0 : i32
        %dma_wait3A_182 = tpu.memref_slice %arg10[%dma_wait3A_181] : memref<816xf32, #tpu.memory_space<vmem>> -> memref<800xf32, #tpu.memory_space<vmem>>
        %dma_wait3A_183 = arith.constant 0 : i32
        %dma_wait3A_184 = tpu.memref_slice %arg4[%dma_wait3A_183] : memref<819200xf32, #tpu.memory_space<hbm>> -> memref<800xf32, #tpu.memory_space<hbm>>
        tpu.wait_dma2 semaphore(%arg17 : memref<!tpu.dma_semaphore, #tpu.memory_space<semaphore_mem>>) src(%dma_wait3A_184 : memref<800xf32, #tpu.memory_space<hbm>>) dst(%dma_wait3A_182 : memref<800xf32, #tpu.memory_space<vmem>>)
      } else {
      }
      %scan3A_160 = arith.constant 0 : i32
      %scan3A_161 = arith.constant 0 : i32
      %scan3A_162 = arith.constant 16 : i32
      %scan3A_163 = arith.addi %scan3A_161, %scan3A_162 : i32
      %scan3A_164 = arith.constant 1 : i32
      scf.for %scan3A_177 = %scan3A_161 to %scan3A_163 step %scan3A_164  : i32 {
        %mul3A_178 = arith.constant 51 : i32
        %mul3A_179 = arith.muli %scan3A_177, %mul3A_178 : i32
        %get3A = arith.index_cast %mul3A_179 : i32 to index
        %get3A_180 = arith.constant 0 : index
        %get3A_181 = tpu.vector_load %arg8[%get3A, %get3A_180] {strides = array<i32>} : memref<816x64xf32, #tpu.memory_space<vmem>>, vector<16xf32>,
        %get3A_182 = arith.index_cast %mul3A_179 : i32 to index
        %get3A_183 = arith.constant 16 : index
        %get3A_184 = tpu.vector_load %arg8[%get3A_182, %get3A_183] {strides = array<i32>} : memref<816x64xf32, #tpu.memory_space<vmem>>, vector<16xf32>,
        %get3A_185 = arith.index_cast %mul3A_179 : i32 to index
        %get3A_186 = arith.constant 32 : index
        %get3A_187 = tpu.vector_load %arg8[%get3A_185, %get3A_186] {strides = array<i32>} : memref<816x64xf32, #tpu.memory_space<vmem>>, vector<16xf32>,
        %get3A_188 = arith.index_cast %mul3A_179 : i32 to index
        %get3A_189 = arith.constant 48 : index
        %get3A_190 = tpu.vector_load %arg8[%get3A_188, %get3A_189] {strides = array<i32>} : memref<816x64xf32, #tpu.memory_space<vmem>>, vector<16xf32>,
        %mul3A_191 = arith.constant 17 : i32
        %mul3A_192 = vector.broadcast %mul3A_191 : i32 to vector<16xi32>
        %mul3A_193 = arith.muli %iota3A, %mul3A_192 : vector<16xi32>
        %add3A_194 = arith.constant 1 : i32
        %add3A_195 = arith.addi %mul3A_179, %add3A_194 : i32
        %add3A_196 = arith.constant 48 : i32
        %add3A_197 = arith.addi %add3A_195, %add3A_196 : i32
        %add3A_198 = arith.constant 0 : i32
        %add3A_199 = arith.addi %add3A_197, %add3A_198 : i32
        %get3A_200 = arith.index_cast %add3A_199 : i32 to index
        %get3A_201 = arith.constant 0 : index
        %get3A_202 = tpu.vector_load %arg8[%get3A_200, %get3A_201] {strides = array<i32>} : memref<816x64xf32, #tpu.memory_space<vmem>>, vector<16xf32>,
        %mul3A_203 = arith.mulf %get3A_202, %get3A_181 : vector<16xf32>
        %get3A_204 = arith.index_cast %add3A_199 : i32 to index
        %get3A_205 = arith.constant 16 : index
        %get3A_206 = tpu.vector_load %arg8[%get3A_204, %get3A_205] {strides = array<i32>} : memref<816x64xf32, #tpu.memory_space<vmem>>, vector<16xf32>,
        %mul3A_207 = arith.mulf %get3A_206, %get3A_184 : vector<16xf32>
        %get3A_208 = arith.index_cast %add3A_199 : i32 to index
        %get3A_209 = arith.constant 32 : index
        %get3A_210 = tpu.vector_load %arg8[%get3A_208, %get3A_209] {strides = array<i32>} : memref<816x64xf32, #tpu.memory_space<vmem>>, vector<16xf32>,
        %mul3A_211 = arith.mulf %get3A_210, %get3A_187 : vector<16xf32>
        %get3A_212 = arith.index_cast %add3A_199 : i32 to index
        %get3A_213 = arith.constant 48 : index
        %get3A_214 = tpu.vector_load %arg8[%get3A_212, %get3A_213] {strides = array<i32>} : memref<816x64xf32, #tpu.memory_space<vmem>>, vector<16xf32>,
        %mul3A_215 = arith.mulf %get3A_214, %get3A_190 : vector<16xf32>
        %add3A_216 = arith.addf %mul3A_203, %mul3A_207 : vector<16xf32>
        %add3A_217 = arith.addf %mul3A_211, %mul3A_215 : vector<16xf32>
        %add3A_218 = arith.addf %add3A_216, %add3A_217 : vector<16xf32>
        %swap3A = arith.constant 0 : index
        %swap3A_219 = tpu.vector_load %arg11[%swap3A] {strides = array<i32>} : memref<272xf32, #tpu.memory_space<vmem>>, vector<16xf32>,
        tpu.vector_store %arg11[%swap3A], %add3A_218 {strides = array<i32>} : memref<272xf32, #tpu.memory_space<vmem>>, vector<16xf32>,
        %add3A_220 = arith.constant 1 : i32
        %add3A_221 = arith.addi %mul3A_179, %add3A_220 : i32
        %add3A_222 = arith.constant 48 : i32
        %add3A_223 = arith.addi %add3A_221, %add3A_222 : i32
        %add3A_224 = arith.constant 1 : i32
        %add3A_225 = arith.addi %add3A_223, %add3A_224 : i32
        %get3A_226 = arith.index_cast %add3A_225 : i32 to index
        %get3A_227 = arith.constant 0 : index
        %get3A_228 = tpu.vector_load %arg8[%get3A_226, %get3A_227] {strides = array<i32>} : memref<816x64xf32, #tpu.memory_space<vmem>>, vector<16xf32>,
        %mul3A_229 = arith.mulf %get3A_228, %get3A_181 : vector<16xf32>
        %get3A_230 = arith.index_cast %add3A_225 : i32 to index
        %get3A_231 = arith.constant 16 : index
        %get3A_232 = tpu.vector_load %arg8[%get3A_230, %get3A_231] {strides = array<i32>} : memref<816x64xf32, #tpu.memory_space<vmem>>, vector<16xf32>,
        %mul3A_233 = arith.mulf %get3A_232, %get3A_184 : vector<16xf32>
        %get3A_234 = arith.index_cast %add3A_225 : i32 to index
        %get3A_235 = arith.constant 32 : index
        %get3A_236 = tpu.vector_load %arg8[%get3A_234, %get3A_235] {strides = array<i32>} : memref<816x64xf32, #tpu.memory_space<vmem>>, vector<16xf32>,
        %mul3A_237 = arith.mulf %get3A_236, %get3A_187 : vector<16xf32>
        %get3A_238 = arith.index_cast %add3A_225 : i32 to index
        %get3A_239 = arith.constant 48 : index
        %get3A_240 = tpu.vector_load %arg8[%get3A_238, %get3A_239] {strides = array<i32>} : memref<816x64xf32, #tpu.memory_space<vmem>>, vector<16xf32>,
        %mul3A_241 = arith.mulf %get3A_240, %get3A_190 : vector<16xf32>
        %add3A_242 = arith.addf %mul3A_229, %mul3A_233 : vector<16xf32>
        %add3A_243 = arith.addf %mul3A_237, %mul3A_241 : vector<16xf32>
        %add3A_244 = arith.addf %add3A_242, %add3A_243 : vector<16xf32>
        %swap3A_245 = arith.constant 17 : index
        %swap3A_246 = tpu.vector_load %arg11[%swap3A_245] {strides = array<i32>} : memref<272xf32, #tpu.memory_space<vmem>>, vector<16xf32>,
        tpu.vector_store %arg11[%swap3A_245], %add3A_244 {strides = array<i32>} : memref<272xf32, #tpu.memory_space<vmem>>, vector<16xf32>,
        %add3A_247 = arith.constant 0 : i32
        %add3A_248 = vector.broadcast %add3A_247 : i32 to vector<16xi32>
        %add3A_249 = arith.addi %mul3A_193, %add3A_248 : vector<16xi32>
        %gather3A = tpu.vector_load_idx %arg11[%add3A_249] : memref<272xf32, #tpu.memory_space<vmem>>[vector<16xi32>], vector<16xf32>,
        %add3A_250 = arith.constant 1 : i32
        %add3A_251 = vector.broadcast %add3A_250 : i32 to vector<16xi32>
        %add3A_252 = arith.addi %mul3A_193, %add3A_251 : vector<16xi32>
        %gather3A_253 = tpu.vector_load_idx %arg11[%add3A_252] : memref<272xf32, #tpu.memory_space<vmem>>[vector<16xi32>], vector<16xf32>,
        %add3A_254 = arith.constant 2 : i32
        %add3A_255 = vector.broadcast %add3A_254 : i32 to vector<16xi32>
        %add3A_256 = arith.addi %mul3A_193, %add3A_255 : vector<16xi32>
        %gather3A_257 = tpu.vector_load_idx %arg11[%add3A_256] : memref<272xf32, #tpu.memory_space<vmem>>[vector<16xi32>], vector<16xf32>,
        %add3A_258 = arith.constant 3 : i32
        %add3A_259 = vector.broadcast %add3A_258 : i32 to vector<16xi32>
        %add3A_260 = arith.addi %mul3A_193, %add3A_259 : vector<16xi32>
        %gather3A_261 = tpu.vector_load_idx %arg11[%add3A_260] : memref<272xf32, #tpu.memory_space<vmem>>[vector<16xi32>], vector<16xf32>,
        %add3A_262 = arith.constant 4 : i32
        %add3A_263 = vector.broadcast %add3A_262 : i32 to vector<16xi32>
        %add3A_264 = arith.addi %mul3A_193, %add3A_263 : vector<16xi32>
        %gather3A_265 = tpu.vector_load_idx %arg11[%add3A_264] : memref<272xf32, #tpu.memory_space<vmem>>[vector<16xi32>], vector<16xf32>,
        %add3A_266 = arith.constant 5 : i32
        %add3A_267 = vector.broadcast %add3A_266 : i32 to vector<16xi32>
        %add3A_268 = arith.addi %mul3A_193, %add3A_267 : vector<16xi32>
        %gather3A_269 = tpu.vector_load_idx %arg11[%add3A_268] : memref<272xf32, #tpu.memory_space<vmem>>[vector<16xi32>], vector<16xf32>,
        %add3A_270 = arith.constant 6 : i32
        %add3A_271 = vector.broadcast %add3A_270 : i32 to vector<16xi32>
        %add3A_272 = arith.addi %mul3A_193, %add3A_271 : vector<16xi32>
        %gather3A_273 = tpu.vector_load_idx %arg11[%add3A_272] : memref<272xf32, #tpu.memory_space<vmem>>[vector<16xi32>], vector<16xf32>,
        %add3A_274 = arith.constant 7 : i32
        %add3A_275 = vector.broadcast %add3A_274 : i32 to vector<16xi32>
        %add3A_276 = arith.addi %mul3A_193, %add3A_275 : vector<16xi32>
        %gather3A_277 = tpu.vector_load_idx %arg11[%add3A_276] : memref<272xf32, #tpu.memory_space<vmem>>[vector<16xi32>], vector<16xf32>,
        %add3A_278 = arith.constant 8 : i32
        %add3A_279 = vector.broadcast %add3A_278 : i32 to vector<16xi32>
        %add3A_280 = arith.addi %mul3A_193, %add3A_279 : vector<16xi32>
        %gather3A_281 = tpu.vector_load_idx %arg11[%add3A_280] : memref<272xf32, #tpu.memory_space<vmem>>[vector<16xi32>], vector<16xf32>,
        %add3A_282 = arith.constant 9 : i32
        %add3A_283 = vector.broadcast %add3A_282 : i32 to vector<16xi32>
        %add3A_284 = arith.addi %mul3A_193, %add3A_283 : vector<16xi32>
        %gather3A_285 = tpu.vector_load_idx %arg11[%add3A_284] : memref<272xf32, #tpu.memory_space<vmem>>[vector<16xi32>], vector<16xf32>,
        %add3A_286 = arith.constant 10 : i32
        %add3A_287 = vector.broadcast %add3A_286 : i32 to vector<16xi32>
        %add3A_288 = arith.addi %mul3A_193, %add3A_287 : vector<16xi32>
        %gather3A_289 = tpu.vector_load_idx %arg11[%add3A_288] : memref<272xf32, #tpu.memory_space<vmem>>[vector<16xi32>], vector<16xf32>,
        %add3A_290 = arith.constant 11 : i32
        %add3A_291 = vector.broadcast %add3A_290 : i32 to vector<16xi32>
        %add3A_292 = arith.addi %mul3A_193, %add3A_291 : vector<16xi32>
        %gather3A_293 = tpu.vector_load_idx %arg11[%add3A_292] : memref<272xf32, #tpu.memory_space<vmem>>[vector<16xi32>], vector<16xf32>,
        %add3A_294 = arith.constant 12 : i32
        %add3A_295 = vector.broadcast %add3A_294 : i32 to vector<16xi32>
        %add3A_296 = arith.addi %mul3A_193, %add3A_295 : vector<16xi32>
        %gather3A_297 = tpu.vector_load_idx %arg11[%add3A_296] : memref<272xf32, #tpu.memory_space<vmem>>[vector<16xi32>], vector<16xf32>,
        %add3A_298 = arith.constant 13 : i32
        %add3A_299 = vector.broadcast %add3A_298 : i32 to vector<16xi32>
        %add3A_300 = arith.addi %mul3A_193, %add3A_299 : vector<16xi32>
        %gather3A_301 = tpu.vector_load_idx %arg11[%add3A_300] : memref<272xf32, #tpu.memory_space<vmem>>[vector<16xi32>], vector<16xf32>,
        %add3A_302 = arith.constant 14 : i32
        %add3A_303 = vector.broadcast %add3A_302 : i32 to vector<16xi32>
        %add3A_304 = arith.addi %mul3A_193, %add3A_303 : vector<16xi32>
        %gather3A_305 = tpu.vector_load_idx %arg11[%add3A_304] : memref<272xf32, #tpu.memory_space<vmem>>[vector<16xi32>], vector<16xf32>,
        %add3A_306 = arith.constant 15 : i32
        %add3A_307 = vector.broadcast %add3A_306 : i32 to vector<16xi32>
        %add3A_308 = arith.addi %mul3A_193, %add3A_307 : vector<16xi32>
        %gather3A_309 = tpu.vector_load_idx %arg11[%add3A_308] : memref<272xf32, #tpu.memory_space<vmem>>[vector<16xi32>], vector<16xf32>,
        %add3A_310 = arith.addf %gather3A, %gather3A_253 : vector<16xf32>
        %add3A_311 = arith.addf %gather3A_257, %gather3A_261 : vector<16xf32>
        %add3A_312 = arith.addf %gather3A_265, %gather3A_269 : vector<16xf32>
        %add3A_313 = arith.addf %gather3A_273, %gather3A_277 : vector<16xf32>
        %add3A_314 = arith.addf %gather3A_281, %gather3A_285 : vector<16xf32>
        %add3A_315 = arith.addf %gather3A_289, %gather3A_293 : vector<16xf32>
        %add3A_316 = arith.addf %gather3A_297, %gather3A_301 : vector<16xf32>
        %add3A_317 = arith.addf %gather3A_305, %gather3A_309 : vector<16xf32>
        %add3A_318 = arith.addf %add3A_310, %add3A_311 : vector<16xf32>
        %add3A_319 = arith.addf %add3A_312, %add3A_313 : vector<16xf32>
        %add3A_320 = arith.addf %add3A_314, %add3A_315 : vector<16xf32>
        %add3A_321 = arith.addf %add3A_316, %add3A_317 : vector<16xf32>
        %add3A_322 = arith.addf %add3A_318, %add3A_319 : vector<16xf32>
        %add3A_323 = arith.addf %add3A_320, %add3A_321 : vector<16xf32>
        %add3A_324 = arith.addf %add3A_322, %add3A_323 : vector<16xf32>
        %mul3A_325 = arith.constant 50 : i32
        %mul3A_326 = arith.muli %scan3A_177, %mul3A_325 : i32
        %add3A_327 = arith.constant 48 : i32
        %add3A_328 = arith.addi %mul3A_326, %add3A_327 : i32
        %swap3A_329 = arith.index_cast %add3A_328 : i32 to index
        %swap3A_330 = tpu.vector_load %arg10[%swap3A_329] {strides = array<i32>} : memref<816xf32, #tpu.memory_space<vmem>>, vector<16xf32>,
        tpu.vector_store %arg10[%swap3A_329], %add3A_324 {strides = array<i32>} : memref<816xf32, #tpu.memory_space<vmem>>, vector<16xf32>,
        %add3A_331 = arith.constant 1 : i32
        %add3A_332 = arith.addi %mul3A_179, %add3A_331 : i32
        %add3A_333 = arith.constant 0 : i32
        %add3A_334 = arith.addi %add3A_332, %add3A_333 : i32
        %add3A_335 = arith.constant 0 : i32
        %add3A_336 = arith.addi %add3A_334, %add3A_335 : i32
        %get3A_337 = arith.index_cast %add3A_336 : i32 to index
        %get3A_338 = arith.constant 0 : index
        %get3A_339 = tpu.vector_load %arg8[%get3A_337, %get3A_338] {strides = array<i32>} : memref<816x64xf32, #tpu.memory_space<vmem>>, vector<16xf32>,
        %mul3A_340 = arith.mulf %get3A_339, %get3A_181 : vector<16xf32>
        %get3A_341 = arith.index_cast %add3A_336 : i32 to index
        %get3A_342 = arith.constant 16 : index
        %get3A_343 = tpu.vector_load %arg8[%get3A_341, %get3A_342] {strides = array<i32>} : memref<816x64xf32, #tpu.memory_space<vmem>>, vector<16xf32>,
        %mul3A_344 = arith.mulf %get3A_343, %get3A_184 : vector<16xf32>
        %get3A_345 = arith.index_cast %add3A_336 : i32 to index
        %get3A_346 = arith.constant 32 : index
        %get3A_347 = tpu.vector_load %arg8[%get3A_345, %get3A_346] {strides = array<i32>} : memref<816x64xf32, #tpu.memory_space<vmem>>, vector<16xf32>,
        %mul3A_348 = arith.mulf %get3A_347, %get3A_187 : vector<16xf32>
        %get3A_349 = arith.index_cast %add3A_336 : i32 to index
        %get3A_350 = arith.constant 48 : index
        %get3A_351 = tpu.vector_load %arg8[%get3A_349, %get3A_350] {strides = array<i32>} : memref<816x64xf32, #tpu.memory_space<vmem>>, vector<16xf32>,
        %mul3A_352 = arith.mulf %get3A_351, %get3A_190 : vector<16xf32>
        %add3A_353 = arith.addf %mul3A_340, %mul3A_344 : vector<16xf32>
        %add3A_354 = arith.addf %mul3A_348, %mul3A_352 : vector<16xf32>
        %add3A_355 = arith.addf %add3A_353, %add3A_354 : vector<16xf32>
        %swap3A_356 = arith.constant 0 : index
        %swap3A_357 = tpu.vector_load %arg11[%swap3A_356] {strides = array<i32>} : memref<272xf32, #tpu.memory_space<vmem>>, vector<16xf32>,
        tpu.vector_store %arg11[%swap3A_356], %add3A_355 {strides = array<i32>} : memref<272xf32, #tpu.memory_space<vmem>>, vector<16xf32>,
        %add3A_358 = arith.constant 1 : i32
        %add3A_359 = arith.addi %mul3A_179, %add3A_358 : i32
        %add3A_360 = arith.constant 0 : i32
        %add3A_361 = arith.addi %add3A_359, %add3A_360 : i32
        %add3A_362 = arith.constant 1 : i32
        %add3A_363 = arith.addi %add3A_361, %add3A_362 : i32
        %get3A_364 = arith.index_cast %add3A_363 : i32 to index
        %get3A_365 = arith.constant 0 : index
        %get3A_366 = tpu.vector_load %arg8[%get3A_364, %get3A_365] {strides = array<i32>} : memref<816x64xf32, #tpu.memory_space<vmem>>, vector<16xf32>,
        %mul3A_367 = arith.mulf %get3A_366, %get3A_181 : vector<16xf32>
        %get3A_368 = arith.index_cast %add3A_363 : i32 to index
        %get3A_369 = arith.constant 16 : index
        %get3A_370 = tpu.vector_load %arg8[%get3A_368, %get3A_369] {strides = array<i32>} : memref<816x64xf32, #tpu.memory_space<vmem>>, vector<16xf32>,
        %mul3A_371 = arith.mulf %get3A_370, %get3A_184 : vector<16xf32>
        %get3A_372 = arith.index_cast %add3A_363 : i32 to index
        %get3A_373 = arith.constant 32 : index
        %get3A_374 = tpu.vector_load %arg8[%get3A_372, %get3A_373] {strides = array<i32>} : memref<816x64xf32, #tpu.memory_space<vmem>>, vector<16xf32>,
        %mul3A_375 = arith.mulf %get3A_374, %get3A_187 : vector<16xf32>
        %get3A_376 = arith.index_cast %add3A_363 : i32 to index
        %get3A_377 = arith.constant 48 : index
        %get3A_378 = tpu.vector_load %arg8[%get3A_376, %get3A_377] {strides = array<i32>} : memref<816x64xf32, #tpu.memory_space<vmem>>, vector<16xf32>,
        %mul3A_379 = arith.mulf %get3A_378, %get3A_190 : vector<16xf32>
        %add3A_380 = arith.addf %mul3A_367, %mul3A_371 : vector<16xf32>
        %add3A_381 = arith.addf %mul3A_375, %mul3A_379 : vector<16xf32>
        %add3A_382 = arith.addf %add3A_380, %add3A_381 : vector<16xf32>
        %swap3A_383 = arith.constant 17 : index
        %swap3A_384 = tpu.vector_load %arg11[%swap3A_383] {strides = array<i32>} : memref<272xf32, #tpu.memory_space<vmem>>, vector<16xf32>,
        tpu.vector_store %arg11[%swap3A_383], %add3A_382 {strides = array<i32>} : memref<272xf32, #tpu.memory_space<vmem>>, vector<16xf32>,
        %add3A_385 = arith.constant 1 : i32
        %add3A_386 = arith.addi %mul3A_179, %add3A_385 : i32
        %add3A_387 = arith.constant 0 : i32
        %add3A_388 = arith.addi %add3A_386, %add3A_387 : i32
        %add3A_389 = arith.constant 2 : i32
        %add3A_390 = arith.addi %add3A_388, %add3A_389 : i32
        %get3A_391 = arith.index_cast %add3A_390 : i32 to index
        %get3A_392 = arith.constant 0 : index
        %get3A_393 = tpu.vector_load %arg8[%get3A_391, %get3A_392] {strides = array<i32>} : memref<816x64xf32, #tpu.memory_space<vmem>>, vector<16xf32>,
        %mul3A_394 = arith.mulf %get3A_393, %get3A_181 : vector<16xf32>
        %get3A_395 = arith.index_cast %add3A_390 : i32 to index
        %get3A_396 = arith.constant 16 : index
        %get3A_397 = tpu.vector_load %arg8[%get3A_395, %get3A_396] {strides = array<i32>} : memref<816x64xf32, #tpu.memory_space<vmem>>, vector<16xf32>,
        %mul3A_398 = arith.mulf %get3A_397, %get3A_184 : vector<16xf32>
        %get3A_399 = arith.index_cast %add3A_390 : i32 to index
        %get3A_400 = arith.constant 32 : index
        %get3A_401 = tpu.vector_load %arg8[%get3A_399, %get3A_400] {strides = array<i32>} : memref<816x64xf32, #tpu.memory_space<vmem>>, vector<16xf32>,
        %mul3A_402 = arith.mulf %get3A_401, %get3A_187 : vector<16xf32>
        %get3A_403 = arith.index_cast %add3A_390 : i32 to index
        %get3A_404 = arith.constant 48 : index
        %get3A_405 = tpu.vector_load %arg8[%get3A_403, %get3A_404] {strides = array<i32>} : memref<816x64xf32, #tpu.memory_space<vmem>>, vector<16xf32>,
        %mul3A_406 = arith.mulf %get3A_405, %get3A_190 : vector<16xf32>
        %add3A_407 = arith.addf %mul3A_394, %mul3A_398 : vector<16xf32>
        %add3A_408 = arith.addf %mul3A_402, %mul3A_406 : vector<16xf32>
        %add3A_409 = arith.addf %add3A_407, %add3A_408 : vector<16xf32>
        %swap3A_410 = arith.constant 34 : index
        %swap3A_411 = tpu.vector_load %arg11[%swap3A_410] {strides = array<i32>} : memref<272xf32, #tpu.memory_space<vmem>>, vector<16xf32>,
        tpu.vector_store %arg11[%swap3A_410], %add3A_409 {strides = array<i32>} : memref<272xf32, #tpu.memory_space<vmem>>, vector<16xf32>,
        %add3A_412 = arith.constant 1 : i32
        %add3A_413 = arith.addi %mul3A_179, %add3A_412 : i32
        %add3A_414 = arith.constant 0 : i32
        %add3A_415 = arith.addi %add3A_413, %add3A_414 : i32
        %add3A_416 = arith.constant 3 : i32
        %add3A_417 = arith.addi %add3A_415, %add3A_416 : i32
        %get3A_418 = arith.index_cast %add3A_417 : i32 to index
        %get3A_419 = arith.constant 0 : index
        %get3A_420 = tpu.vector_load %arg8[%get3A_418, %get3A_419] {strides = array<i32>} : memref<816x64xf32, #tpu.memory_space<vmem>>, vector<16xf32>,
        %mul3A_421 = arith.mulf %get3A_420, %get3A_181 : vector<16xf32>
        %get3A_422 = arith.index_cast %add3A_417 : i32 to index
        %get3A_423 = arith.constant 16 : index
        %get3A_424 = tpu.vector_load %arg8[%get3A_422, %get3A_423] {strides = array<i32>} : memref<816x64xf32, #tpu.memory_space<vmem>>, vector<16xf32>,
        %mul3A_425 = arith.mulf %get3A_424, %get3A_184 : vector<16xf32>
        %get3A_426 = arith.index_cast %add3A_417 : i32 to index
        %get3A_427 = arith.constant 32 : index
        %get3A_428 = tpu.vector_load %arg8[%get3A_426, %get3A_427] {strides = array<i32>} : memref<816x64xf32, #tpu.memory_space<vmem>>, vector<16xf32>,
        %mul3A_429 = arith.mulf %get3A_428, %get3A_187 : vector<16xf32>
        %get3A_430 = arith.index_cast %add3A_417 : i32 to index
        %get3A_431 = arith.constant 48 : index
        %get3A_432 = tpu.vector_load %arg8[%get3A_430, %get3A_431] {strides = array<i32>} : memref<816x64xf32, #tpu.memory_space<vmem>>, vector<16xf32>,
        %mul3A_433 = arith.mulf %get3A_432, %get3A_190 : vector<16xf32>
        %add3A_434 = arith.addf %mul3A_421, %mul3A_425 : vector<16xf32>
        %add3A_435 = arith.addf %mul3A_429, %mul3A_433 : vector<16xf32>
        %add3A_436 = arith.addf %add3A_434, %add3A_435 : vector<16xf32>
        %swap3A_437 = arith.constant 51 : index
        %swap3A_438 = tpu.vector_load %arg11[%swap3A_437] {strides = array<i32>} : memref<272xf32, #tpu.memory_space<vmem>>, vector<16xf32>,
        tpu.vector_store %arg11[%swap3A_437], %add3A_436 {strides = array<i32>} : memref<272xf32, #tpu.memory_space<vmem>>, vector<16xf32>,
        %add3A_439 = arith.constant 1 : i32
        %add3A_440 = arith.addi %mul3A_179, %add3A_439 : i32
        %add3A_441 = arith.constant 0 : i32
        %add3A_442 = arith.addi %add3A_440, %add3A_441 : i32
        %add3A_443 = arith.constant 4 : i32
        %add3A_444 = arith.addi %add3A_442, %add3A_443 : i32
        %get3A_445 = arith.index_cast %add3A_444 : i32 to index
        %get3A_446 = arith.constant 0 : index
        %get3A_447 = tpu.vector_load %arg8[%get3A_445, %get3A_446] {strides = array<i32>} : memref<816x64xf32, #tpu.memory_space<vmem>>, vector<16xf32>,
        %mul3A_448 = arith.mulf %get3A_447, %get3A_181 : vector<16xf32>
        %get3A_449 = arith.index_cast %add3A_444 : i32 to index
        %get3A_450 = arith.constant 16 : index
        %get3A_451 = tpu.vector_load %arg8[%get3A_449, %get3A_450] {strides = array<i32>} : memref<816x64xf32, #tpu.memory_space<vmem>>, vector<16xf32>,
        %mul3A_452 = arith.mulf %get3A_451, %get3A_184 : vector<16xf32>
        %get3A_453 = arith.index_cast %add3A_444 : i32 to index
        %get3A_454 = arith.constant 32 : index
        %get3A_455 = tpu.vector_load %arg8[%get3A_453, %get3A_454] {strides = array<i32>} : memref<816x64xf32, #tpu.memory_space<vmem>>, vector<16xf32>,
        %mul3A_456 = arith.mulf %get3A_455, %get3A_187 : vector<16xf32>
        %get3A_457 = arith.index_cast %add3A_444 : i32 to index
        %get3A_458 = arith.constant 48 : index
        %get3A_459 = tpu.vector_load %arg8[%get3A_457, %get3A_458] {strides = array<i32>} : memref<816x64xf32, #tpu.memory_space<vmem>>, vector<16xf32>,
        %mul3A_460 = arith.mulf %get3A_459, %get3A_190 : vector<16xf32>
        %add3A_461 = arith.addf %mul3A_448, %mul3A_452 : vector<16xf32>
        %add3A_462 = arith.addf %mul3A_456, %mul3A_460 : vector<16xf32>
        %add3A_463 = arith.addf %add3A_461, %add3A_462 : vector<16xf32>
        %swap3A_464 = arith.constant 68 : index
        %swap3A_465 = tpu.vector_load %arg11[%swap3A_464] {strides = array<i32>} : memref<272xf32, #tpu.memory_space<vmem>>, vector<16xf32>,
        tpu.vector_store %arg11[%swap3A_464], %add3A_463 {strides = array<i32>} : memref<272xf32, #tpu.memory_space<vmem>>, vector<16xf32>,
        %add3A_466 = arith.constant 1 : i32
        %add3A_467 = arith.addi %mul3A_179, %add3A_466 : i32
        %add3A_468 = arith.constant 0 : i32
        %add3A_469 = arith.addi %add3A_467, %add3A_468 : i32
        %add3A_470 = arith.constant 5 : i32
        %add3A_471 = arith.addi %add3A_469, %add3A_470 : i32
        %get3A_472 = arith.index_cast %add3A_471 : i32 to index
        %get3A_473 = arith.constant 0 : index
        %get3A_474 = tpu.vector_load %arg8[%get3A_472, %get3A_473] {strides = array<i32>} : memref<816x64xf32, #tpu.memory_space<vmem>>, vector<16xf32>,
        %mul3A_475 = arith.mulf %get3A_474, %get3A_181 : vector<16xf32>
        %get3A_476 = arith.index_cast %add3A_471 : i32 to index
        %get3A_477 = arith.constant 16 : index
        %get3A_478 = tpu.vector_load %arg8[%get3A_476, %get3A_477] {strides = array<i32>} : memref<816x64xf32, #tpu.memory_space<vmem>>, vector<16xf32>,
        %mul3A_479 = arith.mulf %get3A_478, %get3A_184 : vector<16xf32>
        %get3A_480 = arith.index_cast %add3A_471 : i32 to index
        %get3A_481 = arith.constant 32 : index
        %get3A_482 = tpu.vector_load %arg8[%get3A_480, %get3A_481] {strides = array<i32>} : memref<816x64xf32, #tpu.memory_space<vmem>>, vector<16xf32>,
        %mul3A_483 = arith.mulf %get3A_482, %get3A_187 : vector<16xf32>
        %get3A_484 = arith.index_cast %add3A_471 : i32 to index
        %get3A_485 = arith.constant 48 : index
        %get3A_486 = tpu.vector_load %arg8[%get3A_484, %get3A_485] {strides = array<i32>} : memref<816x64xf32, #tpu.memory_space<vmem>>, vector<16xf32>,
        %mul3A_487 = arith.mulf %get3A_486, %get3A_190 : vector<16xf32>
        %add3A_488 = arith.addf %mul3A_475, %mul3A_479 : vector<16xf32>
        %add3A_489 = arith.addf %mul3A_483, %mul3A_487 : vector<16xf32>
        %add3A_490 = arith.addf %add3A_488, %add3A_489 : vector<16xf32>
        %swap3A_491 = arith.constant 85 : index
        %swap3A_492 = tpu.vector_load %arg11[%swap3A_491] {strides = array<i32>} : memref<272xf32, #tpu.memory_space<vmem>>, vector<16xf32>,
        tpu.vector_store %arg11[%swap3A_491], %add3A_490 {strides = array<i32>} : memref<272xf32, #tpu.memory_space<vmem>>, vector<16xf32>,
        %add3A_493 = arith.constant 1 : i32
        %add3A_494 = arith.addi %mul3A_179, %add3A_493 : i32
        %add3A_495 = arith.constant 0 : i32
        %add3A_496 = arith.addi %add3A_494, %add3A_495 : i32
        %add3A_497 = arith.constant 6 : i32
        %add3A_498 = arith.addi %add3A_496, %add3A_497 : i32
        %get3A_499 = arith.index_cast %add3A_498 : i32 to index
        %get3A_500 = arith.constant 0 : index
        %get3A_501 = tpu.vector_load %arg8[%get3A_499, %get3A_500] {strides = array<i32>} : memref<816x64xf32, #tpu.memory_space<vmem>>, vector<16xf32>,
        %mul3A_502 = arith.mulf %get3A_501, %get3A_181 : vector<16xf32>
        %get3A_503 = arith.index_cast %add3A_498 : i32 to index
        %get3A_504 = arith.constant 16 : index
        %get3A_505 = tpu.vector_load %arg8[%get3A_503, %get3A_504] {strides = array<i32>} : memref<816x64xf32, #tpu.memory_space<vmem>>, vector<16xf32>,
        %mul3A_506 = arith.mulf %get3A_505, %get3A_184 : vector<16xf32>
        %get3A_507 = arith.index_cast %add3A_498 : i32 to index
        %get3A_508 = arith.constant 32 : index
        %get3A_509 = tpu.vector_load %arg8[%get3A_507, %get3A_508] {strides = array<i32>} : memref<816x64xf32, #tpu.memory_space<vmem>>, vector<16xf32>,
        %mul3A_510 = arith.mulf %get3A_509, %get3A_187 : vector<16xf32>
        %get3A_511 = arith.index_cast %add3A_498 : i32 to index
        %get3A_512 = arith.constant 48 : index
        %get3A_513 = tpu.vector_load %arg8[%get3A_511, %get3A_512] {strides = array<i32>} : memref<816x64xf32, #tpu.memory_space<vmem>>, vector<16xf32>,
        %mul3A_514 = arith.mulf %get3A_513, %get3A_190 : vector<16xf32>
        %add3A_515 = arith.addf %mul3A_502, %mul3A_506 : vector<16xf32>
        %add3A_516 = arith.addf %mul3A_510, %mul3A_514 : vector<16xf32>
        %add3A_517 = arith.addf %add3A_515, %add3A_516 : vector<16xf32>
        %swap3A_518 = arith.constant 102 : index
        %swap3A_519 = tpu.vector_load %arg11[%swap3A_518] {strides = array<i32>} : memref<272xf32, #tpu.memory_space<vmem>>, vector<16xf32>,
        tpu.vector_store %arg11[%swap3A_518], %add3A_517 {strides = array<i32>} : memref<272xf32, #tpu.memory_space<vmem>>, vector<16xf32>,
        %add3A_520 = arith.constant 1 : i32
        %add3A_521 = arith.addi %mul3A_179, %add3A_520 : i32
        %add3A_522 = arith.constant 0 : i32
        %add3A_523 = arith.addi %add3A_521, %add3A_522 : i32
        %add3A_524 = arith.constant 7 : i32
        %add3A_525 = arith.addi %add3A_523, %add3A_524 : i32
        %get3A_526 = arith.index_cast %add3A_525 : i32 to index
        %get3A_527 = arith.constant 0 : index
        %get3A_528 = tpu.vector_load %arg8[%get3A_526, %get3A_527] {strides = array<i32>} : memref<816x64xf32, #tpu.memory_space<vmem>>, vector<16xf32>,
        %mul3A_529 = arith.mulf %get3A_528, %get3A_181 : vector<16xf32>
        %get3A_530 = arith.index_cast %add3A_525 : i32 to index
        %get3A_531 = arith.constant 16 : index
        %get3A_532 = tpu.vector_load %arg8[%get3A_530, %get3A_531] {strides = array<i32>} : memref<816x64xf32, #tpu.memory_space<vmem>>, vector<16xf32>,
        %mul3A_533 = arith.mulf %get3A_532, %get3A_184 : vector<16xf32>
        %get3A_534 = arith.index_cast %add3A_525 : i32 to index
        %get3A_535 = arith.constant 32 : index
        %get3A_536 = tpu.vector_load %arg8[%get3A_534, %get3A_535] {strides = array<i32>} : memref<816x64xf32, #tpu.memory_space<vmem>>, vector<16xf32>,
        %mul3A_537 = arith.mulf %get3A_536, %get3A_187 : vector<16xf32>
        %get3A_538 = arith.index_cast %add3A_525 : i32 to index
        %get3A_539 = arith.constant 48 : index
        %get3A_540 = tpu.vector_load %arg8[%get3A_538, %get3A_539] {strides = array<i32>} : memref<816x64xf32, #tpu.memory_space<vmem>>, vector<16xf32>,
        %mul3A_541 = arith.mulf %get3A_540, %get3A_190 : vector<16xf32>
        %add3A_542 = arith.addf %mul3A_529, %mul3A_533 : vector<16xf32>
        %add3A_543 = arith.addf %mul3A_537, %mul3A_541 : vector<16xf32>
        %add3A_544 = arith.addf %add3A_542, %add3A_543 : vector<16xf32>
        %swap3A_545 = arith.constant 119 : index
        %swap3A_546 = tpu.vector_load %arg11[%swap3A_545] {strides = array<i32>} : memref<272xf32, #tpu.memory_space<vmem>>, vector<16xf32>,
        tpu.vector_store %arg11[%swap3A_545], %add3A_544 {strides = array<i32>} : memref<272xf32, #tpu.memory_space<vmem>>, vector<16xf32>,
        %add3A_547 = arith.constant 1 : i32
        %add3A_548 = arith.addi %mul3A_179, %add3A_547 : i32
        %add3A_549 = arith.constant 0 : i32
        %add3A_550 = arith.addi %add3A_548, %add3A_549 : i32
        %add3A_551 = arith.constant 8 : i32
        %add3A_552 = arith.addi %add3A_550, %add3A_551 : i32
        %get3A_553 = arith.index_cast %add3A_552 : i32 to index
        %get3A_554 = arith.constant 0 : index
        %get3A_555 = tpu.vector_load %arg8[%get3A_553, %get3A_554] {strides = array<i32>} : memref<816x64xf32, #tpu.memory_space<vmem>>, vector<16xf32>,
        %mul3A_556 = arith.mulf %get3A_555, %get3A_181 : vector<16xf32>
        %get3A_557 = arith.index_cast %add3A_552 : i32 to index
        %get3A_558 = arith.constant 16 : index
        %get3A_559 = tpu.vector_load %arg8[%get3A_557, %get3A_558] {strides = array<i32>} : memref<816x64xf32, #tpu.memory_space<vmem>>, vector<16xf32>,
        %mul3A_560 = arith.mulf %get3A_559, %get3A_184 : vector<16xf32>
        %get3A_561 = arith.index_cast %add3A_552 : i32 to index
        %get3A_562 = arith.constant 32 : index
        %get3A_563 = tpu.vector_load %arg8[%get3A_561, %get3A_562] {strides = array<i32>} : memref<816x64xf32, #tpu.memory_space<vmem>>, vector<16xf32>,
        %mul3A_564 = arith.mulf %get3A_563, %get3A_187 : vector<16xf32>
        %get3A_565 = arith.index_cast %add3A_552 : i32 to index
        %get3A_566 = arith.constant 48 : index
        %get3A_567 = tpu.vector_load %arg8[%get3A_565, %get3A_566] {strides = array<i32>} : memref<816x64xf32, #tpu.memory_space<vmem>>, vector<16xf32>,
        %mul3A_568 = arith.mulf %get3A_567, %get3A_190 : vector<16xf32>
        %add3A_569 = arith.addf %mul3A_556, %mul3A_560 : vector<16xf32>
        %add3A_570 = arith.addf %mul3A_564, %mul3A_568 : vector<16xf32>
        %add3A_571 = arith.addf %add3A_569, %add3A_570 : vector<16xf32>
        %swap3A_572 = arith.constant 136 : index
        %swap3A_573 = tpu.vector_load %arg11[%swap3A_572] {strides = array<i32>} : memref<272xf32, #tpu.memory_space<vmem>>, vector<16xf32>,
        tpu.vector_store %arg11[%swap3A_572], %add3A_571 {strides = array<i32>} : memref<272xf32, #tpu.memory_space<vmem>>, vector<16xf32>,
        %add3A_574 = arith.constant 1 : i32
        %add3A_575 = arith.addi %mul3A_179, %add3A_574 : i32
        %add3A_576 = arith.constant 0 : i32
        %add3A_577 = arith.addi %add3A_575, %add3A_576 : i32
        %add3A_578 = arith.constant 9 : i32
        %add3A_579 = arith.addi %add3A_577, %add3A_578 : i32
        %get3A_580 = arith.index_cast %add3A_579 : i32 to index
        %get3A_581 = arith.constant 0 : index
        %get3A_582 = tpu.vector_load %arg8[%get3A_580, %get3A_581] {strides = array<i32>} : memref<816x64xf32, #tpu.memory_space<vmem>>, vector<16xf32>,
        %mul3A_583 = arith.mulf %get3A_582, %get3A_181 : vector<16xf32>
        %get3A_584 = arith.index_cast %add3A_579 : i32 to index
        %get3A_585 = arith.constant 16 : index
        %get3A_586 = tpu.vector_load %arg8[%get3A_584, %get3A_585] {strides = array<i32>} : memref<816x64xf32, #tpu.memory_space<vmem>>, vector<16xf32>,
        %mul3A_587 = arith.mulf %get3A_586, %get3A_184 : vector<16xf32>
        %get3A_588 = arith.index_cast %add3A_579 : i32 to index
        %get3A_589 = arith.constant 32 : index
        %get3A_590 = tpu.vector_load %arg8[%get3A_588, %get3A_589] {strides = array<i32>} : memref<816x64xf32, #tpu.memory_space<vmem>>, vector<16xf32>,
        %mul3A_591 = arith.mulf %get3A_590, %get3A_187 : vector<16xf32>
        %get3A_592 = arith.index_cast %add3A_579 : i32 to index
        %get3A_593 = arith.constant 48 : index
        %get3A_594 = tpu.vector_load %arg8[%get3A_592, %get3A_593] {strides = array<i32>} : memref<816x64xf32, #tpu.memory_space<vmem>>, vector<16xf32>,
        %mul3A_595 = arith.mulf %get3A_594, %get3A_190 : vector<16xf32>
        %add3A_596 = arith.addf %mul3A_583, %mul3A_587 : vector<16xf32>
        %add3A_597 = arith.addf %mul3A_591, %mul3A_595 : vector<16xf32>
        %add3A_598 = arith.addf %add3A_596, %add3A_597 : vector<16xf32>
        %swap3A_599 = arith.constant 153 : index
        %swap3A_600 = tpu.vector_load %arg11[%swap3A_599] {strides = array<i32>} : memref<272xf32, #tpu.memory_space<vmem>>, vector<16xf32>,
        tpu.vector_store %arg11[%swap3A_599], %add3A_598 {strides = array<i32>} : memref<272xf32, #tpu.memory_space<vmem>>, vector<16xf32>,
        %add3A_601 = arith.constant 1 : i32
        %add3A_602 = arith.addi %mul3A_179, %add3A_601 : i32
        %add3A_603 = arith.constant 0 : i32
        %add3A_604 = arith.addi %add3A_602, %add3A_603 : i32
        %add3A_605 = arith.constant 10 : i32
        %add3A_606 = arith.addi %add3A_604, %add3A_605 : i32
        %get3A_607 = arith.index_cast %add3A_606 : i32 to index
        %get3A_608 = arith.constant 0 : index
        %get3A_609 = tpu.vector_load %arg8[%get3A_607, %get3A_608] {strides = array<i32>} : memref<816x64xf32, #tpu.memory_space<vmem>>, vector<16xf32>,
        %mul3A_610 = arith.mulf %get3A_609, %get3A_181 : vector<16xf32>
        %get3A_611 = arith.index_cast %add3A_606 : i32 to index
        %get3A_612 = arith.constant 16 : index
        %get3A_613 = tpu.vector_load %arg8[%get3A_611, %get3A_612] {strides = array<i32>} : memref<816x64xf32, #tpu.memory_space<vmem>>, vector<16xf32>,
        %mul3A_614 = arith.mulf %get3A_613, %get3A_184 : vector<16xf32>
        %get3A_615 = arith.index_cast %add3A_606 : i32 to index
        %get3A_616 = arith.constant 32 : index
        %get3A_617 = tpu.vector_load %arg8[%get3A_615, %get3A_616] {strides = array<i32>} : memref<816x64xf32, #tpu.memory_space<vmem>>, vector<16xf32>,
        %mul3A_618 = arith.mulf %get3A_617, %get3A_187 : vector<16xf32>
        %get3A_619 = arith.index_cast %add3A_606 : i32 to index
        %get3A_620 = arith.constant 48 : index
        %get3A_621 = tpu.vector_load %arg8[%get3A_619, %get3A_620] {strides = array<i32>} : memref<816x64xf32, #tpu.memory_space<vmem>>, vector<16xf32>,
        %mul3A_622 = arith.mulf %get3A_621, %get3A_190 : vector<16xf32>
        %add3A_623 = arith.addf %mul3A_610, %mul3A_614 : vector<16xf32>
        %add3A_624 = arith.addf %mul3A_618, %mul3A_622 : vector<16xf32>
        %add3A_625 = arith.addf %add3A_623, %add3A_624 : vector<16xf32>
        %swap3A_626 = arith.constant 170 : index
        %swap3A_627 = tpu.vector_load %arg11[%swap3A_626] {strides = array<i32>} : memref<272xf32, #tpu.memory_space<vmem>>, vector<16xf32>,
        tpu.vector_store %arg11[%swap3A_626], %add3A_625 {strides = array<i32>} : memref<272xf32, #tpu.memory_space<vmem>>, vector<16xf32>,
        %add3A_628 = arith.constant 1 : i32
        %add3A_629 = arith.addi %mul3A_179, %add3A_628 : i32
        %add3A_630 = arith.constant 0 : i32
        %add3A_631 = arith.addi %add3A_629, %add3A_630 : i32
        %add3A_632 = arith.constant 11 : i32
        %add3A_633 = arith.addi %add3A_631, %add3A_632 : i32
        %get3A_634 = arith.index_cast %add3A_633 : i32 to index
        %get3A_635 = arith.constant 0 : index
        %get3A_636 = tpu.vector_load %arg8[%get3A_634, %get3A_635] {strides = array<i32>} : memref<816x64xf32, #tpu.memory_space<vmem>>, vector<16xf32>,
        %mul3A_637 = arith.mulf %get3A_636, %get3A_181 : vector<16xf32>
        %get3A_638 = arith.index_cast %add3A_633 : i32 to index
        %get3A_639 = arith.constant 16 : index
        %get3A_640 = tpu.vector_load %arg8[%get3A_638, %get3A_639] {strides = array<i32>} : memref<816x64xf32, #tpu.memory_space<vmem>>, vector<16xf32>,
        %mul3A_641 = arith.mulf %get3A_640, %get3A_184 : vector<16xf32>
        %get3A_642 = arith.index_cast %add3A_633 : i32 to index
        %get3A_643 = arith.constant 32 : index
        %get3A_644 = tpu.vector_load %arg8[%get3A_642, %get3A_643] {strides = array<i32>} : memref<816x64xf32, #tpu.memory_space<vmem>>, vector<16xf32>,
        %mul3A_645 = arith.mulf %get3A_644, %get3A_187 : vector<16xf32>
        %get3A_646 = arith.index_cast %add3A_633 : i32 to index
        %get3A_647 = arith.constant 48 : index
        %get3A_648 = tpu.vector_load %arg8[%get3A_646, %get3A_647] {strides = array<i32>} : memref<816x64xf32, #tpu.memory_space<vmem>>, vector<16xf32>,
        %mul3A_649 = arith.mulf %get3A_648, %get3A_190 : vector<16xf32>
        %add3A_650 = arith.addf %mul3A_637, %mul3A_641 : vector<16xf32>
        %add3A_651 = arith.addf %mul3A_645, %mul3A_649 : vector<16xf32>
        %add3A_652 = arith.addf %add3A_650, %add3A_651 : vector<16xf32>
        %swap3A_653 = arith.constant 187 : index
        %swap3A_654 = tpu.vector_load %arg11[%swap3A_653] {strides = array<i32>} : memref<272xf32, #tpu.memory_space<vmem>>, vector<16xf32>,
        tpu.vector_store %arg11[%swap3A_653], %add3A_652 {strides = array<i32>} : memref<272xf32, #tpu.memory_space<vmem>>, vector<16xf32>,
        %add3A_655 = arith.constant 1 : i32
        %add3A_656 = arith.addi %mul3A_179, %add3A_655 : i32
        %add3A_657 = arith.constant 0 : i32
        %add3A_658 = arith.addi %add3A_656, %add3A_657 : i32
        %add3A_659 = arith.constant 12 : i32
        %add3A_660 = arith.addi %add3A_658, %add3A_659 : i32
        %get3A_661 = arith.index_cast %add3A_660 : i32 to index
        %get3A_662 = arith.constant 0 : index
        %get3A_663 = tpu.vector_load %arg8[%get3A_661, %get3A_662] {strides = array<i32>} : memref<816x64xf32, #tpu.memory_space<vmem>>, vector<16xf32>,
        %mul3A_664 = arith.mulf %get3A_663, %get3A_181 : vector<16xf32>
        %get3A_665 = arith.index_cast %add3A_660 : i32 to index
        %get3A_666 = arith.constant 16 : index
        %get3A_667 = tpu.vector_load %arg8[%get3A_665, %get3A_666] {strides = array<i32>} : memref<816x64xf32, #tpu.memory_space<vmem>>, vector<16xf32>,
        %mul3A_668 = arith.mulf %get3A_667, %get3A_184 : vector<16xf32>
        %get3A_669 = arith.index_cast %add3A_660 : i32 to index
        %get3A_670 = arith.constant 32 : index
        %get3A_671 = tpu.vector_load %arg8[%get3A_669, %get3A_670] {strides = array<i32>} : memref<816x64xf32, #tpu.memory_space<vmem>>, vector<16xf32>,
        %mul3A_672 = arith.mulf %get3A_671, %get3A_187 : vector<16xf32>
        %get3A_673 = arith.index_cast %add3A_660 : i32 to index
        %get3A_674 = arith.constant 48 : index
        %get3A_675 = tpu.vector_load %arg8[%get3A_673, %get3A_674] {strides = array<i32>} : memref<816x64xf32, #tpu.memory_space<vmem>>, vector<16xf32>,
        %mul3A_676 = arith.mulf %get3A_675, %get3A_190 : vector<16xf32>
        %add3A_677 = arith.addf %mul3A_664, %mul3A_668 : vector<16xf32>
        %add3A_678 = arith.addf %mul3A_672, %mul3A_676 : vector<16xf32>
        %add3A_679 = arith.addf %add3A_677, %add3A_678 : vector<16xf32>
        %swap3A_680 = arith.constant 204 : index
        %swap3A_681 = tpu.vector_load %arg11[%swap3A_680] {strides = array<i32>} : memref<272xf32, #tpu.memory_space<vmem>>, vector<16xf32>,
        tpu.vector_store %arg11[%swap3A_680], %add3A_679 {strides = array<i32>} : memref<272xf32, #tpu.memory_space<vmem>>, vector<16xf32>,
        %add3A_682 = arith.constant 1 : i32
        %add3A_683 = arith.addi %mul3A_179, %add3A_682 : i32
        %add3A_684 = arith.constant 0 : i32
        %add3A_685 = arith.addi %add3A_683, %add3A_684 : i32
        %add3A_686 = arith.constant 13 : i32
        %add3A_687 = arith.addi %add3A_685, %add3A_686 : i32
        %get3A_688 = arith.index_cast %add3A_687 : i32 to index
        %get3A_689 = arith.constant 0 : index
        %get3A_690 = tpu.vector_load %arg8[%get3A_688, %get3A_689] {strides = array<i32>} : memref<816x64xf32, #tpu.memory_space<vmem>>, vector<16xf32>,
        %mul3A_691 = arith.mulf %get3A_690, %get3A_181 : vector<16xf32>
        %get3A_692 = arith.index_cast %add3A_687 : i32 to index
        %get3A_693 = arith.constant 16 : index
        %get3A_694 = tpu.vector_load %arg8[%get3A_692, %get3A_693] {strides = array<i32>} : memref<816x64xf32, #tpu.memory_space<vmem>>, vector<16xf32>,
        %mul3A_695 = arith.mulf %get3A_694, %get3A_184 : vector<16xf32>
        %get3A_696 = arith.index_cast %add3A_687 : i32 to index
        %get3A_697 = arith.constant 32 : index
        %get3A_698 = tpu.vector_load %arg8[%get3A_696, %get3A_697] {strides = array<i32>} : memref<816x64xf32, #tpu.memory_space<vmem>>, vector<16xf32>,
        %mul3A_699 = arith.mulf %get3A_698, %get3A_187 : vector<16xf32>
        %get3A_700 = arith.index_cast %add3A_687 : i32 to index
        %get3A_701 = arith.constant 48 : index
        %get3A_702 = tpu.vector_load %arg8[%get3A_700, %get3A_701] {strides = array<i32>} : memref<816x64xf32, #tpu.memory_space<vmem>>, vector<16xf32>,
        %mul3A_703 = arith.mulf %get3A_702, %get3A_190 : vector<16xf32>
        %add3A_704 = arith.addf %mul3A_691, %mul3A_695 : vector<16xf32>
        %add3A_705 = arith.addf %mul3A_699, %mul3A_703 : vector<16xf32>
        %add3A_706 = arith.addf %add3A_704, %add3A_705 : vector<16xf32>
        %swap3A_707 = arith.constant 221 : index
        %swap3A_708 = tpu.vector_load %arg11[%swap3A_707] {strides = array<i32>} : memref<272xf32, #tpu.memory_space<vmem>>, vector<16xf32>,
        tpu.vector_store %arg11[%swap3A_707], %add3A_706 {strides = array<i32>} : memref<272xf32, #tpu.memory_space<vmem>>, vector<16xf32>,
        %add3A_709 = arith.constant 1 : i32
        %add3A_710 = arith.addi %mul3A_179, %add3A_709 : i32
        %add3A_711 = arith.constant 0 : i32
        %add3A_712 = arith.addi %add3A_710, %add3A_711 : i32
        %add3A_713 = arith.constant 14 : i32
        %add3A_714 = arith.addi %add3A_712, %add3A_713 : i32
        %get3A_715 = arith.index_cast %add3A_714 : i32 to index
        %get3A_716 = arith.constant 0 : index
        %get3A_717 = tpu.vector_load %arg8[%get3A_715, %get3A_716] {strides = array<i32>} : memref<816x64xf32, #tpu.memory_space<vmem>>, vector<16xf32>,
        %mul3A_718 = arith.mulf %get3A_717, %get3A_181 : vector<16xf32>
        %get3A_719 = arith.index_cast %add3A_714 : i32 to index
        %get3A_720 = arith.constant 16 : index
        %get3A_721 = tpu.vector_load %arg8[%get3A_719, %get3A_720] {strides = array<i32>} : memref<816x64xf32, #tpu.memory_space<vmem>>, vector<16xf32>,
        %mul3A_722 = arith.mulf %get3A_721, %get3A_184 : vector<16xf32>
        %get3A_723 = arith.index_cast %add3A_714 : i32 to index
        %get3A_724 = arith.constant 32 : index
        %get3A_725 = tpu.vector_load %arg8[%get3A_723, %get3A_724] {strides = array<i32>} : memref<816x64xf32, #tpu.memory_space<vmem>>, vector<16xf32>,
        %mul3A_726 = arith.mulf %get3A_725, %get3A_187 : vector<16xf32>
        %get3A_727 = arith.index_cast %add3A_714 : i32 to index
        %get3A_728 = arith.constant 48 : index
        %get3A_729 = tpu.vector_load %arg8[%get3A_727, %get3A_728] {strides = array<i32>} : memref<816x64xf32, #tpu.memory_space<vmem>>, vector<16xf32>,
        %mul3A_730 = arith.mulf %get3A_729, %get3A_190 : vector<16xf32>
        %add3A_731 = arith.addf %mul3A_718, %mul3A_722 : vector<16xf32>
        %add3A_732 = arith.addf %mul3A_726, %mul3A_730 : vector<16xf32>
        %add3A_733 = arith.addf %add3A_731, %add3A_732 : vector<16xf32>
        %swap3A_734 = arith.constant 238 : index
        %swap3A_735 = tpu.vector_load %arg11[%swap3A_734] {strides = array<i32>} : memref<272xf32, #tpu.memory_space<vmem>>, vector<16xf32>,
        tpu.vector_store %arg11[%swap3A_734], %add3A_733 {strides = array<i32>} : memref<272xf32, #tpu.memory_space<vmem>>, vector<16xf32>,
        %add3A_736 = arith.constant 1 : i32
        %add3A_737 = arith.addi %mul3A_179, %add3A_736 : i32
        %add3A_738 = arith.constant 0 : i32
        %add3A_739 = arith.addi %add3A_737, %add3A_738 : i32
        %add3A_740 = arith.constant 15 : i32
        %add3A_741 = arith.addi %add3A_739, %add3A_740 : i32
        %get3A_742 = arith.index_cast %add3A_741 : i32 to index
        %get3A_743 = arith.constant 0 : index
        %get3A_744 = tpu.vector_load %arg8[%get3A_742, %get3A_743] {strides = array<i32>} : memref<816x64xf32, #tpu.memory_space<vmem>>, vector<16xf32>,
        %mul3A_745 = arith.mulf %get3A_744, %get3A_181 : vector<16xf32>
        %get3A_746 = arith.index_cast %add3A_741 : i32 to index
        %get3A_747 = arith.constant 16 : index
        %get3A_748 = tpu.vector_load %arg8[%get3A_746, %get3A_747] {strides = array<i32>} : memref<816x64xf32, #tpu.memory_space<vmem>>, vector<16xf32>,
        %mul3A_749 = arith.mulf %get3A_748, %get3A_184 : vector<16xf32>
        %get3A_750 = arith.index_cast %add3A_741 : i32 to index
        %get3A_751 = arith.constant 32 : index
        %get3A_752 = tpu.vector_load %arg8[%get3A_750, %get3A_751] {strides = array<i32>} : memref<816x64xf32, #tpu.memory_space<vmem>>, vector<16xf32>,
        %mul3A_753 = arith.mulf %get3A_752, %get3A_187 : vector<16xf32>
        %get3A_754 = arith.index_cast %add3A_741 : i32 to index
        %get3A_755 = arith.constant 48 : index
        %get3A_756 = tpu.vector_load %arg8[%get3A_754, %get3A_755] {strides = array<i32>} : memref<816x64xf32, #tpu.memory_space<vmem>>, vector<16xf32>,
        %mul3A_757 = arith.mulf %get3A_756, %get3A_190 : vector<16xf32>
        %add3A_758 = arith.addf %mul3A_745, %mul3A_749 : vector<16xf32>
        %add3A_759 = arith.addf %mul3A_753, %mul3A_757 : vector<16xf32>
        %add3A_760 = arith.addf %add3A_758, %add3A_759 : vector<16xf32>
        %swap3A_761 = arith.constant 255 : index
        %swap3A_762 = tpu.vector_load %arg11[%swap3A_761] {strides = array<i32>} : memref<272xf32, #tpu.memory_space<vmem>>, vector<16xf32>,
        tpu.vector_store %arg11[%swap3A_761], %add3A_760 {strides = array<i32>} : memref<272xf32, #tpu.memory_space<vmem>>, vector<16xf32>,
        %add3A_763 = arith.constant 0 : i32
        %add3A_764 = vector.broadcast %add3A_763 : i32 to vector<16xi32>
        %add3A_765 = arith.addi %mul3A_193, %add3A_764 : vector<16xi32>
        %gather3A_766 = tpu.vector_load_idx %arg11[%add3A_765] : memref<272xf32, #tpu.memory_space<vmem>>[vector<16xi32>], vector<16xf32>,
        %add3A_767 = arith.constant 1 : i32
        %add3A_768 = vector.broadcast %add3A_767 : i32 to vector<16xi32>
        %add3A_769 = arith.addi %mul3A_193, %add3A_768 : vector<16xi32>
        %gather3A_770 = tpu.vector_load_idx %arg11[%add3A_769] : memref<272xf32, #tpu.memory_space<vmem>>[vector<16xi32>], vector<16xf32>,
        %add3A_771 = arith.constant 2 : i32
        %add3A_772 = vector.broadcast %add3A_771 : i32 to vector<16xi32>
        %add3A_773 = arith.addi %mul3A_193, %add3A_772 : vector<16xi32>
        %gather3A_774 = tpu.vector_load_idx %arg11[%add3A_773] : memref<272xf32, #tpu.memory_space<vmem>>[vector<16xi32>], vector<16xf32>,
        %add3A_775 = arith.constant 3 : i32
        %add3A_776 = vector.broadcast %add3A_775 : i32 to vector<16xi32>
        %add3A_777 = arith.addi %mul3A_193, %add3A_776 : vector<16xi32>
        %gather3A_778 = tpu.vector_load_idx %arg11[%add3A_777] : memref<272xf32, #tpu.memory_space<vmem>>[vector<16xi32>], vector<16xf32>,
        %add3A_779 = arith.constant 4 : i32
        %add3A_780 = vector.broadcast %add3A_779 : i32 to vector<16xi32>
        %add3A_781 = arith.addi %mul3A_193, %add3A_780 : vector<16xi32>
        %gather3A_782 = tpu.vector_load_idx %arg11[%add3A_781] : memref<272xf32, #tpu.memory_space<vmem>>[vector<16xi32>], vector<16xf32>,
        %add3A_783 = arith.constant 5 : i32
        %add3A_784 = vector.broadcast %add3A_783 : i32 to vector<16xi32>
        %add3A_785 = arith.addi %mul3A_193, %add3A_784 : vector<16xi32>
        %gather3A_786 = tpu.vector_load_idx %arg11[%add3A_785] : memref<272xf32, #tpu.memory_space<vmem>>[vector<16xi32>], vector<16xf32>,
        %add3A_787 = arith.constant 6 : i32
        %add3A_788 = vector.broadcast %add3A_787 : i32 to vector<16xi32>
        %add3A_789 = arith.addi %mul3A_193, %add3A_788 : vector<16xi32>
        %gather3A_790 = tpu.vector_load_idx %arg11[%add3A_789] : memref<272xf32, #tpu.memory_space<vmem>>[vector<16xi32>], vector<16xf32>,
        %add3A_791 = arith.constant 7 : i32
        %add3A_792 = vector.broadcast %add3A_791 : i32 to vector<16xi32>
        %add3A_793 = arith.addi %mul3A_193, %add3A_792 : vector<16xi32>
        %gather3A_794 = tpu.vector_load_idx %arg11[%add3A_793] : memref<272xf32, #tpu.memory_space<vmem>>[vector<16xi32>], vector<16xf32>,
        %add3A_795 = arith.constant 8 : i32
        %add3A_796 = vector.broadcast %add3A_795 : i32 to vector<16xi32>
        %add3A_797 = arith.addi %mul3A_193, %add3A_796 : vector<16xi32>
        %gather3A_798 = tpu.vector_load_idx %arg11[%add3A_797] : memref<272xf32, #tpu.memory_space<vmem>>[vector<16xi32>], vector<16xf32>,
        %add3A_799 = arith.constant 9 : i32
        %add3A_800 = vector.broadcast %add3A_799 : i32 to vector<16xi32>
        %add3A_801 = arith.addi %mul3A_193, %add3A_800 : vector<16xi32>
        %gather3A_802 = tpu.vector_load_idx %arg11[%add3A_801] : memref<272xf32, #tpu.memory_space<vmem>>[vector<16xi32>], vector<16xf32>,
        %add3A_803 = arith.constant 10 : i32
        %add3A_804 = vector.broadcast %add3A_803 : i32 to vector<16xi32>
        %add3A_805 = arith.addi %mul3A_193, %add3A_804 : vector<16xi32>
        %gather3A_806 = tpu.vector_load_idx %arg11[%add3A_805] : memref<272xf32, #tpu.memory_space<vmem>>[vector<16xi32>], vector<16xf32>,
        %add3A_807 = arith.constant 11 : i32
        %add3A_808 = vector.broadcast %add3A_807 : i32 to vector<16xi32>
        %add3A_809 = arith.addi %mul3A_193, %add3A_808 : vector<16xi32>
        %gather3A_810 = tpu.vector_load_idx %arg11[%add3A_809] : memref<272xf32, #tpu.memory_space<vmem>>[vector<16xi32>], vector<16xf32>,
        %add3A_811 = arith.constant 12 : i32
        %add3A_812 = vector.broadcast %add3A_811 : i32 to vector<16xi32>
        %add3A_813 = arith.addi %mul3A_193, %add3A_812 : vector<16xi32>
        %gather3A_814 = tpu.vector_load_idx %arg11[%add3A_813] : memref<272xf32, #tpu.memory_space<vmem>>[vector<16xi32>], vector<16xf32>,
        %add3A_815 = arith.constant 13 : i32
        %add3A_816 = vector.broadcast %add3A_815 : i32 to vector<16xi32>
        %add3A_817 = arith.addi %mul3A_193, %add3A_816 : vector<16xi32>
        %gather3A_818 = tpu.vector_load_idx %arg11[%add3A_817] : memref<272xf32, #tpu.memory_space<vmem>>[vector<16xi32>], vector<16xf32>,
        %add3A_819 = arith.constant 14 : i32
        %add3A_820 = vector.broadcast %add3A_819 : i32 to vector<16xi32>
        %add3A_821 = arith.addi %mul3A_193, %add3A_820 : vector<16xi32>
        %gather3A_822 = tpu.vector_load_idx %arg11[%add3A_821] : memref<272xf32, #tpu.memory_space<vmem>>[vector<16xi32>], vector<16xf32>,
        %add3A_823 = arith.constant 15 : i32
        %add3A_824 = vector.broadcast %add3A_823 : i32 to vector<16xi32>
        %add3A_825 = arith.addi %mul3A_193, %add3A_824 : vector<16xi32>
        %gather3A_826 = tpu.vector_load_idx %arg11[%add3A_825] : memref<272xf32, #tpu.memory_space<vmem>>[vector<16xi32>], vector<16xf32>,
        %add3A_827 = arith.addf %gather3A_766, %gather3A_770 : vector<16xf32>
        %add3A_828 = arith.addf %gather3A_774, %gather3A_778 : vector<16xf32>
        %add3A_829 = arith.addf %gather3A_782, %gather3A_786 : vector<16xf32>
        %add3A_830 = arith.addf %gather3A_790, %gather3A_794 : vector<16xf32>
        %add3A_831 = arith.addf %gather3A_798, %gather3A_802 : vector<16xf32>
        %add3A_832 = arith.addf %gather3A_806, %gather3A_810 : vector<16xf32>
        %add3A_833 = arith.addf %gather3A_814, %gather3A_818 : vector<16xf32>
        %add3A_834 = arith.addf %gather3A_822, %gather3A_826 : vector<16xf32>
        %add3A_835 = arith.addf %add3A_827, %add3A_828 : vector<16xf32>
        %add3A_836 = arith.addf %add3A_829, %add3A_830 : vector<16xf32>
        %add3A_837 = arith.addf %add3A_831, %add3A_832 : vector<16xf32>
        %add3A_838 = arith.addf %add3A_833, %add3A_834 : vector<16xf32>
        %add3A_839 = arith.addf %add3A_835, %add3A_836 : vector<16xf32>
        %add3A_840 = arith.addf %add3A_837, %add3A_838 : vector<16xf32>
        %add3A_841 = arith.addf %add3A_839, %add3A_840 : vector<16xf32>
        %mul3A_842 = arith.constant 50 : i32
        %mul3A_843 = arith.muli %scan3A_177, %mul3A_842 : i32
        %add3A_844 = arith.constant 0 : i32
        %add3A_845 = arith.addi %mul3A_843, %add3A_844 : i32
        %swap3A_846 = arith.index_cast %add3A_845 : i32 to index
        %swap3A_847 = tpu.vector_load %arg10[%swap3A_846] {strides = array<i32>} : memref<816xf32, #tpu.memory_space<vmem>>, vector<16xf32>,
        tpu.vector_store %arg10[%swap3A_846], %add3A_841 {strides = array<i32>} : memref<816xf32, #tpu.memory_space<vmem>>, vector<16xf32>,
        %add3A_848 = arith.constant 1 : i32
        %add3A_849 = arith.addi %mul3A_179, %add3A_848 : i32
        %add3A_850 = arith.constant 16 : i32
        %add3A_851 = arith.addi %add3A_849, %add3A_850 : i32
        %add3A_852 = arith.constant 0 : i32
        %add3A_853 = arith.addi %add3A_851, %add3A_852 : i32
        %get3A_854 = arith.index_cast %add3A_853 : i32 to index
        %get3A_855 = arith.constant 0 : index
        %get3A_856 = tpu.vector_load %arg8[%get3A_854, %get3A_855] {strides = array<i32>} : memref<816x64xf32, #tpu.memory_space<vmem>>, vector<16xf32>,
        %mul3A_857 = arith.mulf %get3A_856, %get3A_181 : vector<16xf32>
        %get3A_858 = arith.index_cast %add3A_853 : i32 to index
        %get3A_859 = arith.constant 16 : index
        %get3A_860 = tpu.vector_load %arg8[%get3A_858, %get3A_859] {strides = array<i32>} : memref<816x64xf32, #tpu.memory_space<vmem>>, vector<16xf32>,
        %mul3A_861 = arith.mulf %get3A_860, %get3A_184 : vector<16xf32>
        %get3A_862 = arith.index_cast %add3A_853 : i32 to index
        %get3A_863 = arith.constant 32 : index
        %get3A_864 = tpu.vector_load %arg8[%get3A_862, %get3A_863] {strides = array<i32>} : memref<816x64xf32, #tpu.memory_space<vmem>>, vector<16xf32>,
        %mul3A_865 = arith.mulf %get3A_864, %get3A_187 : vector<16xf32>
        %get3A_866 = arith.index_cast %add3A_853 : i32 to index
        %get3A_867 = arith.constant 48 : index
        %get3A_868 = tpu.vector_load %arg8[%get3A_866, %get3A_867] {strides = array<i32>} : memref<816x64xf32, #tpu.memory_space<vmem>>, vector<16xf32>,
        %mul3A_869 = arith.mulf %get3A_868, %get3A_190 : vector<16xf32>
        %add3A_870 = arith.addf %mul3A_857, %mul3A_861 : vector<16xf32>
        %add3A_871 = arith.addf %mul3A_865, %mul3A_869 : vector<16xf32>
        %add3A_872 = arith.addf %add3A_870, %add3A_871 : vector<16xf32>
        %swap3A_873 = arith.constant 0 : index
        %swap3A_874 = tpu.vector_load %arg11[%swap3A_873] {strides = array<i32>} : memref<272xf32, #tpu.memory_space<vmem>>, vector<16xf32>,
        tpu.vector_store %arg11[%swap3A_873], %add3A_872 {strides = array<i32>} : memref<272xf32, #tpu.memory_space<vmem>>, vector<16xf32>,
        %add3A_875 = arith.constant 1 : i32
        %add3A_876 = arith.addi %mul3A_179, %add3A_875 : i32
        %add3A_877 = arith.constant 16 : i32
        %add3A_878 = arith.addi %add3A_876, %add3A_877 : i32
        %add3A_879 = arith.constant 1 : i32
        %add3A_880 = arith.addi %add3A_878, %add3A_879 : i32
        %get3A_881 = arith.index_cast %add3A_880 : i32 to index
        %get3A_882 = arith.constant 0 : index
        %get3A_883 = tpu.vector_load %arg8[%get3A_881, %get3A_882] {strides = array<i32>} : memref<816x64xf32, #tpu.memory_space<vmem>>, vector<16xf32>,
        %mul3A_884 = arith.mulf %get3A_883, %get3A_181 : vector<16xf32>
        %get3A_885 = arith.index_cast %add3A_880 : i32 to index
        %get3A_886 = arith.constant 16 : index
        %get3A_887 = tpu.vector_load %arg8[%get3A_885, %get3A_886] {strides = array<i32>} : memref<816x64xf32, #tpu.memory_space<vmem>>, vector<16xf32>,
        %mul3A_888 = arith.mulf %get3A_887, %get3A_184 : vector<16xf32>
        %get3A_889 = arith.index_cast %add3A_880 : i32 to index
        %get3A_890 = arith.constant 32 : index
        %get3A_891 = tpu.vector_load %arg8[%get3A_889, %get3A_890] {strides = array<i32>} : memref<816x64xf32, #tpu.memory_space<vmem>>, vector<16xf32>,
        %mul3A_892 = arith.mulf %get3A_891, %get3A_187 : vector<16xf32>
        %get3A_893 = arith.index_cast %add3A_880 : i32 to index
        %get3A_894 = arith.constant 48 : index
        %get3A_895 = tpu.vector_load %arg8[%get3A_893, %get3A_894] {strides = array<i32>} : memref<816x64xf32, #tpu.memory_space<vmem>>, vector<16xf32>,
        %mul3A_896 = arith.mulf %get3A_895, %get3A_190 : vector<16xf32>
        %add3A_897 = arith.addf %mul3A_884, %mul3A_888 : vector<16xf32>
        %add3A_898 = arith.addf %mul3A_892, %mul3A_896 : vector<16xf32>
        %add3A_899 = arith.addf %add3A_897, %add3A_898 : vector<16xf32>
        %swap3A_900 = arith.constant 17 : index
        %swap3A_901 = tpu.vector_load %arg11[%swap3A_900] {strides = array<i32>} : memref<272xf32, #tpu.memory_space<vmem>>, vector<16xf32>,
        tpu.vector_store %arg11[%swap3A_900], %add3A_899 {strides = array<i32>} : memref<272xf32, #tpu.memory_space<vmem>>, vector<16xf32>,
        %add3A_902 = arith.constant 1 : i32
        %add3A_903 = arith.addi %mul3A_179, %add3A_902 : i32
        %add3A_904 = arith.constant 16 : i32
        %add3A_905 = arith.addi %add3A_903, %add3A_904 : i32
        %add3A_906 = arith.constant 2 : i32
        %add3A_907 = arith.addi %add3A_905, %add3A_906 : i32
        %get3A_908 = arith.index_cast %add3A_907 : i32 to index
        %get3A_909 = arith.constant 0 : index
        %get3A_910 = tpu.vector_load %arg8[%get3A_908, %get3A_909] {strides = array<i32>} : memref<816x64xf32, #tpu.memory_space<vmem>>, vector<16xf32>,
        %mul3A_911 = arith.mulf %get3A_910, %get3A_181 : vector<16xf32>
        %get3A_912 = arith.index_cast %add3A_907 : i32 to index
        %get3A_913 = arith.constant 16 : index
        %get3A_914 = tpu.vector_load %arg8[%get3A_912, %get3A_913] {strides = array<i32>} : memref<816x64xf32, #tpu.memory_space<vmem>>, vector<16xf32>,
        %mul3A_915 = arith.mulf %get3A_914, %get3A_184 : vector<16xf32>
        %get3A_916 = arith.index_cast %add3A_907 : i32 to index
        %get3A_917 = arith.constant 32 : index
        %get3A_918 = tpu.vector_load %arg8[%get3A_916, %get3A_917] {strides = array<i32>} : memref<816x64xf32, #tpu.memory_space<vmem>>, vector<16xf32>,
        %mul3A_919 = arith.mulf %get3A_918, %get3A_187 : vector<16xf32>
        %get3A_920 = arith.index_cast %add3A_907 : i32 to index
        %get3A_921 = arith.constant 48 : index
        %get3A_922 = tpu.vector_load %arg8[%get3A_920, %get3A_921] {strides = array<i32>} : memref<816x64xf32, #tpu.memory_space<vmem>>, vector<16xf32>,
        %mul3A_923 = arith.mulf %get3A_922, %get3A_190 : vector<16xf32>
        %add3A_924 = arith.addf %mul3A_911, %mul3A_915 : vector<16xf32>
        %add3A_925 = arith.addf %mul3A_919, %mul3A_923 : vector<16xf32>
        %add3A_926 = arith.addf %add3A_924, %add3A_925 : vector<16xf32>
        %swap3A_927 = arith.constant 34 : index
        %swap3A_928 = tpu.vector_load %arg11[%swap3A_927] {strides = array<i32>} : memref<272xf32, #tpu.memory_space<vmem>>, vector<16xf32>,
        tpu.vector_store %arg11[%swap3A_927], %add3A_926 {strides = array<i32>} : memref<272xf32, #tpu.memory_space<vmem>>, vector<16xf32>,
        %add3A_929 = arith.constant 1 : i32
        %add3A_930 = arith.addi %mul3A_179, %add3A_929 : i32
        %add3A_931 = arith.constant 16 : i32
        %add3A_932 = arith.addi %add3A_930, %add3A_931 : i32
        %add3A_933 = arith.constant 3 : i32
        %add3A_934 = arith.addi %add3A_932, %add3A_933 : i32
        %get3A_935 = arith.index_cast %add3A_934 : i32 to index
        %get3A_936 = arith.constant 0 : index
        %get3A_937 = tpu.vector_load %arg8[%get3A_935, %get3A_936] {strides = array<i32>} : memref<816x64xf32, #tpu.memory_space<vmem>>, vector<16xf32>,
        %mul3A_938 = arith.mulf %get3A_937, %get3A_181 : vector<16xf32>
        %get3A_939 = arith.index_cast %add3A_934 : i32 to index
        %get3A_940 = arith.constant 16 : index
        %get3A_941 = tpu.vector_load %arg8[%get3A_939, %get3A_940] {strides = array<i32>} : memref<816x64xf32, #tpu.memory_space<vmem>>, vector<16xf32>,
        %mul3A_942 = arith.mulf %get3A_941, %get3A_184 : vector<16xf32>
        %get3A_943 = arith.index_cast %add3A_934 : i32 to index
        %get3A_944 = arith.constant 32 : index
        %get3A_945 = tpu.vector_load %arg8[%get3A_943, %get3A_944] {strides = array<i32>} : memref<816x64xf32, #tpu.memory_space<vmem>>, vector<16xf32>,
        %mul3A_946 = arith.mulf %get3A_945, %get3A_187 : vector<16xf32>
        %get3A_947 = arith.index_cast %add3A_934 : i32 to index
        %get3A_948 = arith.constant 48 : index
        %get3A_949 = tpu.vector_load %arg8[%get3A_947, %get3A_948] {strides = array<i32>} : memref<816x64xf32, #tpu.memory_space<vmem>>, vector<16xf32>,
        %mul3A_950 = arith.mulf %get3A_949, %get3A_190 : vector<16xf32>
        %add3A_951 = arith.addf %mul3A_938, %mul3A_942 : vector<16xf32>
        %add3A_952 = arith.addf %mul3A_946, %mul3A_950 : vector<16xf32>
        %add3A_953 = arith.addf %add3A_951, %add3A_952 : vector<16xf32>
        %swap3A_954 = arith.constant 51 : index
        %swap3A_955 = tpu.vector_load %arg11[%swap3A_954] {strides = array<i32>} : memref<272xf32, #tpu.memory_space<vmem>>, vector<16xf32>,
        tpu.vector_store %arg11[%swap3A_954], %add3A_953 {strides = array<i32>} : memref<272xf32, #tpu.memory_space<vmem>>, vector<16xf32>,
        %add3A_956 = arith.constant 1 : i32
        %add3A_957 = arith.addi %mul3A_179, %add3A_956 : i32
        %add3A_958 = arith.constant 16 : i32
        %add3A_959 = arith.addi %add3A_957, %add3A_958 : i32
        %add3A_960 = arith.constant 4 : i32
        %add3A_961 = arith.addi %add3A_959, %add3A_960 : i32
        %get3A_962 = arith.index_cast %add3A_961 : i32 to index
        %get3A_963 = arith.constant 0 : index
        %get3A_964 = tpu.vector_load %arg8[%get3A_962, %get3A_963] {strides = array<i32>} : memref<816x64xf32, #tpu.memory_space<vmem>>, vector<16xf32>,
        %mul3A_965 = arith.mulf %get3A_964, %get3A_181 : vector<16xf32>
        %get3A_966 = arith.index_cast %add3A_961 : i32 to index
        %get3A_967 = arith.constant 16 : index
        %get3A_968 = tpu.vector_load %arg8[%get3A_966, %get3A_967] {strides = array<i32>} : memref<816x64xf32, #tpu.memory_space<vmem>>, vector<16xf32>,
        %mul3A_969 = arith.mulf %get3A_968, %get3A_184 : vector<16xf32>
        %get3A_970 = arith.index_cast %add3A_961 : i32 to index
        %get3A_971 = arith.constant 32 : index
        %get3A_972 = tpu.vector_load %arg8[%get3A_970, %get3A_971] {strides = array<i32>} : memref<816x64xf32, #tpu.memory_space<vmem>>, vector<16xf32>,
        %mul3A_973 = arith.mulf %get3A_972, %get3A_187 : vector<16xf32>
        %get3A_974 = arith.index_cast %add3A_961 : i32 to index
        %get3A_975 = arith.constant 48 : index
        %get3A_976 = tpu.vector_load %arg8[%get3A_974, %get3A_975] {strides = array<i32>} : memref<816x64xf32, #tpu.memory_space<vmem>>, vector<16xf32>,
        %mul3A_977 = arith.mulf %get3A_976, %get3A_190 : vector<16xf32>
        %add3A_978 = arith.addf %mul3A_965, %mul3A_969 : vector<16xf32>
        %add3A_979 = arith.addf %mul3A_973, %mul3A_977 : vector<16xf32>
        %add3A_980 = arith.addf %add3A_978, %add3A_979 : vector<16xf32>
        %swap3A_981 = arith.constant 68 : index
        %swap3A_982 = tpu.vector_load %arg11[%swap3A_981] {strides = array<i32>} : memref<272xf32, #tpu.memory_space<vmem>>, vector<16xf32>,
        tpu.vector_store %arg11[%swap3A_981], %add3A_980 {strides = array<i32>} : memref<272xf32, #tpu.memory_space<vmem>>, vector<16xf32>,
        %add3A_983 = arith.constant 1 : i32
        %add3A_984 = arith.addi %mul3A_179, %add3A_983 : i32
        %add3A_985 = arith.constant 16 : i32
        %add3A_986 = arith.addi %add3A_984, %add3A_985 : i32
        %add3A_987 = arith.constant 5 : i32
        %add3A_988 = arith.addi %add3A_986, %add3A_987 : i32
        %get3A_989 = arith.index_cast %add3A_988 : i32 to index
        %get3A_990 = arith.constant 0 : index
        %get3A_991 = tpu.vector_load %arg8[%get3A_989, %get3A_990] {strides = array<i32>} : memref<816x64xf32, #tpu.memory_space<vmem>>, vector<16xf32>,
        %mul3A_992 = arith.mulf %get3A_991, %get3A_181 : vector<16xf32>
        %get3A_993 = arith.index_cast %add3A_988 : i32 to index
        %get3A_994 = arith.constant 16 : index
        %get3A_995 = tpu.vector_load %arg8[%get3A_993, %get3A_994] {strides = array<i32>} : memref<816x64xf32, #tpu.memory_space<vmem>>, vector<16xf32>,
        %mul3A_996 = arith.mulf %get3A_995, %get3A_184 : vector<16xf32>
        %get3A_997 = arith.index_cast %add3A_988 : i32 to index
        %get3A_998 = arith.constant 32 : index
        %get3A_999 = tpu.vector_load %arg8[%get3A_997, %get3A_998] {strides = array<i32>} : memref<816x64xf32, #tpu.memory_space<vmem>>, vector<16xf32>,
        %mul3A_1000 = arith.mulf %get3A_999, %get3A_187 : vector<16xf32>
        %get3A_1001 = arith.index_cast %add3A_988 : i32 to index
        %get3A_1002 = arith.constant 48 : index
        %get3A_1003 = tpu.vector_load %arg8[%get3A_1001, %get3A_1002] {strides = array<i32>} : memref<816x64xf32, #tpu.memory_space<vmem>>, vector<16xf32>,
        %mul3A_1004 = arith.mulf %get3A_1003, %get3A_190 : vector<16xf32>
        %add3A_1005 = arith.addf %mul3A_992, %mul3A_996 : vector<16xf32>
        %add3A_1006 = arith.addf %mul3A_1000, %mul3A_1004 : vector<16xf32>
        %add3A_1007 = arith.addf %add3A_1005, %add3A_1006 : vector<16xf32>
        %swap3A_1008 = arith.constant 85 : index
        %swap3A_1009 = tpu.vector_load %arg11[%swap3A_1008] {strides = array<i32>} : memref<272xf32, #tpu.memory_space<vmem>>, vector<16xf32>,
        tpu.vector_store %arg11[%swap3A_1008], %add3A_1007 {strides = array<i32>} : memref<272xf32, #tpu.memory_space<vmem>>, vector<16xf32>,
        %add3A_1010 = arith.constant 1 : i32
        %add3A_1011 = arith.addi %mul3A_179, %add3A_1010 : i32
        %add3A_1012 = arith.constant 16 : i32
        %add3A_1013 = arith.addi %add3A_1011, %add3A_1012 : i32
        %add3A_1014 = arith.constant 6 : i32
        %add3A_1015 = arith.addi %add3A_1013, %add3A_1014 : i32
        %get3A_1016 = arith.index_cast %add3A_1015 : i32 to index
        %get3A_1017 = arith.constant 0 : index
        %get3A_1018 = tpu.vector_load %arg8[%get3A_1016, %get3A_1017] {strides = array<i32>} : memref<816x64xf32, #tpu.memory_space<vmem>>, vector<16xf32>,
        %mul3A_1019 = arith.mulf %get3A_1018, %get3A_181 : vector<16xf32>
        %get3A_1020 = arith.index_cast %add3A_1015 : i32 to index
        %get3A_1021 = arith.constant 16 : index
        %get3A_1022 = tpu.vector_load %arg8[%get3A_1020, %get3A_1021] {strides = array<i32>} : memref<816x64xf32, #tpu.memory_space<vmem>>, vector<16xf32>,
        %mul3A_1023 = arith.mulf %get3A_1022, %get3A_184 : vector<16xf32>
        %get3A_1024 = arith.index_cast %add3A_1015 : i32 to index
        %get3A_1025 = arith.constant 32 : index
        %get3A_1026 = tpu.vector_load %arg8[%get3A_1024, %get3A_1025] {strides = array<i32>} : memref<816x64xf32, #tpu.memory_space<vmem>>, vector<16xf32>,
        %mul3A_1027 = arith.mulf %get3A_1026, %get3A_187 : vector<16xf32>
        %get3A_1028 = arith.index_cast %add3A_1015 : i32 to index
        %get3A_1029 = arith.constant 48 : index
        %get3A_1030 = tpu.vector_load %arg8[%get3A_1028, %get3A_1029] {strides = array<i32>} : memref<816x64xf32, #tpu.memory_space<vmem>>, vector<16xf32>,
        %mul3A_1031 = arith.mulf %get3A_1030, %get3A_190 : vector<16xf32>
        %add3A_1032 = arith.addf %mul3A_1019, %mul3A_1023 : vector<16xf32>
        %add3A_1033 = arith.addf %mul3A_1027, %mul3A_1031 : vector<16xf32>
        %add3A_1034 = arith.addf %add3A_1032, %add3A_1033 : vector<16xf32>
        %swap3A_1035 = arith.constant 102 : index
        %swap3A_1036 = tpu.vector_load %arg11[%swap3A_1035] {strides = array<i32>} : memref<272xf32, #tpu.memory_space<vmem>>, vector<16xf32>,
        tpu.vector_store %arg11[%swap3A_1035], %add3A_1034 {strides = array<i32>} : memref<272xf32, #tpu.memory_space<vmem>>, vector<16xf32>,
        %add3A_1037 = arith.constant 1 : i32
        %add3A_1038 = arith.addi %mul3A_179, %add3A_1037 : i32
        %add3A_1039 = arith.constant 16 : i32
        %add3A_1040 = arith.addi %add3A_1038, %add3A_1039 : i32
        %add3A_1041 = arith.constant 7 : i32
        %add3A_1042 = arith.addi %add3A_1040, %add3A_1041 : i32
        %get3A_1043 = arith.index_cast %add3A_1042 : i32 to index
        %get3A_1044 = arith.constant 0 : index
        %get3A_1045 = tpu.vector_load %arg8[%get3A_1043, %get3A_1044] {strides = array<i32>} : memref<816x64xf32, #tpu.memory_space<vmem>>, vector<16xf32>,
        %mul3A_1046 = arith.mulf %get3A_1045, %get3A_181 : vector<16xf32>
        %get3A_1047 = arith.index_cast %add3A_1042 : i32 to index
        %get3A_1048 = arith.constant 16 : index
        %get3A_1049 = tpu.vector_load %arg8[%get3A_1047, %get3A_1048] {strides = array<i32>} : memref<816x64xf32, #tpu.memory_space<vmem>>, vector<16xf32>,
        %mul3A_1050 = arith.mulf %get3A_1049, %get3A_184 : vector<16xf32>
        %get3A_1051 = arith.index_cast %add3A_1042 : i32 to index
        %get3A_1052 = arith.constant 32 : index
        %get3A_1053 = tpu.vector_load %arg8[%get3A_1051, %get3A_1052] {strides = array<i32>} : memref<816x64xf32, #tpu.memory_space<vmem>>, vector<16xf32>,
        %mul3A_1054 = arith.mulf %get3A_1053, %get3A_187 : vector<16xf32>
        %get3A_1055 = arith.index_cast %add3A_1042 : i32 to index
        %get3A_1056 = arith.constant 48 : index
        %get3A_1057 = tpu.vector_load %arg8[%get3A_1055, %get3A_1056] {strides = array<i32>} : memref<816x64xf32, #tpu.memory_space<vmem>>, vector<16xf32>,
        %mul3A_1058 = arith.mulf %get3A_1057, %get3A_190 : vector<16xf32>
        %add3A_1059 = arith.addf %mul3A_1046, %mul3A_1050 : vector<16xf32>
        %add3A_1060 = arith.addf %mul3A_1054, %mul3A_1058 : vector<16xf32>
        %add3A_1061 = arith.addf %add3A_1059, %add3A_1060 : vector<16xf32>
        %swap3A_1062 = arith.constant 119 : index
        %swap3A_1063 = tpu.vector_load %arg11[%swap3A_1062] {strides = array<i32>} : memref<272xf32, #tpu.memory_space<vmem>>, vector<16xf32>,
        tpu.vector_store %arg11[%swap3A_1062], %add3A_1061 {strides = array<i32>} : memref<272xf32, #tpu.memory_space<vmem>>, vector<16xf32>,
        %add3A_1064 = arith.constant 1 : i32
        %add3A_1065 = arith.addi %mul3A_179, %add3A_1064 : i32
        %add3A_1066 = arith.constant 16 : i32
        %add3A_1067 = arith.addi %add3A_1065, %add3A_1066 : i32
        %add3A_1068 = arith.constant 8 : i32
        %add3A_1069 = arith.addi %add3A_1067, %add3A_1068 : i32
        %get3A_1070 = arith.index_cast %add3A_1069 : i32 to index
        %get3A_1071 = arith.constant 0 : index
        %get3A_1072 = tpu.vector_load %arg8[%get3A_1070, %get3A_1071] {strides = array<i32>} : memref<816x64xf32, #tpu.memory_space<vmem>>, vector<16xf32>,
        %mul3A_1073 = arith.mulf %get3A_1072, %get3A_181 : vector<16xf32>
        %get3A_1074 = arith.index_cast %add3A_1069 : i32 to index
        %get3A_1075 = arith.constant 16 : index
        %get3A_1076 = tpu.vector_load %arg8[%get3A_1074, %get3A_1075] {strides = array<i32>} : memref<816x64xf32, #tpu.memory_space<vmem>>, vector<16xf32>,
        %mul3A_1077 = arith.mulf %get3A_1076, %get3A_184 : vector<16xf32>
        %get3A_1078 = arith.index_cast %add3A_1069 : i32 to index
        %get3A_1079 = arith.constant 32 : index
        %get3A_1080 = tpu.vector_load %arg8[%get3A_1078, %get3A_1079] {strides = array<i32>} : memref<816x64xf32, #tpu.memory_space<vmem>>, vector<16xf32>,
        %mul3A_1081 = arith.mulf %get3A_1080, %get3A_187 : vector<16xf32>
        %get3A_1082 = arith.index_cast %add3A_1069 : i32 to index
        %get3A_1083 = arith.constant 48 : index
        %get3A_1084 = tpu.vector_load %arg8[%get3A_1082, %get3A_1083] {strides = array<i32>} : memref<816x64xf32, #tpu.memory_space<vmem>>, vector<16xf32>,
        %mul3A_1085 = arith.mulf %get3A_1084, %get3A_190 : vector<16xf32>
        %add3A_1086 = arith.addf %mul3A_1073, %mul3A_1077 : vector<16xf32>
        %add3A_1087 = arith.addf %mul3A_1081, %mul3A_1085 : vector<16xf32>
        %add3A_1088 = arith.addf %add3A_1086, %add3A_1087 : vector<16xf32>
        %swap3A_1089 = arith.constant 136 : index
        %swap3A_1090 = tpu.vector_load %arg11[%swap3A_1089] {strides = array<i32>} : memref<272xf32, #tpu.memory_space<vmem>>, vector<16xf32>,
        tpu.vector_store %arg11[%swap3A_1089], %add3A_1088 {strides = array<i32>} : memref<272xf32, #tpu.memory_space<vmem>>, vector<16xf32>,
        %add3A_1091 = arith.constant 1 : i32
        %add3A_1092 = arith.addi %mul3A_179, %add3A_1091 : i32
        %add3A_1093 = arith.constant 16 : i32
        %add3A_1094 = arith.addi %add3A_1092, %add3A_1093 : i32
        %add3A_1095 = arith.constant 9 : i32
        %add3A_1096 = arith.addi %add3A_1094, %add3A_1095 : i32
        %get3A_1097 = arith.index_cast %add3A_1096 : i32 to index
        %get3A_1098 = arith.constant 0 : index
        %get3A_1099 = tpu.vector_load %arg8[%get3A_1097, %get3A_1098] {strides = array<i32>} : memref<816x64xf32, #tpu.memory_space<vmem>>, vector<16xf32>,
        %mul3A_1100 = arith.mulf %get3A_1099, %get3A_181 : vector<16xf32>
        %get3A_1101 = arith.index_cast %add3A_1096 : i32 to index
        %get3A_1102 = arith.constant 16 : index
        %get3A_1103 = tpu.vector_load %arg8[%get3A_1101, %get3A_1102] {strides = array<i32>} : memref<816x64xf32, #tpu.memory_space<vmem>>, vector<16xf32>,
        %mul3A_1104 = arith.mulf %get3A_1103, %get3A_184 : vector<16xf32>
        %get3A_1105 = arith.index_cast %add3A_1096 : i32 to index
        %get3A_1106 = arith.constant 32 : index
        %get3A_1107 = tpu.vector_load %arg8[%get3A_1105, %get3A_1106] {strides = array<i32>} : memref<816x64xf32, #tpu.memory_space<vmem>>, vector<16xf32>,
        %mul3A_1108 = arith.mulf %get3A_1107, %get3A_187 : vector<16xf32>
        %get3A_1109 = arith.index_cast %add3A_1096 : i32 to index
        %get3A_1110 = arith.constant 48 : index
        %get3A_1111 = tpu.vector_load %arg8[%get3A_1109, %get3A_1110] {strides = array<i32>} : memref<816x64xf32, #tpu.memory_space<vmem>>, vector<16xf32>,
        %mul3A_1112 = arith.mulf %get3A_1111, %get3A_190 : vector<16xf32>
        %add3A_1113 = arith.addf %mul3A_1100, %mul3A_1104 : vector<16xf32>
        %add3A_1114 = arith.addf %mul3A_1108, %mul3A_1112 : vector<16xf32>
        %add3A_1115 = arith.addf %add3A_1113, %add3A_1114 : vector<16xf32>
        %swap3A_1116 = arith.constant 153 : index
        %swap3A_1117 = tpu.vector_load %arg11[%swap3A_1116] {strides = array<i32>} : memref<272xf32, #tpu.memory_space<vmem>>, vector<16xf32>,
        tpu.vector_store %arg11[%swap3A_1116], %add3A_1115 {strides = array<i32>} : memref<272xf32, #tpu.memory_space<vmem>>, vector<16xf32>,
        %add3A_1118 = arith.constant 1 : i32
        %add3A_1119 = arith.addi %mul3A_179, %add3A_1118 : i32
        %add3A_1120 = arith.constant 16 : i32
        %add3A_1121 = arith.addi %add3A_1119, %add3A_1120 : i32
        %add3A_1122 = arith.constant 10 : i32
        %add3A_1123 = arith.addi %add3A_1121, %add3A_1122 : i32
        %get3A_1124 = arith.index_cast %add3A_1123 : i32 to index
        %get3A_1125 = arith.constant 0 : index
        %get3A_1126 = tpu.vector_load %arg8[%get3A_1124, %get3A_1125] {strides = array<i32>} : memref<816x64xf32, #tpu.memory_space<vmem>>, vector<16xf32>,
        %mul3A_1127 = arith.mulf %get3A_1126, %get3A_181 : vector<16xf32>
        %get3A_1128 = arith.index_cast %add3A_1123 : i32 to index
        %get3A_1129 = arith.constant 16 : index
        %get3A_1130 = tpu.vector_load %arg8[%get3A_1128, %get3A_1129] {strides = array<i32>} : memref<816x64xf32, #tpu.memory_space<vmem>>, vector<16xf32>,
        %mul3A_1131 = arith.mulf %get3A_1130, %get3A_184 : vector<16xf32>
        %get3A_1132 = arith.index_cast %add3A_1123 : i32 to index
        %get3A_1133 = arith.constant 32 : index
        %get3A_1134 = tpu.vector_load %arg8[%get3A_1132, %get3A_1133] {strides = array<i32>} : memref<816x64xf32, #tpu.memory_space<vmem>>, vector<16xf32>,
        %mul3A_1135 = arith.mulf %get3A_1134, %get3A_187 : vector<16xf32>
        %get3A_1136 = arith.index_cast %add3A_1123 : i32 to index
        %get3A_1137 = arith.constant 48 : index
        %get3A_1138 = tpu.vector_load %arg8[%get3A_1136, %get3A_1137] {strides = array<i32>} : memref<816x64xf32, #tpu.memory_space<vmem>>, vector<16xf32>,
        %mul3A_1139 = arith.mulf %get3A_1138, %get3A_190 : vector<16xf32>
        %add3A_1140 = arith.addf %mul3A_1127, %mul3A_1131 : vector<16xf32>
        %add3A_1141 = arith.addf %mul3A_1135, %mul3A_1139 : vector<16xf32>
        %add3A_1142 = arith.addf %add3A_1140, %add3A_1141 : vector<16xf32>
        %swap3A_1143 = arith.constant 170 : index
        %swap3A_1144 = tpu.vector_load %arg11[%swap3A_1143] {strides = array<i32>} : memref<272xf32, #tpu.memory_space<vmem>>, vector<16xf32>,
        tpu.vector_store %arg11[%swap3A_1143], %add3A_1142 {strides = array<i32>} : memref<272xf32, #tpu.memory_space<vmem>>, vector<16xf32>,
        %add3A_1145 = arith.constant 1 : i32
        %add3A_1146 = arith.addi %mul3A_179, %add3A_1145 : i32
        %add3A_1147 = arith.constant 16 : i32
        %add3A_1148 = arith.addi %add3A_1146, %add3A_1147 : i32
        %add3A_1149 = arith.constant 11 : i32
        %add3A_1150 = arith.addi %add3A_1148, %add3A_1149 : i32
        %get3A_1151 = arith.index_cast %add3A_1150 : i32 to index
        %get3A_1152 = arith.constant 0 : index
        %get3A_1153 = tpu.vector_load %arg8[%get3A_1151, %get3A_1152] {strides = array<i32>} : memref<816x64xf32, #tpu.memory_space<vmem>>, vector<16xf32>,
        %mul3A_1154 = arith.mulf %get3A_1153, %get3A_181 : vector<16xf32>
        %get3A_1155 = arith.index_cast %add3A_1150 : i32 to index
        %get3A_1156 = arith.constant 16 : index
        %get3A_1157 = tpu.vector_load %arg8[%get3A_1155, %get3A_1156] {strides = array<i32>} : memref<816x64xf32, #tpu.memory_space<vmem>>, vector<16xf32>,
        %mul3A_1158 = arith.mulf %get3A_1157, %get3A_184 : vector<16xf32>
        %get3A_1159 = arith.index_cast %add3A_1150 : i32 to index
        %get3A_1160 = arith.constant 32 : index
        %get3A_1161 = tpu.vector_load %arg8[%get3A_1159, %get3A_1160] {strides = array<i32>} : memref<816x64xf32, #tpu.memory_space<vmem>>, vector<16xf32>,
        %mul3A_1162 = arith.mulf %get3A_1161, %get3A_187 : vector<16xf32>
        %get3A_1163 = arith.index_cast %add3A_1150 : i32 to index
        %get3A_1164 = arith.constant 48 : index
        %get3A_1165 = tpu.vector_load %arg8[%get3A_1163, %get3A_1164] {strides = array<i32>} : memref<816x64xf32, #tpu.memory_space<vmem>>, vector<16xf32>,
        %mul3A_1166 = arith.mulf %get3A_1165, %get3A_190 : vector<16xf32>
        %add3A_1167 = arith.addf %mul3A_1154, %mul3A_1158 : vector<16xf32>
        %add3A_1168 = arith.addf %mul3A_1162, %mul3A_1166 : vector<16xf32>
        %add3A_1169 = arith.addf %add3A_1167, %add3A_1168 : vector<16xf32>
        %swap3A_1170 = arith.constant 187 : index
        %swap3A_1171 = tpu.vector_load %arg11[%swap3A_1170] {strides = array<i32>} : memref<272xf32, #tpu.memory_space<vmem>>, vector<16xf32>,
        tpu.vector_store %arg11[%swap3A_1170], %add3A_1169 {strides = array<i32>} : memref<272xf32, #tpu.memory_space<vmem>>, vector<16xf32>,
        %add3A_1172 = arith.constant 1 : i32
        %add3A_1173 = arith.addi %mul3A_179, %add3A_1172 : i32
        %add3A_1174 = arith.constant 16 : i32
        %add3A_1175 = arith.addi %add3A_1173, %add3A_1174 : i32
        %add3A_1176 = arith.constant 12 : i32
        %add3A_1177 = arith.addi %add3A_1175, %add3A_1176 : i32
        %get3A_1178 = arith.index_cast %add3A_1177 : i32 to index
        %get3A_1179 = arith.constant 0 : index
        %get3A_1180 = tpu.vector_load %arg8[%get3A_1178, %get3A_1179] {strides = array<i32>} : memref<816x64xf32, #tpu.memory_space<vmem>>, vector<16xf32>,
        %mul3A_1181 = arith.mulf %get3A_1180, %get3A_181 : vector<16xf32>
        %get3A_1182 = arith.index_cast %add3A_1177 : i32 to index
        %get3A_1183 = arith.constant 16 : index
        %get3A_1184 = tpu.vector_load %arg8[%get3A_1182, %get3A_1183] {strides = array<i32>} : memref<816x64xf32, #tpu.memory_space<vmem>>, vector<16xf32>,
        %mul3A_1185 = arith.mulf %get3A_1184, %get3A_184 : vector<16xf32>
        %get3A_1186 = arith.index_cast %add3A_1177 : i32 to index
        %get3A_1187 = arith.constant 32 : index
        %get3A_1188 = tpu.vector_load %arg8[%get3A_1186, %get3A_1187] {strides = array<i32>} : memref<816x64xf32, #tpu.memory_space<vmem>>, vector<16xf32>,
        %mul3A_1189 = arith.mulf %get3A_1188, %get3A_187 : vector<16xf32>
        %get3A_1190 = arith.index_cast %add3A_1177 : i32 to index
        %get3A_1191 = arith.constant 48 : index
        %get3A_1192 = tpu.vector_load %arg8[%get3A_1190, %get3A_1191] {strides = array<i32>} : memref<816x64xf32, #tpu.memory_space<vmem>>, vector<16xf32>,
        %mul3A_1193 = arith.mulf %get3A_1192, %get3A_190 : vector<16xf32>
        %add3A_1194 = arith.addf %mul3A_1181, %mul3A_1185 : vector<16xf32>
        %add3A_1195 = arith.addf %mul3A_1189, %mul3A_1193 : vector<16xf32>
        %add3A_1196 = arith.addf %add3A_1194, %add3A_1195 : vector<16xf32>
        %swap3A_1197 = arith.constant 204 : index
        %swap3A_1198 = tpu.vector_load %arg11[%swap3A_1197] {strides = array<i32>} : memref<272xf32, #tpu.memory_space<vmem>>, vector<16xf32>,
        tpu.vector_store %arg11[%swap3A_1197], %add3A_1196 {strides = array<i32>} : memref<272xf32, #tpu.memory_space<vmem>>, vector<16xf32>,
        %add3A_1199 = arith.constant 1 : i32
        %add3A_1200 = arith.addi %mul3A_179, %add3A_1199 : i32
        %add3A_1201 = arith.constant 16 : i32
        %add3A_1202 = arith.addi %add3A_1200, %add3A_1201 : i32
        %add3A_1203 = arith.constant 13 : i32
        %add3A_1204 = arith.addi %add3A_1202, %add3A_1203 : i32
        %get3A_1205 = arith.index_cast %add3A_1204 : i32 to index
        %get3A_1206 = arith.constant 0 : index
        %get3A_1207 = tpu.vector_load %arg8[%get3A_1205, %get3A_1206] {strides = array<i32>} : memref<816x64xf32, #tpu.memory_space<vmem>>, vector<16xf32>,
        %mul3A_1208 = arith.mulf %get3A_1207, %get3A_181 : vector<16xf32>
        %get3A_1209 = arith.index_cast %add3A_1204 : i32 to index
        %get3A_1210 = arith.constant 16 : index
        %get3A_1211 = tpu.vector_load %arg8[%get3A_1209, %get3A_1210] {strides = array<i32>} : memref<816x64xf32, #tpu.memory_space<vmem>>, vector<16xf32>,
        %mul3A_1212 = arith.mulf %get3A_1211, %get3A_184 : vector<16xf32>
        %get3A_1213 = arith.index_cast %add3A_1204 : i32 to index
        %get3A_1214 = arith.constant 32 : index
        %get3A_1215 = tpu.vector_load %arg8[%get3A_1213, %get3A_1214] {strides = array<i32>} : memref<816x64xf32, #tpu.memory_space<vmem>>, vector<16xf32>,
        %mul3A_1216 = arith.mulf %get3A_1215, %get3A_187 : vector<16xf32>
        %get3A_1217 = arith.index_cast %add3A_1204 : i32 to index
        %get3A_1218 = arith.constant 48 : index
        %get3A_1219 = tpu.vector_load %arg8[%get3A_1217, %get3A_1218] {strides = array<i32>} : memref<816x64xf32, #tpu.memory_space<vmem>>, vector<16xf32>,
        %mul3A_1220 = arith.mulf %get3A_1219, %get3A_190 : vector<16xf32>
        %add3A_1221 = arith.addf %mul3A_1208, %mul3A_1212 : vector<16xf32>
        %add3A_1222 = arith.addf %mul3A_1216, %mul3A_1220 : vector<16xf32>
        %add3A_1223 = arith.addf %add3A_1221, %add3A_1222 : vector<16xf32>
        %swap3A_1224 = arith.constant 221 : index
        %swap3A_1225 = tpu.vector_load %arg11[%swap3A_1224] {strides = array<i32>} : memref<272xf32, #tpu.memory_space<vmem>>, vector<16xf32>,
        tpu.vector_store %arg11[%swap3A_1224], %add3A_1223 {strides = array<i32>} : memref<272xf32, #tpu.memory_space<vmem>>, vector<16xf32>,
        %add3A_1226 = arith.constant 1 : i32
        %add3A_1227 = arith.addi %mul3A_179, %add3A_1226 : i32
        %add3A_1228 = arith.constant 16 : i32
        %add3A_1229 = arith.addi %add3A_1227, %add3A_1228 : i32
        %add3A_1230 = arith.constant 14 : i32
        %add3A_1231 = arith.addi %add3A_1229, %add3A_1230 : i32
        %get3A_1232 = arith.index_cast %add3A_1231 : i32 to index
        %get3A_1233 = arith.constant 0 : index
        %get3A_1234 = tpu.vector_load %arg8[%get3A_1232, %get3A_1233] {strides = array<i32>} : memref<816x64xf32, #tpu.memory_space<vmem>>, vector<16xf32>,
        %mul3A_1235 = arith.mulf %get3A_1234, %get3A_181 : vector<16xf32>
        %get3A_1236 = arith.index_cast %add3A_1231 : i32 to index
        %get3A_1237 = arith.constant 16 : index
        %get3A_1238 = tpu.vector_load %arg8[%get3A_1236, %get3A_1237] {strides = array<i32>} : memref<816x64xf32, #tpu.memory_space<vmem>>, vector<16xf32>,
        %mul3A_1239 = arith.mulf %get3A_1238, %get3A_184 : vector<16xf32>
        %get3A_1240 = arith.index_cast %add3A_1231 : i32 to index
        %get3A_1241 = arith.constant 32 : index
        %get3A_1242 = tpu.vector_load %arg8[%get3A_1240, %get3A_1241] {strides = array<i32>} : memref<816x64xf32, #tpu.memory_space<vmem>>, vector<16xf32>,
        %mul3A_1243 = arith.mulf %get3A_1242, %get3A_187 : vector<16xf32>
        %get3A_1244 = arith.index_cast %add3A_1231 : i32 to index
        %get3A_1245 = arith.constant 48 : index
        %get3A_1246 = tpu.vector_load %arg8[%get3A_1244, %get3A_1245] {strides = array<i32>} : memref<816x64xf32, #tpu.memory_space<vmem>>, vector<16xf32>,
        %mul3A_1247 = arith.mulf %get3A_1246, %get3A_190 : vector<16xf32>
        %add3A_1248 = arith.addf %mul3A_1235, %mul3A_1239 : vector<16xf32>
        %add3A_1249 = arith.addf %mul3A_1243, %mul3A_1247 : vector<16xf32>
        %add3A_1250 = arith.addf %add3A_1248, %add3A_1249 : vector<16xf32>
        %swap3A_1251 = arith.constant 238 : index
        %swap3A_1252 = tpu.vector_load %arg11[%swap3A_1251] {strides = array<i32>} : memref<272xf32, #tpu.memory_space<vmem>>, vector<16xf32>,
        tpu.vector_store %arg11[%swap3A_1251], %add3A_1250 {strides = array<i32>} : memref<272xf32, #tpu.memory_space<vmem>>, vector<16xf32>,
        %add3A_1253 = arith.constant 1 : i32
        %add3A_1254 = arith.addi %mul3A_179, %add3A_1253 : i32
        %add3A_1255 = arith.constant 16 : i32
        %add3A_1256 = arith.addi %add3A_1254, %add3A_1255 : i32
        %add3A_1257 = arith.constant 15 : i32
        %add3A_1258 = arith.addi %add3A_1256, %add3A_1257 : i32
        %get3A_1259 = arith.index_cast %add3A_1258 : i32 to index
        %get3A_1260 = arith.constant 0 : index
        %get3A_1261 = tpu.vector_load %arg8[%get3A_1259, %get3A_1260] {strides = array<i32>} : memref<816x64xf32, #tpu.memory_space<vmem>>, vector<16xf32>,
        %mul3A_1262 = arith.mulf %get3A_1261, %get3A_181 : vector<16xf32>
        %get3A_1263 = arith.index_cast %add3A_1258 : i32 to index
        %get3A_1264 = arith.constant 16 : index
        %get3A_1265 = tpu.vector_load %arg8[%get3A_1263, %get3A_1264] {strides = array<i32>} : memref<816x64xf32, #tpu.memory_space<vmem>>, vector<16xf32>,
        %mul3A_1266 = arith.mulf %get3A_1265, %get3A_184 : vector<16xf32>
        %get3A_1267 = arith.index_cast %add3A_1258 : i32 to index
        %get3A_1268 = arith.constant 32 : index
        %get3A_1269 = tpu.vector_load %arg8[%get3A_1267, %get3A_1268] {strides = array<i32>} : memref<816x64xf32, #tpu.memory_space<vmem>>, vector<16xf32>,
        %mul3A_1270 = arith.mulf %get3A_1269, %get3A_187 : vector<16xf32>
        %get3A_1271 = arith.index_cast %add3A_1258 : i32 to index
        %get3A_1272 = arith.constant 48 : index
        %get3A_1273 = tpu.vector_load %arg8[%get3A_1271, %get3A_1272] {strides = array<i32>} : memref<816x64xf32, #tpu.memory_space<vmem>>, vector<16xf32>,
        %mul3A_1274 = arith.mulf %get3A_1273, %get3A_190 : vector<16xf32>
        %add3A_1275 = arith.addf %mul3A_1262, %mul3A_1266 : vector<16xf32>
        %add3A_1276 = arith.addf %mul3A_1270, %mul3A_1274 : vector<16xf32>
        %add3A_1277 = arith.addf %add3A_1275, %add3A_1276 : vector<16xf32>
        %swap3A_1278 = arith.constant 255 : index
        %swap3A_1279 = tpu.vector_load %arg11[%swap3A_1278] {strides = array<i32>} : memref<272xf32, #tpu.memory_space<vmem>>, vector<16xf32>,
        tpu.vector_store %arg11[%swap3A_1278], %add3A_1277 {strides = array<i32>} : memref<272xf32, #tpu.memory_space<vmem>>, vector<16xf32>,
        %add3A_1280 = arith.constant 0 : i32
        %add3A_1281 = vector.broadcast %add3A_1280 : i32 to vector<16xi32>
        %add3A_1282 = arith.addi %mul3A_193, %add3A_1281 : vector<16xi32>
        %gather3A_1283 = tpu.vector_load_idx %arg11[%add3A_1282] : memref<272xf32, #tpu.memory_space<vmem>>[vector<16xi32>], vector<16xf32>,
        %add3A_1284 = arith.constant 1 : i32
        %add3A_1285 = vector.broadcast %add3A_1284 : i32 to vector<16xi32>
        %add3A_1286 = arith.addi %mul3A_193, %add3A_1285 : vector<16xi32>
        %gather3A_1287 = tpu.vector_load_idx %arg11[%add3A_1286] : memref<272xf32, #tpu.memory_space<vmem>>[vector<16xi32>], vector<16xf32>,
        %add3A_1288 = arith.constant 2 : i32
        %add3A_1289 = vector.broadcast %add3A_1288 : i32 to vector<16xi32>
        %add3A_1290 = arith.addi %mul3A_193, %add3A_1289 : vector<16xi32>
        %gather3A_1291 = tpu.vector_load_idx %arg11[%add3A_1290] : memref<272xf32, #tpu.memory_space<vmem>>[vector<16xi32>], vector<16xf32>,
        %add3A_1292 = arith.constant 3 : i32
        %add3A_1293 = vector.broadcast %add3A_1292 : i32 to vector<16xi32>
        %add3A_1294 = arith.addi %mul3A_193, %add3A_1293 : vector<16xi32>
        %gather3A_1295 = tpu.vector_load_idx %arg11[%add3A_1294] : memref<272xf32, #tpu.memory_space<vmem>>[vector<16xi32>], vector<16xf32>,
        %add3A_1296 = arith.constant 4 : i32
        %add3A_1297 = vector.broadcast %add3A_1296 : i32 to vector<16xi32>
        %add3A_1298 = arith.addi %mul3A_193, %add3A_1297 : vector<16xi32>
        %gather3A_1299 = tpu.vector_load_idx %arg11[%add3A_1298] : memref<272xf32, #tpu.memory_space<vmem>>[vector<16xi32>], vector<16xf32>,
        %add3A_1300 = arith.constant 5 : i32
        %add3A_1301 = vector.broadcast %add3A_1300 : i32 to vector<16xi32>
        %add3A_1302 = arith.addi %mul3A_193, %add3A_1301 : vector<16xi32>
        %gather3A_1303 = tpu.vector_load_idx %arg11[%add3A_1302] : memref<272xf32, #tpu.memory_space<vmem>>[vector<16xi32>], vector<16xf32>,
        %add3A_1304 = arith.constant 6 : i32
        %add3A_1305 = vector.broadcast %add3A_1304 : i32 to vector<16xi32>
        %add3A_1306 = arith.addi %mul3A_193, %add3A_1305 : vector<16xi32>
        %gather3A_1307 = tpu.vector_load_idx %arg11[%add3A_1306] : memref<272xf32, #tpu.memory_space<vmem>>[vector<16xi32>], vector<16xf32>,
        %add3A_1308 = arith.constant 7 : i32
        %add3A_1309 = vector.broadcast %add3A_1308 : i32 to vector<16xi32>
        %add3A_1310 = arith.addi %mul3A_193, %add3A_1309 : vector<16xi32>
        %gather3A_1311 = tpu.vector_load_idx %arg11[%add3A_1310] : memref<272xf32, #tpu.memory_space<vmem>>[vector<16xi32>], vector<16xf32>,
        %add3A_1312 = arith.constant 8 : i32
        %add3A_1313 = vector.broadcast %add3A_1312 : i32 to vector<16xi32>
        %add3A_1314 = arith.addi %mul3A_193, %add3A_1313 : vector<16xi32>
        %gather3A_1315 = tpu.vector_load_idx %arg11[%add3A_1314] : memref<272xf32, #tpu.memory_space<vmem>>[vector<16xi32>], vector<16xf32>,
        %add3A_1316 = arith.constant 9 : i32
        %add3A_1317 = vector.broadcast %add3A_1316 : i32 to vector<16xi32>
        %add3A_1318 = arith.addi %mul3A_193, %add3A_1317 : vector<16xi32>
        %gather3A_1319 = tpu.vector_load_idx %arg11[%add3A_1318] : memref<272xf32, #tpu.memory_space<vmem>>[vector<16xi32>], vector<16xf32>,
        %add3A_1320 = arith.constant 10 : i32
        %add3A_1321 = vector.broadcast %add3A_1320 : i32 to vector<16xi32>
        %add3A_1322 = arith.addi %mul3A_193, %add3A_1321 : vector<16xi32>
        %gather3A_1323 = tpu.vector_load_idx %arg11[%add3A_1322] : memref<272xf32, #tpu.memory_space<vmem>>[vector<16xi32>], vector<16xf32>,
        %add3A_1324 = arith.constant 11 : i32
        %add3A_1325 = vector.broadcast %add3A_1324 : i32 to vector<16xi32>
        %add3A_1326 = arith.addi %mul3A_193, %add3A_1325 : vector<16xi32>
        %gather3A_1327 = tpu.vector_load_idx %arg11[%add3A_1326] : memref<272xf32, #tpu.memory_space<vmem>>[vector<16xi32>], vector<16xf32>,
        %add3A_1328 = arith.constant 12 : i32
        %add3A_1329 = vector.broadcast %add3A_1328 : i32 to vector<16xi32>
        %add3A_1330 = arith.addi %mul3A_193, %add3A_1329 : vector<16xi32>
        %gather3A_1331 = tpu.vector_load_idx %arg11[%add3A_1330] : memref<272xf32, #tpu.memory_space<vmem>>[vector<16xi32>], vector<16xf32>,
        %add3A_1332 = arith.constant 13 : i32
        %add3A_1333 = vector.broadcast %add3A_1332 : i32 to vector<16xi32>
        %add3A_1334 = arith.addi %mul3A_193, %add3A_1333 : vector<16xi32>
        %gather3A_1335 = tpu.vector_load_idx %arg11[%add3A_1334] : memref<272xf32, #tpu.memory_space<vmem>>[vector<16xi32>], vector<16xf32>,
        %add3A_1336 = arith.constant 14 : i32
        %add3A_1337 = vector.broadcast %add3A_1336 : i32 to vector<16xi32>
        %add3A_1338 = arith.addi %mul3A_193, %add3A_1337 : vector<16xi32>
        %gather3A_1339 = tpu.vector_load_idx %arg11[%add3A_1338] : memref<272xf32, #tpu.memory_space<vmem>>[vector<16xi32>], vector<16xf32>,
        %add3A_1340 = arith.constant 15 : i32
        %add3A_1341 = vector.broadcast %add3A_1340 : i32 to vector<16xi32>
        %add3A_1342 = arith.addi %mul3A_193, %add3A_1341 : vector<16xi32>
        %gather3A_1343 = tpu.vector_load_idx %arg11[%add3A_1342] : memref<272xf32, #tpu.memory_space<vmem>>[vector<16xi32>], vector<16xf32>,
        %add3A_1344 = arith.addf %gather3A_1283, %gather3A_1287 : vector<16xf32>
        %add3A_1345 = arith.addf %gather3A_1291, %gather3A_1295 : vector<16xf32>
        %add3A_1346 = arith.addf %gather3A_1299, %gather3A_1303 : vector<16xf32>
        %add3A_1347 = arith.addf %gather3A_1307, %gather3A_1311 : vector<16xf32>
        %add3A_1348 = arith.addf %gather3A_1315, %gather3A_1319 : vector<16xf32>
        %add3A_1349 = arith.addf %gather3A_1323, %gather3A_1327 : vector<16xf32>
        %add3A_1350 = arith.addf %gather3A_1331, %gather3A_1335 : vector<16xf32>
        %add3A_1351 = arith.addf %gather3A_1339, %gather3A_1343 : vector<16xf32>
        %add3A_1352 = arith.addf %add3A_1344, %add3A_1345 : vector<16xf32>
        %add3A_1353 = arith.addf %add3A_1346, %add3A_1347 : vector<16xf32>
        %add3A_1354 = arith.addf %add3A_1348, %add3A_1349 : vector<16xf32>
        %add3A_1355 = arith.addf %add3A_1350, %add3A_1351 : vector<16xf32>
        %add3A_1356 = arith.addf %add3A_1352, %add3A_1353 : vector<16xf32>
        %add3A_1357 = arith.addf %add3A_1354, %add3A_1355 : vector<16xf32>
        %add3A_1358 = arith.addf %add3A_1356, %add3A_1357 : vector<16xf32>
        %mul3A_1359 = arith.constant 50 : i32
        %mul3A_1360 = arith.muli %scan3A_177, %mul3A_1359 : i32
        %add3A_1361 = arith.constant 16 : i32
        %add3A_1362 = arith.addi %mul3A_1360, %add3A_1361 : i32
        %swap3A_1363 = arith.index_cast %add3A_1362 : i32 to index
        %swap3A_1364 = tpu.vector_load %arg10[%swap3A_1363] {strides = array<i32>} : memref<816xf32, #tpu.memory_space<vmem>>, vector<16xf32>,
        tpu.vector_store %arg10[%swap3A_1363], %add3A_1358 {strides = array<i32>} : memref<816xf32, #tpu.memory_space<vmem>>, vector<16xf32>,
        %add3A_1365 = arith.constant 1 : i32
        %add3A_1366 = arith.addi %mul3A_179, %add3A_1365 : i32
        %add3A_1367 = arith.constant 32 : i32
        %add3A_1368 = arith.addi %add3A_1366, %add3A_1367 : i32
        %add3A_1369 = arith.constant 0 : i32
        %add3A_1370 = arith.addi %add3A_1368, %add3A_1369 : i32
        %get3A_1371 = arith.index_cast %add3A_1370 : i32 to index
        %get3A_1372 = arith.constant 0 : index
        %get3A_1373 = tpu.vector_load %arg8[%get3A_1371, %get3A_1372] {strides = array<i32>} : memref<816x64xf32, #tpu.memory_space<vmem>>, vector<16xf32>,
        %mul3A_1374 = arith.mulf %get3A_1373, %get3A_181 : vector<16xf32>
        %get3A_1375 = arith.index_cast %add3A_1370 : i32 to index
        %get3A_1376 = arith.constant 16 : index
        %get3A_1377 = tpu.vector_load %arg8[%get3A_1375, %get3A_1376] {strides = array<i32>} : memref<816x64xf32, #tpu.memory_space<vmem>>, vector<16xf32>,
        %mul3A_1378 = arith.mulf %get3A_1377, %get3A_184 : vector<16xf32>
        %get3A_1379 = arith.index_cast %add3A_1370 : i32 to index
        %get3A_1380 = arith.constant 32 : index
        %get3A_1381 = tpu.vector_load %arg8[%get3A_1379, %get3A_1380] {strides = array<i32>} : memref<816x64xf32, #tpu.memory_space<vmem>>, vector<16xf32>,
        %mul3A_1382 = arith.mulf %get3A_1381, %get3A_187 : vector<16xf32>
        %get3A_1383 = arith.index_cast %add3A_1370 : i32 to index
        %get3A_1384 = arith.constant 48 : index
        %get3A_1385 = tpu.vector_load %arg8[%get3A_1383, %get3A_1384] {strides = array<i32>} : memref<816x64xf32, #tpu.memory_space<vmem>>, vector<16xf32>,
        %mul3A_1386 = arith.mulf %get3A_1385, %get3A_190 : vector<16xf32>
        %add3A_1387 = arith.addf %mul3A_1374, %mul3A_1378 : vector<16xf32>
        %add3A_1388 = arith.addf %mul3A_1382, %mul3A_1386 : vector<16xf32>
        %add3A_1389 = arith.addf %add3A_1387, %add3A_1388 : vector<16xf32>
        %swap3A_1390 = arith.constant 0 : index
        %swap3A_1391 = tpu.vector_load %arg11[%swap3A_1390] {strides = array<i32>} : memref<272xf32, #tpu.memory_space<vmem>>, vector<16xf32>,
        tpu.vector_store %arg11[%swap3A_1390], %add3A_1389 {strides = array<i32>} : memref<272xf32, #tpu.memory_space<vmem>>, vector<16xf32>,
        %add3A_1392 = arith.constant 1 : i32
        %add3A_1393 = arith.addi %mul3A_179, %add3A_1392 : i32
        %add3A_1394 = arith.constant 32 : i32
        %add3A_1395 = arith.addi %add3A_1393, %add3A_1394 : i32
        %add3A_1396 = arith.constant 1 : i32
        %add3A_1397 = arith.addi %add3A_1395, %add3A_1396 : i32
        %get3A_1398 = arith.index_cast %add3A_1397 : i32 to index
        %get3A_1399 = arith.constant 0 : index
        %get3A_1400 = tpu.vector_load %arg8[%get3A_1398, %get3A_1399] {strides = array<i32>} : memref<816x64xf32, #tpu.memory_space<vmem>>, vector<16xf32>,
        %mul3A_1401 = arith.mulf %get3A_1400, %get3A_181 : vector<16xf32>
        %get3A_1402 = arith.index_cast %add3A_1397 : i32 to index
        %get3A_1403 = arith.constant 16 : index
        %get3A_1404 = tpu.vector_load %arg8[%get3A_1402, %get3A_1403] {strides = array<i32>} : memref<816x64xf32, #tpu.memory_space<vmem>>, vector<16xf32>,
        %mul3A_1405 = arith.mulf %get3A_1404, %get3A_184 : vector<16xf32>
        %get3A_1406 = arith.index_cast %add3A_1397 : i32 to index
        %get3A_1407 = arith.constant 32 : index
        %get3A_1408 = tpu.vector_load %arg8[%get3A_1406, %get3A_1407] {strides = array<i32>} : memref<816x64xf32, #tpu.memory_space<vmem>>, vector<16xf32>,
        %mul3A_1409 = arith.mulf %get3A_1408, %get3A_187 : vector<16xf32>
        %get3A_1410 = arith.index_cast %add3A_1397 : i32 to index
        %get3A_1411 = arith.constant 48 : index
        %get3A_1412 = tpu.vector_load %arg8[%get3A_1410, %get3A_1411] {strides = array<i32>} : memref<816x64xf32, #tpu.memory_space<vmem>>, vector<16xf32>,
        %mul3A_1413 = arith.mulf %get3A_1412, %get3A_190 : vector<16xf32>
        %add3A_1414 = arith.addf %mul3A_1401, %mul3A_1405 : vector<16xf32>
        %add3A_1415 = arith.addf %mul3A_1409, %mul3A_1413 : vector<16xf32>
        %add3A_1416 = arith.addf %add3A_1414, %add3A_1415 : vector<16xf32>
        %swap3A_1417 = arith.constant 17 : index
        %swap3A_1418 = tpu.vector_load %arg11[%swap3A_1417] {strides = array<i32>} : memref<272xf32, #tpu.memory_space<vmem>>, vector<16xf32>,
        tpu.vector_store %arg11[%swap3A_1417], %add3A_1416 {strides = array<i32>} : memref<272xf32, #tpu.memory_space<vmem>>, vector<16xf32>,
        %add3A_1419 = arith.constant 1 : i32
        %add3A_1420 = arith.addi %mul3A_179, %add3A_1419 : i32
        %add3A_1421 = arith.constant 32 : i32
        %add3A_1422 = arith.addi %add3A_1420, %add3A_1421 : i32
        %add3A_1423 = arith.constant 2 : i32
        %add3A_1424 = arith.addi %add3A_1422, %add3A_1423 : i32
        %get3A_1425 = arith.index_cast %add3A_1424 : i32 to index
        %get3A_1426 = arith.constant 0 : index
        %get3A_1427 = tpu.vector_load %arg8[%get3A_1425, %get3A_1426] {strides = array<i32>} : memref<816x64xf32, #tpu.memory_space<vmem>>, vector<16xf32>,
        %mul3A_1428 = arith.mulf %get3A_1427, %get3A_181 : vector<16xf32>
        %get3A_1429 = arith.index_cast %add3A_1424 : i32 to index
        %get3A_1430 = arith.constant 16 : index
        %get3A_1431 = tpu.vector_load %arg8[%get3A_1429, %get3A_1430] {strides = array<i32>} : memref<816x64xf32, #tpu.memory_space<vmem>>, vector<16xf32>,
        %mul3A_1432 = arith.mulf %get3A_1431, %get3A_184 : vector<16xf32>
        %get3A_1433 = arith.index_cast %add3A_1424 : i32 to index
        %get3A_1434 = arith.constant 32 : index
        %get3A_1435 = tpu.vector_load %arg8[%get3A_1433, %get3A_1434] {strides = array<i32>} : memref<816x64xf32, #tpu.memory_space<vmem>>, vector<16xf32>,
        %mul3A_1436 = arith.mulf %get3A_1435, %get3A_187 : vector<16xf32>
        %get3A_1437 = arith.index_cast %add3A_1424 : i32 to index
        %get3A_1438 = arith.constant 48 : index
        %get3A_1439 = tpu.vector_load %arg8[%get3A_1437, %get3A_1438] {strides = array<i32>} : memref<816x64xf32, #tpu.memory_space<vmem>>, vector<16xf32>,
        %mul3A_1440 = arith.mulf %get3A_1439, %get3A_190 : vector<16xf32>
        %add3A_1441 = arith.addf %mul3A_1428, %mul3A_1432 : vector<16xf32>
        %add3A_1442 = arith.addf %mul3A_1436, %mul3A_1440 : vector<16xf32>
        %add3A_1443 = arith.addf %add3A_1441, %add3A_1442 : vector<16xf32>
        %swap3A_1444 = arith.constant 34 : index
        %swap3A_1445 = tpu.vector_load %arg11[%swap3A_1444] {strides = array<i32>} : memref<272xf32, #tpu.memory_space<vmem>>, vector<16xf32>,
        tpu.vector_store %arg11[%swap3A_1444], %add3A_1443 {strides = array<i32>} : memref<272xf32, #tpu.memory_space<vmem>>, vector<16xf32>,
        %add3A_1446 = arith.constant 1 : i32
        %add3A_1447 = arith.addi %mul3A_179, %add3A_1446 : i32
        %add3A_1448 = arith.constant 32 : i32
        %add3A_1449 = arith.addi %add3A_1447, %add3A_1448 : i32
        %add3A_1450 = arith.constant 3 : i32
        %add3A_1451 = arith.addi %add3A_1449, %add3A_1450 : i32
        %get3A_1452 = arith.index_cast %add3A_1451 : i32 to index
        %get3A_1453 = arith.constant 0 : index
        %get3A_1454 = tpu.vector_load %arg8[%get3A_1452, %get3A_1453] {strides = array<i32>} : memref<816x64xf32, #tpu.memory_space<vmem>>, vector<16xf32>,
        %mul3A_1455 = arith.mulf %get3A_1454, %get3A_181 : vector<16xf32>
        %get3A_1456 = arith.index_cast %add3A_1451 : i32 to index
        %get3A_1457 = arith.constant 16 : index
        %get3A_1458 = tpu.vector_load %arg8[%get3A_1456, %get3A_1457] {strides = array<i32>} : memref<816x64xf32, #tpu.memory_space<vmem>>, vector<16xf32>,
        %mul3A_1459 = arith.mulf %get3A_1458, %get3A_184 : vector<16xf32>
        %get3A_1460 = arith.index_cast %add3A_1451 : i32 to index
        %get3A_1461 = arith.constant 32 : index
        %get3A_1462 = tpu.vector_load %arg8[%get3A_1460, %get3A_1461] {strides = array<i32>} : memref<816x64xf32, #tpu.memory_space<vmem>>, vector<16xf32>,
        %mul3A_1463 = arith.mulf %get3A_1462, %get3A_187 : vector<16xf32>
        %get3A_1464 = arith.index_cast %add3A_1451 : i32 to index
        %get3A_1465 = arith.constant 48 : index
        %get3A_1466 = tpu.vector_load %arg8[%get3A_1464, %get3A_1465] {strides = array<i32>} : memref<816x64xf32, #tpu.memory_space<vmem>>, vector<16xf32>,
        %mul3A_1467 = arith.mulf %get3A_1466, %get3A_190 : vector<16xf32>
        %add3A_1468 = arith.addf %mul3A_1455, %mul3A_1459 : vector<16xf32>
        %add3A_1469 = arith.addf %mul3A_1463, %mul3A_1467 : vector<16xf32>
        %add3A_1470 = arith.addf %add3A_1468, %add3A_1469 : vector<16xf32>
        %swap3A_1471 = arith.constant 51 : index
        %swap3A_1472 = tpu.vector_load %arg11[%swap3A_1471] {strides = array<i32>} : memref<272xf32, #tpu.memory_space<vmem>>, vector<16xf32>,
        tpu.vector_store %arg11[%swap3A_1471], %add3A_1470 {strides = array<i32>} : memref<272xf32, #tpu.memory_space<vmem>>, vector<16xf32>,
        %add3A_1473 = arith.constant 1 : i32
        %add3A_1474 = arith.addi %mul3A_179, %add3A_1473 : i32
        %add3A_1475 = arith.constant 32 : i32
        %add3A_1476 = arith.addi %add3A_1474, %add3A_1475 : i32
        %add3A_1477 = arith.constant 4 : i32
        %add3A_1478 = arith.addi %add3A_1476, %add3A_1477 : i32
        %get3A_1479 = arith.index_cast %add3A_1478 : i32 to index
        %get3A_1480 = arith.constant 0 : index
        %get3A_1481 = tpu.vector_load %arg8[%get3A_1479, %get3A_1480] {strides = array<i32>} : memref<816x64xf32, #tpu.memory_space<vmem>>, vector<16xf32>,
        %mul3A_1482 = arith.mulf %get3A_1481, %get3A_181 : vector<16xf32>
        %get3A_1483 = arith.index_cast %add3A_1478 : i32 to index
        %get3A_1484 = arith.constant 16 : index
        %get3A_1485 = tpu.vector_load %arg8[%get3A_1483, %get3A_1484] {strides = array<i32>} : memref<816x64xf32, #tpu.memory_space<vmem>>, vector<16xf32>,
        %mul3A_1486 = arith.mulf %get3A_1485, %get3A_184 : vector<16xf32>
        %get3A_1487 = arith.index_cast %add3A_1478 : i32 to index
        %get3A_1488 = arith.constant 32 : index
        %get3A_1489 = tpu.vector_load %arg8[%get3A_1487, %get3A_1488] {strides = array<i32>} : memref<816x64xf32, #tpu.memory_space<vmem>>, vector<16xf32>,
        %mul3A_1490 = arith.mulf %get3A_1489, %get3A_187 : vector<16xf32>
        %get3A_1491 = arith.index_cast %add3A_1478 : i32 to index
        %get3A_1492 = arith.constant 48 : index
        %get3A_1493 = tpu.vector_load %arg8[%get3A_1491, %get3A_1492] {strides = array<i32>} : memref<816x64xf32, #tpu.memory_space<vmem>>, vector<16xf32>,
        %mul3A_1494 = arith.mulf %get3A_1493, %get3A_190 : vector<16xf32>
        %add3A_1495 = arith.addf %mul3A_1482, %mul3A_1486 : vector<16xf32>
        %add3A_1496 = arith.addf %mul3A_1490, %mul3A_1494 : vector<16xf32>
        %add3A_1497 = arith.addf %add3A_1495, %add3A_1496 : vector<16xf32>
        %swap3A_1498 = arith.constant 68 : index
        %swap3A_1499 = tpu.vector_load %arg11[%swap3A_1498] {strides = array<i32>} : memref<272xf32, #tpu.memory_space<vmem>>, vector<16xf32>,
        tpu.vector_store %arg11[%swap3A_1498], %add3A_1497 {strides = array<i32>} : memref<272xf32, #tpu.memory_space<vmem>>, vector<16xf32>,
        %add3A_1500 = arith.constant 1 : i32
        %add3A_1501 = arith.addi %mul3A_179, %add3A_1500 : i32
        %add3A_1502 = arith.constant 32 : i32
        %add3A_1503 = arith.addi %add3A_1501, %add3A_1502 : i32
        %add3A_1504 = arith.constant 5 : i32
        %add3A_1505 = arith.addi %add3A_1503, %add3A_1504 : i32
        %get3A_1506 = arith.index_cast %add3A_1505 : i32 to index
        %get3A_1507 = arith.constant 0 : index
        %get3A_1508 = tpu.vector_load %arg8[%get3A_1506, %get3A_1507] {strides = array<i32>} : memref<816x64xf32, #tpu.memory_space<vmem>>, vector<16xf32>,
        %mul3A_1509 = arith.mulf %get3A_1508, %get3A_181 : vector<16xf32>
        %get3A_1510 = arith.index_cast %add3A_1505 : i32 to index
        %get3A_1511 = arith.constant 16 : index
        %get3A_1512 = tpu.vector_load %arg8[%get3A_1510, %get3A_1511] {strides = array<i32>} : memref<816x64xf32, #tpu.memory_space<vmem>>, vector<16xf32>,
        %mul3A_1513 = arith.mulf %get3A_1512, %get3A_184 : vector<16xf32>
        %get3A_1514 = arith.index_cast %add3A_1505 : i32 to index
        %get3A_1515 = arith.constant 32 : index
        %get3A_1516 = tpu.vector_load %arg8[%get3A_1514, %get3A_1515] {strides = array<i32>} : memref<816x64xf32, #tpu.memory_space<vmem>>, vector<16xf32>,
        %mul3A_1517 = arith.mulf %get3A_1516, %get3A_187 : vector<16xf32>
        %get3A_1518 = arith.index_cast %add3A_1505 : i32 to index
        %get3A_1519 = arith.constant 48 : index
        %get3A_1520 = tpu.vector_load %arg8[%get3A_1518, %get3A_1519] {strides = array<i32>} : memref<816x64xf32, #tpu.memory_space<vmem>>, vector<16xf32>,
        %mul3A_1521 = arith.mulf %get3A_1520, %get3A_190 : vector<16xf32>
        %add3A_1522 = arith.addf %mul3A_1509, %mul3A_1513 : vector<16xf32>
        %add3A_1523 = arith.addf %mul3A_1517, %mul3A_1521 : vector<16xf32>
        %add3A_1524 = arith.addf %add3A_1522, %add3A_1523 : vector<16xf32>
        %swap3A_1525 = arith.constant 85 : index
        %swap3A_1526 = tpu.vector_load %arg11[%swap3A_1525] {strides = array<i32>} : memref<272xf32, #tpu.memory_space<vmem>>, vector<16xf32>,
        tpu.vector_store %arg11[%swap3A_1525], %add3A_1524 {strides = array<i32>} : memref<272xf32, #tpu.memory_space<vmem>>, vector<16xf32>,
        %add3A_1527 = arith.constant 1 : i32
        %add3A_1528 = arith.addi %mul3A_179, %add3A_1527 : i32
        %add3A_1529 = arith.constant 32 : i32
        %add3A_1530 = arith.addi %add3A_1528, %add3A_1529 : i32
        %add3A_1531 = arith.constant 6 : i32
        %add3A_1532 = arith.addi %add3A_1530, %add3A_1531 : i32
        %get3A_1533 = arith.index_cast %add3A_1532 : i32 to index
        %get3A_1534 = arith.constant 0 : index
        %get3A_1535 = tpu.vector_load %arg8[%get3A_1533, %get3A_1534] {strides = array<i32>} : memref<816x64xf32, #tpu.memory_space<vmem>>, vector<16xf32>,
        %mul3A_1536 = arith.mulf %get3A_1535, %get3A_181 : vector<16xf32>
        %get3A_1537 = arith.index_cast %add3A_1532 : i32 to index
        %get3A_1538 = arith.constant 16 : index
        %get3A_1539 = tpu.vector_load %arg8[%get3A_1537, %get3A_1538] {strides = array<i32>} : memref<816x64xf32, #tpu.memory_space<vmem>>, vector<16xf32>,
        %mul3A_1540 = arith.mulf %get3A_1539, %get3A_184 : vector<16xf32>
        %get3A_1541 = arith.index_cast %add3A_1532 : i32 to index
        %get3A_1542 = arith.constant 32 : index
        %get3A_1543 = tpu.vector_load %arg8[%get3A_1541, %get3A_1542] {strides = array<i32>} : memref<816x64xf32, #tpu.memory_space<vmem>>, vector<16xf32>,
        %mul3A_1544 = arith.mulf %get3A_1543, %get3A_187 : vector<16xf32>
        %get3A_1545 = arith.index_cast %add3A_1532 : i32 to index
        %get3A_1546 = arith.constant 48 : index
        %get3A_1547 = tpu.vector_load %arg8[%get3A_1545, %get3A_1546] {strides = array<i32>} : memref<816x64xf32, #tpu.memory_space<vmem>>, vector<16xf32>,
        %mul3A_1548 = arith.mulf %get3A_1547, %get3A_190 : vector<16xf32>
        %add3A_1549 = arith.addf %mul3A_1536, %mul3A_1540 : vector<16xf32>
        %add3A_1550 = arith.addf %mul3A_1544, %mul3A_1548 : vector<16xf32>
        %add3A_1551 = arith.addf %add3A_1549, %add3A_1550 : vector<16xf32>
        %swap3A_1552 = arith.constant 102 : index
        %swap3A_1553 = tpu.vector_load %arg11[%swap3A_1552] {strides = array<i32>} : memref<272xf32, #tpu.memory_space<vmem>>, vector<16xf32>,
        tpu.vector_store %arg11[%swap3A_1552], %add3A_1551 {strides = array<i32>} : memref<272xf32, #tpu.memory_space<vmem>>, vector<16xf32>,
        %add3A_1554 = arith.constant 1 : i32
        %add3A_1555 = arith.addi %mul3A_179, %add3A_1554 : i32
        %add3A_1556 = arith.constant 32 : i32
        %add3A_1557 = arith.addi %add3A_1555, %add3A_1556 : i32
        %add3A_1558 = arith.constant 7 : i32
        %add3A_1559 = arith.addi %add3A_1557, %add3A_1558 : i32
        %get3A_1560 = arith.index_cast %add3A_1559 : i32 to index
        %get3A_1561 = arith.constant 0 : index
        %get3A_1562 = tpu.vector_load %arg8[%get3A_1560, %get3A_1561] {strides = array<i32>} : memref<816x64xf32, #tpu.memory_space<vmem>>, vector<16xf32>,
        %mul3A_1563 = arith.mulf %get3A_1562, %get3A_181 : vector<16xf32>
        %get3A_1564 = arith.index_cast %add3A_1559 : i32 to index
        %get3A_1565 = arith.constant 16 : index
        %get3A_1566 = tpu.vector_load %arg8[%get3A_1564, %get3A_1565] {strides = array<i32>} : memref<816x64xf32, #tpu.memory_space<vmem>>, vector<16xf32>,
        %mul3A_1567 = arith.mulf %get3A_1566, %get3A_184 : vector<16xf32>
        %get3A_1568 = arith.index_cast %add3A_1559 : i32 to index
        %get3A_1569 = arith.constant 32 : index
        %get3A_1570 = tpu.vector_load %arg8[%get3A_1568, %get3A_1569] {strides = array<i32>} : memref<816x64xf32, #tpu.memory_space<vmem>>, vector<16xf32>,
        %mul3A_1571 = arith.mulf %get3A_1570, %get3A_187 : vector<16xf32>
        %get3A_1572 = arith.index_cast %add3A_1559 : i32 to index
        %get3A_1573 = arith.constant 48 : index
        %get3A_1574 = tpu.vector_load %arg8[%get3A_1572, %get3A_1573] {strides = array<i32>} : memref<816x64xf32, #tpu.memory_space<vmem>>, vector<16xf32>,
        %mul3A_1575 = arith.mulf %get3A_1574, %get3A_190 : vector<16xf32>
        %add3A_1576 = arith.addf %mul3A_1563, %mul3A_1567 : vector<16xf32>
        %add3A_1577 = arith.addf %mul3A_1571, %mul3A_1575 : vector<16xf32>
        %add3A_1578 = arith.addf %add3A_1576, %add3A_1577 : vector<16xf32>
        %swap3A_1579 = arith.constant 119 : index
        %swap3A_1580 = tpu.vector_load %arg11[%swap3A_1579] {strides = array<i32>} : memref<272xf32, #tpu.memory_space<vmem>>, vector<16xf32>,
        tpu.vector_store %arg11[%swap3A_1579], %add3A_1578 {strides = array<i32>} : memref<272xf32, #tpu.memory_space<vmem>>, vector<16xf32>,
        %add3A_1581 = arith.constant 1 : i32
        %add3A_1582 = arith.addi %mul3A_179, %add3A_1581 : i32
        %add3A_1583 = arith.constant 32 : i32
        %add3A_1584 = arith.addi %add3A_1582, %add3A_1583 : i32
        %add3A_1585 = arith.constant 8 : i32
        %add3A_1586 = arith.addi %add3A_1584, %add3A_1585 : i32
        %get3A_1587 = arith.index_cast %add3A_1586 : i32 to index
        %get3A_1588 = arith.constant 0 : index
        %get3A_1589 = tpu.vector_load %arg8[%get3A_1587, %get3A_1588] {strides = array<i32>} : memref<816x64xf32, #tpu.memory_space<vmem>>, vector<16xf32>,
        %mul3A_1590 = arith.mulf %get3A_1589, %get3A_181 : vector<16xf32>
        %get3A_1591 = arith.index_cast %add3A_1586 : i32 to index
        %get3A_1592 = arith.constant 16 : index
        %get3A_1593 = tpu.vector_load %arg8[%get3A_1591, %get3A_1592] {strides = array<i32>} : memref<816x64xf32, #tpu.memory_space<vmem>>, vector<16xf32>,
        %mul3A_1594 = arith.mulf %get3A_1593, %get3A_184 : vector<16xf32>
        %get3A_1595 = arith.index_cast %add3A_1586 : i32 to index
        %get3A_1596 = arith.constant 32 : index
        %get3A_1597 = tpu.vector_load %arg8[%get3A_1595, %get3A_1596] {strides = array<i32>} : memref<816x64xf32, #tpu.memory_space<vmem>>, vector<16xf32>,
        %mul3A_1598 = arith.mulf %get3A_1597, %get3A_187 : vector<16xf32>
        %get3A_1599 = arith.index_cast %add3A_1586 : i32 to index
        %get3A_1600 = arith.constant 48 : index
        %get3A_1601 = tpu.vector_load %arg8[%get3A_1599, %get3A_1600] {strides = array<i32>} : memref<816x64xf32, #tpu.memory_space<vmem>>, vector<16xf32>,
        %mul3A_1602 = arith.mulf %get3A_1601, %get3A_190 : vector<16xf32>
        %add3A_1603 = arith.addf %mul3A_1590, %mul3A_1594 : vector<16xf32>
        %add3A_1604 = arith.addf %mul3A_1598, %mul3A_1602 : vector<16xf32>
        %add3A_1605 = arith.addf %add3A_1603, %add3A_1604 : vector<16xf32>
        %swap3A_1606 = arith.constant 136 : index
        %swap3A_1607 = tpu.vector_load %arg11[%swap3A_1606] {strides = array<i32>} : memref<272xf32, #tpu.memory_space<vmem>>, vector<16xf32>,
        tpu.vector_store %arg11[%swap3A_1606], %add3A_1605 {strides = array<i32>} : memref<272xf32, #tpu.memory_space<vmem>>, vector<16xf32>,
        %add3A_1608 = arith.constant 1 : i32
        %add3A_1609 = arith.addi %mul3A_179, %add3A_1608 : i32
        %add3A_1610 = arith.constant 32 : i32
        %add3A_1611 = arith.addi %add3A_1609, %add3A_1610 : i32
        %add3A_1612 = arith.constant 9 : i32
        %add3A_1613 = arith.addi %add3A_1611, %add3A_1612 : i32
        %get3A_1614 = arith.index_cast %add3A_1613 : i32 to index
        %get3A_1615 = arith.constant 0 : index
        %get3A_1616 = tpu.vector_load %arg8[%get3A_1614, %get3A_1615] {strides = array<i32>} : memref<816x64xf32, #tpu.memory_space<vmem>>, vector<16xf32>,
        %mul3A_1617 = arith.mulf %get3A_1616, %get3A_181 : vector<16xf32>
        %get3A_1618 = arith.index_cast %add3A_1613 : i32 to index
        %get3A_1619 = arith.constant 16 : index
        %get3A_1620 = tpu.vector_load %arg8[%get3A_1618, %get3A_1619] {strides = array<i32>} : memref<816x64xf32, #tpu.memory_space<vmem>>, vector<16xf32>,
        %mul3A_1621 = arith.mulf %get3A_1620, %get3A_184 : vector<16xf32>
        %get3A_1622 = arith.index_cast %add3A_1613 : i32 to index
        %get3A_1623 = arith.constant 32 : index
        %get3A_1624 = tpu.vector_load %arg8[%get3A_1622, %get3A_1623] {strides = array<i32>} : memref<816x64xf32, #tpu.memory_space<vmem>>, vector<16xf32>,
        %mul3A_1625 = arith.mulf %get3A_1624, %get3A_187 : vector<16xf32>
        %get3A_1626 = arith.index_cast %add3A_1613 : i32 to index
        %get3A_1627 = arith.constant 48 : index
        %get3A_1628 = tpu.vector_load %arg8[%get3A_1626, %get3A_1627] {strides = array<i32>} : memref<816x64xf32, #tpu.memory_space<vmem>>, vector<16xf32>,
        %mul3A_1629 = arith.mulf %get3A_1628, %get3A_190 : vector<16xf32>
        %add3A_1630 = arith.addf %mul3A_1617, %mul3A_1621 : vector<16xf32>
        %add3A_1631 = arith.addf %mul3A_1625, %mul3A_1629 : vector<16xf32>
        %add3A_1632 = arith.addf %add3A_1630, %add3A_1631 : vector<16xf32>
        %swap3A_1633 = arith.constant 153 : index
        %swap3A_1634 = tpu.vector_load %arg11[%swap3A_1633] {strides = array<i32>} : memref<272xf32, #tpu.memory_space<vmem>>, vector<16xf32>,
        tpu.vector_store %arg11[%swap3A_1633], %add3A_1632 {strides = array<i32>} : memref<272xf32, #tpu.memory_space<vmem>>, vector<16xf32>,
        %add3A_1635 = arith.constant 1 : i32
        %add3A_1636 = arith.addi %mul3A_179, %add3A_1635 : i32
        %add3A_1637 = arith.constant 32 : i32
        %add3A_1638 = arith.addi %add3A_1636, %add3A_1637 : i32
        %add3A_1639 = arith.constant 10 : i32
        %add3A_1640 = arith.addi %add3A_1638, %add3A_1639 : i32
        %get3A_1641 = arith.index_cast %add3A_1640 : i32 to index
        %get3A_1642 = arith.constant 0 : index
        %get3A_1643 = tpu.vector_load %arg8[%get3A_1641, %get3A_1642] {strides = array<i32>} : memref<816x64xf32, #tpu.memory_space<vmem>>, vector<16xf32>,
        %mul3A_1644 = arith.mulf %get3A_1643, %get3A_181 : vector<16xf32>
        %get3A_1645 = arith.index_cast %add3A_1640 : i32 to index
        %get3A_1646 = arith.constant 16 : index
        %get3A_1647 = tpu.vector_load %arg8[%get3A_1645, %get3A_1646] {strides = array<i32>} : memref<816x64xf32, #tpu.memory_space<vmem>>, vector<16xf32>,
        %mul3A_1648 = arith.mulf %get3A_1647, %get3A_184 : vector<16xf32>
        %get3A_1649 = arith.index_cast %add3A_1640 : i32 to index
        %get3A_1650 = arith.constant 32 : index
        %get3A_1651 = tpu.vector_load %arg8[%get3A_1649, %get3A_1650] {strides = array<i32>} : memref<816x64xf32, #tpu.memory_space<vmem>>, vector<16xf32>,
        %mul3A_1652 = arith.mulf %get3A_1651, %get3A_187 : vector<16xf32>
        %get3A_1653 = arith.index_cast %add3A_1640 : i32 to index
        %get3A_1654 = arith.constant 48 : index
        %get3A_1655 = tpu.vector_load %arg8[%get3A_1653, %get3A_1654] {strides = array<i32>} : memref<816x64xf32, #tpu.memory_space<vmem>>, vector<16xf32>,
        %mul3A_1656 = arith.mulf %get3A_1655, %get3A_190 : vector<16xf32>
        %add3A_1657 = arith.addf %mul3A_1644, %mul3A_1648 : vector<16xf32>
        %add3A_1658 = arith.addf %mul3A_1652, %mul3A_1656 : vector<16xf32>
        %add3A_1659 = arith.addf %add3A_1657, %add3A_1658 : vector<16xf32>
        %swap3A_1660 = arith.constant 170 : index
        %swap3A_1661 = tpu.vector_load %arg11[%swap3A_1660] {strides = array<i32>} : memref<272xf32, #tpu.memory_space<vmem>>, vector<16xf32>,
        tpu.vector_store %arg11[%swap3A_1660], %add3A_1659 {strides = array<i32>} : memref<272xf32, #tpu.memory_space<vmem>>, vector<16xf32>,
        %add3A_1662 = arith.constant 1 : i32
        %add3A_1663 = arith.addi %mul3A_179, %add3A_1662 : i32
        %add3A_1664 = arith.constant 32 : i32
        %add3A_1665 = arith.addi %add3A_1663, %add3A_1664 : i32
        %add3A_1666 = arith.constant 11 : i32
        %add3A_1667 = arith.addi %add3A_1665, %add3A_1666 : i32
        %get3A_1668 = arith.index_cast %add3A_1667 : i32 to index
        %get3A_1669 = arith.constant 0 : index
        %get3A_1670 = tpu.vector_load %arg8[%get3A_1668, %get3A_1669] {strides = array<i32>} : memref<816x64xf32, #tpu.memory_space<vmem>>, vector<16xf32>,
        %mul3A_1671 = arith.mulf %get3A_1670, %get3A_181 : vector<16xf32>
        %get3A_1672 = arith.index_cast %add3A_1667 : i32 to index
        %get3A_1673 = arith.constant 16 : index
        %get3A_1674 = tpu.vector_load %arg8[%get3A_1672, %get3A_1673] {strides = array<i32>} : memref<816x64xf32, #tpu.memory_space<vmem>>, vector<16xf32>,
        %mul3A_1675 = arith.mulf %get3A_1674, %get3A_184 : vector<16xf32>
        %get3A_1676 = arith.index_cast %add3A_1667 : i32 to index
        %get3A_1677 = arith.constant 32 : index
        %get3A_1678 = tpu.vector_load %arg8[%get3A_1676, %get3A_1677] {strides = array<i32>} : memref<816x64xf32, #tpu.memory_space<vmem>>, vector<16xf32>,
        %mul3A_1679 = arith.mulf %get3A_1678, %get3A_187 : vector<16xf32>
        %get3A_1680 = arith.index_cast %add3A_1667 : i32 to index
        %get3A_1681 = arith.constant 48 : index
        %get3A_1682 = tpu.vector_load %arg8[%get3A_1680, %get3A_1681] {strides = array<i32>} : memref<816x64xf32, #tpu.memory_space<vmem>>, vector<16xf32>,
        %mul3A_1683 = arith.mulf %get3A_1682, %get3A_190 : vector<16xf32>
        %add3A_1684 = arith.addf %mul3A_1671, %mul3A_1675 : vector<16xf32>
        %add3A_1685 = arith.addf %mul3A_1679, %mul3A_1683 : vector<16xf32>
        %add3A_1686 = arith.addf %add3A_1684, %add3A_1685 : vector<16xf32>
        %swap3A_1687 = arith.constant 187 : index
        %swap3A_1688 = tpu.vector_load %arg11[%swap3A_1687] {strides = array<i32>} : memref<272xf32, #tpu.memory_space<vmem>>, vector<16xf32>,
        tpu.vector_store %arg11[%swap3A_1687], %add3A_1686 {strides = array<i32>} : memref<272xf32, #tpu.memory_space<vmem>>, vector<16xf32>,
        %add3A_1689 = arith.constant 1 : i32
        %add3A_1690 = arith.addi %mul3A_179, %add3A_1689 : i32
        %add3A_1691 = arith.constant 32 : i32
        %add3A_1692 = arith.addi %add3A_1690, %add3A_1691 : i32
        %add3A_1693 = arith.constant 12 : i32
        %add3A_1694 = arith.addi %add3A_1692, %add3A_1693 : i32
        %get3A_1695 = arith.index_cast %add3A_1694 : i32 to index
        %get3A_1696 = arith.constant 0 : index
        %get3A_1697 = tpu.vector_load %arg8[%get3A_1695, %get3A_1696] {strides = array<i32>} : memref<816x64xf32, #tpu.memory_space<vmem>>, vector<16xf32>,
        %mul3A_1698 = arith.mulf %get3A_1697, %get3A_181 : vector<16xf32>
        %get3A_1699 = arith.index_cast %add3A_1694 : i32 to index
        %get3A_1700 = arith.constant 16 : index
        %get3A_1701 = tpu.vector_load %arg8[%get3A_1699, %get3A_1700] {strides = array<i32>} : memref<816x64xf32, #tpu.memory_space<vmem>>, vector<16xf32>,
        %mul3A_1702 = arith.mulf %get3A_1701, %get3A_184 : vector<16xf32>
        %get3A_1703 = arith.index_cast %add3A_1694 : i32 to index
        %get3A_1704 = arith.constant 32 : index
        %get3A_1705 = tpu.vector_load %arg8[%get3A_1703, %get3A_1704] {strides = array<i32>} : memref<816x64xf32, #tpu.memory_space<vmem>>, vector<16xf32>,
        %mul3A_1706 = arith.mulf %get3A_1705, %get3A_187 : vector<16xf32>
        %get3A_1707 = arith.index_cast %add3A_1694 : i32 to index
        %get3A_1708 = arith.constant 48 : index
        %get3A_1709 = tpu.vector_load %arg8[%get3A_1707, %get3A_1708] {strides = array<i32>} : memref<816x64xf32, #tpu.memory_space<vmem>>, vector<16xf32>,
        %mul3A_1710 = arith.mulf %get3A_1709, %get3A_190 : vector<16xf32>
        %add3A_1711 = arith.addf %mul3A_1698, %mul3A_1702 : vector<16xf32>
        %add3A_1712 = arith.addf %mul3A_1706, %mul3A_1710 : vector<16xf32>
        %add3A_1713 = arith.addf %add3A_1711, %add3A_1712 : vector<16xf32>
        %swap3A_1714 = arith.constant 204 : index
        %swap3A_1715 = tpu.vector_load %arg11[%swap3A_1714] {strides = array<i32>} : memref<272xf32, #tpu.memory_space<vmem>>, vector<16xf32>,
        tpu.vector_store %arg11[%swap3A_1714], %add3A_1713 {strides = array<i32>} : memref<272xf32, #tpu.memory_space<vmem>>, vector<16xf32>,
        %add3A_1716 = arith.constant 1 : i32
        %add3A_1717 = arith.addi %mul3A_179, %add3A_1716 : i32
        %add3A_1718 = arith.constant 32 : i32
        %add3A_1719 = arith.addi %add3A_1717, %add3A_1718 : i32
        %add3A_1720 = arith.constant 13 : i32
        %add3A_1721 = arith.addi %add3A_1719, %add3A_1720 : i32
        %get3A_1722 = arith.index_cast %add3A_1721 : i32 to index
        %get3A_1723 = arith.constant 0 : index
        %get3A_1724 = tpu.vector_load %arg8[%get3A_1722, %get3A_1723] {strides = array<i32>} : memref<816x64xf32, #tpu.memory_space<vmem>>, vector<16xf32>,
        %mul3A_1725 = arith.mulf %get3A_1724, %get3A_181 : vector<16xf32>
        %get3A_1726 = arith.index_cast %add3A_1721 : i32 to index
        %get3A_1727 = arith.constant 16 : index
        %get3A_1728 = tpu.vector_load %arg8[%get3A_1726, %get3A_1727] {strides = array<i32>} : memref<816x64xf32, #tpu.memory_space<vmem>>, vector<16xf32>,
        %mul3A_1729 = arith.mulf %get3A_1728, %get3A_184 : vector<16xf32>
        %get3A_1730 = arith.index_cast %add3A_1721 : i32 to index
        %get3A_1731 = arith.constant 32 : index
        %get3A_1732 = tpu.vector_load %arg8[%get3A_1730, %get3A_1731] {strides = array<i32>} : memref<816x64xf32, #tpu.memory_space<vmem>>, vector<16xf32>,
        %mul3A_1733 = arith.mulf %get3A_1732, %get3A_187 : vector<16xf32>
        %get3A_1734 = arith.index_cast %add3A_1721 : i32 to index
        %get3A_1735 = arith.constant 48 : index
        %get3A_1736 = tpu.vector_load %arg8[%get3A_1734, %get3A_1735] {strides = array<i32>} : memref<816x64xf32, #tpu.memory_space<vmem>>, vector<16xf32>,
        %mul3A_1737 = arith.mulf %get3A_1736, %get3A_190 : vector<16xf32>
        %add3A_1738 = arith.addf %mul3A_1725, %mul3A_1729 : vector<16xf32>
        %add3A_1739 = arith.addf %mul3A_1733, %mul3A_1737 : vector<16xf32>
        %add3A_1740 = arith.addf %add3A_1738, %add3A_1739 : vector<16xf32>
        %swap3A_1741 = arith.constant 221 : index
        %swap3A_1742 = tpu.vector_load %arg11[%swap3A_1741] {strides = array<i32>} : memref<272xf32, #tpu.memory_space<vmem>>, vector<16xf32>,
        tpu.vector_store %arg11[%swap3A_1741], %add3A_1740 {strides = array<i32>} : memref<272xf32, #tpu.memory_space<vmem>>, vector<16xf32>,
        %add3A_1743 = arith.constant 1 : i32
        %add3A_1744 = arith.addi %mul3A_179, %add3A_1743 : i32
        %add3A_1745 = arith.constant 32 : i32
        %add3A_1746 = arith.addi %add3A_1744, %add3A_1745 : i32
        %add3A_1747 = arith.constant 14 : i32
        %add3A_1748 = arith.addi %add3A_1746, %add3A_1747 : i32
        %get3A_1749 = arith.index_cast %add3A_1748 : i32 to index
        %get3A_1750 = arith.constant 0 : index
        %get3A_1751 = tpu.vector_load %arg8[%get3A_1749, %get3A_1750] {strides = array<i32>} : memref<816x64xf32, #tpu.memory_space<vmem>>, vector<16xf32>,
        %mul3A_1752 = arith.mulf %get3A_1751, %get3A_181 : vector<16xf32>
        %get3A_1753 = arith.index_cast %add3A_1748 : i32 to index
        %get3A_1754 = arith.constant 16 : index
        %get3A_1755 = tpu.vector_load %arg8[%get3A_1753, %get3A_1754] {strides = array<i32>} : memref<816x64xf32, #tpu.memory_space<vmem>>, vector<16xf32>,
        %mul3A_1756 = arith.mulf %get3A_1755, %get3A_184 : vector<16xf32>
        %get3A_1757 = arith.index_cast %add3A_1748 : i32 to index
        %get3A_1758 = arith.constant 32 : index
        %get3A_1759 = tpu.vector_load %arg8[%get3A_1757, %get3A_1758] {strides = array<i32>} : memref<816x64xf32, #tpu.memory_space<vmem>>, vector<16xf32>,
        %mul3A_1760 = arith.mulf %get3A_1759, %get3A_187 : vector<16xf32>
        %get3A_1761 = arith.index_cast %add3A_1748 : i32 to index
        %get3A_1762 = arith.constant 48 : index
        %get3A_1763 = tpu.vector_load %arg8[%get3A_1761, %get3A_1762] {strides = array<i32>} : memref<816x64xf32, #tpu.memory_space<vmem>>, vector<16xf32>,
        %mul3A_1764 = arith.mulf %get3A_1763, %get3A_190 : vector<16xf32>
        %add3A_1765 = arith.addf %mul3A_1752, %mul3A_1756 : vector<16xf32>
        %add3A_1766 = arith.addf %mul3A_1760, %mul3A_1764 : vector<16xf32>
        %add3A_1767 = arith.addf %add3A_1765, %add3A_1766 : vector<16xf32>
        %swap3A_1768 = arith.constant 238 : index
        %swap3A_1769 = tpu.vector_load %arg11[%swap3A_1768] {strides = array<i32>} : memref<272xf32, #tpu.memory_space<vmem>>, vector<16xf32>,
        tpu.vector_store %arg11[%swap3A_1768], %add3A_1767 {strides = array<i32>} : memref<272xf32, #tpu.memory_space<vmem>>, vector<16xf32>,
        %add3A_1770 = arith.constant 1 : i32
        %add3A_1771 = arith.addi %mul3A_179, %add3A_1770 : i32
        %add3A_1772 = arith.constant 32 : i32
        %add3A_1773 = arith.addi %add3A_1771, %add3A_1772 : i32
        %add3A_1774 = arith.constant 15 : i32
        %add3A_1775 = arith.addi %add3A_1773, %add3A_1774 : i32
        %get3A_1776 = arith.index_cast %add3A_1775 : i32 to index
        %get3A_1777 = arith.constant 0 : index
        %get3A_1778 = tpu.vector_load %arg8[%get3A_1776, %get3A_1777] {strides = array<i32>} : memref<816x64xf32, #tpu.memory_space<vmem>>, vector<16xf32>,
        %mul3A_1779 = arith.mulf %get3A_1778, %get3A_181 : vector<16xf32>
        %get3A_1780 = arith.index_cast %add3A_1775 : i32 to index
        %get3A_1781 = arith.constant 16 : index
        %get3A_1782 = tpu.vector_load %arg8[%get3A_1780, %get3A_1781] {strides = array<i32>} : memref<816x64xf32, #tpu.memory_space<vmem>>, vector<16xf32>,
        %mul3A_1783 = arith.mulf %get3A_1782, %get3A_184 : vector<16xf32>
        %get3A_1784 = arith.index_cast %add3A_1775 : i32 to index
        %get3A_1785 = arith.constant 32 : index
        %get3A_1786 = tpu.vector_load %arg8[%get3A_1784, %get3A_1785] {strides = array<i32>} : memref<816x64xf32, #tpu.memory_space<vmem>>, vector<16xf32>,
        %mul3A_1787 = arith.mulf %get3A_1786, %get3A_187 : vector<16xf32>
        %get3A_1788 = arith.index_cast %add3A_1775 : i32 to index
        %get3A_1789 = arith.constant 48 : index
        %get3A_1790 = tpu.vector_load %arg8[%get3A_1788, %get3A_1789] {strides = array<i32>} : memref<816x64xf32, #tpu.memory_space<vmem>>, vector<16xf32>,
        %mul3A_1791 = arith.mulf %get3A_1790, %get3A_190 : vector<16xf32>
        %add3A_1792 = arith.addf %mul3A_1779, %mul3A_1783 : vector<16xf32>
        %add3A_1793 = arith.addf %mul3A_1787, %mul3A_1791 : vector<16xf32>
        %add3A_1794 = arith.addf %add3A_1792, %add3A_1793 : vector<16xf32>
        %swap3A_1795 = arith.constant 255 : index
        %swap3A_1796 = tpu.vector_load %arg11[%swap3A_1795] {strides = array<i32>} : memref<272xf32, #tpu.memory_space<vmem>>, vector<16xf32>,
        tpu.vector_store %arg11[%swap3A_1795], %add3A_1794 {strides = array<i32>} : memref<272xf32, #tpu.memory_space<vmem>>, vector<16xf32>,
        %add3A_1797 = arith.constant 0 : i32
        %add3A_1798 = vector.broadcast %add3A_1797 : i32 to vector<16xi32>
        %add3A_1799 = arith.addi %mul3A_193, %add3A_1798 : vector<16xi32>
        %gather3A_1800 = tpu.vector_load_idx %arg11[%add3A_1799] : memref<272xf32, #tpu.memory_space<vmem>>[vector<16xi32>], vector<16xf32>,
        %add3A_1801 = arith.constant 1 : i32
        %add3A_1802 = vector.broadcast %add3A_1801 : i32 to vector<16xi32>
        %add3A_1803 = arith.addi %mul3A_193, %add3A_1802 : vector<16xi32>
        %gather3A_1804 = tpu.vector_load_idx %arg11[%add3A_1803] : memref<272xf32, #tpu.memory_space<vmem>>[vector<16xi32>], vector<16xf32>,
        %add3A_1805 = arith.constant 2 : i32
        %add3A_1806 = vector.broadcast %add3A_1805 : i32 to vector<16xi32>
        %add3A_1807 = arith.addi %mul3A_193, %add3A_1806 : vector<16xi32>
        %gather3A_1808 = tpu.vector_load_idx %arg11[%add3A_1807] : memref<272xf32, #tpu.memory_space<vmem>>[vector<16xi32>], vector<16xf32>,
        %add3A_1809 = arith.constant 3 : i32
        %add3A_1810 = vector.broadcast %add3A_1809 : i32 to vector<16xi32>
        %add3A_1811 = arith.addi %mul3A_193, %add3A_1810 : vector<16xi32>
        %gather3A_1812 = tpu.vector_load_idx %arg11[%add3A_1811] : memref<272xf32, #tpu.memory_space<vmem>>[vector<16xi32>], vector<16xf32>,
        %add3A_1813 = arith.constant 4 : i32
        %add3A_1814 = vector.broadcast %add3A_1813 : i32 to vector<16xi32>
        %add3A_1815 = arith.addi %mul3A_193, %add3A_1814 : vector<16xi32>
        %gather3A_1816 = tpu.vector_load_idx %arg11[%add3A_1815] : memref<272xf32, #tpu.memory_space<vmem>>[vector<16xi32>], vector<16xf32>,
        %add3A_1817 = arith.constant 5 : i32
        %add3A_1818 = vector.broadcast %add3A_1817 : i32 to vector<16xi32>
        %add3A_1819 = arith.addi %mul3A_193, %add3A_1818 : vector<16xi32>
        %gather3A_1820 = tpu.vector_load_idx %arg11[%add3A_1819] : memref<272xf32, #tpu.memory_space<vmem>>[vector<16xi32>], vector<16xf32>,
        %add3A_1821 = arith.constant 6 : i32
        %add3A_1822 = vector.broadcast %add3A_1821 : i32 to vector<16xi32>
        %add3A_1823 = arith.addi %mul3A_193, %add3A_1822 : vector<16xi32>
        %gather3A_1824 = tpu.vector_load_idx %arg11[%add3A_1823] : memref<272xf32, #tpu.memory_space<vmem>>[vector<16xi32>], vector<16xf32>,
        %add3A_1825 = arith.constant 7 : i32
        %add3A_1826 = vector.broadcast %add3A_1825 : i32 to vector<16xi32>
        %add3A_1827 = arith.addi %mul3A_193, %add3A_1826 : vector<16xi32>
        %gather3A_1828 = tpu.vector_load_idx %arg11[%add3A_1827] : memref<272xf32, #tpu.memory_space<vmem>>[vector<16xi32>], vector<16xf32>,
        %add3A_1829 = arith.constant 8 : i32
        %add3A_1830 = vector.broadcast %add3A_1829 : i32 to vector<16xi32>
        %add3A_1831 = arith.addi %mul3A_193, %add3A_1830 : vector<16xi32>
        %gather3A_1832 = tpu.vector_load_idx %arg11[%add3A_1831] : memref<272xf32, #tpu.memory_space<vmem>>[vector<16xi32>], vector<16xf32>,
        %add3A_1833 = arith.constant 9 : i32
        %add3A_1834 = vector.broadcast %add3A_1833 : i32 to vector<16xi32>
        %add3A_1835 = arith.addi %mul3A_193, %add3A_1834 : vector<16xi32>
        %gather3A_1836 = tpu.vector_load_idx %arg11[%add3A_1835] : memref<272xf32, #tpu.memory_space<vmem>>[vector<16xi32>], vector<16xf32>,
        %add3A_1837 = arith.constant 10 : i32
        %add3A_1838 = vector.broadcast %add3A_1837 : i32 to vector<16xi32>
        %add3A_1839 = arith.addi %mul3A_193, %add3A_1838 : vector<16xi32>
        %gather3A_1840 = tpu.vector_load_idx %arg11[%add3A_1839] : memref<272xf32, #tpu.memory_space<vmem>>[vector<16xi32>], vector<16xf32>,
        %add3A_1841 = arith.constant 11 : i32
        %add3A_1842 = vector.broadcast %add3A_1841 : i32 to vector<16xi32>
        %add3A_1843 = arith.addi %mul3A_193, %add3A_1842 : vector<16xi32>
        %gather3A_1844 = tpu.vector_load_idx %arg11[%add3A_1843] : memref<272xf32, #tpu.memory_space<vmem>>[vector<16xi32>], vector<16xf32>,
        %add3A_1845 = arith.constant 12 : i32
        %add3A_1846 = vector.broadcast %add3A_1845 : i32 to vector<16xi32>
        %add3A_1847 = arith.addi %mul3A_193, %add3A_1846 : vector<16xi32>
        %gather3A_1848 = tpu.vector_load_idx %arg11[%add3A_1847] : memref<272xf32, #tpu.memory_space<vmem>>[vector<16xi32>], vector<16xf32>,
        %add3A_1849 = arith.constant 13 : i32
        %add3A_1850 = vector.broadcast %add3A_1849 : i32 to vector<16xi32>
        %add3A_1851 = arith.addi %mul3A_193, %add3A_1850 : vector<16xi32>
        %gather3A_1852 = tpu.vector_load_idx %arg11[%add3A_1851] : memref<272xf32, #tpu.memory_space<vmem>>[vector<16xi32>], vector<16xf32>,
        %add3A_1853 = arith.constant 14 : i32
        %add3A_1854 = vector.broadcast %add3A_1853 : i32 to vector<16xi32>
        %add3A_1855 = arith.addi %mul3A_193, %add3A_1854 : vector<16xi32>
        %gather3A_1856 = tpu.vector_load_idx %arg11[%add3A_1855] : memref<272xf32, #tpu.memory_space<vmem>>[vector<16xi32>], vector<16xf32>,
        %add3A_1857 = arith.constant 15 : i32
        %add3A_1858 = vector.broadcast %add3A_1857 : i32 to vector<16xi32>
        %add3A_1859 = arith.addi %mul3A_193, %add3A_1858 : vector<16xi32>
        %gather3A_1860 = tpu.vector_load_idx %arg11[%add3A_1859] : memref<272xf32, #tpu.memory_space<vmem>>[vector<16xi32>], vector<16xf32>,
        %add3A_1861 = arith.addf %gather3A_1800, %gather3A_1804 : vector<16xf32>
        %add3A_1862 = arith.addf %gather3A_1808, %gather3A_1812 : vector<16xf32>
        %add3A_1863 = arith.addf %gather3A_1816, %gather3A_1820 : vector<16xf32>
        %add3A_1864 = arith.addf %gather3A_1824, %gather3A_1828 : vector<16xf32>
        %add3A_1865 = arith.addf %gather3A_1832, %gather3A_1836 : vector<16xf32>
        %add3A_1866 = arith.addf %gather3A_1840, %gather3A_1844 : vector<16xf32>
        %add3A_1867 = arith.addf %gather3A_1848, %gather3A_1852 : vector<16xf32>
        %add3A_1868 = arith.addf %gather3A_1856, %gather3A_1860 : vector<16xf32>
        %add3A_1869 = arith.addf %add3A_1861, %add3A_1862 : vector<16xf32>
        %add3A_1870 = arith.addf %add3A_1863, %add3A_1864 : vector<16xf32>
        %add3A_1871 = arith.addf %add3A_1865, %add3A_1866 : vector<16xf32>
        %add3A_1872 = arith.addf %add3A_1867, %add3A_1868 : vector<16xf32>
        %add3A_1873 = arith.addf %add3A_1869, %add3A_1870 : vector<16xf32>
        %add3A_1874 = arith.addf %add3A_1871, %add3A_1872 : vector<16xf32>
        %add3A_1875 = arith.addf %add3A_1873, %add3A_1874 : vector<16xf32>
        %mul3A_1876 = arith.constant 50 : i32
        %mul3A_1877 = arith.muli %scan3A_177, %mul3A_1876 : i32
        %add3A_1878 = arith.constant 32 : i32
        %add3A_1879 = arith.addi %mul3A_1877, %add3A_1878 : i32
        %swap3A_1880 = arith.index_cast %add3A_1879 : i32 to index
        %swap3A_1881 = tpu.vector_load %arg10[%swap3A_1880] {strides = array<i32>} : memref<816xf32, #tpu.memory_space<vmem>>, vector<16xf32>,
        tpu.vector_store %arg10[%swap3A_1880], %add3A_1875 {strides = array<i32>} : memref<816xf32, #tpu.memory_space<vmem>>, vector<16xf32>,
      }
      %scan3A_165 = arith.constant 16 : i32
      %mul3A_166 = arith.constant 16 : i32
      %mul3A_167 = arith.muli %add3A_134, %mul3A_166 : i32
      %add3A_168 = arith.addi %mul3A_2, %mul3A_167 : i32
      %mul3A_169 = arith.constant 50 : i32
      %mul3A_170 = arith.muli %add3A_168, %mul3A_169 : i32
      %dma_start3A_171 = arith.constant 0 : i32
      %dma_start3A_172 = tpu.memref_slice %arg10[%dma_start3A_171] : memref<816xf32, #tpu.memory_space<vmem>> -> memref<800xf32, #tpu.memory_space<vmem>>
      %dma_start3A_173 = tpu.memref_slice %arg4[%mul3A_170] : memref<819200xf32, #tpu.memory_space<hbm>> -> memref<800xf32, #tpu.memory_space<hbm>>
      %dma_start3A_174 = tpu.memref_slice %arg4[%mul3A_170] : memref<819200xf32, #tpu.memory_space<hbm>> -> memref<800xf32, #tpu.memory_space<hbm>>
      %dma_start3A_175 = arith.constant 0 : i32
      %dma_start3A_176 = tpu.memref_slice %arg10[%dma_start3A_175] : memref<816xf32, #tpu.memory_space<vmem>> -> memref<800xf32, #tpu.memory_space<vmem>>
      tpu.enqueue_dma source(%dma_start3A_176 : memref<800xf32, #tpu.memory_space<vmem>>) target(%dma_start3A_174 : memref<800xf32, #tpu.memory_space<hbm>>) target_semaphore(%arg17 : memref<!tpu.dma_semaphore, #tpu.memory_space<semaphore_mem>>)
    }
    %scan3A_71 = arith.constant 16 : i32
    %dma_wait3A_72 = arith.constant 0 : i32
    %dma_wait3A_73 = tpu.memref_slice %arg9[%dma_wait3A_72] : memref<816xf32, #tpu.memory_space<vmem>> -> memref<800xf32, #tpu.memory_space<vmem>>
    %dma_wait3A_74 = arith.constant 0 : i32
    %dma_wait3A_75 = tpu.memref_slice %arg4[%dma_wait3A_74] : memref<819200xf32, #tpu.memory_space<hbm>> -> memref<800xf32, #tpu.memory_space<hbm>>
    %dma_wait3A_76 = arith.constant 0 : i32
    %dma_wait3A_77 = tpu.memref_slice %arg9[%dma_wait3A_76] : memref<816xf32, #tpu.memory_space<vmem>> -> memref<800xf32, #tpu.memory_space<vmem>>
    %dma_wait3A_78 = arith.constant 0 : i32
    %dma_wait3A_79 = tpu.memref_slice %arg4[%dma_wait3A_78] : memref<819200xf32, #tpu.memory_space<hbm>> -> memref<800xf32, #tpu.memory_space<hbm>>
    tpu.wait_dma2 semaphore(%arg16 : memref<!tpu.dma_semaphore, #tpu.memory_space<semaphore_mem>>) src(%dma_wait3A_79 : memref<800xf32, #tpu.memory_space<hbm>>) dst(%dma_wait3A_77 : memref<800xf32, #tpu.memory_space<vmem>>)
    %dma_wait3A_80 = arith.constant 0 : i32
    %dma_wait3A_81 = tpu.memref_slice %arg10[%dma_wait3A_80] : memref<816xf32, #tpu.memory_space<vmem>> -> memref<800xf32, #tpu.memory_space<vmem>>
    %dma_wait3A_82 = arith.constant 0 : i32
    %dma_wait3A_83 = tpu.memref_slice %arg4[%dma_wait3A_82] : memref<819200xf32, #tpu.memory_space<hbm>> -> memref<800xf32, #tpu.memory_space<hbm>>
    %dma_wait3A_84 = arith.constant 0 : i32
    %dma_wait3A_85 = tpu.memref_slice %arg10[%dma_wait3A_84] : memref<816xf32, #tpu.memory_space<vmem>> -> memref<800xf32, #tpu.memory_space<vmem>>
    %dma_wait3A_86 = arith.constant 0 : i32
    %dma_wait3A_87 = tpu.memref_slice %arg4[%dma_wait3A_86] : memref<819200xf32, #tpu.memory_space<hbm>> -> memref<800xf32, #tpu.memory_space<hbm>>
    tpu.wait_dma2 semaphore(%arg17 : memref<!tpu.dma_semaphore, #tpu.memory_space<semaphore_mem>>) src(%dma_wait3A_87 : memref<800xf32, #tpu.memory_space<hbm>>) dst(%dma_wait3A_85 : memref<800xf32, #tpu.memory_space<vmem>>)
    return
  }
}

</mosaic_0001>

<sc_bundles>
// kernel: kernel.3.cloned.1.call-start
scs
__scs_entry_jumppad:
0x0: {  	(pc) =	sbr.rel $0x88, $3  }
0x1: {  	(tag) =	ssettag $0x0;
	lr =	simm.s32 $0x1  }
0x2: {  	[smem:$0x3F9E] =	sst lr;
	_ =	strace $0xD0000000  }
0x3: {  	_ = 	snop  }
0x4: {  	_ = 	snop  }
0x5: {  	_ = 	snop  }
0x6: {  	_ = 	snop  }
0x7: {  	_ = 	snop  }
__scs_overlays_trampoline_lowered:
0x8: {  	[smem:$0x3FAD] =	sst s0  }
0x9: {  	[smem:$0x3FAE] =	sst s1  }
0xa: {  	[smem:$0x3FAF] =	sst s2  }
0xb: {  	[smem:$0x3FB0] =	sst s3  }
0xc: {  	[smem:$0x3FB1] =	sst s4  }
0xd: {  	[smem:$0x3FB2] =	sst s5  }
0xe: {  	[smem:$0x3FB3] =	sst s6  }
0xf: {  	[smem:$0x3FB4] =	sst s7  }
0x10: {  	[smem:$0x3FB5] =	sst s8  }
0x11: {  	[smem:$0x3FB6] =	sst s9;
	s0 =	simm.s32 @!p0 $0x0  }
0x12: {  	s1 =	sld [smem:$0x3F9C];
	s0 =	simm.s32 @p0 $0x1  }
0x13: {  	[smem:$0x3FB7] =	sst s0;
	s0 =	simm.s32 @!p1 $0x0  }
0x14: {  	s2 =	sld [smem:$0x3F9B];
	s0 =	simm.s32 @p1 $0x1  }
0x15: {  	[smem:$0x3FB8] =	sst s0;
	s0 =	simm.s32 @!p2 $0x0  }
0x16: {  	s3 =	sld [smem:$0x3FDB];
	s0 =	simm.s32 @p2 $0x1  }
0x17: {  	s4 =	simm.s32 $0x1BF5;
	[smem:$0x3FBA] =	sst s0  }
0x18: {  	s0 =	sld [smem:$0x3F9D];
	_ =	swait.ge [sflag:s4], $0x0  }
0x19: {  	s7 =	sld [smem:$0x3F9E]  }
0x1a: {  	s8 =	sadd.s32 $0xFFFFE003, lr  }
0x1b: {  	s9 =	sadd.s32 $0xFFFFFEF7, lr;
	s5 =	simm.s32 $0xFFFFFFFF;
	p2 =	slt.u32 s8, $0xFFFFF086  }
0x1c: {  	p1 =	slt.u32 s9, $0xF7A;
	s5 =	simm.s32 @!p2 $0x0  }
0x1d: {  	s5 =	simm.s32 @p1 $0x1;
	p0 =	seq.s32 s7, s2  }
0x1e: {  	s7 =	smul.u32 @!p0 $0xF7A, s2;
	p2 =	seq.s32 @!p0 s5, $0x0  }
0x1f: {  	s9 =	smul.u32 $0xF7A, s1;
	s8 =	simm.s32 @!p0 $0x1BF5;
	p2 =	por !p2, p0  }
0x20: {  	[sflag:s8] =	ssyncset.s32 @!p0 $0xFFFFF086;
	s6 =	sadd.s32 @!p0 s3, s7;
	s7 =	simm.s32 @!p0 $0x108  }
0x21: {  	s3 =	sadd.s32 s3, s9;
	s6 =	sadd.s32 @!p0 $0x88, s6;
	s7 =	simm.s32 @p2 $0x1082  }
0x22: {  	[simem:s7], [sflag:s8] =	dma.local @!p0 [hbm:s6], $0xF7A  }
0x23: {  	s9 =	sor.u32 $0xD0000000, s2;
	s6 =	simm.s32 $0x108;
	_ =	swait.ge @!p0 [sflag:s8], $0x0  }
0x24: {  	s3 =	sadd.s32 $0x88, s3;
	s6 =	simm.s32 @!p1 $0x1082;
	[sflag:s4] =	ssyncset.s32 $0xFFFFF086  }
0x25: {  	[simem:s6], [sflag:s4] =	dma.local [hbm:s3], $0xF7A  }
0x26: {  	[smem:$0x3F9E] =	sst s1;
	(tag) =	ssettag s2;
	_ =	strace s9  }
0x27: {  	s1 =	sld [smem:$0x3FAE]  }
0x28: {  	s2 =	sld [smem:$0x3FAF]  }
0x29: {  	s4 =	sld [smem:$0x3FB1]  }
0x2a: {  	p0 =	seq.s32 s5, $0x0;
	s5 =	sld [smem:$0x3FB2]  }
0x2b: {  	s6 =	sld [smem:$0x3FB3]  }
0x2c: {  	s7 =	sld [smem:$0x3FB4]  }
0x2d: {  	s3 =	simm.s32 $0x108;
	s8 =	sld [smem:$0x3FB5]  }
0x2e: {  	s3 =	simm.s32 @!p0 $0x1082;
	s9 =	sld [smem:$0x3FB6]  }
0x2f: {  	lr =	sadd.s32 s0, s3;
	s0 =	sld [smem:$0x3FAD]  }
0x30: {  	s3 =	sld [smem:$0x3FB0]  }
0x31: {  	[smem:$0x3FB9] =	sst s10  }
0x32: {  	s10 =	sld [smem:$0x3FB7];
	_ =	sdelay $0x3  }
0x33: {  	p0 =	seq.s32 s10, $0x1;
	s10 =	sld [smem:$0x3FB9];
	_ =	sdelay $0x3  }
0x34: {  	[smem:$0x3FB9] =	sst s10  }
0x35: {  	s10 =	sld [smem:$0x3FB8];
	_ =	sdelay $0x3  }
0x36: {  	p1 =	seq.s32 s10, $0x1;
	s10 =	sld [smem:$0x3FB9];
	_ =	sdelay $0x3  }
0x37: {  	[smem:$0x3FB9] =	sst s10  }
0x38: {  	s10 =	sld [smem:$0x3FBA]  }
0x39: {  	_ = 	snop;
	(pc) =	sbr.ind lr, $3  }
0x3a: {  	_ = 	snop  }
0x3b: {  	_ = 	snop  }
0x3c: {  	p2 =	seq.s32 s10, $0x1;
	s10 =	sld [smem:$0x3FB9]  }
0x3d: {  	_ =	shalt  }
0x3e: {  	_ =	shalt  }
0x3f: {  	_ =	shalt  }
0x40: {  	_ =	shalt  }
0x41: {  	_ =	shalt  }
0x42: {  	_ =	shalt  }
0x43: {  	_ =	shalt  }
0x44: {  	_ =	shalt  }
0x45: {  	_ =	shalt  }
0x46: {  	_ =	shalt  }
0x47: {  	_ =	shalt  }
0x48: {  	_ =	shalt  }
0x49: {  	_ =	shalt  }
0x4a: {  	_ =	shalt  }
0x4b: {  	_ =	shalt  }
0x4c: {  	_ =	shalt  }
0x4d: {  	_ =	shalt  }
0x4e: {  	_ =	shalt  }
0x4f: {  	_ =	shalt  }
0x50: {  	_ =	shalt  }
0x51: {  	_ =	shalt  }
0x52: {  	_ =	shalt  }
0x53: {  	_ =	shalt  }
0x54: {  	_ =	shalt  }
0x55: {  	_ =	shalt  }
0x56: {  	_ =	shalt  }
0x57: {  	_ =	shalt  }
0x58: {  	_ =	shalt  }
0x59: {  	_ =	shalt  }
0x5a: {  	_ =	shalt  }
0x5b: {  	_ =	shalt  }
0x5c: {  	_ =	shalt  }
0x5d: {  	_ =	shalt  }
0x5e: {  	_ =	shalt  }
0x5f: {  	_ =	shalt  }
0x60: {  	_ =	shalt  }
0x61: {  	_ =	shalt  }
0x62: {  	_ =	shalt  }
0x63: {  	_ =	shalt  }
0x64: {  	_ =	shalt  }
0x65: {  	_ =	shalt  }
0x66: {  	_ =	shalt  }
0x67: {  	_ =	shalt  }
0x68: {  	_ =	shalt  }
0x69: {  	_ =	shalt  }
0x6a: {  	_ =	shalt  }
0x6b: {  	_ =	shalt  }
0x6c: {  	_ =	shalt  }
0x6d: {  	_ =	shalt  }
0x6e: {  	_ =	shalt  }
0x6f: {  	_ =	shalt  }
0x70: {  	_ =	shalt  }
0x71: {  	_ =	shalt  }
0x72: {  	_ =	shalt  }
0x73: {  	_ =	shalt  }
0x74: {  	_ =	shalt  }
0x75: {  	_ =	shalt  }
0x76: {  	_ =	shalt  }
0x77: {  	_ =	shalt  }
0x78: {  	_ =	shalt  }
0x79: {  	_ =	shalt  }
0x7a: {  	_ =	shalt  }
0x7b: {  	_ =	shalt  }
0x7c: {  	_ =	shalt  }
0x7d: {  	_ =	shalt  }
0x7e: {  	_ =	shalt  }
0x7f: {  	_ =	shalt  }
0x80: {  	_ =	shalt  }
0x81: {  	_ =	shalt  }
0x82: {  	_ =	shalt  }
0x83: {  	_ =	shalt  }
0x84: {  	_ =	shalt  }
0x85: {  	_ =	shalt  }
0x86: {  	_ =	shalt  }
0x87: {  	_ =	shalt  }
.Lfunc_end0:
.L_simem_size_0:
called_computation_lowered:
.L_overlay_start_0:
0x88: {  	s2 =	sld [smem:$0x3FD9]  }
0x89: {  	s3 =	sld [smem:$0x3FFE];
	_ =	sdelay $0x1  }
0x8a: {  	s1 =	srdreg.scid  }
0x8b: {  	s0 =	sand.u32 $0x1, s1  }
0x8c: {  	s17 =	sshll.u32 s0, $0xA;
	s2 =	sadd.s32 s3, s2  }
0x8d: {  	s2 =	sadd.s32 s2, s17  }
0x8e: {  	[smem:$0x3FC5] =	sst s2  }
0x8f: {  	_ = 	snop  }
0x90: {  	s2 =	sld [smem:$0x3FD0];
	(tm) =	ssettm $0x1  }
0x91: {  	s18 =	sld [smem:$0x3FFB];
	_ =	sdelay $0x3  }
0x92: {  	_ =	strace s18  }
0x93: {  	s3 =	sld [smem:$0x3FFC];
	_ =	sdelay $0x3  }
0x94: {  	_ =	strace s3  }
0x95: {  	s3 =	sld [smem:$0x3FFD];
	_ =	sdelay $0x3  }
0x96: {  	_ =	strace s3  }
0x97: {  	_ =	strace $0x8FFFFFFF  }
0x98: {  	s19 =	sld [smem:$0x3FDB];
	_ =	sdelay $0x1  }
0x99: {  	s4 =	simm.s32 $_scs_section_size  }
0x9a: {  	s5 =	simm.s32 $_size__tile_overlayer_lowered;
	s6 =	simm.s32 $_tile_overlayer_lowered  }
0x9b: {  	s22 =	simm.s32 $0x1BFF;
	s21 =	sshll.u32 s6, $0x1;
	s3 =	sadd.s32 s4, s19  }
0x9c: {  	s7 =	simm.s32 $0x0;
	s20 =	sshll.u32 s5, $0x1;
	s5 =	sadd.s32 s21, s3  }
0x9d: {  	[timem:s7], [sflag:s22] =	dma.local [hbm:s5], s20  }
0x9e: {  	_ =	swait.ge [sflag:s22], s20  }
0x9f: {  	s4 =	ssub.s32 $0x0, s20;
	[sflag:s22] =	ssyncset.done $0x0  }
0xa0: {  	[sflag:s22] =	ssyncadd.s32 s4;
	_ =	sdelay $0x1  }
0xa1: {  	s23 =	simm.s32 $0x1B8B  }
0xa2: {  	_ =	swait.ge [sflag:s23], $0x1  }
0xa3: {  	[sflag:s23] =	ssyncset.done $0x0  }
0xa4: {  	s25 =	simm.s32 $0x1B8E;
	s24 =	sld [smem:$0x3FFE];
	[sflag:s23] =	ssyncadd.s32 $0xFFFFFFFF  }
0xa5: {  	s26 =	simm.s32 $execute0_lowered;
	[smem:$0x3FD2] =	sst s25  }
0xa6: {  	s5 =	sshll.u32 s26, $0x1;
	_ =	strace $0x80000046;
	[dreg:$0x1] =	wrdreg $0xFFFFFFFF  }
0xa7: {  	s28 =	simm.s32 $_size_execute0_lowered;
	s3 =	sadd.s32 s3, s5;
	[dreg:$0x0] =	wrdreg $0x0  }
0xa8: {  	s5 =	sshll.u32 s28, $0x1;
	[dreg:$0x2] =	wrdreg s3  }
0xa9: {  	[dreg:$0x3] =	wrdreg s5  }
0xaa: {  	[dreg:$0x4] =	wrdreg $0xC0  }
0xab: {  	_ =	task [dreg:s7], $0x5FFFF  }
0xac: {  	[dreg:$0x1] =	wrdreg $0xFFFFFFFF  }
0xad: {  	[dreg:$0x0] =	wrdreg $0x60  }
0xae: {  	[dreg:$0x2] =	wrdreg s2  }
0xaf: {  	[dreg:$0x3] =	wrdreg s24  }
0xb0: {  	[dreg:$0x4] =	wrdreg $0x9  }
0xb1: {  	_ =	task.clear_ibuf [dreg:s7], $0x5FFFF;
	_ =	strace $0x90000046  }
0xb2: {  	s29 =	simm.s32 $0x9;
	_ =	strace $0x80000048  }
0xb3: {  	_ =	swait.ge [sflag:s29], $0x1  }
0xb4: {  	[sflag:s29] =	ssyncadd.s32 $0xFFFFFFFF  }
0xb5: {  	_ =	strace $0x90000048  }
0xb6: {  	_ =	sfence  }
0xb7: {  	s30 =	sld [smem:$0x0];
	_ =	sdelay $0x2  }
0xb8: {  	s31 =	sshll.u32 s1, $0xD;
	s1 =	sshrl.u32 s1, $0x2  }
0xb9: {  	s3 =	sand.u32 $0x4000, s31;
	s1 =	sadd.s32 s1, s30  }
0xba: {  	s0 =	sor.u32 s3, s0;
	s1 =	sshll.u32 s1, $0x11  }
0xbb: {  	s0 =	sor.u32 s1, s0  }
0xbc: {  	s0 =	sadd.s32 $0x8F2B, s0  }
0xbd: {  	[sflag:s0] =	ssyncadd.remote.s32 $0x1  }
0xbe: {  	_ =	sfence.sel $0xFFFF  }
0xbf: {  	[dreg:$0x0] =	wrdreg $0xFFFFFFFF;
	(pc) =	sbr.abs _section_cstart, $3  }
0xc0: {  	[dreg:$0x1] =	wrdreg $0xFFFFFFFF  }
0xc1: {  	_ =	task.clear_ibuf [dreg:s7], $0x2FFFF;
	_ =	strace $0x9FFFFFFF  }
0xc2: {  	(tm) =	ssettm $0x7FFFFFFF  }
0xc3: {  	_ =	shalt  }
tec
execute0_lowered:
.L_overlay_start_1:
0x0: {  	(tag) =	ssettag $0x1  }
0x1: {  	s1 =	srdreg.scid;
	s2 =	rddreg [dreg:$0x0]  }
0x2: {  	s0 =	stileid.u32;
	s7 =	rddreg [dreg:$0x1]  }
0x3: {  	s4 =	simm.s32 $0x0;
	s13 =	simm.s32 $0x330;
	s14 =	simm.s32 $0x660  }
0x4: {  	s15 =	simm.s32 $0x4;
	s16 =	simm.s32 $0xD260;
	s17 =	simm.s32 $0x1  }
0x5: {  	s18 =	simm.s32 $0x1A4C0;
	s19 =	simm.s32 $0x19E60;
	s20 =	simm.s32 $0x2  }
0x6: {  	s21 =	simm.s32 $0x6;
	s22 =	simm.s32 $0x1A190;
	s6 =	sand.u32 $0x1, s1  }
0x7: {  	v0 =	vlaneseq.u32;
	s23 =	simm.s32 $0x5;
	s31 =	sshll.u32 s0, $0xA;
	s3 =	sshll.u32 s6, $0x9  }
0x8: {  	s24 =	simm.s32 $0x0;
	s1 =	rddreg [dreg:$0x2];
	v0 =	vmul.u32 $0x11, v0;
	s3 =	sor.u32 s3, s31  }
0x9: {  	[smem:$0x7FF] =	sst s4;
	s9 =	ssub.s32 $0x2, s6;
	s10 =	sshrl.u32 s3, $0x4  }
0xa: {  	s5 =	sadd.s32 $0xF42C00, s7;
	s11 =	sshrl.u32 s9, $0x1;
	v1 =	vadd.s32 $0x1, v0;
	v2 =	vadd.s32 $0x2, v0;
	v3 =	vadd.s32 $0x3, v0;
	s8 =	smul.u32 $0x330, s10  }
0xb: {  	_ =	strace $0x80000047;
	s6 =	sadd.s32 $0x800, s7;
	v4 =	vadd.s32 $0x4, v0;
	v5 =	vadd.s32 $0x5, v0;
	v6 =	vadd.s32 $0x6, v0;
	s11 =	ssub.s32 s9, s11  }
0xc: {  	v7 =	vadd.s32 $0x7, v0;
	v8 =	vadd.s32 $0x8, v0;
	v9 =	vadd.s32 $0x9, v0;
	s12 =	smul.u32 $0x66, s10;
	s9 =	sor.u32 $0x2, s10;
	s8 =	sshrl.u32 s8, $0x3  }
0xd: {  	v10 =	vadd.s32 $0xA, v0;
	v11 =	vadd.s32 $0xB, v0;
	v12 =	vadd.s32 $0xC, v0;
	s10 =	sor.u32 $0x3, s10;
	s11 =	smax.u32 s11, $0x1;
	s8 =	sadd.s32 s2, s8  }
0xe: {  	v13 =	vadd.s32 $0xD, v0;
	v14 =	vadd.s32 $0xE, v0;
	v15 =	vadd.s32 $0xF, v0;
	s7 =	sadd.s32 s2, s12;
	s12 =	simm.s32 $0x3;
	s8 =	sadd.s32 $0x66, s8  }
.LBB2_1:
0xf: {  	[tilespmem:s4], [sflag:$0x3] =	stream.linear.gather [hbm4b:s7+s4], $0x330, $0x38;
	[tilespmem:$0x1A5D0] =	vst v63  }
0x10: {  	_ =	swait.ge [sflag:s12], $0x330  }
0x11: {  	[sflag:s12] =	ssyncset.done $0x0  }
0x12: {  	[sflag:s12] =	ssyncadd.s32 $0xFFFFFCD0  }
0x13: {  	[tilespmem:s14], [sflag:$0x1] =	stream.indirect.gather [hbm4b:s5+s13], $0x40, s4, s13, $0xb8;
	[tilespmem:$0x1A5D0] =	vst v63  }
0x14: {  	s25 =	simm.s32 $0x0  }
0x15: {  	[tilespmem:s13], [sflag:$0x4] =	stream.linear.gather [hbm4b:s8+s4], $0x330, $0x38;
	[tilespmem:$0x1A5D0] =	vst v63  }
.LBB2_2:
0x16: {  	_ =	swait.ge [sflag:s15], $0x330;
	p0 =	seq.s32 s25, $0xF  }
0x17: {  	[sflag:s15] =	ssyncset.done $0x0;
	p1 =	seq.s32 @!p0 s25, $0x0  }
0x18: {  	s26 =	sshll.u32 s25, $0x1;
	[sflag:s15] =	ssyncadd.s32 $0xFFFFFCD0;
	p1 =	por p0, !p1  }
0x19: {  	[tilespmem:s16], [sflag:$0x2] =	stream.indirect.gather [hbm4b:s5+s13], $0x40, s13, s13, $0xb8;
	[tilespmem:$0x1A5D0] =	vst v63  }
.Ltmp0:
0x1a: {  	s28 =	sadd.s32 @!p0 s26, s9;
	(pc) =	sbr.rel @!p1 .LBB2_3-.Ltmp0, $4  }
0x1b: {  	s28 =	smul.u32 @!p0 $0x66, s28;
	_ =	swait.ge [sflag:s17], $0xCC00  }
0x1c: {  	[sflag:s17] =	ssyncset.done $0x0  }
0x1d: {  	s29 =	simm.s32 @!p0 $0x0;
	s28 =	sadd.s32 @!p0 s2, s28;
	[sflag:s17] =	ssyncadd.s32 $0xFFFF3400  }
0x1e: {  	[tilespmem:s29], [sflag:$0x3] =	stream.linear.gather @!p0 [hbm4b:s28+s29], $0x330, $0x38;
	[tilespmem:$0x1A5D0] =	vst v63  }
.Ltmp1:
0x1f: {  	(pc) =	sbr.rel .LBB2_5-.Ltmp1, $4  }
0x20: {  	_ = 	snop  }
0x21: {  	_ =	swait.ge [sflag:s23], $0x320  }
0x22: {  	[sflag:s23] =	ssyncset.done $0x0  }
0x23: {  	p0 =	por $0x0, $0x0;
	[sflag:s23] =	ssyncadd.s32 $0xFFFFFCE0  }
.LBB2_3:
0x24: {  	p0 =	por @!p0 $0x1, $0x1  }
.LBB2_5:
0x25: {  	s28 =	simm.s32 $0x0  }
.LBB2_6:
0x26: {  	s29 =	smul.u32 $0x3300, s28;
	_ =	sdelay $0x1  }
0x27: {  	s29 =	sshra.s32 s29, $0x2  }
0x28: {  	v16 =	vld [tilespmem:s29+$0x660]  }
0x29: {  	v17 =	vld [tilespmem:s29+$0x670]  }
0x2a: {  	v18 =	vld [tilespmem:s29+$0x680]  }
0x2b: {  	v19 =	vld [tilespmem:s29+$0x690]  }
0x2c: {  	v20 =	vld [tilespmem:s29+$0x12A0]  }
0x2d: {  	v21 =	vld [tilespmem:s29+$0x12B0]  }
0x2e: {  	v22 =	vld [tilespmem:s29+$0x12C0]  }
0x2f: {  	v23 =	vld [tilespmem:s29+$0x12D0];
	_ =	sdelay $0x3  }
0x30: {  	v20 =	vmul.f32 v20, v16;
	v21 =	vmul.f32 v21, v17  }
0x31: {  	v22 =	vmul.f32 v22, v18;
	v23 =	vmul.f32 v23, v19;
	_ =	sdelay $0x1  }
0x32: {  	v20 =	vadd.f32 v21, v20;
	v42 =	vadd.f32 v23, v22;
	_ =	sdelay $0x1  }
0x33: {  	v20 =	vadd.f32 v42, v20;
	_ =	sdelay $0x1  }
0x34: {  	[tilespmem:$0x1A4C0] =	vst v20  }
0x35: {  	v20 =	vld [tilespmem:s29+$0x12E0]  }
0x36: {  	v43 =	vld [tilespmem:s29+$0x12F0]  }
0x37: {  	v44 =	vld [tilespmem:s29+$0x1300]  }
0x38: {  	v45 =	vld [tilespmem:s29+$0x1310];
	_ =	sdelay $0x3  }
0x39: {  	v20 =	vmul.f32 v20, v16;
	v21 =	vmul.f32 v43, v17  }
0x3a: {  	v22 =	vmul.f32 v44, v18;
	v23 =	vmul.f32 v45, v19;
	_ =	sdelay $0x1  }
0x3b: {  	v20 =	vadd.f32 v21, v20;
	v46 =	vadd.f32 v23, v22;
	_ =	sdelay $0x1  }
0x3c: {  	v20 =	vadd.f32 v46, v20;
	_ =	sdelay $0x1  }
0x3d: {  	[tilespmem:$0x1A4D1] =	vst v20  }
0x3e: {  	v20 =	vld.idx.msk [tilespmem:v0+s18+$0x0], $0xffff  }
0x3f: {  	v47 =	vld.idx.msk [tilespmem:v1+s18+$0x0], $0xffff  }
0x40: {  	v48 =	vld.idx.msk [tilespmem:v2+s18+$0x0], $0xffff  }
0x41: {  	v49 =	vld.idx.msk [tilespmem:v3+s18+$0x0], $0xffff  }
0x42: {  	v24 =	vld.idx.msk [tilespmem:v4+s18+$0x0], $0xffff  }
0x43: {  	v25 =	vld.idx.msk [tilespmem:v5+s18+$0x0], $0xffff  }
0x44: {  	v26 =	vld.idx.msk [tilespmem:v6+s18+$0x0], $0xffff  }
0x45: {  	v27 =	vld.idx.msk [tilespmem:v7+s18+$0x0], $0xffff  }
0x46: {  	v28 =	vld.idx.msk [tilespmem:v8+s18+$0x0], $0xffff  }
0x47: {  	v29 =	vld.idx.msk [tilespmem:v9+s18+$0x0], $0xffff  }
0x48: {  	v30 =	vld.idx.msk [tilespmem:v10+s18+$0x0], $0xffff  }
0x49: {  	v31 =	vld.idx.msk [tilespmem:v11+s18+$0x0], $0xffff  }
0x4a: {  	v32 =	vld.idx.msk [tilespmem:v12+s18+$0x0], $0xffff  }
0x4b: {  	v33 =	vld.idx.msk [tilespmem:v13+s18+$0x0], $0xffff  }
0x4c: {  	v34 =	vld.idx.msk [tilespmem:v14+s18+$0x0], $0xffff  }
0x4d: {  	v35 =	vld.idx.msk [tilespmem:v15+s18+$0x0], $0xffff;
	_ =	sdelay $0x1  }
0x4e: {  	v20 =	vadd.f32 v47, v20;
	v50 =	vadd.f32 v49, v48  }
0x4f: {  	v51 =	vadd.f32 v25, v24;
	v52 =	vadd.f32 v27, v26  }
0x50: {  	v53 =	vadd.f32 v29, v28;
	v54 =	vadd.f32 v31, v30  }
0x51: {  	v55 =	vadd.f32 v33, v32;
	v56 =	vadd.f32 v35, v34  }
0x52: {  	v20 =	vadd.f32 v50, v20;
	v57 =	vadd.f32 v52, v51  }
0x53: {  	v58 =	vadd.f32 v54, v53;
	v59 =	vadd.f32 v56, v55;
	_ =	sdelay $0x1  }
0x54: {  	v20 =	vadd.f32 v57, v20;
	v60 =	vadd.f32 v59, v58  }
0x55: {  	s31 =	smul.u32 $0x32, s28  }
0x56: {  	v20 =	vadd.f32 v60, v20  }
0x57: {  	s30 =	sand.u32 $0x3FE, s31  }
0x58: {  	[tilespmem:s30+$0x19E90] =	vst v20  }
0x59: {  	v20 =	vld [tilespmem:s29+$0x6A0]  }
0x5a: {  	v61 =	vld [tilespmem:s29+$0x6B0]  }
0x5b: {  	v62 =	vld [tilespmem:s29+$0x6C0]  }
0x5c: {  	v63 =	vld [tilespmem:s29+$0x6D0];
	_ =	sdelay $0x3  }
0x5d: {  	v20 =	vmul.f32 v20, v16;
	v21 =	vmul.f32 v61, v17  }
0x5e: {  	v22 =	vmul.f32 v62, v18;
	v23 =	vmul.f32 v63, v19;
	_ =	sdelay $0x1  }
0x5f: {  	v20 =	vadd.f32 v21, v20;
	v24 =	vadd.f32 v23, v22;
	_ =	sdelay $0x1  }
0x60: {  	v20 =	vadd.f32 v24, v20;
	_ =	sdelay $0x1  }
0x61: {  	[tilespmem:$0x1A4C0] =	vst v20  }
0x62: {  	v20 =	vld [tilespmem:s29+$0x6E0]  }
0x63: {  	v25 =	vld [tilespmem:s29+$0x6F0]  }
0x64: {  	v26 =	vld [tilespmem:s29+$0x700]  }
0x65: {  	v27 =	vld [tilespmem:s29+$0x710];
	_ =	sdelay $0x3  }
0x66: {  	v20 =	vmul.f32 v20, v16;
	v21 =	vmul.f32 v25, v17  }
0x67: {  	v22 =	vmul.f32 v26, v18;
	v23 =	vmul.f32 v27, v19;
	_ =	sdelay $0x1  }
0x68: {  	v20 =	vadd.f32 v21, v20;
	v28 =	vadd.f32 v23, v22;
	_ =	sdelay $0x1  }
0x69: {  	v20 =	vadd.f32 v28, v20;
	_ =	sdelay $0x1  }
0x6a: {  	[tilespmem:$0x1A4D1] =	vst v20  }
0x6b: {  	v20 =	vld [tilespmem:s29+$0x720]  }
0x6c: {  	v29 =	vld [tilespmem:s29+$0x730]  }
0x6d: {  	v30 =	vld [tilespmem:s29+$0x740]  }
0x6e: {  	v31 =	vld [tilespmem:s29+$0x750];
	_ =	sdelay $0x3  }
0x6f: {  	v20 =	vmul.f32 v20, v16;
	v21 =	vmul.f32 v29, v17  }
0x70: {  	v22 =	vmul.f32 v30, v18;
	v23 =	vmul.f32 v31, v19;
	_ =	sdelay $0x1  }
0x71: {  	v20 =	vadd.f32 v21, v20;
	v32 =	vadd.f32 v23, v22;
	_ =	sdelay $0x1  }
0x72: {  	v20 =	vadd.f32 v32, v20;
	_ =	sdelay $0x1  }
0x73: {  	[tilespmem:$0x1A4E2] =	vst v20  }
0x74: {  	v20 =	vld [tilespmem:s29+$0x760]  }
0x75: {  	v33 =	vld [tilespmem:s29+$0x770]  }
0x76: {  	v34 =	vld [tilespmem:s29+$0x780]  }
0x77: {  	v35 =	vld [tilespmem:s29+$0x790];
	_ =	sdelay $0x3  }
0x78: {  	v20 =	vmul.f32 v20, v16;
	v21 =	vmul.f32 v33, v17  }
0x79: {  	v22 =	vmul.f32 v34, v18;
	v23 =	vmul.f32 v35, v19;
	_ =	sdelay $0x1  }
0x7a: {  	v20 =	vadd.f32 v21, v20;
	v36 =	vadd.f32 v23, v22;
	_ =	sdelay $0x1  }
0x7b: {  	v20 =	vadd.f32 v36, v20;
	_ =	sdelay $0x1  }
0x7c: {  	[tilespmem:$0x1A4F3] =	vst v20  }
0x7d: {  	v20 =	vld [tilespmem:s29+$0x7A0]  }
0x7e: {  	v37 =	vld [tilespmem:s29+$0x7B0]  }
0x7f: {  	v38 =	vld [tilespmem:s29+$0x7C0]  }
0x80: {  	v39 =	vld [tilespmem:s29+$0x7D0];
	_ =	sdelay $0x3  }
0x81: {  	v20 =	vmul.f32 v20, v16;
	v21 =	vmul.f32 v37, v17  }
0x82: {  	v22 =	vmul.f32 v38, v18;
	v23 =	vmul.f32 v39, v19;
	_ =	sdelay $0x1  }
0x83: {  	v20 =	vadd.f32 v21, v20;
	v40 =	vadd.f32 v23, v22;
	_ =	sdelay $0x1  }
0x84: {  	v20 =	vadd.f32 v40, v20;
	_ =	sdelay $0x1  }
0x85: {  	[tilespmem:$0x1A504] =	vst v20  }
0x86: {  	v20 =	vld [tilespmem:s29+$0x7E0]  }
0x87: {  	v41 =	vld [tilespmem:s29+$0x7F0]  }
0x88: {  	v42 =	vld [tilespmem:s29+$0x800]  }
0x89: {  	v43 =	vld [tilespmem:s29+$0x810];
	_ =	sdelay $0x3  }
0x8a: {  	v20 =	vmul.f32 v20, v16;
	v21 =	vmul.f32 v41, v17  }
0x8b: {  	v22 =	vmul.f32 v42, v18;
	v23 =	vmul.f32 v43, v19;
	_ =	sdelay $0x1  }
0x8c: {  	v20 =	vadd.f32 v21, v20;
	v44 =	vadd.f32 v23, v22;
	_ =	sdelay $0x1  }
0x8d: {  	v20 =	vadd.f32 v44, v20;
	_ =	sdelay $0x1  }
0x8e: {  	[tilespmem:$0x1A515] =	vst v20  }
0x8f: {  	v20 =	vld [tilespmem:s29+$0x820]  }
0x90: {  	v45 =	vld [tilespmem:s29+$0x830]  }
0x91: {  	v46 =	vld [tilespmem:s29+$0x840]  }
0x92: {  	v47 =	vld [tilespmem:s29+$0x850];
	_ =	sdelay $0x3  }
0x93: {  	v20 =	vmul.f32 v20, v16;
	v21 =	vmul.f32 v45, v17  }
0x94: {  	v22 =	vmul.f32 v46, v18;
	v23 =	vmul.f32 v47, v19;
	_ =	sdelay $0x1  }
0x95: {  	v20 =	vadd.f32 v21, v20;
	v48 =	vadd.f32 v23, v22;
	_ =	sdelay $0x1  }
0x96: {  	v20 =	vadd.f32 v48, v20;
	_ =	sdelay $0x1  }
0x97: {  	[tilespmem:$0x1A526] =	vst v20  }
0x98: {  	v20 =	vld [tilespmem:s29+$0x860]  }
0x99: {  	v49 =	vld [tilespmem:s29+$0x870]  }
0x9a: {  	v50 =	vld [tilespmem:s29+$0x880]  }
0x9b: {  	v51 =	vld [tilespmem:s29+$0x890];
	_ =	sdelay $0x3  }
0x9c: {  	v20 =	vmul.f32 v20, v16;
	v21 =	vmul.f32 v49, v17  }
0x9d: {  	v22 =	vmul.f32 v50, v18;
	v23 =	vmul.f32 v51, v19;
	_ =	sdelay $0x1  }
0x9e: {  	v20 =	vadd.f32 v21, v20;
	v52 =	vadd.f32 v23, v22;
	_ =	sdelay $0x1  }
0x9f: {  	v20 =	vadd.f32 v52, v20;
	_ =	sdelay $0x1  }
0xa0: {  	[tilespmem:$0x1A537] =	vst v20  }
0xa1: {  	v20 =	vld [tilespmem:s29+$0x8A0]  }
0xa2: {  	v53 =	vld [tilespmem:s29+$0x8B0]  }
0xa3: {  	v54 =	vld [tilespmem:s29+$0x8C0]  }
0xa4: {  	v55 =	vld [tilespmem:s29+$0x8D0];
	_ =	sdelay $0x3  }
0xa5: {  	v20 =	vmul.f32 v20, v16;
	v21 =	vmul.f32 v53, v17  }
0xa6: {  	v22 =	vmul.f32 v54, v18;
	v23 =	vmul.f32 v55, v19;
	_ =	sdelay $0x1  }
0xa7: {  	v20 =	vadd.f32 v21, v20;
	v56 =	vadd.f32 v23, v22;
	_ =	sdelay $0x1  }
0xa8: {  	v20 =	vadd.f32 v56, v20;
	_ =	sdelay $0x1  }
0xa9: {  	[tilespmem:$0x1A548] =	vst v20  }
0xaa: {  	v20 =	vld [tilespmem:s29+$0x8E0]  }
0xab: {  	v57 =	vld [tilespmem:s29+$0x8F0]  }
0xac: {  	v58 =	vld [tilespmem:s29+$0x900]  }
0xad: {  	v59 =	vld [tilespmem:s29+$0x910];
	_ =	sdelay $0x3  }
0xae: {  	v20 =	vmul.f32 v20, v16;
	v21 =	vmul.f32 v57, v17  }
0xaf: {  	v22 =	vmul.f32 v58, v18;
	v23 =	vmul.f32 v59, v19;
	_ =	sdelay $0x1  }
0xb0: {  	v20 =	vadd.f32 v21, v20;
	v60 =	vadd.f32 v23, v22;
	_ =	sdelay $0x1  }
0xb1: {  	v20 =	vadd.f32 v60, v20;
	_ =	sdelay $0x1  }
0xb2: {  	[tilespmem:$0x1A559] =	vst v20  }
0xb3: {  	v20 =	vld [tilespmem:s29+$0x920]  }
0xb4: {  	v61 =	vld [tilespmem:s29+$0x930]  }
0xb5: {  	v62 =	vld [tilespmem:s29+$0x940]  }
0xb6: {  	v63 =	vld [tilespmem:s29+$0x950];
	_ =	sdelay $0x3  }
0xb7: {  	v20 =	vmul.f32 v20, v16;
	v21 =	vmul.f32 v61, v17  }
0xb8: {  	v22 =	vmul.f32 v62, v18;
	v23 =	vmul.f32 v63, v19;
	_ =	sdelay $0x1  }
0xb9: {  	v20 =	vadd.f32 v21, v20;
	v24 =	vadd.f32 v23, v22;
	_ =	sdelay $0x1  }
0xba: {  	v20 =	vadd.f32 v24, v20;
	_ =	sdelay $0x1  }
0xbb: {  	[tilespmem:$0x1A56A] =	vst v20  }
0xbc: {  	v20 =	vld [tilespmem:s29+$0x960]  }
0xbd: {  	v25 =	vld [tilespmem:s29+$0x970]  }
0xbe: {  	v26 =	vld [tilespmem:s29+$0x980]  }
0xbf: {  	v27 =	vld [tilespmem:s29+$0x990];
	_ =	sdelay $0x3  }
0xc0: {  	v20 =	vmul.f32 v20, v16;
	v21 =	vmul.f32 v25, v17  }
0xc1: {  	v22 =	vmul.f32 v26, v18;
	v23 =	vmul.f32 v27, v19;
	_ =	sdelay $0x1  }
0xc2: {  	v20 =	vadd.f32 v21, v20;
	v28 =	vadd.f32 v23, v22;
	_ =	sdelay $0x1  }
0xc3: {  	v20 =	vadd.f32 v28, v20;
	_ =	sdelay $0x1  }
0xc4: {  	[tilespmem:$0x1A57B] =	vst v20  }
0xc5: {  	v20 =	vld [tilespmem:s29+$0x9A0]  }
0xc6: {  	v29 =	vld [tilespmem:s29+$0x9B0]  }
0xc7: {  	v30 =	vld [tilespmem:s29+$0x9C0]  }
0xc8: {  	v31 =	vld [tilespmem:s29+$0x9D0];
	_ =	sdelay $0x3  }
0xc9: {  	v20 =	vmul.f32 v20, v16;
	v21 =	vmul.f32 v29, v17  }
0xca: {  	v22 =	vmul.f32 v30, v18;
	v23 =	vmul.f32 v31, v19;
	_ =	sdelay $0x1  }
0xcb: {  	v20 =	vadd.f32 v21, v20;
	v32 =	vadd.f32 v23, v22;
	_ =	sdelay $0x1  }
0xcc: {  	v20 =	vadd.f32 v32, v20;
	_ =	sdelay $0x1  }
0xcd: {  	[tilespmem:$0x1A58C] =	vst v20  }
0xce: {  	v20 =	vld [tilespmem:s29+$0x9E0]  }
0xcf: {  	v33 =	vld [tilespmem:s29+$0x9F0]  }
0xd0: {  	v34 =	vld [tilespmem:s29+$0xA00]  }
0xd1: {  	v35 =	vld [tilespmem:s29+$0xA10];
	_ =	sdelay $0x3  }
0xd2: {  	v20 =	vmul.f32 v20, v16;
	v21 =	vmul.f32 v33, v17  }
0xd3: {  	v22 =	vmul.f32 v34, v18;
	v23 =	vmul.f32 v35, v19;
	_ =	sdelay $0x1  }
0xd4: {  	v20 =	vadd.f32 v21, v20;
	v36 =	vadd.f32 v23, v22;
	_ =	sdelay $0x1  }
0xd5: {  	v20 =	vadd.f32 v36, v20;
	_ =	sdelay $0x1  }
0xd6: {  	[tilespmem:$0x1A59D] =	vst v20  }
0xd7: {  	v20 =	vld [tilespmem:s29+$0xA20]  }
0xd8: {  	v37 =	vld [tilespmem:s29+$0xA30]  }
0xd9: {  	v38 =	vld [tilespmem:s29+$0xA40]  }
0xda: {  	v39 =	vld [tilespmem:s29+$0xA50];
	_ =	sdelay $0x3  }
0xdb: {  	v20 =	vmul.f32 v20, v16;
	v21 =	vmul.f32 v37, v17  }
0xdc: {  	v22 =	vmul.f32 v38, v18;
	v23 =	vmul.f32 v39, v19;
	_ =	sdelay $0x1  }
0xdd: {  	v20 =	vadd.f32 v21, v20;
	v40 =	vadd.f32 v23, v22;
	_ =	sdelay $0x1  }
0xde: {  	v20 =	vadd.f32 v40, v20;
	_ =	sdelay $0x1  }
0xdf: {  	[tilespmem:$0x1A5AE] =	vst v20  }
0xe0: {  	v20 =	vld [tilespmem:s29+$0xA60]  }
0xe1: {  	v41 =	vld [tilespmem:s29+$0xA70]  }
0xe2: {  	v42 =	vld [tilespmem:s29+$0xA80]  }
0xe3: {  	v43 =	vld [tilespmem:s29+$0xA90];
	_ =	sdelay $0x3  }
0xe4: {  	v20 =	vmul.f32 v20, v16;
	v21 =	vmul.f32 v41, v17  }
0xe5: {  	v22 =	vmul.f32 v42, v18;
	v23 =	vmul.f32 v43, v19;
	_ =	sdelay $0x1  }
0xe6: {  	v20 =	vadd.f32 v21, v20;
	v44 =	vadd.f32 v23, v22;
	_ =	sdelay $0x1  }
0xe7: {  	v20 =	vadd.f32 v44, v20;
	_ =	sdelay $0x1  }
0xe8: {  	[tilespmem:$0x1A5BF] =	vst v20  }
0xe9: {  	v20 =	vld.idx.msk [tilespmem:v0+s18+$0x0], $0xffff  }
0xea: {  	v45 =	vld.idx.msk [tilespmem:v1+s18+$0x0], $0xffff  }
0xeb: {  	v46 =	vld.idx.msk [tilespmem:v2+s18+$0x0], $0xffff  }
0xec: {  	v47 =	vld.idx.msk [tilespmem:v3+s18+$0x0], $0xffff  }
0xed: {  	v48 =	vld.idx.msk [tilespmem:v4+s18+$0x0], $0xffff  }
0xee: {  	v49 =	vld.idx.msk [tilespmem:v5+s18+$0x0], $0xffff  }
0xef: {  	v50 =	vld.idx.msk [tilespmem:v6+s18+$0x0], $0xffff  }
0xf0: {  	v51 =	vld.idx.msk [tilespmem:v7+s18+$0x0], $0xffff  }
0xf1: {  	v52 =	vld.idx.msk [tilespmem:v8+s18+$0x0], $0xffff  }
0xf2: {  	v53 =	vld.idx.msk [tilespmem:v9+s18+$0x0], $0xffff  }
0xf3: {  	v54 =	vld.idx.msk [tilespmem:v10+s18+$0x0], $0xffff  }
0xf4: {  	v55 =	vld.idx.msk [tilespmem:v11+s18+$0x0], $0xffff  }
0xf5: {  	v56 =	vld.idx.msk [tilespmem:v12+s18+$0x0], $0xffff  }
0xf6: {  	v57 =	vld.idx.msk [tilespmem:v13+s18+$0x0], $0xffff  }
0xf7: {  	v58 =	vld.idx.msk [tilespmem:v14+s18+$0x0], $0xffff  }
0xf8: {  	v59 =	vld.idx.msk [tilespmem:v15+s18+$0x0], $0xffff;
	_ =	sdelay $0x1  }
0xf9: {  	v20 =	vadd.f32 v45, v20;
	v60 =	vadd.f32 v47, v46  }
0xfa: {  	v61 =	vadd.f32 v49, v48;
	v62 =	vadd.f32 v51, v50  }
0xfb: {  	v63 =	vadd.f32 v53, v52;
	v30 =	vadd.f32 v55, v54  }
0xfc: {  	v31 =	vadd.f32 v57, v56;
	v32 =	vadd.f32 v59, v58  }
0xfd: {  	v20 =	vadd.f32 v60, v20;
	v33 =	vadd.f32 v62, v61  }
0xfe: {  	v34 =	vadd.f32 v30, v63;
	v35 =	vadd.f32 v32, v31;
	_ =	sdelay $0x1  }
0xff: {  	v20 =	vadd.f32 v33, v20;
	v36 =	vadd.f32 v35, v34;
	_ =	sdelay $0x1  }
0x100: {  	v20 =	vadd.f32 v36, v20;
	_ =	sdelay $0x1  }
0x101: {  	[tilespmem:s31+$0x19E60] =	vst v20  }
0x102: {  	v20 =	vld [tilespmem:s29+$0xAA0]  }
0x103: {  	v37 =	vld [tilespmem:s29+$0xAB0]  }
0x104: {  	v38 =	vld [tilespmem:s29+$0xAC0]  }
0x105: {  	v39 =	vld [tilespmem:s29+$0xAD0];
	_ =	sdelay $0x3  }
0x106: {  	v20 =	vmul.f32 v20, v16;
	v21 =	vmul.f32 v37, v17  }
0x107: {  	v22 =	vmul.f32 v38, v18;
	v23 =	vmul.f32 v39, v19;
	_ =	sdelay $0x1  }
0x108: {  	v20 =	vadd.f32 v21, v20;
	v40 =	vadd.f32 v23, v22;
	_ =	sdelay $0x1  }
0x109: {  	v20 =	vadd.f32 v40, v20;
	_ =	sdelay $0x1  }
0x10a: {  	[tilespmem:$0x1A4C0] =	vst v20  }
0x10b: {  	v20 =	vld [tilespmem:s29+$0xAE0]  }
0x10c: {  	v41 =	vld [tilespmem:s29+$0xAF0]  }
0x10d: {  	v42 =	vld [tilespmem:s29+$0xB00]  }
0x10e: {  	v43 =	vld [tilespmem:s29+$0xB10];
	_ =	sdelay $0x3  }
0x10f: {  	v20 =	vmul.f32 v20, v16;
	v21 =	vmul.f32 v41, v17  }
0x110: {  	v22 =	vmul.f32 v42, v18;
	v23 =	vmul.f32 v43, v19;
	_ =	sdelay $0x1  }
0x111: {  	v20 =	vadd.f32 v21, v20;
	v44 =	vadd.f32 v23, v22;
	_ =	sdelay $0x1  }
0x112: {  	v20 =	vadd.f32 v44, v20;
	_ =	sdelay $0x1  }
0x113: {  	[tilespmem:$0x1A4D1] =	vst v20  }
0x114: {  	v20 =	vld [tilespmem:s29+$0xB20]  }
0x115: {  	v45 =	vld [tilespmem:s29+$0xB30]  }
0x116: {  	v46 =	vld [tilespmem:s29+$0xB40]  }
0x117: {  	v47 =	vld [tilespmem:s29+$0xB50];
	_ =	sdelay $0x3  }
0x118: {  	v20 =	vmul.f32 v20, v16;
	v21 =	vmul.f32 v45, v17  }
0x119: {  	v22 =	vmul.f32 v46, v18;
	v23 =	vmul.f32 v47, v19;
	_ =	sdelay $0x1  }
0x11a: {  	v20 =	vadd.f32 v21, v20;
	v48 =	vadd.f32 v23, v22;
	_ =	sdelay $0x1  }
0x11b: {  	v20 =	vadd.f32 v48, v20;
	_ =	sdelay $0x1  }
0x11c: {  	[tilespmem:$0x1A4E2] =	vst v20  }
0x11d: {  	v20 =	vld [tilespmem:s29+$0xB60]  }
0x11e: {  	v49 =	vld [tilespmem:s29+$0xB70]  }
0x11f: {  	v50 =	vld [tilespmem:s29+$0xB80]  }
0x120: {  	v51 =	vld [tilespmem:s29+$0xB90];
	_ =	sdelay $0x3  }
0x121: {  	v20 =	vmul.f32 v20, v16;
	v21 =	vmul.f32 v49, v17  }
0x122: {  	v22 =	vmul.f32 v50, v18;
	v23 =	vmul.f32 v51, v19;
	_ =	sdelay $0x1  }
0x123: {  	v20 =	vadd.f32 v21, v20;
	v52 =	vadd.f32 v23, v22;
	_ =	sdelay $0x1  }
0x124: {  	v20 =	vadd.f32 v52, v20;
	_ =	sdelay $0x1  }
0x125: {  	[tilespmem:$0x1A4F3] =	vst v20  }
0x126: {  	v20 =	vld [tilespmem:s29+$0xBA0]  }
0x127: {  	v53 =	vld [tilespmem:s29+$0xBB0]  }
0x128: {  	v54 =	vld [tilespmem:s29+$0xBC0]  }
0x129: {  	v55 =	vld [tilespmem:s29+$0xBD0];
	_ =	sdelay $0x3  }
0x12a: {  	v20 =	vmul.f32 v20, v16;
	v21 =	vmul.f32 v53, v17  }
0x12b: {  	v22 =	vmul.f32 v54, v18;
	v23 =	vmul.f32 v55, v19;
	_ =	sdelay $0x1  }
0x12c: {  	v20 =	vadd.f32 v21, v20;
	v56 =	vadd.f32 v23, v22;
	_ =	sdelay $0x1  }
0x12d: {  	v20 =	vadd.f32 v56, v20;
	_ =	sdelay $0x1  }
0x12e: {  	[tilespmem:$0x1A504] =	vst v20  }
0x12f: {  	v20 =	vld [tilespmem:s29+$0xBE0]  }
0x130: {  	v57 =	vld [tilespmem:s29+$0xBF0]  }
0x131: {  	v58 =	vld [tilespmem:s29+$0xC00]  }
0x132: {  	v59 =	vld [tilespmem:s29+$0xC10];
	_ =	sdelay $0x3  }
0x133: {  	v20 =	vmul.f32 v20, v16;
	v21 =	vmul.f32 v57, v17  }
0x134: {  	v22 =	vmul.f32 v58, v18;
	v23 =	vmul.f32 v59, v19;
	_ =	sdelay $0x1  }
0x135: {  	v20 =	vadd.f32 v21, v20;
	v60 =	vadd.f32 v23, v22;
	_ =	sdelay $0x1  }
0x136: {  	v20 =	vadd.f32 v60, v20;
	_ =	sdelay $0x1  }
0x137: {  	[tilespmem:$0x1A515] =	vst v20  }
0x138: {  	v20 =	vld [tilespmem:s29+$0xC20]  }
0x139: {  	v61 =	vld [tilespmem:s29+$0xC30]  }
0x13a: {  	v62 =	vld [tilespmem:s29+$0xC40]  }
0x13b: {  	v63 =	vld [tilespmem:s29+$0xC50];
	_ =	sdelay $0x3  }
0x13c: {  	v20 =	vmul.f32 v20, v16;
	v21 =	vmul.f32 v61, v17  }
0x13d: {  	v22 =	vmul.f32 v62, v18;
	v23 =	vmul.f32 v63, v19;
	_ =	sdelay $0x1  }
0x13e: {  	v20 =	vadd.f32 v21, v20;
	v24 =	vadd.f32 v23, v22;
	_ =	sdelay $0x1  }
0x13f: {  	v20 =	vadd.f32 v24, v20;
	_ =	sdelay $0x1  }
0x140: {  	[tilespmem:$0x1A526] =	vst v20  }
0x141: {  	v20 =	vld [tilespmem:s29+$0xC60]  }
0x142: {  	v25 =	vld [tilespmem:s29+$0xC70]  }
0x143: {  	v26 =	vld [tilespmem:s29+$0xC80]  }
0x144: {  	v27 =	vld [tilespmem:s29+$0xC90];
	_ =	sdelay $0x3  }
0x145: {  	v20 =	vmul.f32 v20, v16;
	v21 =	vmul.f32 v25, v17  }
0x146: {  	v22 =	vmul.f32 v26, v18;
	v23 =	vmul.f32 v27, v19;
	_ =	sdelay $0x1  }
0x147: {  	v20 =	vadd.f32 v21, v20;
	v28 =	vadd.f32 v23, v22;
	_ =	sdelay $0x1  }
0x148: {  	v20 =	vadd.f32 v28, v20;
	_ =	sdelay $0x1  }
0x149: {  	[tilespmem:$0x1A537] =	vst v20  }
0x14a: {  	v20 =	vld [tilespmem:s29+$0xCA0]  }
0x14b: {  	v29 =	vld [tilespmem:s29+$0xCB0]  }
0x14c: {  	v30 =	vld [tilespmem:s29+$0xCC0]  }
0x14d: {  	v31 =	vld [tilespmem:s29+$0xCD0];
	_ =	sdelay $0x3  }
0x14e: {  	v20 =	vmul.f32 v20, v16;
	v21 =	vmul.f32 v29, v17  }
0x14f: {  	v22 =	vmul.f32 v30, v18;
	v23 =	vmul.f32 v31, v19;
	_ =	sdelay $0x1  }
0x150: {  	v20 =	vadd.f32 v21, v20;
	v32 =	vadd.f32 v23, v22;
	_ =	sdelay $0x1  }
0x151: {  	v20 =	vadd.f32 v32, v20;
	_ =	sdelay $0x1  }
0x152: {  	[tilespmem:$0x1A548] =	vst v20  }
0x153: {  	v20 =	vld [tilespmem:s29+$0xCE0]  }
0x154: {  	v33 =	vld [tilespmem:s29+$0xCF0]  }
0x155: {  	v34 =	vld [tilespmem:s29+$0xD00]  }
0x156: {  	v35 =	vld [tilespmem:s29+$0xD10];
	_ =	sdelay $0x3  }
0x157: {  	v20 =	vmul.f32 v20, v16;
	v21 =	vmul.f32 v33, v17  }
0x158: {  	v22 =	vmul.f32 v34, v18;
	v23 =	vmul.f32 v35, v19;
	_ =	sdelay $0x1  }
0x159: {  	v20 =	vadd.f32 v21, v20;
	v36 =	vadd.f32 v23, v22;
	_ =	sdelay $0x1  }
0x15a: {  	v20 =	vadd.f32 v36, v20;
	_ =	sdelay $0x1  }
0x15b: {  	[tilespmem:$0x1A559] =	vst v20  }
0x15c: {  	v20 =	vld [tilespmem:s29+$0xD20]  }
0x15d: {  	v37 =	vld [tilespmem:s29+$0xD30]  }
0x15e: {  	v38 =	vld [tilespmem:s29+$0xD40]  }
0x15f: {  	v39 =	vld [tilespmem:s29+$0xD50];
	_ =	sdelay $0x3  }
0x160: {  	v20 =	vmul.f32 v20, v16;
	v21 =	vmul.f32 v37, v17  }
0x161: {  	v22 =	vmul.f32 v38, v18;
	v23 =	vmul.f32 v39, v19;
	_ =	sdelay $0x1  }
0x162: {  	v20 =	vadd.f32 v21, v20;
	v40 =	vadd.f32 v23, v22;
	_ =	sdelay $0x1  }
0x163: {  	v20 =	vadd.f32 v40, v20;
	_ =	sdelay $0x1  }
0x164: {  	[tilespmem:$0x1A56A] =	vst v20  }
0x165: {  	v20 =	vld [tilespmem:s29+$0xD60]  }
0x166: {  	v41 =	vld [tilespmem:s29+$0xD70]  }
0x167: {  	v42 =	vld [tilespmem:s29+$0xD80]  }
0x168: {  	v43 =	vld [tilespmem:s29+$0xD90];
	_ =	sdelay $0x3  }
0x169: {  	v20 =	vmul.f32 v20, v16;
	v21 =	vmul.f32 v41, v17  }
0x16a: {  	v22 =	vmul.f32 v42, v18;
	v23 =	vmul.f32 v43, v19;
	_ =	sdelay $0x1  }
0x16b: {  	v20 =	vadd.f32 v21, v20;
	v44 =	vadd.f32 v23, v22;
	_ =	sdelay $0x1  }
0x16c: {  	v20 =	vadd.f32 v44, v20;
	_ =	sdelay $0x1  }
0x16d: {  	[tilespmem:$0x1A57B] =	vst v20  }
0x16e: {  	v20 =	vld [tilespmem:s29+$0xDA0]  }
0x16f: {  	v45 =	vld [tilespmem:s29+$0xDB0]  }
0x170: {  	v46 =	vld [tilespmem:s29+$0xDC0]  }
0x171: {  	v47 =	vld [tilespmem:s29+$0xDD0];
	_ =	sdelay $0x3  }
0x172: {  	v20 =	vmul.f32 v20, v16;
	v21 =	vmul.f32 v45, v17  }
0x173: {  	v22 =	vmul.f32 v46, v18;
	v23 =	vmul.f32 v47, v19;
	_ =	sdelay $0x1  }
0x174: {  	v20 =	vadd.f32 v21, v20;
	v48 =	vadd.f32 v23, v22;
	_ =	sdelay $0x1  }
0x175: {  	v20 =	vadd.f32 v48, v20;
	_ =	sdelay $0x1  }
0x176: {  	[tilespmem:$0x1A58C] =	vst v20  }
0x177: {  	v20 =	vld [tilespmem:s29+$0xDE0]  }
0x178: {  	v49 =	vld [tilespmem:s29+$0xDF0]  }
0x179: {  	v50 =	vld [tilespmem:s29+$0xE00]  }
0x17a: {  	v51 =	vld [tilespmem:s29+$0xE10];
	_ =	sdelay $0x3  }
0x17b: {  	v20 =	vmul.f32 v20, v16;
	v21 =	vmul.f32 v49, v17  }
0x17c: {  	v22 =	vmul.f32 v50, v18;
	v23 =	vmul.f32 v51, v19;
	_ =	sdelay $0x1  }
0x17d: {  	v20 =	vadd.f32 v21, v20;
	v52 =	vadd.f32 v23, v22;
	_ =	sdelay $0x1  }
0x17e: {  	v20 =	vadd.f32 v52, v20;
	_ =	sdelay $0x1  }
0x17f: {  	[tilespmem:$0x1A59D] =	vst v20  }
0x180: {  	v20 =	vld [tilespmem:s29+$0xE20]  }
0x181: {  	v53 =	vld [tilespmem:s29+$0xE30]  }
0x182: {  	v54 =	vld [tilespmem:s29+$0xE40]  }
0x183: {  	v55 =	vld [tilespmem:s29+$0xE50];
	_ =	sdelay $0x3  }
0x184: {  	v20 =	vmul.f32 v20, v16;
	v21 =	vmul.f32 v53, v17  }
0x185: {  	v22 =	vmul.f32 v54, v18;
	v23 =	vmul.f32 v55, v19;
	_ =	sdelay $0x1  }
0x186: {  	v20 =	vadd.f32 v21, v20;
	v56 =	vadd.f32 v23, v22;
	_ =	sdelay $0x1  }
0x187: {  	v20 =	vadd.f32 v56, v20;
	_ =	sdelay $0x1  }
0x188: {  	[tilespmem:$0x1A5AE] =	vst v20  }
0x189: {  	v20 =	vld [tilespmem:s29+$0xE60]  }
0x18a: {  	v57 =	vld [tilespmem:s29+$0xE70]  }
0x18b: {  	v58 =	vld [tilespmem:s29+$0xE80]  }
0x18c: {  	v59 =	vld [tilespmem:s29+$0xE90];
	_ =	sdelay $0x3  }
0x18d: {  	v20 =	vmul.f32 v20, v16;
	v21 =	vmul.f32 v57, v17  }
0x18e: {  	v22 =	vmul.f32 v58, v18;
	v23 =	vmul.f32 v59, v19;
	_ =	sdelay $0x1  }
0x18f: {  	v20 =	vadd.f32 v21, v20;
	v60 =	vadd.f32 v23, v22;
	_ =	sdelay $0x1  }
0x190: {  	v20 =	vadd.f32 v60, v20;
	_ =	sdelay $0x1  }
0x191: {  	[tilespmem:$0x1A5BF] =	vst v20  }
0x192: {  	v20 =	vld.idx.msk [tilespmem:v0+s18+$0x0], $0xffff  }
0x193: {  	v61 =	vld.idx.msk [tilespmem:v1+s18+$0x0], $0xffff  }
0x194: {  	v62 =	vld.idx.msk [tilespmem:v2+s18+$0x0], $0xffff  }
0x195: {  	v63 =	vld.idx.msk [tilespmem:v3+s18+$0x0], $0xffff  }
0x196: {  	v36 =	vld.idx.msk [tilespmem:v4+s18+$0x0], $0xffff  }
0x197: {  	v37 =	vld.idx.msk [tilespmem:v5+s18+$0x0], $0xffff  }
0x198: {  	v38 =	vld.idx.msk [tilespmem:v6+s18+$0x0], $0xffff  }
0x199: {  	v39 =	vld.idx.msk [tilespmem:v7+s18+$0x0], $0xffff  }
0x19a: {  	v40 =	vld.idx.msk [tilespmem:v8+s18+$0x0], $0xffff  }
0x19b: {  	v41 =	vld.idx.msk [tilespmem:v9+s18+$0x0], $0xffff  }
0x19c: {  	v42 =	vld.idx.msk [tilespmem:v10+s18+$0x0], $0xffff  }
0x19d: {  	v43 =	vld.idx.msk [tilespmem:v11+s18+$0x0], $0xffff  }
0x19e: {  	v44 =	vld.idx.msk [tilespmem:v12+s18+$0x0], $0xffff  }
0x19f: {  	v45 =	vld.idx.msk [tilespmem:v13+s18+$0x0], $0xffff  }
0x1a0: {  	v46 =	vld.idx.msk [tilespmem:v14+s18+$0x0], $0xffff  }
0x1a1: {  	v47 =	vld.idx.msk [tilespmem:v15+s18+$0x0], $0xffff;
	_ =	sdelay $0x1  }
0x1a2: {  	v20 =	vadd.f32 v61, v20;
	v48 =	vadd.f32 v63, v62  }
0x1a3: {  	v49 =	vadd.f32 v37, v36;
	v50 =	vadd.f32 v39, v38  }
0x1a4: {  	v51 =	vadd.f32 v41, v40;
	v52 =	vadd.f32 v43, v42  }
0x1a5: {  	v53 =	vadd.f32 v45, v44;
	v54 =	vadd.f32 v47, v46  }
0x1a6: {  	v20 =	vadd.f32 v48, v20;
	v55 =	vadd.f32 v50, v49  }
0x1a7: {  	v56 =	vadd.f32 v52, v51;
	v57 =	vadd.f32 v54, v53;
	_ =	sdelay $0x1  }
0x1a8: {  	v20 =	vadd.f32 v55, v20;
	v58 =	vadd.f32 v57, v56;
	_ =	sdelay $0x1  }
0x1a9: {  	v20 =	vadd.f32 v58, v20;
	_ =	sdelay $0x1  }
0x1aa: {  	[tilespmem:s30+$0x19E70] =	vst v20  }
0x1ab: {  	v20 =	vld [tilespmem:s29+$0xEA0]  }
0x1ac: {  	v59 =	vld [tilespmem:s29+$0xEB0]  }
0x1ad: {  	v60 =	vld [tilespmem:s29+$0xEC0]  }
0x1ae: {  	v61 =	vld [tilespmem:s29+$0xED0];
	_ =	sdelay $0x3  }
0x1af: {  	v20 =	vmul.f32 v20, v16;
	v21 =	vmul.f32 v59, v17  }
0x1b0: {  	v22 =	vmul.f32 v60, v18;
	v23 =	vmul.f32 v61, v19;
	_ =	sdelay $0x1  }
0x1b1: {  	v20 =	vadd.f32 v21, v20;
	v62 =	vadd.f32 v23, v22;
	_ =	sdelay $0x1  }
0x1b2: {  	v20 =	vadd.f32 v62, v20;
	_ =	sdelay $0x1  }
0x1b3: {  	[tilespmem:$0x1A4C0] =	vst v20  }
0x1b4: {  	v20 =	vld [tilespmem:s29+$0xEE0]  }
0x1b5: {  	v63 =	vld [tilespmem:s29+$0xEF0]  }
0x1b6: {  	v24 =	vld [tilespmem:s29+$0xF00]  }
0x1b7: {  	v25 =	vld [tilespmem:s29+$0xF10];
	_ =	sdelay $0x3  }
0x1b8: {  	v20 =	vmul.f32 v20, v16;
	v21 =	vmul.f32 v63, v17  }
0x1b9: {  	v22 =	vmul.f32 v24, v18;
	v23 =	vmul.f32 v25, v19;
	_ =	sdelay $0x1  }
0x1ba: {  	v20 =	vadd.f32 v21, v20;
	v26 =	vadd.f32 v23, v22;
	_ =	sdelay $0x1  }
0x1bb: {  	v20 =	vadd.f32 v26, v20;
	_ =	sdelay $0x1  }
0x1bc: {  	[tilespmem:$0x1A4D1] =	vst v20  }
0x1bd: {  	v20 =	vld [tilespmem:s29+$0xF20]  }
0x1be: {  	v27 =	vld [tilespmem:s29+$0xF30]  }
0x1bf: {  	v28 =	vld [tilespmem:s29+$0xF40]  }
0x1c0: {  	v29 =	vld [tilespmem:s29+$0xF50];
	_ =	sdelay $0x3  }
0x1c1: {  	v20 =	vmul.f32 v20, v16;
	v21 =	vmul.f32 v27, v17  }
0x1c2: {  	v22 =	vmul.f32 v28, v18;
	v23 =	vmul.f32 v29, v19;
	_ =	sdelay $0x1  }
0x1c3: {  	v20 =	vadd.f32 v21, v20;
	v30 =	vadd.f32 v23, v22;
	_ =	sdelay $0x1  }
0x1c4: {  	v20 =	vadd.f32 v30, v20;
	_ =	sdelay $0x1  }
0x1c5: {  	[tilespmem:$0x1A4E2] =	vst v20  }
0x1c6: {  	v20 =	vld [tilespmem:s29+$0xF60]  }
0x1c7: {  	v31 =	vld [tilespmem:s29+$0xF70]  }
0x1c8: {  	v32 =	vld [tilespmem:s29+$0xF80]  }
0x1c9: {  	v33 =	vld [tilespmem:s29+$0xF90];
	_ =	sdelay $0x3  }
0x1ca: {  	v20 =	vmul.f32 v20, v16;
	v21 =	vmul.f32 v31, v17  }
0x1cb: {  	v22 =	vmul.f32 v32, v18;
	v23 =	vmul.f32 v33, v19;
	_ =	sdelay $0x1  }
0x1cc: {  	v20 =	vadd.f32 v21, v20;
	v34 =	vadd.f32 v23, v22;
	_ =	sdelay $0x1  }
0x1cd: {  	v20 =	vadd.f32 v34, v20;
	_ =	sdelay $0x1  }
0x1ce: {  	[tilespmem:$0x1A4F3] =	vst v20  }
0x1cf: {  	v20 =	vld [tilespmem:s29+$0xFA0]  }
0x1d0: {  	v35 =	vld [tilespmem:s29+$0xFB0]  }
0x1d1: {  	v36 =	vld [tilespmem:s29+$0xFC0]  }
0x1d2: {  	v37 =	vld [tilespmem:s29+$0xFD0];
	_ =	sdelay $0x3  }
0x1d3: {  	v20 =	vmul.f32 v20, v16;
	v21 =	vmul.f32 v35, v17  }
0x1d4: {  	v22 =	vmul.f32 v36, v18;
	v23 =	vmul.f32 v37, v19;
	_ =	sdelay $0x1  }
0x1d5: {  	v20 =	vadd.f32 v21, v20;
	v38 =	vadd.f32 v23, v22;
	_ =	sdelay $0x1  }
0x1d6: {  	v20 =	vadd.f32 v38, v20;
	_ =	sdelay $0x1  }
0x1d7: {  	[tilespmem:$0x1A504] =	vst v20  }
0x1d8: {  	v20 =	vld [tilespmem:s29+$0xFE0]  }
0x1d9: {  	v39 =	vld [tilespmem:s29+$0xFF0]  }
0x1da: {  	v40 =	vld [tilespmem:s29+$0x1000]  }
0x1db: {  	v41 =	vld [tilespmem:s29+$0x1010];
	_ =	sdelay $0x3  }
0x1dc: {  	v20 =	vmul.f32 v20, v16;
	v21 =	vmul.f32 v39, v17  }
0x1dd: {  	v22 =	vmul.f32 v40, v18;
	v23 =	vmul.f32 v41, v19;
	_ =	sdelay $0x1  }
0x1de: {  	v20 =	vadd.f32 v21, v20;
	v42 =	vadd.f32 v23, v22;
	_ =	sdelay $0x1  }
0x1df: {  	v20 =	vadd.f32 v42, v20;
	_ =	sdelay $0x1  }
0x1e0: {  	[tilespmem:$0x1A515] =	vst v20  }
0x1e1: {  	v20 =	vld [tilespmem:s29+$0x1020]  }
0x1e2: {  	v43 =	vld [tilespmem:s29+$0x1030]  }
0x1e3: {  	v44 =	vld [tilespmem:s29+$0x1040]  }
0x1e4: {  	v45 =	vld [tilespmem:s29+$0x1050];
	_ =	sdelay $0x3  }
0x1e5: {  	v20 =	vmul.f32 v20, v16;
	v21 =	vmul.f32 v43, v17  }
0x1e6: {  	v22 =	vmul.f32 v44, v18;
	v23 =	vmul.f32 v45, v19;
	_ =	sdelay $0x1  }
0x1e7: {  	v20 =	vadd.f32 v21, v20;
	v46 =	vadd.f32 v23, v22;
	_ =	sdelay $0x1  }
0x1e8: {  	v20 =	vadd.f32 v46, v20;
	_ =	sdelay $0x1  }
0x1e9: {  	[tilespmem:$0x1A526] =	vst v20  }
0x1ea: {  	v20 =	vld [tilespmem:s29+$0x1060]  }
0x1eb: {  	v47 =	vld [tilespmem:s29+$0x1070]  }
0x1ec: {  	v48 =	vld [tilespmem:s29+$0x1080]  }
0x1ed: {  	v49 =	vld [tilespmem:s29+$0x1090];
	_ =	sdelay $0x3  }
0x1ee: {  	v20 =	vmul.f32 v20, v16;
	v21 =	vmul.f32 v47, v17  }
0x1ef: {  	v22 =	vmul.f32 v48, v18;
	v23 =	vmul.f32 v49, v19;
	_ =	sdelay $0x1  }
0x1f0: {  	v20 =	vadd.f32 v21, v20;
	v50 =	vadd.f32 v23, v22;
	_ =	sdelay $0x1  }
0x1f1: {  	v20 =	vadd.f32 v50, v20;
	_ =	sdelay $0x1  }
0x1f2: {  	[tilespmem:$0x1A537] =	vst v20  }
0x1f3: {  	v20 =	vld [tilespmem:s29+$0x10A0]  }
0x1f4: {  	v51 =	vld [tilespmem:s29+$0x10B0]  }
0x1f5: {  	v52 =	vld [tilespmem:s29+$0x10C0]  }
0x1f6: {  	v53 =	vld [tilespmem:s29+$0x10D0];
	_ =	sdelay $0x3  }
0x1f7: {  	v20 =	vmul.f32 v20, v16;
	v21 =	vmul.f32 v51, v17  }
0x1f8: {  	v22 =	vmul.f32 v52, v18;
	v23 =	vmul.f32 v53, v19;
	_ =	sdelay $0x1  }
0x1f9: {  	v20 =	vadd.f32 v21, v20;
	v54 =	vadd.f32 v23, v22;
	_ =	sdelay $0x1  }
0x1fa: {  	v20 =	vadd.f32 v54, v20;
	_ =	sdelay $0x1  }
0x1fb: {  	[tilespmem:$0x1A548] =	vst v20  }
0x1fc: {  	v20 =	vld [tilespmem:s29+$0x10E0]  }
0x1fd: {  	v55 =	vld [tilespmem:s29+$0x10F0]  }
0x1fe: {  	v56 =	vld [tilespmem:s29+$0x1100]  }
0x1ff: {  	v57 =	vld [tilespmem:s29+$0x1110];
	_ =	sdelay $0x3  }
0x200: {  	v20 =	vmul.f32 v20, v16;
	v21 =	vmul.f32 v55, v17  }
0x201: {  	v22 =	vmul.f32 v56, v18;
	v23 =	vmul.f32 v57, v19;
	_ =	sdelay $0x1  }
0x202: {  	v20 =	vadd.f32 v21, v20;
	v58 =	vadd.f32 v23, v22;
	_ =	sdelay $0x1  }
0x203: {  	v20 =	vadd.f32 v58, v20;
	_ =	sdelay $0x1  }
0x204: {  	[tilespmem:$0x1A559] =	vst v20  }
0x205: {  	v20 =	vld [tilespmem:s29+$0x1120]  }
0x206: {  	v59 =	vld [tilespmem:s29+$0x1130]  }
0x207: {  	v60 =	vld [tilespmem:s29+$0x1140]  }
0x208: {  	v61 =	vld [tilespmem:s29+$0x1150];
	_ =	sdelay $0x3  }
0x209: {  	v20 =	vmul.f32 v20, v16;
	v21 =	vmul.f32 v59, v17  }
0x20a: {  	v22 =	vmul.f32 v60, v18;
	v23 =	vmul.f32 v61, v19;
	_ =	sdelay $0x1  }
0x20b: {  	v20 =	vadd.f32 v21, v20;
	v62 =	vadd.f32 v23, v22;
	_ =	sdelay $0x1  }
0x20c: {  	v20 =	vadd.f32 v62, v20;
	_ =	sdelay $0x1  }
0x20d: {  	[tilespmem:$0x1A56A] =	vst v20  }
0x20e: {  	v20 =	vld [tilespmem:s29+$0x1160]  }
0x20f: {  	v63 =	vld [tilespmem:s29+$0x1170]  }
0x210: {  	v24 =	vld [tilespmem:s29+$0x1180]  }
0x211: {  	v25 =	vld [tilespmem:s29+$0x1190];
	_ =	sdelay $0x3  }
0x212: {  	v20 =	vmul.f32 v20, v16;
	v21 =	vmul.f32 v63, v17  }
0x213: {  	v22 =	vmul.f32 v24, v18;
	v23 =	vmul.f32 v25, v19;
	_ =	sdelay $0x1  }
0x214: {  	v20 =	vadd.f32 v21, v20;
	v26 =	vadd.f32 v23, v22;
	_ =	sdelay $0x1  }
0x215: {  	v20 =	vadd.f32 v26, v20;
	_ =	sdelay $0x1  }
0x216: {  	[tilespmem:$0x1A57B] =	vst v20  }
0x217: {  	v20 =	vld [tilespmem:s29+$0x11A0]  }
0x218: {  	v27 =	vld [tilespmem:s29+$0x11B0]  }
0x219: {  	v28 =	vld [tilespmem:s29+$0x11C0]  }
0x21a: {  	v29 =	vld [tilespmem:s29+$0x11D0];
	_ =	sdelay $0x3  }
0x21b: {  	v20 =	vmul.f32 v20, v16;
	v21 =	vmul.f32 v27, v17  }
0x21c: {  	v22 =	vmul.f32 v28, v18;
	v23 =	vmul.f32 v29, v19;
	_ =	sdelay $0x1  }
0x21d: {  	v20 =	vadd.f32 v21, v20;
	v30 =	vadd.f32 v23, v22;
	_ =	sdelay $0x1  }
0x21e: {  	v20 =	vadd.f32 v30, v20;
	_ =	sdelay $0x1  }
0x21f: {  	[tilespmem:$0x1A58C] =	vst v20  }
0x220: {  	v20 =	vld [tilespmem:s29+$0x11E0]  }
0x221: {  	v31 =	vld [tilespmem:s29+$0x11F0]  }
0x222: {  	v32 =	vld [tilespmem:s29+$0x1200]  }
0x223: {  	v33 =	vld [tilespmem:s29+$0x1210];
	_ =	sdelay $0x3  }
0x224: {  	v20 =	vmul.f32 v20, v16;
	v21 =	vmul.f32 v31, v17  }
0x225: {  	v22 =	vmul.f32 v32, v18;
	v23 =	vmul.f32 v33, v19;
	_ =	sdelay $0x1  }
0x226: {  	v20 =	vadd.f32 v21, v20;
	v34 =	vadd.f32 v23, v22;
	_ =	sdelay $0x1  }
0x227: {  	v20 =	vadd.f32 v34, v20;
	_ =	sdelay $0x1  }
0x228: {  	[tilespmem:$0x1A59D] =	vst v20  }
0x229: {  	v20 =	vld [tilespmem:s29+$0x1220]  }
0x22a: {  	v35 =	vld [tilespmem:s29+$0x1230]  }
0x22b: {  	v36 =	vld [tilespmem:s29+$0x1240]  }
0x22c: {  	v37 =	vld [tilespmem:s29+$0x1250];
	_ =	sdelay $0x3  }
0x22d: {  	v20 =	vmul.f32 v20, v16;
	v21 =	vmul.f32 v35, v17  }
0x22e: {  	v22 =	vmul.f32 v36, v18;
	v23 =	vmul.f32 v37, v19;
	_ =	sdelay $0x1  }
0x22f: {  	v20 =	vadd.f32 v21, v20;
	v38 =	vadd.f32 v23, v22;
	_ =	sdelay $0x1  }
0x230: {  	v20 =	vadd.f32 v38, v20;
	_ =	sdelay $0x1  }
0x231: {  	[tilespmem:$0x1A5AE] =	vst v20  }
0x232: {  	v20 =	vld [tilespmem:s29+$0x1260]  }
0x233: {  	v39 =	vld [tilespmem:s29+$0x1270]  }
0x234: {  	v40 =	vld [tilespmem:s29+$0x1280]  }
0x235: {  	v41 =	vld [tilespmem:s29+$0x1290];
	_ =	sdelay $0x3  }
0x236: {  	v16 =	vmul.f32 v20, v16;
	v17 =	vmul.f32 v39, v17  }
0x237: {  	v18 =	vmul.f32 v40, v18;
	v19 =	vmul.f32 v41, v19;
	_ =	sdelay $0x1  }
0x238: {  	v16 =	vadd.f32 v17, v16;
	v17 =	vadd.f32 v19, v18;
	_ =	sdelay $0x1  }
0x239: {  	v16 =	vadd.f32 v17, v16;
	_ =	sdelay $0x1  }
0x23a: {  	[tilespmem:$0x1A5BF] =	vst v16  }
0x23b: {  	v16 =	vld.idx.msk [tilespmem:v0+s18+$0x0], $0xffff  }
0x23c: {  	v17 =	vld.idx.msk [tilespmem:v1+s18+$0x0], $0xffff  }
0x23d: {  	v42 =	vld.idx.msk [tilespmem:v2+s18+$0x0], $0xffff  }
0x23e: {  	v43 =	vld.idx.msk [tilespmem:v3+s18+$0x0], $0xffff  }
0x23f: {  	v44 =	vld.idx.msk [tilespmem:v4+s18+$0x0], $0xffff  }
0x240: {  	v45 =	vld.idx.msk [tilespmem:v5+s18+$0x0], $0xffff  }
0x241: {  	v46 =	vld.idx.msk [tilespmem:v6+s18+$0x0], $0xffff  }
0x242: {  	v47 =	vld.idx.msk [tilespmem:v7+s18+$0x0], $0xffff  }
0x243: {  	v48 =	vld.idx.msk [tilespmem:v8+s18+$0x0], $0xffff  }
0x244: {  	v49 =	vld.idx.msk [tilespmem:v9+s18+$0x0], $0xffff  }
0x245: {  	v50 =	vld.idx.msk [tilespmem:v10+s18+$0x0], $0xffff  }
0x246: {  	v51 =	vld.idx.msk [tilespmem:v11+s18+$0x0], $0xffff  }
0x247: {  	v52 =	vld.idx.msk [tilespmem:v12+s18+$0x0], $0xffff  }
0x248: {  	v53 =	vld.idx.msk [tilespmem:v13+s18+$0x0], $0xffff  }
0x249: {  	v54 =	vld.idx.msk [tilespmem:v14+s18+$0x0], $0xffff  }
0x24a: {  	v55 =	vld.idx.msk [tilespmem:v15+s18+$0x0], $0xffff;
	_ =	sdelay $0x1  }
0x24b: {  	v16 =	vadd.f32 v17, v16;
	v17 =	vadd.f32 v43, v42  }
0x24c: {  	v56 =	vadd.f32 v45, v44;
	v57 =	vadd.f32 v47, v46  }
0x24d: {  	v58 =	vadd.f32 v49, v48;
	v59 =	vadd.f32 v51, v50  }
0x24e: {  	v60 =	vadd.f32 v53, v52;
	v61 =	vadd.f32 v55, v54  }
0x24f: {  	v16 =	vadd.f32 v17, v16;
	v17 =	vadd.f32 v57, v56  }
0x250: {  	v62 =	vadd.f32 v59, v58;
	v63 =	vadd.f32 v61, v60  }
0x251: {  	p1 =	sne.s32 s28, $0xF  }
.Ltmp2:
0x252: {  	v16 =	vadd.f32 v17, v16;
	v17 =	vadd.f32 v63, v62;
	(pc) =	sbr.rel @p1 .LBB2_6-.Ltmp2, $3  }
0x253: {  	_ = 	snop  }
0x254: {  	v16 =	vadd.f32 v17, v16;
	_ =	sdelay $0x1  }
0x255: {  	s28 =	sadd.s32 $0x1, s28;
	[tilespmem:s30+$0x19E80] =	vst v16  }
0x256: {  	s28 =	sshll.u32 s25, $0x5  }
0x257: {  	s29 =	sadd.s32 s3, s28  }
0x258: {  	p1 =	sne.s32 s25, $0xF;
	s29 =	smul.u32 $0x32, s29  }
.Ltmp3:
0x259: {  	_ = 	snop;
	(pc) =	sbr.rel @p1 .LBB2_9-.Ltmp3, $4  }
0x25a: {  	_ = 	snop  }
0x25b: {  	s29 =	sshrl.u32 s29, $0x3  }
0x25c: {  	s29 =	sadd.s32 s6, s29  }
0x25d: {  	[hbm4b:s29+s4] =	stream.linear.scatter [tilespmem:s19], [sflag:$0x5], $0x320, $0x38;
	[tilespmem:$0x1A5D0] =	vst v63  }
.Ltmp4:
0x25e: {  	(pc) =	sbr.rel .LBB2_10-.Ltmp4, $4  }
0x25f: {  	_ = 	snop  }
0x260: {  	_ =	swait.ge [sflag:s20], $0xCC00  }
0x261: {  	[sflag:s20] =	ssyncset.done $0x0  }
0x262: {  	[sflag:s20] =	ssyncadd.s32 $0xFFFF3400  }
.LBB2_9:
0x263: {  	_ =	swait.ge [sflag:s12], $0x330  }
0x264: {  	[sflag:s12] =	ssyncset.done $0x0  }
0x265: {  	[sflag:s12] =	ssyncadd.s32 $0xFFFFFCD0  }
0x266: {  	[tilespmem:s14], [sflag:$0x1] =	stream.indirect.gather [hbm4b:s5+s13], $0x40, s4, s13, $0xb8;
	[tilespmem:$0x1A5D0] =	vst v63  }
.Ltmp5:
0x267: {  	s26 =	sadd.s32 s26, s10;
	(pc) =	sbr.rel @p0 .LBB2_11-.Ltmp5, $4  }
0x268: {  	s26 =	smul.u32 $0x66, s26;
	_ =	swait.ge [sflag:s20], $0xCC00  }
0x269: {  	[sflag:s20] =	ssyncset.done $0x0  }
0x26a: {  	s26 =	sadd.s32 s2, s26;
	[sflag:s20] =	ssyncadd.s32 $0xFFFF3400  }
0x26b: {  	[tilespmem:s13], [sflag:$0x4] =	stream.linear.gather [hbm4b:s26+s4], $0x330, $0x38;
	[tilespmem:$0x1A5D0] =	vst v63  }
.LBB2_10:
0x26c: {  	_ =	swait.ge [sflag:s21], $0x320  }
0x26d: {  	[sflag:s21] =	ssyncset.done $0x0  }
0x26e: {  	[sflag:s21] =	ssyncadd.s32 $0xFFFFFCE0  }
.LBB2_11:
0x26f: {  	s26 =	simm.s32 $0x0  }
.LBB2_12:
0x270: {  	s29 =	smul.u32 $0x3300, s26;
	_ =	sdelay $0x1  }
0x271: {  	s29 =	sshra.s32 s29, $0x2  }
0x272: {  	v16 =	vld [tilespmem:s29+$0xD260]  }
0x273: {  	v17 =	vld [tilespmem:s29+$0xD270]  }
0x274: {  	v18 =	vld [tilespmem:s29+$0xD280]  }
0x275: {  	v19 =	vld [tilespmem:s29+$0xD290]  }
0x276: {  	v20 =	vld [tilespmem:s29+$0xDEA0]  }
0x277: {  	v21 =	vld [tilespmem:s29+$0xDEB0]  }
0x278: {  	v22 =	vld [tilespmem:s29+$0xDEC0]  }
0x279: {  	v23 =	vld [tilespmem:s29+$0xDED0];
	_ =	sdelay $0x3  }
0x27a: {  	v20 =	vmul.f32 v20, v16;
	v21 =	vmul.f32 v21, v17  }
0x27b: {  	v22 =	vmul.f32 v22, v18;
	v23 =	vmul.f32 v23, v19;
	_ =	sdelay $0x1  }
0x27c: {  	v20 =	vadd.f32 v21, v20;
	v42 =	vadd.f32 v23, v22;
	_ =	sdelay $0x1  }
0x27d: {  	v20 =	vadd.f32 v42, v20;
	_ =	sdelay $0x1  }
0x27e: {  	[tilespmem:$0x1A4C0] =	vst v20  }
0x27f: {  	v20 =	vld [tilespmem:s29+$0xDEE0]  }
0x280: {  	v43 =	vld [tilespmem:s29+$0xDEF0]  }
0x281: {  	v44 =	vld [tilespmem:s29+$0xDF00]  }
0x282: {  	v45 =	vld [tilespmem:s29+$0xDF10];
	_ =	sdelay $0x3  }
0x283: {  	v20 =	vmul.f32 v20, v16;
	v21 =	vmul.f32 v43, v17  }
0x284: {  	v22 =	vmul.f32 v44, v18;
	v23 =	vmul.f32 v45, v19;
	_ =	sdelay $0x1  }
0x285: {  	v20 =	vadd.f32 v21, v20;
	v46 =	vadd.f32 v23, v22;
	_ =	sdelay $0x1  }
0x286: {  	v20 =	vadd.f32 v46, v20;
	_ =	sdelay $0x1  }
0x287: {  	[tilespmem:$0x1A4D1] =	vst v20  }
0x288: {  	v20 =	vld.idx.msk [tilespmem:v0+s18+$0x0], $0xffff  }
0x289: {  	v47 =	vld.idx.msk [tilespmem:v1+s18+$0x0], $0xffff  }
0x28a: {  	v48 =	vld.idx.msk [tilespmem:v2+s18+$0x0], $0xffff  }
0x28b: {  	v49 =	vld.idx.msk [tilespmem:v3+s18+$0x0], $0xffff  }
0x28c: {  	v24 =	vld.idx.msk [tilespmem:v4+s18+$0x0], $0xffff  }
0x28d: {  	v25 =	vld.idx.msk [tilespmem:v5+s18+$0x0], $0xffff  }
0x28e: {  	v26 =	vld.idx.msk [tilespmem:v6+s18+$0x0], $0xffff  }
0x28f: {  	v27 =	vld.idx.msk [tilespmem:v7+s18+$0x0], $0xffff  }
0x290: {  	v28 =	vld.idx.msk [tilespmem:v8+s18+$0x0], $0xffff  }
0x291: {  	v29 =	vld.idx.msk [tilespmem:v9+s18+$0x0], $0xffff  }
0x292: {  	v30 =	vld.idx.msk [tilespmem:v10+s18+$0x0], $0xffff  }
0x293: {  	v31 =	vld.idx.msk [tilespmem:v11+s18+$0x0], $0xffff  }
0x294: {  	v32 =	vld.idx.msk [tilespmem:v12+s18+$0x0], $0xffff  }
0x295: {  	v33 =	vld.idx.msk [tilespmem:v13+s18+$0x0], $0xffff  }
0x296: {  	v34 =	vld.idx.msk [tilespmem:v14+s18+$0x0], $0xffff  }
0x297: {  	v35 =	vld.idx.msk [tilespmem:v15+s18+$0x0], $0xffff;
	_ =	sdelay $0x1  }
0x298: {  	v20 =	vadd.f32 v47, v20;
	v50 =	vadd.f32 v49, v48  }
0x299: {  	v51 =	vadd.f32 v25, v24;
	v52 =	vadd.f32 v27, v26  }
0x29a: {  	v53 =	vadd.f32 v29, v28;
	v54 =	vadd.f32 v31, v30  }
0x29b: {  	v55 =	vadd.f32 v33, v32;
	v56 =	vadd.f32 v35, v34  }
0x29c: {  	v20 =	vadd.f32 v50, v20;
	v57 =	vadd.f32 v52, v51  }
0x29d: {  	v58 =	vadd.f32 v54, v53;
	v59 =	vadd.f32 v56, v55;
	_ =	sdelay $0x1  }
0x29e: {  	v20 =	vadd.f32 v57, v20;
	v60 =	vadd.f32 v59, v58  }
0x29f: {  	s31 =	smul.u32 $0x32, s26  }
0x2a0: {  	v20 =	vadd.f32 v60, v20  }
0x2a1: {  	s30 =	sand.u32 $0x3FE, s31  }
0x2a2: {  	[tilespmem:s30+$0x1A1C0] =	vst v20  }
0x2a3: {  	v20 =	vld [tilespmem:s29+$0xD2A0]  }
0x2a4: {  	v61 =	vld [tilespmem:s29+$0xD2B0]  }
0x2a5: {  	v62 =	vld [tilespmem:s29+$0xD2C0]  }
0x2a6: {  	v63 =	vld [tilespmem:s29+$0xD2D0];
	_ =	sdelay $0x3  }
0x2a7: {  	v20 =	vmul.f32 v20, v16;
	v21 =	vmul.f32 v61, v17  }
0x2a8: {  	v22 =	vmul.f32 v62, v18;
	v23 =	vmul.f32 v63, v19;
	_ =	sdelay $0x1  }
0x2a9: {  	v20 =	vadd.f32 v21, v20;
	v24 =	vadd.f32 v23, v22;
	_ =	sdelay $0x1  }
0x2aa: {  	v20 =	vadd.f32 v24, v20;
	_ =	sdelay $0x1  }
0x2ab: {  	[tilespmem:$0x1A4C0] =	vst v20  }
0x2ac: {  	v20 =	vld [tilespmem:s29+$0xD2E0]  }
0x2ad: {  	v25 =	vld [tilespmem:s29+$0xD2F0]  }
0x2ae: {  	v26 =	vld [tilespmem:s29+$0xD300]  }
0x2af: {  	v27 =	vld [tilespmem:s29+$0xD310];
	_ =	sdelay $0x3  }
0x2b0: {  	v20 =	vmul.f32 v20, v16;
	v21 =	vmul.f32 v25, v17  }
0x2b1: {  	v22 =	vmul.f32 v26, v18;
	v23 =	vmul.f32 v27, v19;
	_ =	sdelay $0x1  }
0x2b2: {  	v20 =	vadd.f32 v21, v20;
	v28 =	vadd.f32 v23, v22;
	_ =	sdelay $0x1  }
0x2b3: {  	v20 =	vadd.f32 v28, v20;
	_ =	sdelay $0x1  }
0x2b4: {  	[tilespmem:$0x1A4D1] =	vst v20  }
0x2b5: {  	v20 =	vld [tilespmem:s29+$0xD320]  }
0x2b6: {  	v29 =	vld [tilespmem:s29+$0xD330]  }
0x2b7: {  	v30 =	vld [tilespmem:s29+$0xD340]  }
0x2b8: {  	v31 =	vld [tilespmem:s29+$0xD350];
	_ =	sdelay $0x3  }
0x2b9: {  	v20 =	vmul.f32 v20, v16;
	v21 =	vmul.f32 v29, v17  }
0x2ba: {  	v22 =	vmul.f32 v30, v18;
	v23 =	vmul.f32 v31, v19;
	_ =	sdelay $0x1  }
0x2bb: {  	v20 =	vadd.f32 v21, v20;
	v32 =	vadd.f32 v23, v22;
	_ =	sdelay $0x1  }
0x2bc: {  	v20 =	vadd.f32 v32, v20;
	_ =	sdelay $0x1  }
0x2bd: {  	[tilespmem:$0x1A4E2] =	vst v20  }
0x2be: {  	v20 =	vld [tilespmem:s29+$0xD360]  }
0x2bf: {  	v33 =	vld [tilespmem:s29+$0xD370]  }
0x2c0: {  	v34 =	vld [tilespmem:s29+$0xD380]  }
0x2c1: {  	v35 =	vld [tilespmem:s29+$0xD390];
	_ =	sdelay $0x3  }
0x2c2: {  	v20 =	vmul.f32 v20, v16;
	v21 =	vmul.f32 v33, v17  }
0x2c3: {  	v22 =	vmul.f32 v34, v18;
	v23 =	vmul.f32 v35, v19;
	_ =	sdelay $0x1  }
0x2c4: {  	v20 =	vadd.f32 v21, v20;
	v36 =	vadd.f32 v23, v22;
	_ =	sdelay $0x1  }
0x2c5: {  	v20 =	vadd.f32 v36, v20;
	_ =	sdelay $0x1  }
0x2c6: {  	[tilespmem:$0x1A4F3] =	vst v20  }
0x2c7: {  	v20 =	vld [tilespmem:s29+$0xD3A0]  }
0x2c8: {  	v37 =	vld [tilespmem:s29+$0xD3B0]  }
0x2c9: {  	v38 =	vld [tilespmem:s29+$0xD3C0]  }
0x2ca: {  	v39 =	vld [tilespmem:s29+$0xD3D0];
	_ =	sdelay $0x3  }
0x2cb: {  	v20 =	vmul.f32 v20, v16;
	v21 =	vmul.f32 v37, v17  }
0x2cc: {  	v22 =	vmul.f32 v38, v18;
	v23 =	vmul.f32 v39, v19;
	_ =	sdelay $0x1  }
0x2cd: {  	v20 =	vadd.f32 v21, v20;
	v40 =	vadd.f32 v23, v22;
	_ =	sdelay $0x1  }
0x2ce: {  	v20 =	vadd.f32 v40, v20;
	_ =	sdelay $0x1  }
0x2cf: {  	[tilespmem:$0x1A504] =	vst v20  }
0x2d0: {  	v20 =	vld [tilespmem:s29+$0xD3E0]  }
0x2d1: {  	v41 =	vld [tilespmem:s29+$0xD3F0]  }
0x2d2: {  	v42 =	vld [tilespmem:s29+$0xD400]  }
0x2d3: {  	v43 =	vld [tilespmem:s29+$0xD410];
	_ =	sdelay $0x3  }
0x2d4: {  	v20 =	vmul.f32 v20, v16;
	v21 =	vmul.f32 v41, v17  }
0x2d5: {  	v22 =	vmul.f32 v42, v18;
	v23 =	vmul.f32 v43, v19;
	_ =	sdelay $0x1  }
0x2d6: {  	v20 =	vadd.f32 v21, v20;
	v44 =	vadd.f32 v23, v22;
	_ =	sdelay $0x1  }
0x2d7: {  	v20 =	vadd.f32 v44, v20;
	_ =	sdelay $0x1  }
0x2d8: {  	[tilespmem:$0x1A515] =	vst v20  }
0x2d9: {  	v20 =	vld [tilespmem:s29+$0xD420]  }
0x2da: {  	v45 =	vld [tilespmem:s29+$0xD430]  }
0x2db: {  	v46 =	vld [tilespmem:s29+$0xD440]  }
0x2dc: {  	v47 =	vld [tilespmem:s29+$0xD450];
	_ =	sdelay $0x3  }
0x2dd: {  	v20 =	vmul.f32 v20, v16;
	v21 =	vmul.f32 v45, v17  }
0x2de: {  	v22 =	vmul.f32 v46, v18;
	v23 =	vmul.f32 v47, v19;
	_ =	sdelay $0x1  }
0x2df: {  	v20 =	vadd.f32 v21, v20;
	v48 =	vadd.f32 v23, v22;
	_ =	sdelay $0x1  }
0x2e0: {  	v20 =	vadd.f32 v48, v20;
	_ =	sdelay $0x1  }
0x2e1: {  	[tilespmem:$0x1A526] =	vst v20  }
0x2e2: {  	v20 =	vld [tilespmem:s29+$0xD460]  }
0x2e3: {  	v49 =	vld [tilespmem:s29+$0xD470]  }
0x2e4: {  	v50 =	vld [tilespmem:s29+$0xD480]  }
0x2e5: {  	v51 =	vld [tilespmem:s29+$0xD490];
	_ =	sdelay $0x3  }
0x2e6: {  	v20 =	vmul.f32 v20, v16;
	v21 =	vmul.f32 v49, v17  }
0x2e7: {  	v22 =	vmul.f32 v50, v18;
	v23 =	vmul.f32 v51, v19;
	_ =	sdelay $0x1  }
0x2e8: {  	v20 =	vadd.f32 v21, v20;
	v52 =	vadd.f32 v23, v22;
	_ =	sdelay $0x1  }
0x2e9: {  	v20 =	vadd.f32 v52, v20;
	_ =	sdelay $0x1  }
0x2ea: {  	[tilespmem:$0x1A537] =	vst v20  }
0x2eb: {  	v20 =	vld [tilespmem:s29+$0xD4A0]  }
0x2ec: {  	v53 =	vld [tilespmem:s29+$0xD4B0]  }
0x2ed: {  	v54 =	vld [tilespmem:s29+$0xD4C0]  }
0x2ee: {  	v55 =	vld [tilespmem:s29+$0xD4D0];
	_ =	sdelay $0x3  }
0x2ef: {  	v20 =	vmul.f32 v20, v16;
	v21 =	vmul.f32 v53, v17  }
0x2f0: {  	v22 =	vmul.f32 v54, v18;
	v23 =	vmul.f32 v55, v19;
	_ =	sdelay $0x1  }
0x2f1: {  	v20 =	vadd.f32 v21, v20;
	v56 =	vadd.f32 v23, v22;
	_ =	sdelay $0x1  }
0x2f2: {  	v20 =	vadd.f32 v56, v20;
	_ =	sdelay $0x1  }
0x2f3: {  	[tilespmem:$0x1A548] =	vst v20  }
0x2f4: {  	v20 =	vld [tilespmem:s29+$0xD4E0]  }
0x2f5: {  	v57 =	vld [tilespmem:s29+$0xD4F0]  }
0x2f6: {  	v58 =	vld [tilespmem:s29+$0xD500]  }
0x2f7: {  	v59 =	vld [tilespmem:s29+$0xD510];
	_ =	sdelay $0x3  }
0x2f8: {  	v20 =	vmul.f32 v20, v16;
	v21 =	vmul.f32 v57, v17  }
0x2f9: {  	v22 =	vmul.f32 v58, v18;
	v23 =	vmul.f32 v59, v19;
	_ =	sdelay $0x1  }
0x2fa: {  	v20 =	vadd.f32 v21, v20;
	v60 =	vadd.f32 v23, v22;
	_ =	sdelay $0x1  }
0x2fb: {  	v20 =	vadd.f32 v60, v20;
	_ =	sdelay $0x1  }
0x2fc: {  	[tilespmem:$0x1A559] =	vst v20  }
0x2fd: {  	v20 =	vld [tilespmem:s29+$0xD520]  }
0x2fe: {  	v61 =	vld [tilespmem:s29+$0xD530]  }
0x2ff: {  	v62 =	vld [tilespmem:s29+$0xD540]  }
0x300: {  	v63 =	vld [tilespmem:s29+$0xD550];
	_ =	sdelay $0x3  }
0x301: {  	v20 =	vmul.f32 v20, v16;
	v21 =	vmul.f32 v61, v17  }
0x302: {  	v22 =	vmul.f32 v62, v18;
	v23 =	vmul.f32 v63, v19;
	_ =	sdelay $0x1  }
0x303: {  	v20 =	vadd.f32 v21, v20;
	v24 =	vadd.f32 v23, v22;
	_ =	sdelay $0x1  }
0x304: {  	v20 =	vadd.f32 v24, v20;
	_ =	sdelay $0x1  }
0x305: {  	[tilespmem:$0x1A56A] =	vst v20  }
0x306: {  	v20 =	vld [tilespmem:s29+$0xD560]  }
0x307: {  	v25 =	vld [tilespmem:s29+$0xD570]  }
0x308: {  	v26 =	vld [tilespmem:s29+$0xD580]  }
0x309: {  	v27 =	vld [tilespmem:s29+$0xD590];
	_ =	sdelay $0x3  }
0x30a: {  	v20 =	vmul.f32 v20, v16;
	v21 =	vmul.f32 v25, v17  }
0x30b: {  	v22 =	vmul.f32 v26, v18;
	v23 =	vmul.f32 v27, v19;
	_ =	sdelay $0x1  }
0x30c: {  	v20 =	vadd.f32 v21, v20;
	v28 =	vadd.f32 v23, v22;
	_ =	sdelay $0x1  }
0x30d: {  	v20 =	vadd.f32 v28, v20;
	_ =	sdelay $0x1  }
0x30e: {  	[tilespmem:$0x1A57B] =	vst v20  }
0x30f: {  	v20 =	vld [tilespmem:s29+$0xD5A0]  }
0x310: {  	v29 =	vld [tilespmem:s29+$0xD5B0]  }
0x311: {  	v30 =	vld [tilespmem:s29+$0xD5C0]  }
0x312: {  	v31 =	vld [tilespmem:s29+$0xD5D0];
	_ =	sdelay $0x3  }
0x313: {  	v20 =	vmul.f32 v20, v16;
	v21 =	vmul.f32 v29, v17  }
0x314: {  	v22 =	vmul.f32 v30, v18;
	v23 =	vmul.f32 v31, v19;
	_ =	sdelay $0x1  }
0x315: {  	v20 =	vadd.f32 v21, v20;
	v32 =	vadd.f32 v23, v22;
	_ =	sdelay $0x1  }
0x316: {  	v20 =	vadd.f32 v32, v20;
	_ =	sdelay $0x1  }
0x317: {  	[tilespmem:$0x1A58C] =	vst v20  }
0x318: {  	v20 =	vld [tilespmem:s29+$0xD5E0]  }
0x319: {  	v33 =	vld [tilespmem:s29+$0xD5F0]  }
0x31a: {  	v34 =	vld [tilespmem:s29+$0xD600]  }
0x31b: {  	v35 =	vld [tilespmem:s29+$0xD610];
	_ =	sdelay $0x3  }
0x31c: {  	v20 =	vmul.f32 v20, v16;
	v21 =	vmul.f32 v33, v17  }
0x31d: {  	v22 =	vmul.f32 v34, v18;
	v23 =	vmul.f32 v35, v19;
	_ =	sdelay $0x1  }
0x31e: {  	v20 =	vadd.f32 v21, v20;
	v36 =	vadd.f32 v23, v22;
	_ =	sdelay $0x1  }
0x31f: {  	v20 =	vadd.f32 v36, v20;
	_ =	sdelay $0x1  }
0x320: {  	[tilespmem:$0x1A59D] =	vst v20  }
0x321: {  	v20 =	vld [tilespmem:s29+$0xD620]  }
0x322: {  	v37 =	vld [tilespmem:s29+$0xD630]  }
0x323: {  	v38 =	vld [tilespmem:s29+$0xD640]  }
0x324: {  	v39 =	vld [tilespmem:s29+$0xD650];
	_ =	sdelay $0x3  }
0x325: {  	v20 =	vmul.f32 v20, v16;
	v21 =	vmul.f32 v37, v17  }
0x326: {  	v22 =	vmul.f32 v38, v18;
	v23 =	vmul.f32 v39, v19;
	_ =	sdelay $0x1  }
0x327: {  	v20 =	vadd.f32 v21, v20;
	v40 =	vadd.f32 v23, v22;
	_ =	sdelay $0x1  }
0x328: {  	v20 =	vadd.f32 v40, v20;
	_ =	sdelay $0x1  }
0x329: {  	[tilespmem:$0x1A5AE] =	vst v20  }
0x32a: {  	v20 =	vld [tilespmem:s29+$0xD660]  }
0x32b: {  	v41 =	vld [tilespmem:s29+$0xD670]  }
0x32c: {  	v42 =	vld [tilespmem:s29+$0xD680]  }
0x32d: {  	v43 =	vld [tilespmem:s29+$0xD690];
	_ =	sdelay $0x3  }
0x32e: {  	v20 =	vmul.f32 v20, v16;
	v21 =	vmul.f32 v41, v17  }
0x32f: {  	v22 =	vmul.f32 v42, v18;
	v23 =	vmul.f32 v43, v19;
	_ =	sdelay $0x1  }
0x330: {  	v20 =	vadd.f32 v21, v20;
	v44 =	vadd.f32 v23, v22;
	_ =	sdelay $0x1  }
0x331: {  	v20 =	vadd.f32 v44, v20;
	_ =	sdelay $0x1  }
0x332: {  	[tilespmem:$0x1A5BF] =	vst v20  }
0x333: {  	v20 =	vld.idx.msk [tilespmem:v0+s18+$0x0], $0xffff  }
0x334: {  	v45 =	vld.idx.msk [tilespmem:v1+s18+$0x0], $0xffff  }
0x335: {  	v46 =	vld.idx.msk [tilespmem:v2+s18+$0x0], $0xffff  }
0x336: {  	v47 =	vld.idx.msk [tilespmem:v3+s18+$0x0], $0xffff  }
0x337: {  	v48 =	vld.idx.msk [tilespmem:v4+s18+$0x0], $0xffff  }
0x338: {  	v49 =	vld.idx.msk [tilespmem:v5+s18+$0x0], $0xffff  }
0x339: {  	v50 =	vld.idx.msk [tilespmem:v6+s18+$0x0], $0xffff  }
0x33a: {  	v51 =	vld.idx.msk [tilespmem:v7+s18+$0x0], $0xffff  }
0x33b: {  	v52 =	vld.idx.msk [tilespmem:v8+s18+$0x0], $0xffff  }
0x33c: {  	v53 =	vld.idx.msk [tilespmem:v9+s18+$0x0], $0xffff  }
0x33d: {  	v54 =	vld.idx.msk [tilespmem:v10+s18+$0x0], $0xffff  }
0x33e: {  	v55 =	vld.idx.msk [tilespmem:v11+s18+$0x0], $0xffff  }
0x33f: {  	v56 =	vld.idx.msk [tilespmem:v12+s18+$0x0], $0xffff  }
0x340: {  	v57 =	vld.idx.msk [tilespmem:v13+s18+$0x0], $0xffff  }
0x341: {  	v58 =	vld.idx.msk [tilespmem:v14+s18+$0x0], $0xffff  }
0x342: {  	v59 =	vld.idx.msk [tilespmem:v15+s18+$0x0], $0xffff;
	_ =	sdelay $0x1  }
0x343: {  	v20 =	vadd.f32 v45, v20;
	v60 =	vadd.f32 v47, v46  }
0x344: {  	v61 =	vadd.f32 v49, v48;
	v62 =	vadd.f32 v51, v50  }
0x345: {  	v63 =	vadd.f32 v53, v52;
	v30 =	vadd.f32 v55, v54  }
0x346: {  	v31 =	vadd.f32 v57, v56;
	v32 =	vadd.f32 v59, v58  }
0x347: {  	v20 =	vadd.f32 v60, v20;
	v33 =	vadd.f32 v62, v61  }
0x348: {  	v34 =	vadd.f32 v30, v63;
	v35 =	vadd.f32 v32, v31;
	_ =	sdelay $0x1  }
0x349: {  	v20 =	vadd.f32 v33, v20;
	v36 =	vadd.f32 v35, v34;
	_ =	sdelay $0x1  }
0x34a: {  	v20 =	vadd.f32 v36, v20;
	_ =	sdelay $0x1  }
0x34b: {  	[tilespmem:s31+$0x1A190] =	vst v20  }
0x34c: {  	v20 =	vld [tilespmem:s29+$0xD6A0]  }
0x34d: {  	v37 =	vld [tilespmem:s29+$0xD6B0]  }
0x34e: {  	v38 =	vld [tilespmem:s29+$0xD6C0]  }
0x34f: {  	v39 =	vld [tilespmem:s29+$0xD6D0];
	_ =	sdelay $0x3  }
0x350: {  	v20 =	vmul.f32 v20, v16;
	v21 =	vmul.f32 v37, v17  }
0x351: {  	v22 =	vmul.f32 v38, v18;
	v23 =	vmul.f32 v39, v19;
	_ =	sdelay $0x1  }
0x352: {  	v20 =	vadd.f32 v21, v20;
	v40 =	vadd.f32 v23, v22;
	_ =	sdelay $0x1  }
0x353: {  	v20 =	vadd.f32 v40, v20;
	_ =	sdelay $0x1  }
0x354: {  	[tilespmem:$0x1A4C0] =	vst v20  }
0x355: {  	v20 =	vld [tilespmem:s29+$0xD6E0]  }
0x356: {  	v41 =	vld [tilespmem:s29+$0xD6F0]  }
0x357: {  	v42 =	vld [tilespmem:s29+$0xD700]  }
0x358: {  	v43 =	vld [tilespmem:s29+$0xD710];
	_ =	sdelay $0x3  }
0x359: {  	v20 =	vmul.f32 v20, v16;
	v21 =	vmul.f32 v41, v17  }
0x35a: {  	v22 =	vmul.f32 v42, v18;
	v23 =	vmul.f32 v43, v19;
	_ =	sdelay $0x1  }
0x35b: {  	v20 =	vadd.f32 v21, v20;
	v44 =	vadd.f32 v23, v22;
	_ =	sdelay $0x1  }
0x35c: {  	v20 =	vadd.f32 v44, v20;
	_ =	sdelay $0x1  }
0x35d: {  	[tilespmem:$0x1A4D1] =	vst v20  }
0x35e: {  	v20 =	vld [tilespmem:s29+$0xD720]  }
0x35f: {  	v45 =	vld [tilespmem:s29+$0xD730]  }
0x360: {  	v46 =	vld [tilespmem:s29+$0xD740]  }
0x361: {  	v47 =	vld [tilespmem:s29+$0xD750];
	_ =	sdelay $0x3  }
0x362: {  	v20 =	vmul.f32 v20, v16;
	v21 =	vmul.f32 v45, v17  }
0x363: {  	v22 =	vmul.f32 v46, v18;
	v23 =	vmul.f32 v47, v19;
	_ =	sdelay $0x1  }
0x364: {  	v20 =	vadd.f32 v21, v20;
	v48 =	vadd.f32 v23, v22;
	_ =	sdelay $0x1  }
0x365: {  	v20 =	vadd.f32 v48, v20;
	_ =	sdelay $0x1  }
0x366: {  	[tilespmem:$0x1A4E2] =	vst v20  }
0x367: {  	v20 =	vld [tilespmem:s29+$0xD760]  }
0x368: {  	v49 =	vld [tilespmem:s29+$0xD770]  }
0x369: {  	v50 =	vld [tilespmem:s29+$0xD780]  }
0x36a: {  	v51 =	vld [tilespmem:s29+$0xD790];
	_ =	sdelay $0x3  }
0x36b: {  	v20 =	vmul.f32 v20, v16;
	v21 =	vmul.f32 v49, v17  }
0x36c: {  	v22 =	vmul.f32 v50, v18;
	v23 =	vmul.f32 v51, v19;
	_ =	sdelay $0x1  }
0x36d: {  	v20 =	vadd.f32 v21, v20;
	v52 =	vadd.f32 v23, v22;
	_ =	sdelay $0x1  }
0x36e: {  	v20 =	vadd.f32 v52, v20;
	_ =	sdelay $0x1  }
0x36f: {  	[tilespmem:$0x1A4F3] =	vst v20  }
0x370: {  	v20 =	vld [tilespmem:s29+$0xD7A0]  }
0x371: {  	v53 =	vld [tilespmem:s29+$0xD7B0]  }
0x372: {  	v54 =	vld [tilespmem:s29+$0xD7C0]  }
0x373: {  	v55 =	vld [tilespmem:s29+$0xD7D0];
	_ =	sdelay $0x3  }
0x374: {  	v20 =	vmul.f32 v20, v16;
	v21 =	vmul.f32 v53, v17  }
0x375: {  	v22 =	vmul.f32 v54, v18;
	v23 =	vmul.f32 v55, v19;
	_ =	sdelay $0x1  }
0x376: {  	v20 =	vadd.f32 v21, v20;
	v56 =	vadd.f32 v23, v22;
	_ =	sdelay $0x1  }
0x377: {  	v20 =	vadd.f32 v56, v20;
	_ =	sdelay $0x1  }
0x378: {  	[tilespmem:$0x1A504] =	vst v20  }
0x379: {  	v20 =	vld [tilespmem:s29+$0xD7E0]  }
0x37a: {  	v57 =	vld [tilespmem:s29+$0xD7F0]  }
0x37b: {  	v58 =	vld [tilespmem:s29+$0xD800]  }
0x37c: {  	v59 =	vld [tilespmem:s29+$0xD810];
	_ =	sdelay $0x3  }
0x37d: {  	v20 =	vmul.f32 v20, v16;
	v21 =	vmul.f32 v57, v17  }
0x37e: {  	v22 =	vmul.f32 v58, v18;
	v23 =	vmul.f32 v59, v19;
	_ =	sdelay $0x1  }
0x37f: {  	v20 =	vadd.f32 v21, v20;
	v60 =	vadd.f32 v23, v22;
	_ =	sdelay $0x1  }
0x380: {  	v20 =	vadd.f32 v60, v20;
	_ =	sdelay $0x1  }
0x381: {  	[tilespmem:$0x1A515] =	vst v20  }
0x382: {  	v20 =	vld [tilespmem:s29+$0xD820]  }
0x383: {  	v61 =	vld [tilespmem:s29+$0xD830]  }
0x384: {  	v62 =	vld [tilespmem:s29+$0xD840]  }
0x385: {  	v63 =	vld [tilespmem:s29+$0xD850];
	_ =	sdelay $0x3  }
0x386: {  	v20 =	vmul.f32 v20, v16;
	v21 =	vmul.f32 v61, v17  }
0x387: {  	v22 =	vmul.f32 v62, v18;
	v23 =	vmul.f32 v63, v19;
	_ =	sdelay $0x1  }
0x388: {  	v20 =	vadd.f32 v21, v20;
	v24 =	vadd.f32 v23, v22;
	_ =	sdelay $0x1  }
0x389: {  	v20 =	vadd.f32 v24, v20;
	_ =	sdelay $0x1  }
0x38a: {  	[tilespmem:$0x1A526] =	vst v20  }
0x38b: {  	v20 =	vld [tilespmem:s29+$0xD860]  }
0x38c: {  	v25 =	vld [tilespmem:s29+$0xD870]  }
0x38d: {  	v26 =	vld [tilespmem:s29+$0xD880]  }
0x38e: {  	v27 =	vld [tilespmem:s29+$0xD890];
	_ =	sdelay $0x3  }
0x38f: {  	v20 =	vmul.f32 v20, v16;
	v21 =	vmul.f32 v25, v17  }
0x390: {  	v22 =	vmul.f32 v26, v18;
	v23 =	vmul.f32 v27, v19;
	_ =	sdelay $0x1  }
0x391: {  	v20 =	vadd.f32 v21, v20;
	v28 =	vadd.f32 v23, v22;
	_ =	sdelay $0x1  }
0x392: {  	v20 =	vadd.f32 v28, v20;
	_ =	sdelay $0x1  }
0x393: {  	[tilespmem:$0x1A537] =	vst v20  }
0x394: {  	v20 =	vld [tilespmem:s29+$0xD8A0]  }
0x395: {  	v29 =	vld [tilespmem:s29+$0xD8B0]  }
0x396: {  	v30 =	vld [tilespmem:s29+$0xD8C0]  }
0x397: {  	v31 =	vld [tilespmem:s29+$0xD8D0];
	_ =	sdelay $0x3  }
0x398: {  	v20 =	vmul.f32 v20, v16;
	v21 =	vmul.f32 v29, v17  }
0x399: {  	v22 =	vmul.f32 v30, v18;
	v23 =	vmul.f32 v31, v19;
	_ =	sdelay $0x1  }
0x39a: {  	v20 =	vadd.f32 v21, v20;
	v32 =	vadd.f32 v23, v22;
	_ =	sdelay $0x1  }
0x39b: {  	v20 =	vadd.f32 v32, v20;
	_ =	sdelay $0x1  }
0x39c: {  	[tilespmem:$0x1A548] =	vst v20  }
0x39d: {  	v20 =	vld [tilespmem:s29+$0xD8E0]  }
0x39e: {  	v33 =	vld [tilespmem:s29+$0xD8F0]  }
0x39f: {  	v34 =	vld [tilespmem:s29+$0xD900]  }
0x3a0: {  	v35 =	vld [tilespmem:s29+$0xD910];
	_ =	sdelay $0x3  }
0x3a1: {  	v20 =	vmul.f32 v20, v16;
	v21 =	vmul.f32 v33, v17  }
0x3a2: {  	v22 =	vmul.f32 v34, v18;
	v23 =	vmul.f32 v35, v19;
	_ =	sdelay $0x1  }
0x3a3: {  	v20 =	vadd.f32 v21, v20;
	v36 =	vadd.f32 v23, v22;
	_ =	sdelay $0x1  }
0x3a4: {  	v20 =	vadd.f32 v36, v20;
	_ =	sdelay $0x1  }
0x3a5: {  	[tilespmem:$0x1A559] =	vst v20  }
0x3a6: {  	v20 =	vld [tilespmem:s29+$0xD920]  }
0x3a7: {  	v37 =	vld [tilespmem:s29+$0xD930]  }
0x3a8: {  	v38 =	vld [tilespmem:s29+$0xD940]  }
0x3a9: {  	v39 =	vld [tilespmem:s29+$0xD950];
	_ =	sdelay $0x3  }
0x3aa: {  	v20 =	vmul.f32 v20, v16;
	v21 =	vmul.f32 v37, v17  }
0x3ab: {  	v22 =	vmul.f32 v38, v18;
	v23 =	vmul.f32 v39, v19;
	_ =	sdelay $0x1  }
0x3ac: {  	v20 =	vadd.f32 v21, v20;
	v40 =	vadd.f32 v23, v22;
	_ =	sdelay $0x1  }
0x3ad: {  	v20 =	vadd.f32 v40, v20;
	_ =	sdelay $0x1  }
0x3ae: {  	[tilespmem:$0x1A56A] =	vst v20  }
0x3af: {  	v20 =	vld [tilespmem:s29+$0xD960]  }
0x3b0: {  	v41 =	vld [tilespmem:s29+$0xD970]  }
0x3b1: {  	v42 =	vld [tilespmem:s29+$0xD980]  }
0x3b2: {  	v43 =	vld [tilespmem:s29+$0xD990];
	_ =	sdelay $0x3  }
0x3b3: {  	v20 =	vmul.f32 v20, v16;
	v21 =	vmul.f32 v41, v17  }
0x3b4: {  	v22 =	vmul.f32 v42, v18;
	v23 =	vmul.f32 v43, v19;
	_ =	sdelay $0x1  }
0x3b5: {  	v20 =	vadd.f32 v21, v20;
	v44 =	vadd.f32 v23, v22;
	_ =	sdelay $0x1  }
0x3b6: {  	v20 =	vadd.f32 v44, v20;
	_ =	sdelay $0x1  }
0x3b7: {  	[tilespmem:$0x1A57B] =	vst v20  }
0x3b8: {  	v20 =	vld [tilespmem:s29+$0xD9A0]  }
0x3b9: {  	v45 =	vld [tilespmem:s29+$0xD9B0]  }
0x3ba: {  	v46 =	vld [tilespmem:s29+$0xD9C0]  }
0x3bb: {  	v47 =	vld [tilespmem:s29+$0xD9D0];
	_ =	sdelay $0x3  }
0x3bc: {  	v20 =	vmul.f32 v20, v16;
	v21 =	vmul.f32 v45, v17  }
0x3bd: {  	v22 =	vmul.f32 v46, v18;
	v23 =	vmul.f32 v47, v19;
	_ =	sdelay $0x1  }
0x3be: {  	v20 =	vadd.f32 v21, v20;
	v48 =	vadd.f32 v23, v22;
	_ =	sdelay $0x1  }
0x3bf: {  	v20 =	vadd.f32 v48, v20;
	_ =	sdelay $0x1  }
0x3c0: {  	[tilespmem:$0x1A58C] =	vst v20  }
0x3c1: {  	v20 =	vld [tilespmem:s29+$0xD9E0]  }
0x3c2: {  	v49 =	vld [tilespmem:s29+$0xD9F0]  }
0x3c3: {  	v50 =	vld [tilespmem:s29+$0xDA00]  }
0x3c4: {  	v51 =	vld [tilespmem:s29+$0xDA10];
	_ =	sdelay $0x3  }
0x3c5: {  	v20 =	vmul.f32 v20, v16;
	v21 =	vmul.f32 v49, v17  }
0x3c6: {  	v22 =	vmul.f32 v50, v18;
	v23 =	vmul.f32 v51, v19;
	_ =	sdelay $0x1  }
0x3c7: {  	v20 =	vadd.f32 v21, v20;
	v52 =	vadd.f32 v23, v22;
	_ =	sdelay $0x1  }
0x3c8: {  	v20 =	vadd.f32 v52, v20;
	_ =	sdelay $0x1  }
0x3c9: {  	[tilespmem:$0x1A59D] =	vst v20  }
0x3ca: {  	v20 =	vld [tilespmem:s29+$0xDA20]  }
0x3cb: {  	v53 =	vld [tilespmem:s29+$0xDA30]  }
0x3cc: {  	v54 =	vld [tilespmem:s29+$0xDA40]  }
0x3cd: {  	v55 =	vld [tilespmem:s29+$0xDA50];
	_ =	sdelay $0x3  }
0x3ce: {  	v20 =	vmul.f32 v20, v16;
	v21 =	vmul.f32 v53, v17  }
0x3cf: {  	v22 =	vmul.f32 v54, v18;
	v23 =	vmul.f32 v55, v19;
	_ =	sdelay $0x1  }
0x3d0: {  	v20 =	vadd.f32 v21, v20;
	v56 =	vadd.f32 v23, v22;
	_ =	sdelay $0x1  }
0x3d1: {  	v20 =	vadd.f32 v56, v20;
	_ =	sdelay $0x1  }
0x3d2: {  	[tilespmem:$0x1A5AE] =	vst v20  }
0x3d3: {  	v20 =	vld [tilespmem:s29+$0xDA60]  }
0x3d4: {  	v57 =	vld [tilespmem:s29+$0xDA70]  }
0x3d5: {  	v58 =	vld [tilespmem:s29+$0xDA80]  }
0x3d6: {  	v59 =	vld [tilespmem:s29+$0xDA90];
	_ =	sdelay $0x3  }
0x3d7: {  	v20 =	vmul.f32 v20, v16;
	v21 =	vmul.f32 v57, v17  }
0x3d8: {  	v22 =	vmul.f32 v58, v18;
	v23 =	vmul.f32 v59, v19;
	_ =	sdelay $0x1  }
0x3d9: {  	v20 =	vadd.f32 v21, v20;
	v60 =	vadd.f32 v23, v22;
	_ =	sdelay $0x1  }
0x3da: {  	v20 =	vadd.f32 v60, v20;
	_ =	sdelay $0x1  }
0x3db: {  	[tilespmem:$0x1A5BF] =	vst v20  }
0x3dc: {  	v20 =	vld.idx.msk [tilespmem:v0+s18+$0x0], $0xffff  }
0x3dd: {  	v61 =	vld.idx.msk [tilespmem:v1+s18+$0x0], $0xffff  }
0x3de: {  	v62 =	vld.idx.msk [tilespmem:v2+s18+$0x0], $0xffff  }
0x3df: {  	v63 =	vld.idx.msk [tilespmem:v3+s18+$0x0], $0xffff  }
0x3e0: {  	v36 =	vld.idx.msk [tilespmem:v4+s18+$0x0], $0xffff  }
0x3e1: {  	v37 =	vld.idx.msk [tilespmem:v5+s18+$0x0], $0xffff  }
0x3e2: {  	v38 =	vld.idx.msk [tilespmem:v6+s18+$0x0], $0xffff  }
0x3e3: {  	v39 =	vld.idx.msk [tilespmem:v7+s18+$0x0], $0xffff  }
0x3e4: {  	v40 =	vld.idx.msk [tilespmem:v8+s18+$0x0], $0xffff  }
0x3e5: {  	v41 =	vld.idx.msk [tilespmem:v9+s18+$0x0], $0xffff  }
0x3e6: {  	v42 =	vld.idx.msk [tilespmem:v10+s18+$0x0], $0xffff  }
0x3e7: {  	v43 =	vld.idx.msk [tilespmem:v11+s18+$0x0], $0xffff  }
0x3e8: {  	v44 =	vld.idx.msk [tilespmem:v12+s18+$0x0], $0xffff  }
0x3e9: {  	v45 =	vld.idx.msk [tilespmem:v13+s18+$0x0], $0xffff  }
0x3ea: {  	v46 =	vld.idx.msk [tilespmem:v14+s18+$0x0], $0xffff  }
0x3eb: {  	v47 =	vld.idx.msk [tilespmem:v15+s18+$0x0], $0xffff;
	_ =	sdelay $0x1  }
0x3ec: {  	v20 =	vadd.f32 v61, v20;
	v48 =	vadd.f32 v63, v62  }
0x3ed: {  	v49 =	vadd.f32 v37, v36;
	v50 =	vadd.f32 v39, v38  }
0x3ee: {  	v51 =	vadd.f32 v41, v40;
	v52 =	vadd.f32 v43, v42  }
0x3ef: {  	v53 =	vadd.f32 v45, v44;
	v54 =	vadd.f32 v47, v46  }
0x3f0: {  	v20 =	vadd.f32 v48, v20;
	v55 =	vadd.f32 v50, v49  }
0x3f1: {  	v56 =	vadd.f32 v52, v51;
	v57 =	vadd.f32 v54, v53;
	_ =	sdelay $0x1  }
0x3f2: {  	v20 =	vadd.f32 v55, v20;
	v58 =	vadd.f32 v57, v56;
	_ =	sdelay $0x1  }
0x3f3: {  	v20 =	vadd.f32 v58, v20;
	_ =	sdelay $0x1  }
0x3f4: {  	[tilespmem:s30+$0x1A1A0] =	vst v20  }
0x3f5: {  	v20 =	vld [tilespmem:s29+$0xDAA0]  }
0x3f6: {  	v59 =	vld [tilespmem:s29+$0xDAB0]  }
0x3f7: {  	v60 =	vld [tilespmem:s29+$0xDAC0]  }
0x3f8: {  	v61 =	vld [tilespmem:s29+$0xDAD0];
	_ =	sdelay $0x3  }
0x3f9: {  	v20 =	vmul.f32 v20, v16;
	v21 =	vmul.f32 v59, v17  }
0x3fa: {  	v22 =	vmul.f32 v60, v18;
	v23 =	vmul.f32 v61, v19;
	_ =	sdelay $0x1  }
0x3fb: {  	v20 =	vadd.f32 v21, v20;
	v62 =	vadd.f32 v23, v22;
	_ =	sdelay $0x1  }
0x3fc: {  	v20 =	vadd.f32 v62, v20;
	_ =	sdelay $0x1  }
0x3fd: {  	[tilespmem:$0x1A4C0] =	vst v20  }
0x3fe: {  	v20 =	vld [tilespmem:s29+$0xDAE0]  }
0x3ff: {  	v63 =	vld [tilespmem:s29+$0xDAF0]  }
0x400: {  	v24 =	vld [tilespmem:s29+$0xDB00]  }
0x401: {  	v25 =	vld [tilespmem:s29+$0xDB10];
	_ =	sdelay $0x3  }
0x402: {  	v20 =	vmul.f32 v20, v16;
	v21 =	vmul.f32 v63, v17  }
0x403: {  	v22 =	vmul.f32 v24, v18;
	v23 =	vmul.f32 v25, v19;
	_ =	sdelay $0x1  }
0x404: {  	v20 =	vadd.f32 v21, v20;
	v26 =	vadd.f32 v23, v22;
	_ =	sdelay $0x1  }
0x405: {  	v20 =	vadd.f32 v26, v20;
	_ =	sdelay $0x1  }
0x406: {  	[tilespmem:$0x1A4D1] =	vst v20  }
0x407: {  	v20 =	vld [tilespmem:s29+$0xDB20]  }
0x408: {  	v27 =	vld [tilespmem:s29+$0xDB30]  }
0x409: {  	v28 =	vld [tilespmem:s29+$0xDB40]  }
0x40a: {  	v29 =	vld [tilespmem:s29+$0xDB50];
	_ =	sdelay $0x3  }
0x40b: {  	v20 =	vmul.f32 v20, v16;
	v21 =	vmul.f32 v27, v17  }
0x40c: {  	v22 =	vmul.f32 v28, v18;
	v23 =	vmul.f32 v29, v19;
	_ =	sdelay $0x1  }
0x40d: {  	v20 =	vadd.f32 v21, v20;
	v30 =	vadd.f32 v23, v22;
	_ =	sdelay $0x1  }
0x40e: {  	v20 =	vadd.f32 v30, v20;
	_ =	sdelay $0x1  }
0x40f: {  	[tilespmem:$0x1A4E2] =	vst v20  }
0x410: {  	v20 =	vld [tilespmem:s29+$0xDB60]  }
0x411: {  	v31 =	vld [tilespmem:s29+$0xDB70]  }
0x412: {  	v32 =	vld [tilespmem:s29+$0xDB80]  }
0x413: {  	v33 =	vld [tilespmem:s29+$0xDB90];
	_ =	sdelay $0x3  }
0x414: {  	v20 =	vmul.f32 v20, v16;
	v21 =	vmul.f32 v31, v17  }
0x415: {  	v22 =	vmul.f32 v32, v18;
	v23 =	vmul.f32 v33, v19;
	_ =	sdelay $0x1  }
0x416: {  	v20 =	vadd.f32 v21, v20;
	v34 =	vadd.f32 v23, v22;
	_ =	sdelay $0x1  }
0x417: {  	v20 =	vadd.f32 v34, v20;
	_ =	sdelay $0x1  }
0x418: {  	[tilespmem:$0x1A4F3] =	vst v20  }
0x419: {  	v20 =	vld [tilespmem:s29+$0xDBA0]  }
0x41a: {  	v35 =	vld [tilespmem:s29+$0xDBB0]  }
0x41b: {  	v36 =	vld [tilespmem:s29+$0xDBC0]  }
0x41c: {  	v37 =	vld [tilespmem:s29+$0xDBD0];
	_ =	sdelay $0x3  }
0x41d: {  	v20 =	vmul.f32 v20, v16;
	v21 =	vmul.f32 v35, v17  }
0x41e: {  	v22 =	vmul.f32 v36, v18;
	v23 =	vmul.f32 v37, v19;
	_ =	sdelay $0x1  }
0x41f: {  	v20 =	vadd.f32 v21, v20;
	v38 =	vadd.f32 v23, v22;
	_ =	sdelay $0x1  }
0x420: {  	v20 =	vadd.f32 v38, v20;
	_ =	sdelay $0x1  }
0x421: {  	[tilespmem:$0x1A504] =	vst v20  }
0x422: {  	v20 =	vld [tilespmem:s29+$0xDBE0]  }
0x423: {  	v39 =	vld [tilespmem:s29+$0xDBF0]  }
0x424: {  	v40 =	vld [tilespmem:s29+$0xDC00]  }
0x425: {  	v41 =	vld [tilespmem:s29+$0xDC10];
	_ =	sdelay $0x3  }
0x426: {  	v20 =	vmul.f32 v20, v16;
	v21 =	vmul.f32 v39, v17  }
0x427: {  	v22 =	vmul.f32 v40, v18;
	v23 =	vmul.f32 v41, v19;
	_ =	sdelay $0x1  }
0x428: {  	v20 =	vadd.f32 v21, v20;
	v42 =	vadd.f32 v23, v22;
	_ =	sdelay $0x1  }
0x429: {  	v20 =	vadd.f32 v42, v20;
	_ =	sdelay $0x1  }
0x42a: {  	[tilespmem:$0x1A515] =	vst v20  }
0x42b: {  	v20 =	vld [tilespmem:s29+$0xDC20]  }
0x42c: {  	v43 =	vld [tilespmem:s29+$0xDC30]  }
0x42d: {  	v44 =	vld [tilespmem:s29+$0xDC40]  }
0x42e: {  	v45 =	vld [tilespmem:s29+$0xDC50];
	_ =	sdelay $0x3  }
0x42f: {  	v20 =	vmul.f32 v20, v16;
	v21 =	vmul.f32 v43, v17  }
0x430: {  	v22 =	vmul.f32 v44, v18;
	v23 =	vmul.f32 v45, v19;
	_ =	sdelay $0x1  }
0x431: {  	v20 =	vadd.f32 v21, v20;
	v46 =	vadd.f32 v23, v22;
	_ =	sdelay $0x1  }
0x432: {  	v20 =	vadd.f32 v46, v20;
	_ =	sdelay $0x1  }
0x433: {  	[tilespmem:$0x1A526] =	vst v20  }
0x434: {  	v20 =	vld [tilespmem:s29+$0xDC60]  }
0x435: {  	v47 =	vld [tilespmem:s29+$0xDC70]  }
0x436: {  	v48 =	vld [tilespmem:s29+$0xDC80]  }
0x437: {  	v49 =	vld [tilespmem:s29+$0xDC90];
	_ =	sdelay $0x3  }
0x438: {  	v20 =	vmul.f32 v20, v16;
	v21 =	vmul.f32 v47, v17  }
0x439: {  	v22 =	vmul.f32 v48, v18;
	v23 =	vmul.f32 v49, v19;
	_ =	sdelay $0x1  }
0x43a: {  	v20 =	vadd.f32 v21, v20;
	v50 =	vadd.f32 v23, v22;
	_ =	sdelay $0x1  }
0x43b: {  	v20 =	vadd.f32 v50, v20;
	_ =	sdelay $0x1  }
0x43c: {  	[tilespmem:$0x1A537] =	vst v20  }
0x43d: {  	v20 =	vld [tilespmem:s29+$0xDCA0]  }
0x43e: {  	v51 =	vld [tilespmem:s29+$0xDCB0]  }
0x43f: {  	v52 =	vld [tilespmem:s29+$0xDCC0]  }
0x440: {  	v53 =	vld [tilespmem:s29+$0xDCD0];
	_ =	sdelay $0x3  }
0x441: {  	v20 =	vmul.f32 v20, v16;
	v21 =	vmul.f32 v51, v17  }
0x442: {  	v22 =	vmul.f32 v52, v18;
	v23 =	vmul.f32 v53, v19;
	_ =	sdelay $0x1  }
0x443: {  	v20 =	vadd.f32 v21, v20;
	v54 =	vadd.f32 v23, v22;
	_ =	sdelay $0x1  }
0x444: {  	v20 =	vadd.f32 v54, v20;
	_ =	sdelay $0x1  }
0x445: {  	[tilespmem:$0x1A548] =	vst v20  }
0x446: {  	v20 =	vld [tilespmem:s29+$0xDCE0]  }
0x447: {  	v55 =	vld [tilespmem:s29+$0xDCF0]  }
0x448: {  	v56 =	vld [tilespmem:s29+$0xDD00]  }
0x449: {  	v57 =	vld [tilespmem:s29+$0xDD10];
	_ =	sdelay $0x3  }
0x44a: {  	v20 =	vmul.f32 v20, v16;
	v21 =	vmul.f32 v55, v17  }
0x44b: {  	v22 =	vmul.f32 v56, v18;
	v23 =	vmul.f32 v57, v19;
	_ =	sdelay $0x1  }
0x44c: {  	v20 =	vadd.f32 v21, v20;
	v58 =	vadd.f32 v23, v22;
	_ =	sdelay $0x1  }
0x44d: {  	v20 =	vadd.f32 v58, v20;
	_ =	sdelay $0x1  }
0x44e: {  	[tilespmem:$0x1A559] =	vst v20  }
0x44f: {  	v20 =	vld [tilespmem:s29+$0xDD20]  }
0x450: {  	v59 =	vld [tilespmem:s29+$0xDD30]  }
0x451: {  	v60 =	vld [tilespmem:s29+$0xDD40]  }
0x452: {  	v61 =	vld [tilespmem:s29+$0xDD50];
	_ =	sdelay $0x3  }
0x453: {  	v20 =	vmul.f32 v20, v16;
	v21 =	vmul.f32 v59, v17  }
0x454: {  	v22 =	vmul.f32 v60, v18;
	v23 =	vmul.f32 v61, v19;
	_ =	sdelay $0x1  }
0x455: {  	v20 =	vadd.f32 v21, v20;
	v62 =	vadd.f32 v23, v22;
	_ =	sdelay $0x1  }
0x456: {  	v20 =	vadd.f32 v62, v20;
	_ =	sdelay $0x1  }
0x457: {  	[tilespmem:$0x1A56A] =	vst v20  }
0x458: {  	v20 =	vld [tilespmem:s29+$0xDD60]  }
0x459: {  	v63 =	vld [tilespmem:s29+$0xDD70]  }
0x45a: {  	v24 =	vld [tilespmem:s29+$0xDD80]  }
0x45b: {  	v25 =	vld [tilespmem:s29+$0xDD90];
	_ =	sdelay $0x3  }
0x45c: {  	v20 =	vmul.f32 v20, v16;
	v21 =	vmul.f32 v63, v17  }
0x45d: {  	v22 =	vmul.f32 v24, v18;
	v23 =	vmul.f32 v25, v19;
	_ =	sdelay $0x1  }
0x45e: {  	v20 =	vadd.f32 v21, v20;
	v26 =	vadd.f32 v23, v22;
	_ =	sdelay $0x1  }
0x45f: {  	v20 =	vadd.f32 v26, v20;
	_ =	sdelay $0x1  }
0x460: {  	[tilespmem:$0x1A57B] =	vst v20  }
0x461: {  	v20 =	vld [tilespmem:s29+$0xDDA0]  }
0x462: {  	v27 =	vld [tilespmem:s29+$0xDDB0]  }
0x463: {  	v28 =	vld [tilespmem:s29+$0xDDC0]  }
0x464: {  	v29 =	vld [tilespmem:s29+$0xDDD0];
	_ =	sdelay $0x3  }
0x465: {  	v20 =	vmul.f32 v20, v16;
	v21 =	vmul.f32 v27, v17  }
0x466: {  	v22 =	vmul.f32 v28, v18;
	v23 =	vmul.f32 v29, v19;
	_ =	sdelay $0x1  }
0x467: {  	v20 =	vadd.f32 v21, v20;
	v30 =	vadd.f32 v23, v22;
	_ =	sdelay $0x1  }
0x468: {  	v20 =	vadd.f32 v30, v20;
	_ =	sdelay $0x1  }
0x469: {  	[tilespmem:$0x1A58C] =	vst v20  }
0x46a: {  	v20 =	vld [tilespmem:s29+$0xDDE0]  }
0x46b: {  	v31 =	vld [tilespmem:s29+$0xDDF0]  }
0x46c: {  	v32 =	vld [tilespmem:s29+$0xDE00]  }
0x46d: {  	v33 =	vld [tilespmem:s29+$0xDE10];
	_ =	sdelay $0x3  }
0x46e: {  	v20 =	vmul.f32 v20, v16;
	v21 =	vmul.f32 v31, v17  }
0x46f: {  	v22 =	vmul.f32 v32, v18;
	v23 =	vmul.f32 v33, v19;
	_ =	sdelay $0x1  }
0x470: {  	v20 =	vadd.f32 v21, v20;
	v34 =	vadd.f32 v23, v22;
	_ =	sdelay $0x1  }
0x471: {  	v20 =	vadd.f32 v34, v20;
	_ =	sdelay $0x1  }
0x472: {  	[tilespmem:$0x1A59D] =	vst v20  }
0x473: {  	v20 =	vld [tilespmem:s29+$0xDE20]  }
0x474: {  	v35 =	vld [tilespmem:s29+$0xDE30]  }
0x475: {  	v36 =	vld [tilespmem:s29+$0xDE40]  }
0x476: {  	v37 =	vld [tilespmem:s29+$0xDE50];
	_ =	sdelay $0x3  }
0x477: {  	v20 =	vmul.f32 v20, v16;
	v21 =	vmul.f32 v35, v17  }
0x478: {  	v22 =	vmul.f32 v36, v18;
	v23 =	vmul.f32 v37, v19;
	_ =	sdelay $0x1  }
0x479: {  	v20 =	vadd.f32 v21, v20;
	v38 =	vadd.f32 v23, v22;
	_ =	sdelay $0x1  }
0x47a: {  	v20 =	vadd.f32 v38, v20;
	_ =	sdelay $0x1  }
0x47b: {  	[tilespmem:$0x1A5AE] =	vst v20  }
0x47c: {  	v20 =	vld [tilespmem:s29+$0xDE60]  }
0x47d: {  	v39 =	vld [tilespmem:s29+$0xDE70]  }
0x47e: {  	v40 =	vld [tilespmem:s29+$0xDE80]  }
0x47f: {  	v41 =	vld [tilespmem:s29+$0xDE90];
	_ =	sdelay $0x3  }
0x480: {  	v16 =	vmul.f32 v20, v16;
	v17 =	vmul.f32 v39, v17  }
0x481: {  	v18 =	vmul.f32 v40, v18;
	v19 =	vmul.f32 v41, v19;
	_ =	sdelay $0x1  }
0x482: {  	v16 =	vadd.f32 v17, v16;
	v17 =	vadd.f32 v19, v18;
	_ =	sdelay $0x1  }
0x483: {  	v16 =	vadd.f32 v17, v16;
	_ =	sdelay $0x1  }
0x484: {  	[tilespmem:$0x1A5BF] =	vst v16  }
0x485: {  	v16 =	vld.idx.msk [tilespmem:v0+s18+$0x0], $0xffff  }
0x486: {  	v17 =	vld.idx.msk [tilespmem:v1+s18+$0x0], $0xffff  }
0x487: {  	v42 =	vld.idx.msk [tilespmem:v2+s18+$0x0], $0xffff  }
0x488: {  	v43 =	vld.idx.msk [tilespmem:v3+s18+$0x0], $0xffff  }
0x489: {  	v44 =	vld.idx.msk [tilespmem:v4+s18+$0x0], $0xffff  }
0x48a: {  	v45 =	vld.idx.msk [tilespmem:v5+s18+$0x0], $0xffff  }
0x48b: {  	v46 =	vld.idx.msk [tilespmem:v6+s18+$0x0], $0xffff  }
0x48c: {  	v47 =	vld.idx.msk [tilespmem:v7+s18+$0x0], $0xffff  }
0x48d: {  	v48 =	vld.idx.msk [tilespmem:v8+s18+$0x0], $0xffff  }
0x48e: {  	v49 =	vld.idx.msk [tilespmem:v9+s18+$0x0], $0xffff  }
0x48f: {  	v50 =	vld.idx.msk [tilespmem:v10+s18+$0x0], $0xffff  }
0x490: {  	v51 =	vld.idx.msk [tilespmem:v11+s18+$0x0], $0xffff  }
0x491: {  	v52 =	vld.idx.msk [tilespmem:v12+s18+$0x0], $0xffff  }
0x492: {  	v53 =	vld.idx.msk [tilespmem:v13+s18+$0x0], $0xffff  }
0x493: {  	v54 =	vld.idx.msk [tilespmem:v14+s18+$0x0], $0xffff  }
0x494: {  	v55 =	vld.idx.msk [tilespmem:v15+s18+$0x0], $0xffff;
	_ =	sdelay $0x1  }
0x495: {  	v16 =	vadd.f32 v17, v16;
	v17 =	vadd.f32 v43, v42  }
0x496: {  	v56 =	vadd.f32 v45, v44;
	v57 =	vadd.f32 v47, v46  }
0x497: {  	v58 =	vadd.f32 v49, v48;
	v59 =	vadd.f32 v51, v50  }
0x498: {  	v60 =	vadd.f32 v53, v52;
	v61 =	vadd.f32 v55, v54  }
0x499: {  	v16 =	vadd.f32 v17, v16;
	v17 =	vadd.f32 v57, v56  }
0x49a: {  	v62 =	vadd.f32 v59, v58;
	v63 =	vadd.f32 v61, v60  }
0x49b: {  	p0 =	sne.s32 s26, $0xF  }
.Ltmp6:
0x49c: {  	v16 =	vadd.f32 v17, v16;
	v17 =	vadd.f32 v63, v62;
	(pc) =	sbr.rel @p0 .LBB2_12-.Ltmp6, $3  }
0x49d: {  	_ = 	snop  }
0x49e: {  	v16 =	vadd.f32 v17, v16;
	_ =	sdelay $0x1  }
0x49f: {  	s26 =	sadd.s32 $0x1, s26;
	[tilespmem:s30+$0x1A1B0] =	vst v16  }
0x4a0: {  	s26 =	sadd.s32 s28, s3;
	s25 =	sadd.s32 $0x1, s25  }
0x4a1: {  	s26 =	smul.u32 $0x32, s26;
	p0 =	sne.s32 s25, $0x10  }
.Ltmp7:
0x4a2: {  	_ = 	snop;
	(pc) =	sbr.rel @p0 .LBB2_2-.Ltmp7, $4  }
0x4a3: {  	s26 =	sadd.s32 $0x320, s26  }
0x4a4: {  	s26 =	sshrl.u32 s26, $0x3  }
0x4a5: {  	s26 =	sadd.s32 s6, s26  }
0x4a6: {  	[hbm4b:s26+s4] =	stream.linear.scatter [tilespmem:s22], [sflag:$0x6], $0x320, $0x38;
	[tilespmem:$0x1A5D0] =	vst v63  }
0x4a7: {  	s24 =	sadd.s32 $0x1, s24  }
0x4a8: {  	_ =	swait.ge [sflag:s23], $0x320;
	p0 =	sne.s32 s24, s11  }
.Ltmp8:
0x4a9: {  	[sflag:s23] =	ssyncset.done $0x0;
	(pc) =	sbr.rel @p0 .LBB2_1-.Ltmp8, $4  }
0x4aa: {  	[sflag:s23] =	ssyncadd.s32 $0xFFFFFCE0  }
0x4ab: {  	_ =	swait.ge [sflag:s21], $0x320  }
0x4ac: {  	[sflag:s21] =	ssyncset.done $0x0  }
0x4ad: {  	[sflag:s21] =	ssyncadd.s32 $0xFFFFFCE0  }
0x4ae: {  	_ =	sfence.sel $0x180000  }
0x4af: {  	[bflag:$0x0] =	sbarrier.arrive $0xFFFF  }
0x4b0: {  	p0 =	sne.s32 s0, $0x0;
	_ =	strace $0x90000047  }
0x4b1: {  	s0 =	sadd.s32 @!p0 $0x100000, s1;
	[bflag:$0x2] =	sbarrier.arrive $0xFFFF  }
0x4b2: {  	[sflag:s0] =	ssyncadd.tile.s32 @!p0 $0x1;
	_ =	shalt  }
.Lfunc_end2:
_tile_overlayer_lowered:
.L_overlay_start_2:
0x4b3: {  	(tag) =	ssettag $0x2  }
0x4b4: {  	s0 =	rddreg [dreg:$0x0];
	s2 =	stileid.u32  }
0x4b5: {  	s1 =	rddreg [dreg:$0x1];
	p0 =	sne.s32 s2, $0x0  }
0x4b6: {  	s3 =	rddreg [dreg:$0x2];
	[bflag:$0x3] =	sbarrier.arrive $0xFFFF;
	s2 =	simm.s32 @!p0 $0x1C07  }
0x4b7: {  	[timem:s3], [sflag:s2] =	dma.local @!p0 [hbm:s0], s1  }
0x4b8: {  	s0 =	simm.s32 @!p0 $0x7  }
0x4b9: {  	_ =	swait.ge @!p0 [sflag:s0], s1  }
0x4ba: {  	s1 =	ssub.s32 @!p0 $0x0, s1;
	[sflag:s0] =	ssyncset.done @!p0 $0x0  }
0x4bb: {  	[sflag:s0] =	ssyncadd.s32 @!p0 s1  }
0x4bc: {  	[bflag:$0x3] =	sbarrier.arrive $0xFFFF  }
0x4bd: {  	_ =	shalt  }

</sc_bundles>
